<compile_context>
chip_gen: v7x
topology: tpu7x:2x2x1
jax: 0.10.2.dev20260603
libtpu: 0.0.44.dev20260713+nightly
codegen_flags: <defaults>
</compile_context>

<pallas_src>
import functools

import jax
import jax.numpy as jnp
from jax import lax
from jax.experimental import pallas as pl
from jax.experimental.pallas import tpu as pltpu
from jax.experimental.pallas import tpu_sc as plsc

N = 10000
E = 320000
NFEAT = 128
HID = 8
IN_HEAD = 8
OUT_HEAD = 1
NCLASS = 16

NPAD = 10240
LANES = 16
C = 128
NCORES = 2
NSUB = 16
NWORK = NCORES * NSUB
KCH = 84
PERW = KCH * C
EPAD = NWORK * PERW

RW1 = 72
RW2 = 32
AW = 16
NB = 512
NGRID = NPAD // NB
TPR = NPAD // NSUB


def _rep8(s, j, base=0):
    idx = lax.broadcasted_iota(jnp.int32, (LANES,), 0) // 8 + 2 * j + base
    return lax.gather(
        s, idx[:, None],
        lax.GatherDimensionNumbers(
            offset_dims=(), collapsed_slice_dims=(0,), start_index_map=(0,)),
        slice_sizes=(1,),
        mode=lax.GatherScatterMode.PROMISE_IN_BOUNDS)


def _zero_rows(buf, nrows, rw):
    z = jnp.zeros((LANES,), jnp.float32)
    offs = list(range(0, rw - LANES + 1, LANES))
    if rw % LANES:
        offs.append(rw - LANES)

    def body(i, _):
        for o in offs:
            buf[i, pl.ds(o, LANES)] = z
        return 0

    lax.fori_loop(0, nrows, body, 0)


def _sc_edge_pass(rw, edge_fn):
    mesh = plsc.VectorSubcoreMesh(core_axis_name="c", subcore_axis_name="s")

    def body(ep_hbm, tab_hbm, adst_hbm, out0, out1,
             idxs, hr0, hr1, ar0, ar1, acc, tabs, ads,
             semi0, semi1, semi2, semi3, semh0, semh1, sema0, sema1,
             semc0, semc1):
        cid = lax.axis_index("c")
        sid = lax.axis_index("s")
        w = cid * NSUB + sid
        r0 = sid * TPR
        semi = [semi0, semi1, semi2, semi3]
        hrs = [hr0, hr1]
        ars = [ar0, ar1]
        semh = [semh0, semh1]
        sema = [sema0, sema1]
        semc = [semc0, semc1]

        sl_t = pl.ds(r0, TPR)
        pltpu.sync_copy(tab_hbm.at[sl_t], tabs.at[sl_t])
        pltpu.sync_copy(adst_hbm.at[sl_t], ads.at[sl_t])
        _zero_rows(hr0, C, rw)
        for b in range(TPR // C):
            pltpu.sync_copy(hr0, acc.at[pl.ds(r0 + b * C, C)])
        plsc.subcore_barrier()

        def issue_idx(k, sl):
            pltpu.async_copy(ep_hbm.at[k * NWORK + w], idxs.at[sl], semi[sl])

        def wait_idx(sl):
            pltpu.make_async_copy(ep_hbm.at[0], idxs.at[sl], semi[sl]).wait()

        def issue_gath(isl, hsl):
            pltpu.async_copy(tabs.at[idxs.at[isl, 0]], hrs[hsl], semh[hsl])
            pltpu.async_copy(ads.at[idxs.at[isl, 1]], ars[hsl], sema[hsl])

        def wait_gath(isl, hsl):
            pltpu.make_async_copy(
                tabs.at[idxs.at[isl, 0]], hrs[hsl], semh[hsl]).wait()
            pltpu.make_async_copy(
                ads.at[idxs.at[isl, 1]], ars[hsl], sema[hsl]).wait()

        def wait_scat(hsl):
            pltpu.make_async_copy(
                hrs[hsl], acc.at[idxs.at[0, 1]], semc[hsl]).wait()

        issue_idx(0, 0)
        issue_idx(1, 1)
        wait_idx(0)
        issue_gath(0, 0)

        def outer(kk, _):
            for b in range(4):
                k = 4 * kk + b

                @pl.when(k + 2 < KCH)
                def _():
                    issue_idx(k + 2, (b + 2) % 4)

                @pl.when(jnp.logical_and(k + 1 < KCH, k >= 1))
                def _():
                    wait_scat((b + 1) % 2)

                @pl.when(k + 1 < KCH)
                def _():
                    wait_idx((b + 1) % 4)
                    issue_gath((b + 1) % 4, (b + 1) % 2)

                hsl = b % 2
                wait_gath(b, hsl)

                @plsc.parallel_loop(0, C, 1, unroll=4)
                def _(i):
                    edge_fn(i, hrs[hsl], ars[hsl])

                pltpu.async_copy(
                    hrs[hsl], acc.at[idxs.at[b, 1]], semc[hsl], add=True)
            return 0

        lax.fori_loop(0, KCH // 4, outer, 0)
        wait_scat(0)
        wait_scat(1)
        plsc.subcore_barrier()

        for b in range(TPR // C):
            sl = pl.ds(r0 + b * C, C)
            pltpu.sync_copy(acc.at[sl], hr0)

            @pl.when(cid == 0)
            def _():
                pltpu.sync_copy(hr0, out0.at[sl])

            @pl.when(cid == 1)
            def _():
                pltpu.sync_copy(hr0, out1.at[sl])

    out = jax.ShapeDtypeStruct((NPAD, rw), jnp.float32)
    return pl.kernel(
        body,
        out_type=(out, out),
        mesh=mesh,
        compiler_params=pltpu.CompilerParams(
            use_tc_tiling_on_sc=False, needs_layout_passes=False),
        scratch_types=[
            pltpu.VMEM((4, 2, C), jnp.int32),
            pltpu.VMEM((C, rw), jnp.float32),
            pltpu.VMEM((C, rw), jnp.float32),
            pltpu.VMEM((C, AW), jnp.float32),
            pltpu.VMEM((C, AW), jnp.float32),
            pltpu.VMEM_SHARED((NPAD, rw), jnp.float32),
            pltpu.VMEM_SHARED((NPAD, rw), jnp.float32),
            pltpu.VMEM_SHARED((NPAD, AW), jnp.float32),
        ] + [pltpu.SemaphoreType.DMA] * 10,
    )


def _edge_fn1(i, hrows, arows):
    iota = lax.broadcasted_iota(jnp.int32, (LANES,), 0)
    a_s = hrows[i, pl.ds(56, LANES)]
    a_d = arows[i, pl.ds(0, LANES)]
    e = a_s + a_d
    e = jnp.where(e > 0, e, 0.2 * e)
    s = jnp.exp(e)
    for j in range(4):
        seg = hrows[i, pl.ds(j * LANES, LANES)]
        hrows[i, pl.ds(j * LANES, LANES)] = seg * _rep8(s, j, base=8)
    row = jnp.zeros((LANES,), jnp.int32) + i
    plsc.store_scatter(hrows, [row, iota + 56], s, mask=iota >= 8)


def _edge_fn2(i, hrows, arows):
    a_s = hrows[i, pl.ds(LANES, LANES)]
    a_d = arows[i, pl.ds(0, LANES)]
    e = a_s + a_d
    e = jnp.where(e > 0, e, 0.2 * e)
    s = jnp.exp(e)
    hrows[i, pl.ds(0, LANES)] = hrows[i, pl.ds(0, LANES)] * s
    lane0 = (lax.broadcasted_iota(jnp.int32, (LANES,), 0) == 0)
    hrows[i, pl.ds(LANES, LANES)] = jnp.where(lane0, s, 0.0)



def _tc1_body(x_ref, w1_ref, aa_ref, hx_ref, ad_ref):
    h = jnp.dot(x_ref[:], w1_ref[:], preferred_element_type=jnp.float32)
    aa = jnp.dot(h, aa_ref[:], preferred_element_type=jnp.float32)
    z8 = jnp.zeros((NB, 8), jnp.float32)
    hx_ref[:] = jnp.concatenate([h, aa[:, :8]], axis=1)
    ad_ref[:] = jnp.concatenate([z8, aa[:, 8:]], axis=1)


def _tc2_body(p0_ref, p1_ref, rmat_ref, b1_ref, w2_ref, a2_ref,
              hx_ref, ad_ref):
    u = p0_ref[:] + p1_ref[:]
    rec = 1.0 / (u[:, 64:72] + 1e-16)
    recrep = jnp.dot(rec, rmat_ref[:], preferred_element_type=jnp.float32)
    o1 = u[:, :64] * recrep + b1_ref[:]
    act = jnp.where(o1 > 0, o1, jnp.exp(jnp.minimum(o1, 0.0)) - 1.0)
    h2 = jnp.dot(act, w2_ref[:], preferred_element_type=jnp.float32)
    aa2 = jnp.dot(h2, a2_ref[:], preferred_element_type=jnp.float32)
    hx_ref[:] = jnp.concatenate(
        [h2, jnp.broadcast_to(aa2[:, :1], (NB, LANES))], axis=1)
    ad_ref[:] = jnp.broadcast_to(aa2[:, 1:2], (NB, AW))


def _tc3_body(q0_ref, q1_ref, b2_ref, o_ref):
    u = q0_ref[:] + q1_ref[:]
    den = u[:, 16:17] + 1e-16
    o_ref[:] = u[:, :16] / den + b2_ref[:]


def _full(shape):
    return pl.BlockSpec(shape, lambda i: (0, 0))


def _blk(width):
    return pl.BlockSpec((NB, width), lambda i: (i, 0))


def kernel(x, edge_index, W1, att_src1, att_dst1, bias1,
           W2, att_src2, att_dst2, bias2):
    f32 = jnp.float32

    loop = jnp.arange(N, dtype=jnp.int32)
    padn = N + jnp.arange(EPAD - E - N, dtype=jnp.int32) % (NPAD - N)
    src = jnp.concatenate([edge_index[0], loop, padn])
    dst = jnp.concatenate([edge_index[1], loop, padn])
    nch = EPAD // C
    ep = jnp.stack([src.reshape(nch, C), dst.reshape(nch, C)], axis=1)

    xpad = jnp.zeros((NPAD, NFEAT), f32).at[:N].set(x)

    a1s = att_src1.reshape(IN_HEAD, HID)
    a1d = att_dst1.reshape(IN_HEAD, HID)
    eye8 = jnp.eye(IN_HEAD, dtype=f32)
    asrc_m = (eye8[:, None, :] * a1s[:, :, None]).reshape(64, IN_HEAD)
    adst_m = (eye8[:, None, :] * a1d[:, :, None]).reshape(64, IN_HEAD)
    aa1 = jnp.concatenate([asrc_m, adst_m], axis=1)
    rmat = (eye8[:, None, :] * jnp.ones((IN_HEAD, HID, 1), f32)
            ).reshape(64, IN_HEAD).T
    a2 = jnp.stack([att_src2.reshape(NCLASS), att_dst2.reshape(NCLASS)],
                   axis=1)

    tab1, adt1 = pl.pallas_call(
        _tc1_body,
        grid=(NGRID,),
        in_specs=[_blk(NFEAT), _full((NFEAT, 64)), _full((64, 16))],
        out_specs=[_blk(RW1), _blk(AW)],
        out_shape=[jax.ShapeDtypeStruct((NPAD, RW1), f32),
                   jax.ShapeDtypeStruct((NPAD, AW), f32)],
    )(xpad, W1, aa1)

    p0, p1 = _sc_edge_pass(RW1, _edge_fn1)(ep, tab1, adt1)

    tab2, adt2 = pl.pallas_call(
        _tc2_body,
        grid=(NGRID,),
        in_specs=[_blk(RW1), _blk(RW1), _full((IN_HEAD, 64)),
                  _full((1, 64)), _full((64, NCLASS)), _full((NCLASS, 2))],
        out_specs=[_blk(RW2), _blk(AW)],
        out_shape=[jax.ShapeDtypeStruct((NPAD, RW2), f32),
                   jax.ShapeDtypeStruct((NPAD, AW), f32)],
    )(p0, p1, rmat, bias1.reshape(1, 64), W2, a2)

    q0, q1 = _sc_edge_pass(RW2, _edge_fn2)(ep, tab2, adt2)

    out = pl.pallas_call(
        _tc3_body,
        grid=(NGRID,),
        in_specs=[_blk(RW2), _blk(RW2), _full((1, NCLASS))],
        out_specs=_blk(NCLASS),
        out_shape=jax.ShapeDtypeStruct((NPAD, NCLASS), f32),
    )(q0, q1, bias2.reshape(1, NCLASS))

    return out[:N]

# --- scband reference (transcript-rebuilt; emitter-appended) ---
"""Pipeline reference for scband-gat-44006234914926 (READ-ONLY COPY).

The authoritative reference and input builder live on the scoring server;
editing this copy changes nothing except your own understanding.
"""

import jax, jax.numpy as jnp
import numpy as np

N = 10000
E = 320000
NFEAT = 128
HID = 8
IN_HEAD = 8
OUT_HEAD = 1
NCLASS = 16


def setup_inputs(seed: int = 0) -> dict:
    key = jax.random.key(seed)
    ks = jax.random.split(key, 12)
    x = jax.random.normal(ks[0], (N, NFEAT), dtype=jnp.float32)
    edge_index = jax.random.randint(ks[1], (2, E), 0, N, dtype=jnp.int32)
    W1 = jax.random.normal(ks[2], (NFEAT, IN_HEAD * HID), dtype=jnp.float32) * 0.1
    att_src1 = jax.random.normal(ks[3], (1, IN_HEAD, HID), dtype=jnp.float32) * 0.1
    att_dst1 = jax.random.normal(ks[4], (1, IN_HEAD, HID), dtype=jnp.float32) * 0.1
    bias1 = jnp.zeros((IN_HEAD * HID,), dtype=jnp.float32)
    W2 = jax.random.normal(ks[5], (IN_HEAD * HID, OUT_HEAD * NCLASS), dtype=jnp.float32) * 0.1
    att_src2 = jax.random.normal(ks[6], (1, OUT_HEAD, NCLASS), dtype=jnp.float32) * 0.1
    att_dst2 = jax.random.normal(ks[7], (1, OUT_HEAD, NCLASS), dtype=jnp.float32) * 0.1
    bias2 = jnp.zeros((NCLASS,), dtype=jnp.float32)
    return {"x": x, "edge_index": edge_index, "W1": W1, "att_src1": att_src1,
            "att_dst1": att_dst1, "bias1": bias1, "W2": W2, "att_src2": att_src2,
            "att_dst2": att_dst2, "bias2": bias2}


def gat_conv(x, edge_index, W, att_src, att_dst, bias, heads, out_ch, concat):
    n = x.shape[0]
    # PyG GATConv adds self-loops by default
    loop = jnp.arange(n, dtype=edge_index.dtype)
    src = jnp.concatenate([edge_index[0], loop])
    dst = jnp.concatenate([edge_index[1], loop])
    h = (x @ W).reshape(n, heads, out_ch)  # [N, H, F']
    a_src = jnp.sum(h * att_src, axis=-1)  # [N, H]
    a_dst = jnp.sum(h * att_dst, axis=-1)  # [N, H]
    e = a_src[src] + a_dst[dst]            # [E', H]
    e = jax.nn.leaky_relu(e, 0.2)
    # segment softmax over destination nodes
    e_max = jax.ops.segment_max(e, dst, num_segments=n)
    e_max = jnp.where(jnp.isfinite(e_max), e_max, 0.0)
    e_exp = jnp.exp(e - e_max[dst])
    denom = jax.ops.segment_sum(e_exp, dst, num_segments=n)
    alpha = e_exp / (denom[dst] + 1e-16)   # [E', H]
    msg = h[src] * alpha[:, :, None]       # [E', H, F']
    out = jax.ops.segment_sum(msg, dst, num_segments=n)  # [N, H, F']
    if concat:
        out = out.reshape(n, heads * out_ch)
    else:
        out = out.mean(axis=1)
    return out + bias


def reference(x, edge_index, W1, att_src1, att_dst1, bias1, W2, att_src2, att_dst2, bias2):
    # dropout layers are identity in eval mode
    h = gat_conv(x, edge_index, W1, att_src1, att_dst1, bias1, IN_HEAD, HID, True)
    h = jax.nn.elu(h)
    out = gat_conv(h, edge_index, W2, att_src2, att_dst2, bias2, OUT_HEAD, NCLASS, False)
    return out

if __name__ == "__main__":
    import jax
    _d = setup_inputs()
    print(jax.jit(kernel)(*tuple(_d.values())))

</pallas_src>

<mosaic_0001>
#map = affine_map<(d0, d1) -> (0, 0, 0)>
#map1 = affine_map<(d0, d1) -> (0, 0)>
module attributes {stable_mosaic.version = 14 : i64} {
  func.func @body(%arg0: i32, %arg1: i32, %arg2: memref<2688x2x128xi32, #tpu.memory_space<hbm>>, %arg3: memref<10240x72xf32, #tpu.memory_space<hbm>>, %arg4: memref<10240x16xf32, #tpu.memory_space<hbm>>, %arg5: memref<10240x72xf32, #tpu.memory_space<hbm>>, %arg6: memref<10240x72xf32, #tpu.memory_space<hbm>>, %arg7: memref<4x2x128xi32, #tpu.memory_space<vmem>>, %arg8: memref<128x72xf32, #tpu.memory_space<vmem>>, %arg9: memref<128x72xf32, #tpu.memory_space<vmem>>, %arg10: memref<128x16xf32, #tpu.memory_space<vmem>>, %arg11: memref<128x16xf32, #tpu.memory_space<vmem>>, %arg12: memref<10240x72xf32, #tpu.memory_space<vmem_shared>>, %arg13: memref<10240x72xf32, #tpu.memory_space<vmem_shared>>, %arg14: memref<10240x16xf32, #tpu.memory_space<vmem_shared>>, %arg15: memref<!tpu.dma_semaphore, #tpu.memory_space<semaphore_mem>>, %arg16: memref<!tpu.dma_semaphore, #tpu.memory_space<semaphore_mem>>, %arg17: memref<!tpu.dma_semaphore, #tpu.memory_space<semaphore_mem>>, %arg18: memref<!tpu.dma_semaphore, #tpu.memory_space<semaphore_mem>>, %arg19: memref<!tpu.dma_semaphore, #tpu.memory_space<semaphore_mem>>, %arg20: memref<!tpu.dma_semaphore, #tpu.memory_space<semaphore_mem>>, %arg21: memref<!tpu.dma_semaphore, #tpu.memory_space<semaphore_mem>>, %arg22: memref<!tpu.dma_semaphore, #tpu.memory_space<semaphore_mem>>, %arg23: memref<!tpu.dma_semaphore, #tpu.memory_space<semaphore_mem>>, %arg24: memref<!tpu.dma_semaphore, #tpu.memory_space<semaphore_mem>>) attributes {dimension_semantics = [#tpu.dimension_semantics<core_parallel>, #tpu.dimension_semantics<subcore_parallel>], iteration_bounds = array<i64: 2, 16>, scalar_prefetch = 0 : i64, scratch_operands = 18 : i64, tpu.core_type = #tpu.core_type<sc_vector_subcore>, window_params = [{transform_indices = #map}, {transform_indices = #map1}, {transform_indices = #map1}, {transform_indices = #map1}, {transform_indices = #map1}]} {
    %mul3A = arith.constant 16 : i32
    %mul3A_0 = arith.muli %arg0, %mul3A : i32
    %add3A = arith.addi %mul3A_0, %arg1 : i32
    %mul3A_1 = arith.constant 640 : i32
    %mul3A_2 = arith.muli %arg1, %mul3A_1 : i32
    "tpu.region"() ({
      %run_scoped3A = tpu.sem_alloc : memref<!tpu.dma_semaphore, #tpu.memory_space<semaphore_mem>>
      %dma_start3A_171 = arith.constant 0 : i32
      %dma_start3A_172 = tpu.memref_slice %arg13[%mul3A_2, %dma_start3A_171] : memref<10240x72xf32, #tpu.memory_space<vmem_shared>> -> memref<640x72xf32, #tpu.memory_space<vmem_shared>>
      %dma_start3A_173 = arith.constant 0 : i32
      %dma_start3A_174 = tpu.memref_slice %arg3[%mul3A_2, %dma_start3A_173] : memref<10240x72xf32, #tpu.memory_space<hbm>> -> memref<640x72xf32, #tpu.memory_space<hbm>>
      tpu.enqueue_dma source(%dma_start3A_174 : memref<640x72xf32, #tpu.memory_space<hbm>>) target(%dma_start3A_172 : memref<640x72xf32, #tpu.memory_space<vmem_shared>>) target_semaphore(%run_scoped3A : memref<!tpu.dma_semaphore, #tpu.memory_space<semaphore_mem>>)
      %dma_wait3A_175 = arith.constant 0 : i32
      %dma_wait3A_176 = tpu.memref_slice %arg13[%mul3A_2, %dma_wait3A_175] : memref<10240x72xf32, #tpu.memory_space<vmem_shared>> -> memref<640x72xf32, #tpu.memory_space<vmem_shared>>
      %dma_wait3A_177 = arith.constant 0 : i32
      %dma_wait3A_178 = tpu.memref_slice %arg3[%mul3A_2, %dma_wait3A_177] : memref<10240x72xf32, #tpu.memory_space<hbm>> -> memref<640x72xf32, #tpu.memory_space<hbm>>
      tpu.wait_dma2 semaphore(%run_scoped3A : memref<!tpu.dma_semaphore, #tpu.memory_space<semaphore_mem>>) src(%dma_wait3A_178 : memref<640x72xf32, #tpu.memory_space<hbm>>) dst(%dma_wait3A_176 : memref<640x72xf32, #tpu.memory_space<vmem_shared>>)
      tpu.yield
    }) : () -> ()
    "tpu.region"() ({
      %run_scoped3A = tpu.sem_alloc : memref<!tpu.dma_semaphore, #tpu.memory_space<semaphore_mem>>
      %dma_start3A_171 = arith.constant 0 : i32
      %dma_start3A_172 = tpu.memref_slice %arg14[%mul3A_2, %dma_start3A_171] : memref<10240x16xf32, #tpu.memory_space<vmem_shared>> -> memref<640x16xf32, #tpu.memory_space<vmem_shared>>
      %dma_start3A_173 = arith.constant 0 : i32
      %dma_start3A_174 = tpu.memref_slice %arg4[%mul3A_2, %dma_start3A_173] : memref<10240x16xf32, #tpu.memory_space<hbm>> -> memref<640x16xf32, #tpu.memory_space<hbm>>
      tpu.enqueue_dma source(%dma_start3A_174 : memref<640x16xf32, #tpu.memory_space<hbm>>) target(%dma_start3A_172 : memref<640x16xf32, #tpu.memory_space<vmem_shared>>) target_semaphore(%run_scoped3A : memref<!tpu.dma_semaphore, #tpu.memory_space<semaphore_mem>>)
      %dma_wait3A_175 = arith.constant 0 : i32
      %dma_wait3A_176 = tpu.memref_slice %arg14[%mul3A_2, %dma_wait3A_175] : memref<10240x16xf32, #tpu.memory_space<vmem_shared>> -> memref<640x16xf32, #tpu.memory_space<vmem_shared>>
      %dma_wait3A_177 = arith.constant 0 : i32
      %dma_wait3A_178 = tpu.memref_slice %arg4[%mul3A_2, %dma_wait3A_177] : memref<10240x16xf32, #tpu.memory_space<hbm>> -> memref<640x16xf32, #tpu.memory_space<hbm>>
      tpu.wait_dma2 semaphore(%run_scoped3A : memref<!tpu.dma_semaphore, #tpu.memory_space<semaphore_mem>>) src(%dma_wait3A_178 : memref<640x16xf32, #tpu.memory_space<hbm>>) dst(%dma_wait3A_176 : memref<640x16xf32, #tpu.memory_space<vmem_shared>>)
      tpu.yield
    }) : () -> ()
    %broadcast_in_dim3A = arith.constant 0.000000e+00 : f32
    %broadcast_in_dim3A_3 = vector.broadcast %broadcast_in_dim3A : f32 to vector<16xf32>
    %scan3A = arith.constant 0 : i32
    %scan3A_4 = arith.constant 0 : i32
    %scan3A_5 = arith.constant 128 : i32
    %scan3A_6 = arith.addi %scan3A_4, %scan3A_5 : i32
    %scan3A_7 = arith.constant 1 : i32
    %scan3A_8 = scf.for %scan3A_171 = %scan3A_4 to %scan3A_6 step %scan3A_7 iter_args(%scan3A_172 = %scan3A) -> (i32)  : i32 {
      %swap3A = arith.index_cast %scan3A_171 : i32 to index
      %swap3A_173 = arith.constant 0 : index
      %swap3A_174 = tpu.vector_load %arg8[%swap3A, %swap3A_173] {strides = array<i32>} : memref<128x72xf32, #tpu.memory_space<vmem>>, vector<16xf32>,
      tpu.vector_store %arg8[%swap3A, %swap3A_173], %broadcast_in_dim3A_3 {strides = array<i32>} : memref<128x72xf32, #tpu.memory_space<vmem>>, vector<16xf32>,
      %swap3A_175 = arith.index_cast %scan3A_171 : i32 to index
      %swap3A_176 = arith.constant 16 : index
      %swap3A_177 = tpu.vector_load %arg8[%swap3A_175, %swap3A_176] {strides = array<i32>} : memref<128x72xf32, #tpu.memory_space<vmem>>, vector<16xf32>,
      tpu.vector_store %arg8[%swap3A_175, %swap3A_176], %broadcast_in_dim3A_3 {strides = array<i32>} : memref<128x72xf32, #tpu.memory_space<vmem>>, vector<16xf32>,
      %swap3A_178 = arith.index_cast %scan3A_171 : i32 to index
      %swap3A_179 = arith.constant 32 : index
      %swap3A_180 = tpu.vector_load %arg8[%swap3A_178, %swap3A_179] {strides = array<i32>} : memref<128x72xf32, #tpu.memory_space<vmem>>, vector<16xf32>,
      tpu.vector_store %arg8[%swap3A_178, %swap3A_179], %broadcast_in_dim3A_3 {strides = array<i32>} : memref<128x72xf32, #tpu.memory_space<vmem>>, vector<16xf32>,
      %swap3A_181 = arith.index_cast %scan3A_171 : i32 to index
      %swap3A_182 = arith.constant 48 : index
      %swap3A_183 = tpu.vector_load %arg8[%swap3A_181, %swap3A_182] {strides = array<i32>} : memref<128x72xf32, #tpu.memory_space<vmem>>, vector<16xf32>,
      tpu.vector_store %arg8[%swap3A_181, %swap3A_182], %broadcast_in_dim3A_3 {strides = array<i32>} : memref<128x72xf32, #tpu.memory_space<vmem>>, vector<16xf32>,
      %swap3A_184 = arith.index_cast %scan3A_171 : i32 to index
      %swap3A_185 = arith.constant 56 : index
      %swap3A_186 = tpu.vector_load %arg8[%swap3A_184, %swap3A_185] {strides = array<i32>} : memref<128x72xf32, #tpu.memory_space<vmem>>, vector<16xf32>,
      tpu.vector_store %arg8[%swap3A_184, %swap3A_185], %broadcast_in_dim3A_3 {strides = array<i32>} : memref<128x72xf32, #tpu.memory_space<vmem>>, vector<16xf32>,
      %scan3A_187 = arith.constant 0 : i32
      scf.yield %scan3A_187 : i32
    }
    %scan3A_9 = arith.constant 128 : i32
    %add3A_10 = arith.constant 0 : i32
    %add3A_11 = arith.addi %mul3A_2, %add3A_10 : i32
    "tpu.region"() ({
      %run_scoped3A = tpu.sem_alloc : memref<!tpu.dma_semaphore, #tpu.memory_space<semaphore_mem>>
      %dma_start3A_171 = arith.constant 0 : i32
      %dma_start3A_172 = tpu.memref_slice %arg12[%add3A_11, %dma_start3A_171] : memref<10240x72xf32, #tpu.memory_space<vmem_shared>> -> memref<128x72xf32, #tpu.memory_space<vmem_shared>>
      %dma_start3A_173 = arith.constant 0 : i32
      %dma_start3A_174 = tpu.memref_slice %arg12[%add3A_11, %dma_start3A_173] : memref<10240x72xf32, #tpu.memory_space<vmem_shared>> -> memref<128x72xf32, #tpu.memory_space<vmem_shared>>
      tpu.enqueue_dma source(%arg8 : memref<128x72xf32, #tpu.memory_space<vmem>>) target(%dma_start3A_174 : memref<128x72xf32, #tpu.memory_space<vmem_shared>>) target_semaphore(%run_scoped3A : memref<!tpu.dma_semaphore, #tpu.memory_space<semaphore_mem>>)
      %dma_wait3A_175 = arith.constant 0 : i32
      %dma_wait3A_176 = tpu.memref_slice %arg12[%add3A_11, %dma_wait3A_175] : memref<10240x72xf32, #tpu.memory_space<vmem_shared>> -> memref<128x72xf32, #tpu.memory_space<vmem_shared>>
      %dma_wait3A_177 = arith.constant 0 : i32
      %dma_wait3A_178 = tpu.memref_slice %arg12[%add3A_11, %dma_wait3A_177] : memref<10240x72xf32, #tpu.memory_space<vmem_shared>> -> memref<128x72xf32, #tpu.memory_space<vmem_shared>>
      tpu.wait_dma2 semaphore(%run_scoped3A : memref<!tpu.dma_semaphore, #tpu.memory_space<semaphore_mem>>) src(%arg8 : memref<128x72xf32, #tpu.memory_space<vmem>>) dst(%dma_wait3A_178 : memref<128x72xf32, #tpu.memory_space<vmem_shared>>)
      tpu.yield
    }) : () -> ()
    %add3A_12 = arith.constant 128 : i32
    %add3A_13 = arith.addi %mul3A_2, %add3A_12 : i32
    "tpu.region"() ({
      %run_scoped3A = tpu.sem_alloc : memref<!tpu.dma_semaphore, #tpu.memory_space<semaphore_mem>>
      %dma_start3A_171 = arith.constant 0 : i32
      %dma_start3A_172 = tpu.memref_slice %arg12[%add3A_13, %dma_start3A_171] : memref<10240x72xf32, #tpu.memory_space<vmem_shared>> -> memref<128x72xf32, #tpu.memory_space<vmem_shared>>
      %dma_start3A_173 = arith.constant 0 : i32
      %dma_start3A_174 = tpu.memref_slice %arg12[%add3A_13, %dma_start3A_173] : memref<10240x72xf32, #tpu.memory_space<vmem_shared>> -> memref<128x72xf32, #tpu.memory_space<vmem_shared>>
      tpu.enqueue_dma source(%arg8 : memref<128x72xf32, #tpu.memory_space<vmem>>) target(%dma_start3A_174 : memref<128x72xf32, #tpu.memory_space<vmem_shared>>) target_semaphore(%run_scoped3A : memref<!tpu.dma_semaphore, #tpu.memory_space<semaphore_mem>>)
      %dma_wait3A_175 = arith.constant 0 : i32
      %dma_wait3A_176 = tpu.memref_slice %arg12[%add3A_13, %dma_wait3A_175] : memref<10240x72xf32, #tpu.memory_space<vmem_shared>> -> memref<128x72xf32, #tpu.memory_space<vmem_shared>>
      %dma_wait3A_177 = arith.constant 0 : i32
      %dma_wait3A_178 = tpu.memref_slice %arg12[%add3A_13, %dma_wait3A_177] : memref<10240x72xf32, #tpu.memory_space<vmem_shared>> -> memref<128x72xf32, #tpu.memory_space<vmem_shared>>
      tpu.wait_dma2 semaphore(%run_scoped3A : memref<!tpu.dma_semaphore, #tpu.memory_space<semaphore_mem>>) src(%arg8 : memref<128x72xf32, #tpu.memory_space<vmem>>) dst(%dma_wait3A_178 : memref<128x72xf32, #tpu.memory_space<vmem_shared>>)
      tpu.yield
    }) : () -> ()
    %add3A_14 = arith.constant 256 : i32
    %add3A_15 = arith.addi %mul3A_2, %add3A_14 : i32
    "tpu.region"() ({
      %run_scoped3A = tpu.sem_alloc : memref<!tpu.dma_semaphore, #tpu.memory_space<semaphore_mem>>
      %dma_start3A_171 = arith.constant 0 : i32
      %dma_start3A_172 = tpu.memref_slice %arg12[%add3A_15, %dma_start3A_171] : memref<10240x72xf32, #tpu.memory_space<vmem_shared>> -> memref<128x72xf32, #tpu.memory_space<vmem_shared>>
      %dma_start3A_173 = arith.constant 0 : i32
      %dma_start3A_174 = tpu.memref_slice %arg12[%add3A_15, %dma_start3A_173] : memref<10240x72xf32, #tpu.memory_space<vmem_shared>> -> memref<128x72xf32, #tpu.memory_space<vmem_shared>>
      tpu.enqueue_dma source(%arg8 : memref<128x72xf32, #tpu.memory_space<vmem>>) target(%dma_start3A_174 : memref<128x72xf32, #tpu.memory_space<vmem_shared>>) target_semaphore(%run_scoped3A : memref<!tpu.dma_semaphore, #tpu.memory_space<semaphore_mem>>)
      %dma_wait3A_175 = arith.constant 0 : i32
      %dma_wait3A_176 = tpu.memref_slice %arg12[%add3A_15, %dma_wait3A_175] : memref<10240x72xf32, #tpu.memory_space<vmem_shared>> -> memref<128x72xf32, #tpu.memory_space<vmem_shared>>
      %dma_wait3A_177 = arith.constant 0 : i32
      %dma_wait3A_178 = tpu.memref_slice %arg12[%add3A_15, %dma_wait3A_177] : memref<10240x72xf32, #tpu.memory_space<vmem_shared>> -> memref<128x72xf32, #tpu.memory_space<vmem_shared>>
      tpu.wait_dma2 semaphore(%run_scoped3A : memref<!tpu.dma_semaphore, #tpu.memory_space<semaphore_mem>>) src(%arg8 : memref<128x72xf32, #tpu.memory_space<vmem>>) dst(%dma_wait3A_178 : memref<128x72xf32, #tpu.memory_space<vmem_shared>>)
      tpu.yield
    }) : () -> ()
    %add3A_16 = arith.constant 384 : i32
    %add3A_17 = arith.addi %mul3A_2, %add3A_16 : i32
    "tpu.region"() ({
      %run_scoped3A = tpu.sem_alloc : memref<!tpu.dma_semaphore, #tpu.memory_space<semaphore_mem>>
      %dma_start3A_171 = arith.constant 0 : i32
      %dma_start3A_172 = tpu.memref_slice %arg12[%add3A_17, %dma_start3A_171] : memref<10240x72xf32, #tpu.memory_space<vmem_shared>> -> memref<128x72xf32, #tpu.memory_space<vmem_shared>>
      %dma_start3A_173 = arith.constant 0 : i32
      %dma_start3A_174 = tpu.memref_slice %arg12[%add3A_17, %dma_start3A_173] : memref<10240x72xf32, #tpu.memory_space<vmem_shared>> -> memref<128x72xf32, #tpu.memory_space<vmem_shared>>
      tpu.enqueue_dma source(%arg8 : memref<128x72xf32, #tpu.memory_space<vmem>>) target(%dma_start3A_174 : memref<128x72xf32, #tpu.memory_space<vmem_shared>>) target_semaphore(%run_scoped3A : memref<!tpu.dma_semaphore, #tpu.memory_space<semaphore_mem>>)
      %dma_wait3A_175 = arith.constant 0 : i32
      %dma_wait3A_176 = tpu.memref_slice %arg12[%add3A_17, %dma_wait3A_175] : memref<10240x72xf32, #tpu.memory_space<vmem_shared>> -> memref<128x72xf32, #tpu.memory_space<vmem_shared>>
      %dma_wait3A_177 = arith.constant 0 : i32
      %dma_wait3A_178 = tpu.memref_slice %arg12[%add3A_17, %dma_wait3A_177] : memref<10240x72xf32, #tpu.memory_space<vmem_shared>> -> memref<128x72xf32, #tpu.memory_space<vmem_shared>>
      tpu.wait_dma2 semaphore(%run_scoped3A : memref<!tpu.dma_semaphore, #tpu.memory_space<semaphore_mem>>) src(%arg8 : memref<128x72xf32, #tpu.memory_space<vmem>>) dst(%dma_wait3A_178 : memref<128x72xf32, #tpu.memory_space<vmem_shared>>)
      tpu.yield
    }) : () -> ()
    %add3A_18 = arith.constant 512 : i32
    %add3A_19 = arith.addi %mul3A_2, %add3A_18 : i32
    "tpu.region"() ({
      %run_scoped3A = tpu.sem_alloc : memref<!tpu.dma_semaphore, #tpu.memory_space<semaphore_mem>>
      %dma_start3A_171 = arith.constant 0 : i32
      %dma_start3A_172 = tpu.memref_slice %arg12[%add3A_19, %dma_start3A_171] : memref<10240x72xf32, #tpu.memory_space<vmem_shared>> -> memref<128x72xf32, #tpu.memory_space<vmem_shared>>
      %dma_start3A_173 = arith.constant 0 : i32
      %dma_start3A_174 = tpu.memref_slice %arg12[%add3A_19, %dma_start3A_173] : memref<10240x72xf32, #tpu.memory_space<vmem_shared>> -> memref<128x72xf32, #tpu.memory_space<vmem_shared>>
      tpu.enqueue_dma source(%arg8 : memref<128x72xf32, #tpu.memory_space<vmem>>) target(%dma_start3A_174 : memref<128x72xf32, #tpu.memory_space<vmem_shared>>) target_semaphore(%run_scoped3A : memref<!tpu.dma_semaphore, #tpu.memory_space<semaphore_mem>>)
      %dma_wait3A_175 = arith.constant 0 : i32
      %dma_wait3A_176 = tpu.memref_slice %arg12[%add3A_19, %dma_wait3A_175] : memref<10240x72xf32, #tpu.memory_space<vmem_shared>> -> memref<128x72xf32, #tpu.memory_space<vmem_shared>>
      %dma_wait3A_177 = arith.constant 0 : i32
      %dma_wait3A_178 = tpu.memref_slice %arg12[%add3A_19, %dma_wait3A_177] : memref<10240x72xf32, #tpu.memory_space<vmem_shared>> -> memref<128x72xf32, #tpu.memory_space<vmem_shared>>
      tpu.wait_dma2 semaphore(%run_scoped3A : memref<!tpu.dma_semaphore, #tpu.memory_space<semaphore_mem>>) src(%arg8 : memref<128x72xf32, #tpu.memory_space<vmem>>) dst(%dma_wait3A_178 : memref<128x72xf32, #tpu.memory_space<vmem_shared>>)
      tpu.yield
    }) : () -> ()
    %barrier3A = arith.constant 0 : index
    tpu.barrier barrier_id(%barrier3A)
    %add3A_20 = arith.constant 0 : i32
    %add3A_21 = arith.addi %add3A_20, %add3A : i32
    %dma_start3A = arith.constant 0 : i32
    %dma_start3A_22 = arith.constant 0 : i32
    %dma_start3A_23 = arith.constant 0 : i32
    %dma_start3A_24 = tpu.memref_slice %arg7[%dma_start3A, %dma_start3A_22, %dma_start3A_23] : memref<4x2x128xi32, #tpu.memory_space<vmem>> -> memref<1x2x128xi32, #tpu.memory_space<vmem>>
    %dma_start3A_25 = tpu.memref_squeeze %dma_start3A_24 : memref<1x2x128xi32, #tpu.memory_space<vmem>> -> memref<2x128xi32, #tpu.memory_space<vmem>>
    %dma_start3A_26 = arith.constant 0 : i32
    %dma_start3A_27 = arith.constant 0 : i32
    %dma_start3A_28 = tpu.memref_slice %arg2[%add3A_21, %dma_start3A_26, %dma_start3A_27] : memref<2688x2x128xi32, #tpu.memory_space<hbm>> -> memref<1x2x128xi32, #tpu.memory_space<hbm>>
    %dma_start3A_29 = tpu.memref_squeeze %dma_start3A_28 : memref<1x2x128xi32, #tpu.memory_space<hbm>> -> memref<2x128xi32, #tpu.memory_space<hbm>>
    %dma_start3A_30 = arith.constant 0 : i32
    %dma_start3A_31 = arith.constant 0 : i32
    %dma_start3A_32 = tpu.memref_slice %arg7[%dma_start3A, %dma_start3A_30, %dma_start3A_31] : memref<4x2x128xi32, #tpu.memory_space<vmem>> -> memref<1x2x128xi32, #tpu.memory_space<vmem>>
    %dma_start3A_33 = tpu.memref_squeeze %dma_start3A_32 : memref<1x2x128xi32, #tpu.memory_space<vmem>> -> memref<2x128xi32, #tpu.memory_space<vmem>>
    %dma_start3A_34 = arith.constant 0 : i32
    %dma_start3A_35 = arith.constant 0 : i32
    %dma_start3A_36 = tpu.memref_slice %arg2[%add3A_21, %dma_start3A_34, %dma_start3A_35] : memref<2688x2x128xi32, #tpu.memory_space<hbm>> -> memref<1x2x128xi32, #tpu.memory_space<hbm>>
    %dma_start3A_37 = tpu.memref_squeeze %dma_start3A_36 : memref<1x2x128xi32, #tpu.memory_space<hbm>> -> memref<2x128xi32, #tpu.memory_space<hbm>>
    tpu.enqueue_dma source(%dma_start3A_37 : memref<2x128xi32, #tpu.memory_space<hbm>>) target(%dma_start3A_33 : memref<2x128xi32, #tpu.memory_space<vmem>>) target_semaphore(%arg15 : memref<!tpu.dma_semaphore, #tpu.memory_space<semaphore_mem>>)
    %add3A_38 = arith.constant 32 : i32
    %add3A_39 = arith.addi %add3A_38, %add3A : i32
    %dma_start3A_40 = arith.constant 1 : i32
    %dma_start3A_41 = arith.constant 0 : i32
    %dma_start3A_42 = arith.constant 0 : i32
    %dma_start3A_43 = tpu.memref_slice %arg7[%dma_start3A_40, %dma_start3A_41, %dma_start3A_42] : memref<4x2x128xi32, #tpu.memory_space<vmem>> -> memref<1x2x128xi32, #tpu.memory_space<vmem>>
    %dma_start3A_44 = tpu.memref_squeeze %dma_start3A_43 : memref<1x2x128xi32, #tpu.memory_space<vmem>> -> memref<2x128xi32, #tpu.memory_space<vmem>>
    %dma_start3A_45 = arith.constant 0 : i32
    %dma_start3A_46 = arith.constant 0 : i32
    %dma_start3A_47 = tpu.memref_slice %arg2[%add3A_39, %dma_start3A_45, %dma_start3A_46] : memref<2688x2x128xi32, #tpu.memory_space<hbm>> -> memref<1x2x128xi32, #tpu.memory_space<hbm>>
    %dma_start3A_48 = tpu.memref_squeeze %dma_start3A_47 : memref<1x2x128xi32, #tpu.memory_space<hbm>> -> memref<2x128xi32, #tpu.memory_space<hbm>>
    %dma_start3A_49 = arith.constant 0 : i32
    %dma_start3A_50 = arith.constant 0 : i32
    %dma_start3A_51 = tpu.memref_slice %arg7[%dma_start3A_40, %dma_start3A_49, %dma_start3A_50] : memref<4x2x128xi32, #tpu.memory_space<vmem>> -> memref<1x2x128xi32, #tpu.memory_space<vmem>>
    %dma_start3A_52 = tpu.memref_squeeze %dma_start3A_51 : memref<1x2x128xi32, #tpu.memory_space<vmem>> -> memref<2x128xi32, #tpu.memory_space<vmem>>
    %dma_start3A_53 = arith.constant 0 : i32
    %dma_start3A_54 = arith.constant 0 : i32
    %dma_start3A_55 = tpu.memref_slice %arg2[%add3A_39, %dma_start3A_53, %dma_start3A_54] : memref<2688x2x128xi32, #tpu.memory_space<hbm>> -> memref<1x2x128xi32, #tpu.memory_space<hbm>>
    %dma_start3A_56 = tpu.memref_squeeze %dma_start3A_55 : memref<1x2x128xi32, #tpu.memory_space<hbm>> -> memref<2x128xi32, #tpu.memory_space<hbm>>
    tpu.enqueue_dma source(%dma_start3A_56 : memref<2x128xi32, #tpu.memory_space<hbm>>) target(%dma_start3A_52 : memref<2x128xi32, #tpu.memory_space<vmem>>) target_semaphore(%arg16 : memref<!tpu.dma_semaphore, #tpu.memory_space<semaphore_mem>>)
    %dma_wait3A = arith.constant 0 : i32
    %dma_wait3A_57 = arith.constant 0 : i32
    %dma_wait3A_58 = arith.constant 0 : i32
    %dma_wait3A_59 = arith.constant 0 : i32
    %dma_wait3A_60 = tpu.memref_slice %arg7[%dma_wait3A_57, %dma_wait3A_58, %dma_wait3A_59] : memref<4x2x128xi32, #tpu.memory_space<vmem>> -> memref<1x2x128xi32, #tpu.memory_space<vmem>>
    %dma_wait3A_61 = tpu.memref_squeeze %dma_wait3A_60 : memref<1x2x128xi32, #tpu.memory_space<vmem>> -> memref<2x128xi32, #tpu.memory_space<vmem>>
    %dma_wait3A_62 = arith.constant 0 : i32
    %dma_wait3A_63 = arith.constant 0 : i32
    %dma_wait3A_64 = tpu.memref_slice %arg2[%dma_wait3A, %dma_wait3A_62, %dma_wait3A_63] : memref<2688x2x128xi32, #tpu.memory_space<hbm>> -> memref<1x2x128xi32, #tpu.memory_space<hbm>>
    %dma_wait3A_65 = tpu.memref_squeeze %dma_wait3A_64 : memref<1x2x128xi32, #tpu.memory_space<hbm>> -> memref<2x128xi32, #tpu.memory_space<hbm>>
    %dma_wait3A_66 = arith.constant 0 : i32
    %dma_wait3A_67 = arith.constant 0 : i32
    %dma_wait3A_68 = tpu.memref_slice %arg7[%dma_wait3A_57, %dma_wait3A_66, %dma_wait3A_67] : memref<4x2x128xi32, #tpu.memory_space<vmem>> -> memref<1x2x128xi32, #tpu.memory_space<vmem>>
    %dma_wait3A_69 = tpu.memref_squeeze %dma_wait3A_68 : memref<1x2x128xi32, #tpu.memory_space<vmem>> -> memref<2x128xi32, #tpu.memory_space<vmem>>
    %dma_wait3A_70 = arith.constant 0 : i32
    %dma_wait3A_71 = arith.constant 0 : i32
    %dma_wait3A_72 = tpu.memref_slice %arg2[%dma_wait3A, %dma_wait3A_70, %dma_wait3A_71] : memref<2688x2x128xi32, #tpu.memory_space<hbm>> -> memref<1x2x128xi32, #tpu.memory_space<hbm>>
    %dma_wait3A_73 = tpu.memref_squeeze %dma_wait3A_72 : memref<1x2x128xi32, #tpu.memory_space<hbm>> -> memref<2x128xi32, #tpu.memory_space<hbm>>
    tpu.wait_dma2 semaphore(%arg15 : memref<!tpu.dma_semaphore, #tpu.memory_space<semaphore_mem>>) src(%dma_wait3A_73 : memref<2x128xi32, #tpu.memory_space<hbm>>) dst(%dma_wait3A_69 : memref<2x128xi32, #tpu.memory_space<vmem>>)
    %dma_start3A_74 = arith.constant 0 : i32
    %dma_start3A_75 = arith.constant 0 : i32
    %dma_start3A_76 = arith.constant 0 : i32
    %dma_start3A_77 = tpu.memref_slice %arg7[%dma_start3A_74, %dma_start3A_75, %dma_start3A_76] : memref<4x2x128xi32, #tpu.memory_space<vmem>> -> memref<1x1x128xi32, #tpu.memory_space<vmem>>
    %dma_start3A_78 = tpu.memref_squeeze %dma_start3A_77 : memref<1x1x128xi32, #tpu.memory_space<vmem>> -> memref<128xi32, #tpu.memory_space<vmem>>
    %dma_start3A_79 = arith.constant 0 : i32
    %dma_start3A_80 = arith.constant 0 : i32
    %dma_start3A_81 = tpu.memref_slice %arg13[%dma_start3A_79, %dma_start3A_80] : memref<10240x72xf32, #tpu.memory_space<vmem_shared>> -> memref<10240x72xf32, #tpu.memory_space<vmem_shared>>
    tpu.enqueue_indirect_dma source(%dma_start3A_81 : memref<10240x72xf32, #tpu.memory_space<vmem_shared>>) target(%arg8 : memref<128x72xf32, #tpu.memory_space<vmem>>) offsets(%dma_start3A_78 : memref<128xi32, #tpu.memory_space<vmem>>) semaphore(%arg19 : memref<!tpu.dma_semaphore, #tpu.memory_space<semaphore_mem>>)
    %dma_start3A_82 = arith.constant 0 : i32
    %dma_start3A_83 = arith.constant 1 : i32
    %dma_start3A_84 = arith.constant 0 : i32
    %dma_start3A_85 = tpu.memref_slice %arg7[%dma_start3A_82, %dma_start3A_83, %dma_start3A_84] : memref<4x2x128xi32, #tpu.memory_space<vmem>> -> memref<1x1x128xi32, #tpu.memory_space<vmem>>
    %dma_start3A_86 = tpu.memref_squeeze %dma_start3A_85 : memref<1x1x128xi32, #tpu.memory_space<vmem>> -> memref<128xi32, #tpu.memory_space<vmem>>
    %dma_start3A_87 = arith.constant 0 : i32
    %dma_start3A_88 = arith.constant 0 : i32
    %dma_start3A_89 = tpu.memref_slice %arg14[%dma_start3A_87, %dma_start3A_88] : memref<10240x16xf32, #tpu.memory_space<vmem_shared>> -> memref<10240x16xf32, #tpu.memory_space<vmem_shared>>
    tpu.enqueue_indirect_dma source(%dma_start3A_89 : memref<10240x16xf32, #tpu.memory_space<vmem_shared>>) target(%arg10 : memref<128x16xf32, #tpu.memory_space<vmem>>) offsets(%dma_start3A_86 : memref<128xi32, #tpu.memory_space<vmem>>) semaphore(%arg21 : memref<!tpu.dma_semaphore, #tpu.memory_space<semaphore_mem>>)
    %scan3A_90 = arith.constant 0 : i32
    %scan3A_91 = arith.constant 0 : i32
    %scan3A_92 = arith.constant 21 : i32
    %scan3A_93 = arith.addi %scan3A_91, %scan3A_92 : i32
    %scan3A_94 = arith.constant 1 : i32
    %scan3A_95 = scf.for %scan3A_171 = %scan3A_91 to %scan3A_93 step %scan3A_94 iter_args(%scan3A_172 = %scan3A_90) -> (i32)  : i32 {
      %mul3A_173 = arith.constant 4 : i32
      %mul3A_174 = arith.muli %mul3A_173, %scan3A_171 : i32
      %add3A_175 = arith.constant 0 : i32
      %add3A_176 = arith.addi %mul3A_174, %add3A_175 : i32
      %add3A_177 = arith.constant 2 : i32
      %add3A_178 = arith.addi %add3A_176, %add3A_177 : i32
      %lt3A = arith.constant 84 : i32
      %lt3A_179 = arith.cmpi slt, %add3A_178, %lt3A : i32
      %convert_element_type3A_180 = arith.extui %lt3A_179 : i1 to i32
      %cond3A_181 = arith.constant 0 : i32
      %cond3A_182 = arith.cmpi ne, %convert_element_type3A_180, %cond3A_181 : i32
      scf.if %cond3A_182 {
        %add3A_390 = arith.constant 2 : i32
        %add3A_391 = arith.addi %add3A_176, %add3A_390 : i32
        %mul3A_392 = arith.constant 32 : i32
        %mul3A_393 = arith.muli %add3A_391, %mul3A_392 : i32
        %add3A_394 = arith.addi %mul3A_393, %add3A : i32
        %dma_start3A_395 = arith.constant 2 : i32
        %dma_start3A_396 = arith.constant 0 : i32
        %dma_start3A_397 = arith.constant 0 : i32
        %dma_start3A_398 = tpu.memref_slice %arg7[%dma_start3A_395, %dma_start3A_396, %dma_start3A_397] : memref<4x2x128xi32, #tpu.memory_space<vmem>> -> memref<1x2x128xi32, #tpu.memory_space<vmem>>
        %dma_start3A_399 = tpu.memref_squeeze %dma_start3A_398 : memref<1x2x128xi32, #tpu.memory_space<vmem>> -> memref<2x128xi32, #tpu.memory_space<vmem>>
        %dma_start3A_400 = arith.constant 0 : i32
        %dma_start3A_401 = arith.constant 0 : i32
        %dma_start3A_402 = tpu.memref_slice %arg2[%add3A_394, %dma_start3A_400, %dma_start3A_401] : memref<2688x2x128xi32, #tpu.memory_space<hbm>> -> memref<1x2x128xi32, #tpu.memory_space<hbm>>
        %dma_start3A_403 = tpu.memref_squeeze %dma_start3A_402 : memref<1x2x128xi32, #tpu.memory_space<hbm>> -> memref<2x128xi32, #tpu.memory_space<hbm>>
        %dma_start3A_404 = arith.constant 0 : i32
        %dma_start3A_405 = arith.constant 0 : i32
        %dma_start3A_406 = tpu.memref_slice %arg7[%dma_start3A_395, %dma_start3A_404, %dma_start3A_405] : memref<4x2x128xi32, #tpu.memory_space<vmem>> -> memref<1x2x128xi32, #tpu.memory_space<vmem>>
        %dma_start3A_407 = tpu.memref_squeeze %dma_start3A_406 : memref<1x2x128xi32, #tpu.memory_space<vmem>> -> memref<2x128xi32, #tpu.memory_space<vmem>>
        %dma_start3A_408 = arith.constant 0 : i32
        %dma_start3A_409 = arith.constant 0 : i32
        %dma_start3A_410 = tpu.memref_slice %arg2[%add3A_394, %dma_start3A_408, %dma_start3A_409] : memref<2688x2x128xi32, #tpu.memory_space<hbm>> -> memref<1x2x128xi32, #tpu.memory_space<hbm>>
        %dma_start3A_411 = tpu.memref_squeeze %dma_start3A_410 : memref<1x2x128xi32, #tpu.memory_space<hbm>> -> memref<2x128xi32, #tpu.memory_space<hbm>>
        tpu.enqueue_dma source(%dma_start3A_411 : memref<2x128xi32, #tpu.memory_space<hbm>>) target(%dma_start3A_407 : memref<2x128xi32, #tpu.memory_space<vmem>>) target_semaphore(%arg17 : memref<!tpu.dma_semaphore, #tpu.memory_space<semaphore_mem>>)
      } else {
      }
      %add3A_183 = arith.constant 1 : i32
      %add3A_184 = arith.addi %add3A_176, %add3A_183 : i32
      %lt3A_185 = arith.constant 84 : i32
      %lt3A_186 = arith.cmpi slt, %add3A_184, %lt3A_185 : i32
      %ge3A = arith.constant 1 : i32
      %ge3A_187 = arith.cmpi sge, %add3A_176, %ge3A : i32
      %and3A = arith.andi %lt3A_186, %ge3A_187 : i1
      %convert_element_type3A_188 = arith.extui %and3A : i1 to i32
      %cond3A_189 = arith.constant 0 : i32
      %cond3A_190 = arith.cmpi ne, %convert_element_type3A_188, %cond3A_189 : i32
      scf.if %cond3A_190 {
        %dma_wait3A_390 = arith.constant 0 : i32
        %dma_wait3A_391 = arith.constant 1 : i32
        %dma_wait3A_392 = arith.constant 0 : i32
        %dma_wait3A_393 = tpu.memref_slice %arg7[%dma_wait3A_390, %dma_wait3A_391, %dma_wait3A_392] : memref<4x2x128xi32, #tpu.memory_space<vmem>> -> memref<1x1x128xi32, #tpu.memory_space<vmem>>
        %dma_wait3A_394 = tpu.memref_squeeze %dma_wait3A_393 : memref<1x1x128xi32, #tpu.memory_space<vmem>> -> memref<128xi32, #tpu.memory_space<vmem>>
        %dma_wait3A_395 = arith.constant 0 : i32
        %dma_wait3A_396 = arith.constant 0 : i32
        %dma_wait3A_397 = tpu.memref_slice %arg12[%dma_wait3A_395, %dma_wait3A_396] : memref<10240x72xf32, #tpu.memory_space<vmem_shared>> -> memref<10240x72xf32, #tpu.memory_space<vmem_shared>>
        tpu.wait_indirect_dma semaphore(%arg24 : memref<!tpu.dma_semaphore, #tpu.memory_space<semaphore_mem>>) src(%arg9 : memref<128x72xf32, #tpu.memory_space<vmem>>) dst(%dma_wait3A_397 : memref<10240x72xf32, #tpu.memory_space<vmem_shared>>)
      } else {
      }
      %add3A_191 = arith.constant 1 : i32
      %add3A_192 = arith.addi %add3A_176, %add3A_191 : i32
      %lt3A_193 = arith.constant 84 : i32
      %lt3A_194 = arith.cmpi slt, %add3A_192, %lt3A_193 : i32
      %convert_element_type3A_195 = arith.extui %lt3A_194 : i1 to i32
      %cond3A_196 = arith.constant 0 : i32
      %cond3A_197 = arith.cmpi ne, %convert_element_type3A_195, %cond3A_196 : i32
      scf.if %cond3A_197 {
        %dma_wait3A_390 = arith.constant 0 : i32
        %dma_wait3A_391 = arith.constant 1 : i32
        %dma_wait3A_392 = arith.constant 0 : i32
        %dma_wait3A_393 = arith.constant 0 : i32
        %dma_wait3A_394 = tpu.memref_slice %arg7[%dma_wait3A_391, %dma_wait3A_392, %dma_wait3A_393] : memref<4x2x128xi32, #tpu.memory_space<vmem>> -> memref<1x2x128xi32, #tpu.memory_space<vmem>>
        %dma_wait3A_395 = tpu.memref_squeeze %dma_wait3A_394 : memref<1x2x128xi32, #tpu.memory_space<vmem>> -> memref<2x128xi32, #tpu.memory_space<vmem>>
        %dma_wait3A_396 = arith.constant 0 : i32
        %dma_wait3A_397 = arith.constant 0 : i32
        %dma_wait3A_398 = tpu.memref_slice %arg2[%dma_wait3A_390, %dma_wait3A_396, %dma_wait3A_397] : memref<2688x2x128xi32, #tpu.memory_space<hbm>> -> memref<1x2x128xi32, #tpu.memory_space<hbm>>
        %dma_wait3A_399 = tpu.memref_squeeze %dma_wait3A_398 : memref<1x2x128xi32, #tpu.memory_space<hbm>> -> memref<2x128xi32, #tpu.memory_space<hbm>>
        %dma_wait3A_400 = arith.constant 0 : i32
        %dma_wait3A_401 = arith.constant 0 : i32
        %dma_wait3A_402 = tpu.memref_slice %arg7[%dma_wait3A_391, %dma_wait3A_400, %dma_wait3A_401] : memref<4x2x128xi32, #tpu.memory_space<vmem>> -> memref<1x2x128xi32, #tpu.memory_space<vmem>>
        %dma_wait3A_403 = tpu.memref_squeeze %dma_wait3A_402 : memref<1x2x128xi32, #tpu.memory_space<vmem>> -> memref<2x128xi32, #tpu.memory_space<vmem>>
        %dma_wait3A_404 = arith.constant 0 : i32
        %dma_wait3A_405 = arith.constant 0 : i32
        %dma_wait3A_406 = tpu.memref_slice %arg2[%dma_wait3A_390, %dma_wait3A_404, %dma_wait3A_405] : memref<2688x2x128xi32, #tpu.memory_space<hbm>> -> memref<1x2x128xi32, #tpu.memory_space<hbm>>
        %dma_wait3A_407 = tpu.memref_squeeze %dma_wait3A_406 : memref<1x2x128xi32, #tpu.memory_space<hbm>> -> memref<2x128xi32, #tpu.memory_space<hbm>>
        tpu.wait_dma2 semaphore(%arg16 : memref<!tpu.dma_semaphore, #tpu.memory_space<semaphore_mem>>) src(%dma_wait3A_407 : memref<2x128xi32, #tpu.memory_space<hbm>>) dst(%dma_wait3A_403 : memref<2x128xi32, #tpu.memory_space<vmem>>)
        %dma_start3A_408 = arith.constant 1 : i32
        %dma_start3A_409 = arith.constant 0 : i32
        %dma_start3A_410 = arith.constant 0 : i32
        %dma_start3A_411 = tpu.memref_slice %arg7[%dma_start3A_408, %dma_start3A_409, %dma_start3A_410] : memref<4x2x128xi32, #tpu.memory_space<vmem>> -> memref<1x1x128xi32, #tpu.memory_space<vmem>>
        %dma_start3A_412 = tpu.memref_squeeze %dma_start3A_411 : memref<1x1x128xi32, #tpu.memory_space<vmem>> -> memref<128xi32, #tpu.memory_space<vmem>>
        %dma_start3A_413 = arith.constant 0 : i32
        %dma_start3A_414 = arith.constant 0 : i32
        %dma_start3A_415 = tpu.memref_slice %arg13[%dma_start3A_413, %dma_start3A_414] : memref<10240x72xf32, #tpu.memory_space<vmem_shared>> -> memref<10240x72xf32, #tpu.memory_space<vmem_shared>>
        tpu.enqueue_indirect_dma source(%dma_start3A_415 : memref<10240x72xf32, #tpu.memory_space<vmem_shared>>) target(%arg9 : memref<128x72xf32, #tpu.memory_space<vmem>>) offsets(%dma_start3A_412 : memref<128xi32, #tpu.memory_space<vmem>>) semaphore(%arg20 : memref<!tpu.dma_semaphore, #tpu.memory_space<semaphore_mem>>)
        %dma_start3A_416 = arith.constant 1 : i32
        %dma_start3A_417 = arith.constant 1 : i32
        %dma_start3A_418 = arith.constant 0 : i32
        %dma_start3A_419 = tpu.memref_slice %arg7[%dma_start3A_416, %dma_start3A_417, %dma_start3A_418] : memref<4x2x128xi32, #tpu.memory_space<vmem>> -> memref<1x1x128xi32, #tpu.memory_space<vmem>>
        %dma_start3A_420 = tpu.memref_squeeze %dma_start3A_419 : memref<1x1x128xi32, #tpu.memory_space<vmem>> -> memref<128xi32, #tpu.memory_space<vmem>>
        %dma_start3A_421 = arith.constant 0 : i32
        %dma_start3A_422 = arith.constant 0 : i32
        %dma_start3A_423 = tpu.memref_slice %arg14[%dma_start3A_421, %dma_start3A_422] : memref<10240x16xf32, #tpu.memory_space<vmem_shared>> -> memref<10240x16xf32, #tpu.memory_space<vmem_shared>>
        tpu.enqueue_indirect_dma source(%dma_start3A_423 : memref<10240x16xf32, #tpu.memory_space<vmem_shared>>) target(%arg11 : memref<128x16xf32, #tpu.memory_space<vmem>>) offsets(%dma_start3A_420 : memref<128xi32, #tpu.memory_space<vmem>>) semaphore(%arg22 : memref<!tpu.dma_semaphore, #tpu.memory_space<semaphore_mem>>)
      } else {
      }
      %dma_wait3A_198 = arith.constant 0 : i32
      %dma_wait3A_199 = arith.constant 0 : i32
      %dma_wait3A_200 = arith.constant 0 : i32
      %dma_wait3A_201 = tpu.memref_slice %arg7[%dma_wait3A_198, %dma_wait3A_199, %dma_wait3A_200] : memref<4x2x128xi32, #tpu.memory_space<vmem>> -> memref<1x1x128xi32, #tpu.memory_space<vmem>>
      %dma_wait3A_202 = tpu.memref_squeeze %dma_wait3A_201 : memref<1x1x128xi32, #tpu.memory_space<vmem>> -> memref<128xi32, #tpu.memory_space<vmem>>
      %dma_wait3A_203 = arith.constant 0 : i32
      %dma_wait3A_204 = arith.constant 0 : i32
      %dma_wait3A_205 = tpu.memref_slice %arg13[%dma_wait3A_203, %dma_wait3A_204] : memref<10240x72xf32, #tpu.memory_space<vmem_shared>> -> memref<10240x72xf32, #tpu.memory_space<vmem_shared>>
      tpu.wait_indirect_dma semaphore(%arg19 : memref<!tpu.dma_semaphore, #tpu.memory_space<semaphore_mem>>) src(%dma_wait3A_205 : memref<10240x72xf32, #tpu.memory_space<vmem_shared>>) dst(%arg8 : memref<128x72xf32, #tpu.memory_space<vmem>>)
      %dma_wait3A_206 = arith.constant 0 : i32
      %dma_wait3A_207 = arith.constant 1 : i32
      %dma_wait3A_208 = arith.constant 0 : i32
      %dma_wait3A_209 = tpu.memref_slice %arg7[%dma_wait3A_206, %dma_wait3A_207, %dma_wait3A_208] : memref<4x2x128xi32, #tpu.memory_space<vmem>> -> memref<1x1x128xi32, #tpu.memory_space<vmem>>
      %dma_wait3A_210 = tpu.memref_squeeze %dma_wait3A_209 : memref<1x1x128xi32, #tpu.memory_space<vmem>> -> memref<128xi32, #tpu.memory_space<vmem>>
      %dma_wait3A_211 = arith.constant 0 : i32
      %dma_wait3A_212 = arith.constant 0 : i32
      %dma_wait3A_213 = tpu.memref_slice %arg14[%dma_wait3A_211, %dma_wait3A_212] : memref<10240x16xf32, #tpu.memory_space<vmem_shared>> -> memref<10240x16xf32, #tpu.memory_space<vmem_shared>>
      tpu.wait_indirect_dma semaphore(%arg21 : memref<!tpu.dma_semaphore, #tpu.memory_space<semaphore_mem>>) src(%dma_wait3A_213 : memref<10240x16xf32, #tpu.memory_space<vmem_shared>>) dst(%arg10 : memref<128x16xf32, #tpu.memory_space<vmem>>)
      %parallel_loop3A = arith.constant 0 : i32
      %parallel_loop3A_214 = arith.constant 128 : i32
      %parallel_loop3A_215 = arith.constant 1 : i32
      scf.for %parallel_loop3A_390 = %parallel_loop3A to %parallel_loop3A_214 step %parallel_loop3A_215  : i32 {
        %parallel_loop3A_391 = tpu.iota {dimensions = array<i32: 0>} : vector<16xi32>
        %parallel_loop3A_392 = arith.index_cast %parallel_loop3A_390 : i32 to index
        %parallel_loop3A_393 = arith.constant 56 : index
        %parallel_loop3A_394 = tpu.vector_load %arg8[%parallel_loop3A_392, %parallel_loop3A_393] {strides = array<i32>} : memref<128x72xf32, #tpu.memory_space<vmem>>, vector<16xf32>,
        %parallel_loop3A_395 = arith.index_cast %parallel_loop3A_390 : i32 to index
        %parallel_loop3A_396 = arith.constant 0 : index
        %parallel_loop3A_397 = tpu.vector_load %arg10[%parallel_loop3A_395, %parallel_loop3A_396] {strides = array<i32>} : memref<128x16xf32, #tpu.memory_space<vmem>>, vector<16xf32>,
        %parallel_loop3A_398 = arith.addf %parallel_loop3A_394, %parallel_loop3A_397 : vector<16xf32>
        %parallel_loop3A_399 = arith.constant 0.000000e+00 : f32
        %parallel_loop3A_400 = vector.broadcast %parallel_loop3A_399 : f32 to vector<16xf32>
        %parallel_loop3A_401 = arith.cmpf ogt, %parallel_loop3A_398, %parallel_loop3A_400 : vector<16xf32>
        %parallel_loop3A_402 = arith.constant 2.000000e-01 : f32
        %parallel_loop3A_403 = vector.broadcast %parallel_loop3A_402 : f32 to vector<16xf32>
        %parallel_loop3A_404 = arith.mulf %parallel_loop3A_403, %parallel_loop3A_398 : vector<16xf32>
        %parallel_loop3A_405 = arith.select %parallel_loop3A_401, %parallel_loop3A_398, %parallel_loop3A_404 : vector<16xi1>, vector<16xf32>
        %parallel_loop3A_406 = math.exp %parallel_loop3A_405 : vector<16xf32>
        %parallel_loop3A_407 = arith.index_cast %parallel_loop3A_390 : i32 to index
        %parallel_loop3A_408 = arith.constant 0 : index
        %parallel_loop3A_409 = tpu.vector_load %arg8[%parallel_loop3A_407, %parallel_loop3A_408] {strides = array<i32>} : memref<128x72xf32, #tpu.memory_space<vmem>>, vector<16xf32>,
        %parallel_loop3A_410 = tpu.iota {dimensions = array<i32: 0>} : vector<16xi32>
        %parallel_loop3A_411 = arith.constant 8 : i32
        %parallel_loop3A_412 = vector.broadcast %parallel_loop3A_411 : i32 to vector<16xi32>
        %parallel_loop3A_413 = arith.divsi %parallel_loop3A_410, %parallel_loop3A_412 : vector<16xi32>
        %parallel_loop3A_414 = arith.constant 0 : i32
        %parallel_loop3A_415 = vector.broadcast %parallel_loop3A_414 : i32 to vector<16xi32>
        %parallel_loop3A_416 = arith.cmpi sgt, %parallel_loop3A_410, %parallel_loop3A_415 : vector<16xi32>
        %parallel_loop3A_417 = arith.extui %parallel_loop3A_416 : vector<16xi1> to vector<16xi32>
        %parallel_loop3A_418 = arith.constant 0 : i32
        %parallel_loop3A_419 = vector.broadcast %parallel_loop3A_418 : i32 to vector<16xi32>
        %parallel_loop3A_420 = arith.cmpi slt, %parallel_loop3A_410, %parallel_loop3A_419 : vector<16xi32>
        %parallel_loop3A_421 = arith.extui %parallel_loop3A_420 : vector<16xi1> to vector<16xi32>
        %parallel_loop3A_422 = arith.subi %parallel_loop3A_417, %parallel_loop3A_421 : vector<16xi32>
        %parallel_loop3A_423 = arith.constant 0 : i32
        %parallel_loop3A_424 = arith.cmpi sgt, %parallel_loop3A_411, %parallel_loop3A_423 : i32
        %parallel_loop3A_425 = arith.extui %parallel_loop3A_424 : i1 to i32
        %parallel_loop3A_426 = arith.constant 0 : i32
        %parallel_loop3A_427 = arith.cmpi slt, %parallel_loop3A_411, %parallel_loop3A_426 : i32
        %parallel_loop3A_428 = arith.extui %parallel_loop3A_427 : i1 to i32
        %parallel_loop3A_429 = arith.subi %parallel_loop3A_425, %parallel_loop3A_428 : i32
        %parallel_loop3A_430 = vector.broadcast %parallel_loop3A_429 : i32 to vector<16xi32>
        %parallel_loop3A_431 = arith.cmpi ne, %parallel_loop3A_422, %parallel_loop3A_430 : vector<16xi32>
        %parallel_loop3A_432 = vector.broadcast %parallel_loop3A_411 : i32 to vector<16xi32>
        %parallel_loop3A_433 = arith.remsi %parallel_loop3A_410, %parallel_loop3A_432 : vector<16xi32>
        %parallel_loop3A_434 = arith.constant 0 : i32
        %parallel_loop3A_435 = vector.broadcast %parallel_loop3A_434 : i32 to vector<16xi32>
        %parallel_loop3A_436 = arith.cmpi ne, %parallel_loop3A_433, %parallel_loop3A_435 : vector<16xi32>
        %parallel_loop3A_437 = arith.andi %parallel_loop3A_431, %parallel_loop3A_436 : vector<16xi1>
        %parallel_loop3A_438 = arith.constant 1 : i32
        %parallel_loop3A_439 = vector.broadcast %parallel_loop3A_438 : i32 to vector<16xi32>
        %parallel_loop3A_440 = arith.subi %parallel_loop3A_413, %parallel_loop3A_439 : vector<16xi32>
        %parallel_loop3A_441 = arith.select %parallel_loop3A_437, %parallel_loop3A_440, %parallel_loop3A_413 : vector<16xi1>, vector<16xi32>
        %parallel_loop3A_442 = arith.constant 0 : i32
        %parallel_loop3A_443 = vector.broadcast %parallel_loop3A_442 : i32 to vector<16xi32>
        %parallel_loop3A_444 = arith.addi %parallel_loop3A_441, %parallel_loop3A_443 : vector<16xi32>
        %parallel_loop3A_445 = arith.constant 8 : i32
        %parallel_loop3A_446 = vector.broadcast %parallel_loop3A_445 : i32 to vector<16xi32>
        %parallel_loop3A_447 = arith.addi %parallel_loop3A_444, %parallel_loop3A_446 : vector<16xi32>
        %parallel_loop3A_448 = vector.shape_cast %parallel_loop3A_447 : vector<16xi32> to vector<16x1xi32>
        %parallel_loop3A_449 = vector.shape_cast %parallel_loop3A_448 : vector<16x1xi32> to vector<16xi32>
        %parallel_loop3A_450 = tpu.dynamic_gather %parallel_loop3A_406[%parallel_loop3A_449] in [0] : vector<16xf32>, vector<16xi32> -> vector<16xf32>
        %parallel_loop3A_451 = arith.mulf %parallel_loop3A_409, %parallel_loop3A_450 : vector<16xf32>
        %parallel_loop3A_452 = arith.index_cast %parallel_loop3A_390 : i32 to index
        %parallel_loop3A_453 = arith.constant 0 : index
        %parallel_loop3A_454 = tpu.vector_load %arg8[%parallel_loop3A_452, %parallel_loop3A_453] {strides = array<i32>} : memref<128x72xf32, #tpu.memory_space<vmem>>, vector<16xf32>,
        tpu.vector_store %arg8[%parallel_loop3A_452, %parallel_loop3A_453], %parallel_loop3A_451 {strides = array<i32>} : memref<128x72xf32, #tpu.memory_space<vmem>>, vector<16xf32>,
        %parallel_loop3A_455 = arith.index_cast %parallel_loop3A_390 : i32 to index
        %parallel_loop3A_456 = arith.constant 16 : index
        %parallel_loop3A_457 = tpu.vector_load %arg8[%parallel_loop3A_455, %parallel_loop3A_456] {strides = array<i32>} : memref<128x72xf32, #tpu.memory_space<vmem>>, vector<16xf32>,
        %parallel_loop3A_458 = tpu.iota {dimensions = array<i32: 0>} : vector<16xi32>
        %parallel_loop3A_459 = arith.constant 8 : i32
        %parallel_loop3A_460 = vector.broadcast %parallel_loop3A_459 : i32 to vector<16xi32>
        %parallel_loop3A_461 = arith.divsi %parallel_loop3A_458, %parallel_loop3A_460 : vector<16xi32>
        %parallel_loop3A_462 = arith.constant 0 : i32
        %parallel_loop3A_463 = vector.broadcast %parallel_loop3A_462 : i32 to vector<16xi32>
        %parallel_loop3A_464 = arith.cmpi sgt, %parallel_loop3A_458, %parallel_loop3A_463 : vector<16xi32>
        %parallel_loop3A_465 = arith.extui %parallel_loop3A_464 : vector<16xi1> to vector<16xi32>
        %parallel_loop3A_466 = arith.constant 0 : i32
        %parallel_loop3A_467 = vector.broadcast %parallel_loop3A_466 : i32 to vector<16xi32>
        %parallel_loop3A_468 = arith.cmpi slt, %parallel_loop3A_458, %parallel_loop3A_467 : vector<16xi32>
        %parallel_loop3A_469 = arith.extui %parallel_loop3A_468 : vector<16xi1> to vector<16xi32>
        %parallel_loop3A_470 = arith.subi %parallel_loop3A_465, %parallel_loop3A_469 : vector<16xi32>
        %parallel_loop3A_471 = arith.constant 0 : i32
        %parallel_loop3A_472 = arith.cmpi sgt, %parallel_loop3A_459, %parallel_loop3A_471 : i32
        %parallel_loop3A_473 = arith.extui %parallel_loop3A_472 : i1 to i32
        %parallel_loop3A_474 = arith.constant 0 : i32
        %parallel_loop3A_475 = arith.cmpi slt, %parallel_loop3A_459, %parallel_loop3A_474 : i32
        %parallel_loop3A_476 = arith.extui %parallel_loop3A_475 : i1 to i32
        %parallel_loop3A_477 = arith.subi %parallel_loop3A_473, %parallel_loop3A_476 : i32
        %parallel_loop3A_478 = vector.broadcast %parallel_loop3A_477 : i32 to vector<16xi32>
        %parallel_loop3A_479 = arith.cmpi ne, %parallel_loop3A_470, %parallel_loop3A_478 : vector<16xi32>
        %parallel_loop3A_480 = vector.broadcast %parallel_loop3A_459 : i32 to vector<16xi32>
        %parallel_loop3A_481 = arith.remsi %parallel_loop3A_458, %parallel_loop3A_480 : vector<16xi32>
        %parallel_loop3A_482 = arith.constant 0 : i32
        %parallel_loop3A_483 = vector.broadcast %parallel_loop3A_482 : i32 to vector<16xi32>
        %parallel_loop3A_484 = arith.cmpi ne, %parallel_loop3A_481, %parallel_loop3A_483 : vector<16xi32>
        %parallel_loop3A_485 = arith.andi %parallel_loop3A_479, %parallel_loop3A_484 : vector<16xi1>
        %parallel_loop3A_486 = arith.constant 1 : i32
        %parallel_loop3A_487 = vector.broadcast %parallel_loop3A_486 : i32 to vector<16xi32>
        %parallel_loop3A_488 = arith.subi %parallel_loop3A_461, %parallel_loop3A_487 : vector<16xi32>
        %parallel_loop3A_489 = arith.select %parallel_loop3A_485, %parallel_loop3A_488, %parallel_loop3A_461 : vector<16xi1>, vector<16xi32>
        %parallel_loop3A_490 = arith.constant 2 : i32
        %parallel_loop3A_491 = vector.broadcast %parallel_loop3A_490 : i32 to vector<16xi32>
        %parallel_loop3A_492 = arith.addi %parallel_loop3A_489, %parallel_loop3A_491 : vector<16xi32>
        %parallel_loop3A_493 = arith.constant 8 : i32
        %parallel_loop3A_494 = vector.broadcast %parallel_loop3A_493 : i32 to vector<16xi32>
        %parallel_loop3A_495 = arith.addi %parallel_loop3A_492, %parallel_loop3A_494 : vector<16xi32>
        %parallel_loop3A_496 = vector.shape_cast %parallel_loop3A_495 : vector<16xi32> to vector<16x1xi32>
        %parallel_loop3A_497 = vector.shape_cast %parallel_loop3A_496 : vector<16x1xi32> to vector<16xi32>
        %parallel_loop3A_498 = tpu.dynamic_gather %parallel_loop3A_406[%parallel_loop3A_497] in [0] : vector<16xf32>, vector<16xi32> -> vector<16xf32>
        %parallel_loop3A_499 = arith.mulf %parallel_loop3A_457, %parallel_loop3A_498 : vector<16xf32>
        %parallel_loop3A_500 = arith.index_cast %parallel_loop3A_390 : i32 to index
        %parallel_loop3A_501 = arith.constant 16 : index
        %parallel_loop3A_502 = tpu.vector_load %arg8[%parallel_loop3A_500, %parallel_loop3A_501] {strides = array<i32>} : memref<128x72xf32, #tpu.memory_space<vmem>>, vector<16xf32>,
        tpu.vector_store %arg8[%parallel_loop3A_500, %parallel_loop3A_501], %parallel_loop3A_499 {strides = array<i32>} : memref<128x72xf32, #tpu.memory_space<vmem>>, vector<16xf32>,
        %parallel_loop3A_503 = arith.index_cast %parallel_loop3A_390 : i32 to index
        %parallel_loop3A_504 = arith.constant 32 : index
        %parallel_loop3A_505 = tpu.vector_load %arg8[%parallel_loop3A_503, %parallel_loop3A_504] {strides = array<i32>} : memref<128x72xf32, #tpu.memory_space<vmem>>, vector<16xf32>,
        %parallel_loop3A_506 = tpu.iota {dimensions = array<i32: 0>} : vector<16xi32>
        %parallel_loop3A_507 = arith.constant 8 : i32
        %parallel_loop3A_508 = vector.broadcast %parallel_loop3A_507 : i32 to vector<16xi32>
        %parallel_loop3A_509 = arith.divsi %parallel_loop3A_506, %parallel_loop3A_508 : vector<16xi32>
        %parallel_loop3A_510 = arith.constant 0 : i32
        %parallel_loop3A_511 = vector.broadcast %parallel_loop3A_510 : i32 to vector<16xi32>
        %parallel_loop3A_512 = arith.cmpi sgt, %parallel_loop3A_506, %parallel_loop3A_511 : vector<16xi32>
        %parallel_loop3A_513 = arith.extui %parallel_loop3A_512 : vector<16xi1> to vector<16xi32>
        %parallel_loop3A_514 = arith.constant 0 : i32
        %parallel_loop3A_515 = vector.broadcast %parallel_loop3A_514 : i32 to vector<16xi32>
        %parallel_loop3A_516 = arith.cmpi slt, %parallel_loop3A_506, %parallel_loop3A_515 : vector<16xi32>
        %parallel_loop3A_517 = arith.extui %parallel_loop3A_516 : vector<16xi1> to vector<16xi32>
        %parallel_loop3A_518 = arith.subi %parallel_loop3A_513, %parallel_loop3A_517 : vector<16xi32>
        %parallel_loop3A_519 = arith.constant 0 : i32
        %parallel_loop3A_520 = arith.cmpi sgt, %parallel_loop3A_507, %parallel_loop3A_519 : i32
        %parallel_loop3A_521 = arith.extui %parallel_loop3A_520 : i1 to i32
        %parallel_loop3A_522 = arith.constant 0 : i32
        %parallel_loop3A_523 = arith.cmpi slt, %parallel_loop3A_507, %parallel_loop3A_522 : i32
        %parallel_loop3A_524 = arith.extui %parallel_loop3A_523 : i1 to i32
        %parallel_loop3A_525 = arith.subi %parallel_loop3A_521, %parallel_loop3A_524 : i32
        %parallel_loop3A_526 = vector.broadcast %parallel_loop3A_525 : i32 to vector<16xi32>
        %parallel_loop3A_527 = arith.cmpi ne, %parallel_loop3A_518, %parallel_loop3A_526 : vector<16xi32>
        %parallel_loop3A_528 = vector.broadcast %parallel_loop3A_507 : i32 to vector<16xi32>
        %parallel_loop3A_529 = arith.remsi %parallel_loop3A_506, %parallel_loop3A_528 : vector<16xi32>
        %parallel_loop3A_530 = arith.constant 0 : i32
        %parallel_loop3A_531 = vector.broadcast %parallel_loop3A_530 : i32 to vector<16xi32>
        %parallel_loop3A_532 = arith.cmpi ne, %parallel_loop3A_529, %parallel_loop3A_531 : vector<16xi32>
        %parallel_loop3A_533 = arith.andi %parallel_loop3A_527, %parallel_loop3A_532 : vector<16xi1>
        %parallel_loop3A_534 = arith.constant 1 : i32
        %parallel_loop3A_535 = vector.broadcast %parallel_loop3A_534 : i32 to vector<16xi32>
        %parallel_loop3A_536 = arith.subi %parallel_loop3A_509, %parallel_loop3A_535 : vector<16xi32>
        %parallel_loop3A_537 = arith.select %parallel_loop3A_533, %parallel_loop3A_536, %parallel_loop3A_509 : vector<16xi1>, vector<16xi32>
        %parallel_loop3A_538 = arith.constant 4 : i32
        %parallel_loop3A_539 = vector.broadcast %parallel_loop3A_538 : i32 to vector<16xi32>
        %parallel_loop3A_540 = arith.addi %parallel_loop3A_537, %parallel_loop3A_539 : vector<16xi32>
        %parallel_loop3A_541 = arith.constant 8 : i32
        %parallel_loop3A_542 = vector.broadcast %parallel_loop3A_541 : i32 to vector<16xi32>
        %parallel_loop3A_543 = arith.addi %parallel_loop3A_540, %parallel_loop3A_542 : vector<16xi32>
        %parallel_loop3A_544 = vector.shape_cast %parallel_loop3A_543 : vector<16xi32> to vector<16x1xi32>
        %parallel_loop3A_545 = vector.shape_cast %parallel_loop3A_544 : vector<16x1xi32> to vector<16xi32>
        %parallel_loop3A_546 = tpu.dynamic_gather %parallel_loop3A_406[%parallel_loop3A_545] in [0] : vector<16xf32>, vector<16xi32> -> vector<16xf32>
        %parallel_loop3A_547 = arith.mulf %parallel_loop3A_505, %parallel_loop3A_546 : vector<16xf32>
        %parallel_loop3A_548 = arith.index_cast %parallel_loop3A_390 : i32 to index
        %parallel_loop3A_549 = arith.constant 32 : index
        %parallel_loop3A_550 = tpu.vector_load %arg8[%parallel_loop3A_548, %parallel_loop3A_549] {strides = array<i32>} : memref<128x72xf32, #tpu.memory_space<vmem>>, vector<16xf32>,
        tpu.vector_store %arg8[%parallel_loop3A_548, %parallel_loop3A_549], %parallel_loop3A_547 {strides = array<i32>} : memref<128x72xf32, #tpu.memory_space<vmem>>, vector<16xf32>,
        %parallel_loop3A_551 = arith.index_cast %parallel_loop3A_390 : i32 to index
        %parallel_loop3A_552 = arith.constant 48 : index
        %parallel_loop3A_553 = tpu.vector_load %arg8[%parallel_loop3A_551, %parallel_loop3A_552] {strides = array<i32>} : memref<128x72xf32, #tpu.memory_space<vmem>>, vector<16xf32>,
        %parallel_loop3A_554 = tpu.iota {dimensions = array<i32: 0>} : vector<16xi32>
        %parallel_loop3A_555 = arith.constant 8 : i32
        %parallel_loop3A_556 = vector.broadcast %parallel_loop3A_555 : i32 to vector<16xi32>
        %parallel_loop3A_557 = arith.divsi %parallel_loop3A_554, %parallel_loop3A_556 : vector<16xi32>
        %parallel_loop3A_558 = arith.constant 0 : i32
        %parallel_loop3A_559 = vector.broadcast %parallel_loop3A_558 : i32 to vector<16xi32>
        %parallel_loop3A_560 = arith.cmpi sgt, %parallel_loop3A_554, %parallel_loop3A_559 : vector<16xi32>
        %parallel_loop3A_561 = arith.extui %parallel_loop3A_560 : vector<16xi1> to vector<16xi32>
        %parallel_loop3A_562 = arith.constant 0 : i32
        %parallel_loop3A_563 = vector.broadcast %parallel_loop3A_562 : i32 to vector<16xi32>
        %parallel_loop3A_564 = arith.cmpi slt, %parallel_loop3A_554, %parallel_loop3A_563 : vector<16xi32>
        %parallel_loop3A_565 = arith.extui %parallel_loop3A_564 : vector<16xi1> to vector<16xi32>
        %parallel_loop3A_566 = arith.subi %parallel_loop3A_561, %parallel_loop3A_565 : vector<16xi32>
        %parallel_loop3A_567 = arith.constant 0 : i32
        %parallel_loop3A_568 = arith.cmpi sgt, %parallel_loop3A_555, %parallel_loop3A_567 : i32
        %parallel_loop3A_569 = arith.extui %parallel_loop3A_568 : i1 to i32
        %parallel_loop3A_570 = arith.constant 0 : i32
        %parallel_loop3A_571 = arith.cmpi slt, %parallel_loop3A_555, %parallel_loop3A_570 : i32
        %parallel_loop3A_572 = arith.extui %parallel_loop3A_571 : i1 to i32
        %parallel_loop3A_573 = arith.subi %parallel_loop3A_569, %parallel_loop3A_572 : i32
        %parallel_loop3A_574 = vector.broadcast %parallel_loop3A_573 : i32 to vector<16xi32>
        %parallel_loop3A_575 = arith.cmpi ne, %parallel_loop3A_566, %parallel_loop3A_574 : vector<16xi32>
        %parallel_loop3A_576 = vector.broadcast %parallel_loop3A_555 : i32 to vector<16xi32>
        %parallel_loop3A_577 = arith.remsi %parallel_loop3A_554, %parallel_loop3A_576 : vector<16xi32>
        %parallel_loop3A_578 = arith.constant 0 : i32
        %parallel_loop3A_579 = vector.broadcast %parallel_loop3A_578 : i32 to vector<16xi32>
        %parallel_loop3A_580 = arith.cmpi ne, %parallel_loop3A_577, %parallel_loop3A_579 : vector<16xi32>
        %parallel_loop3A_581 = arith.andi %parallel_loop3A_575, %parallel_loop3A_580 : vector<16xi1>
        %parallel_loop3A_582 = arith.constant 1 : i32
        %parallel_loop3A_583 = vector.broadcast %parallel_loop3A_582 : i32 to vector<16xi32>
        %parallel_loop3A_584 = arith.subi %parallel_loop3A_557, %parallel_loop3A_583 : vector<16xi32>
        %parallel_loop3A_585 = arith.select %parallel_loop3A_581, %parallel_loop3A_584, %parallel_loop3A_557 : vector<16xi1>, vector<16xi32>
        %parallel_loop3A_586 = arith.constant 6 : i32
        %parallel_loop3A_587 = vector.broadcast %parallel_loop3A_586 : i32 to vector<16xi32>
        %parallel_loop3A_588 = arith.addi %parallel_loop3A_585, %parallel_loop3A_587 : vector<16xi32>
        %parallel_loop3A_589 = arith.constant 8 : i32
        %parallel_loop3A_590 = vector.broadcast %parallel_loop3A_589 : i32 to vector<16xi32>
        %parallel_loop3A_591 = arith.addi %parallel_loop3A_588, %parallel_loop3A_590 : vector<16xi32>
        %parallel_loop3A_592 = vector.shape_cast %parallel_loop3A_591 : vector<16xi32> to vector<16x1xi32>
        %parallel_loop3A_593 = vector.shape_cast %parallel_loop3A_592 : vector<16x1xi32> to vector<16xi32>
        %parallel_loop3A_594 = tpu.dynamic_gather %parallel_loop3A_406[%parallel_loop3A_593] in [0] : vector<16xf32>, vector<16xi32> -> vector<16xf32>
        %parallel_loop3A_595 = arith.mulf %parallel_loop3A_553, %parallel_loop3A_594 : vector<16xf32>
        %parallel_loop3A_596 = arith.index_cast %parallel_loop3A_390 : i32 to index
        %parallel_loop3A_597 = arith.constant 48 : index
        %parallel_loop3A_598 = tpu.vector_load %arg8[%parallel_loop3A_596, %parallel_loop3A_597] {strides = array<i32>} : memref<128x72xf32, #tpu.memory_space<vmem>>, vector<16xf32>,
        tpu.vector_store %arg8[%parallel_loop3A_596, %parallel_loop3A_597], %parallel_loop3A_595 {strides = array<i32>} : memref<128x72xf32, #tpu.memory_space<vmem>>, vector<16xf32>,
        %parallel_loop3A_599 = arith.constant 0 : i32
        %parallel_loop3A_600 = vector.broadcast %parallel_loop3A_599 : i32 to vector<16xi32>
        %parallel_loop3A_601 = vector.broadcast %parallel_loop3A_390 : i32 to vector<16xi32>
        %parallel_loop3A_602 = arith.addi %parallel_loop3A_600, %parallel_loop3A_601 : vector<16xi32>
        %parallel_loop3A_603 = arith.constant 56 : i32
        %parallel_loop3A_604 = vector.broadcast %parallel_loop3A_603 : i32 to vector<16xi32>
        %parallel_loop3A_605 = arith.addi %parallel_loop3A_391, %parallel_loop3A_604 : vector<16xi32>
        %parallel_loop3A_606 = arith.constant 8 : i32
        %parallel_loop3A_607 = vector.broadcast %parallel_loop3A_606 : i32 to vector<16xi32>
        %parallel_loop3A_608 = arith.cmpi sge, %parallel_loop3A_391, %parallel_loop3A_607 : vector<16xi32>
        tpu.vector_store_idx %arg8[%parallel_loop3A_602, %parallel_loop3A_605], %parallel_loop3A_406 masked %parallel_loop3A_608 : memref<128x72xf32, #tpu.memory_space<vmem>>[vector<16xi32>, vector<16xi32>], vector<16xf32>, vector<16xi1>
      } {sc.loop_unroll_factor = 4 : i64, sc.parallel_access}
      %dma_start3A_216 = arith.constant 0 : i32
      %dma_start3A_217 = arith.constant 1 : i32
      %dma_start3A_218 = arith.constant 0 : i32
      %dma_start3A_219 = tpu.memref_slice %arg7[%dma_start3A_216, %dma_start3A_217, %dma_start3A_218] : memref<4x2x128xi32, #tpu.memory_space<vmem>> -> memref<1x1x128xi32, #tpu.memory_space<vmem>>
      %dma_start3A_220 = tpu.memref_squeeze %dma_start3A_219 : memref<1x1x128xi32, #tpu.memory_space<vmem>> -> memref<128xi32, #tpu.memory_space<vmem>>
      %dma_start3A_221 = arith.constant 0 : i32
      %dma_start3A_222 = arith.constant 0 : i32
      %dma_start3A_223 = tpu.memref_slice %arg12[%dma_start3A_221, %dma_start3A_222] : memref<10240x72xf32, #tpu.memory_space<vmem_shared>> -> memref<10240x72xf32, #tpu.memory_space<vmem_shared>>
      tpu.enqueue_indirect_dma source(%arg8 : memref<128x72xf32, #tpu.memory_space<vmem>>) target(%dma_start3A_223 : memref<10240x72xf32, #tpu.memory_space<vmem_shared>>) offsets(%dma_start3A_220 : memref<128xi32, #tpu.memory_space<vmem>>) semaphore(%arg23 : memref<!tpu.dma_semaphore, #tpu.memory_space<semaphore_mem>>) {add = true}
      %mul3A_224 = arith.constant 4 : i32
      %mul3A_225 = arith.muli %mul3A_224, %scan3A_171 : i32
      %add3A_226 = arith.constant 1 : i32
      %add3A_227 = arith.addi %mul3A_225, %add3A_226 : i32
      %add3A_228 = arith.constant 2 : i32
      %add3A_229 = arith.addi %add3A_227, %add3A_228 : i32
      %lt3A_230 = arith.constant 84 : i32
      %lt3A_231 = arith.cmpi slt, %add3A_229, %lt3A_230 : i32
      %convert_element_type3A_232 = arith.extui %lt3A_231 : i1 to i32
      %cond3A_233 = arith.constant 0 : i32
      %cond3A_234 = arith.cmpi ne, %convert_element_type3A_232, %cond3A_233 : i32
      scf.if %cond3A_234 {
        %add3A_390 = arith.constant 2 : i32
        %add3A_391 = arith.addi %add3A_227, %add3A_390 : i32
        %mul3A_392 = arith.constant 32 : i32
        %mul3A_393 = arith.muli %add3A_391, %mul3A_392 : i32
        %add3A_394 = arith.addi %mul3A_393, %add3A : i32
        %dma_start3A_395 = arith.constant 3 : i32
        %dma_start3A_396 = arith.constant 0 : i32
        %dma_start3A_397 = arith.constant 0 : i32
        %dma_start3A_398 = tpu.memref_slice %arg7[%dma_start3A_395, %dma_start3A_396, %dma_start3A_397] : memref<4x2x128xi32, #tpu.memory_space<vmem>> -> memref<1x2x128xi32, #tpu.memory_space<vmem>>
        %dma_start3A_399 = tpu.memref_squeeze %dma_start3A_398 : memref<1x2x128xi32, #tpu.memory_space<vmem>> -> memref<2x128xi32, #tpu.memory_space<vmem>>
        %dma_start3A_400 = arith.constant 0 : i32
        %dma_start3A_401 = arith.constant 0 : i32
        %dma_start3A_402 = tpu.memref_slice %arg2[%add3A_394, %dma_start3A_400, %dma_start3A_401] : memref<2688x2x128xi32, #tpu.memory_space<hbm>> -> memref<1x2x128xi32, #tpu.memory_space<hbm>>
        %dma_start3A_403 = tpu.memref_squeeze %dma_start3A_402 : memref<1x2x128xi32, #tpu.memory_space<hbm>> -> memref<2x128xi32, #tpu.memory_space<hbm>>
        %dma_start3A_404 = arith.constant 0 : i32
        %dma_start3A_405 = arith.constant 0 : i32
        %dma_start3A_406 = tpu.memref_slice %arg7[%dma_start3A_395, %dma_start3A_404, %dma_start3A_405] : memref<4x2x128xi32, #tpu.memory_space<vmem>> -> memref<1x2x128xi32, #tpu.memory_space<vmem>>
        %dma_start3A_407 = tpu.memref_squeeze %dma_start3A_406 : memref<1x2x128xi32, #tpu.memory_space<vmem>> -> memref<2x128xi32, #tpu.memory_space<vmem>>
        %dma_start3A_408 = arith.constant 0 : i32
        %dma_start3A_409 = arith.constant 0 : i32
        %dma_start3A_410 = tpu.memref_slice %arg2[%add3A_394, %dma_start3A_408, %dma_start3A_409] : memref<2688x2x128xi32, #tpu.memory_space<hbm>> -> memref<1x2x128xi32, #tpu.memory_space<hbm>>
        %dma_start3A_411 = tpu.memref_squeeze %dma_start3A_410 : memref<1x2x128xi32, #tpu.memory_space<hbm>> -> memref<2x128xi32, #tpu.memory_space<hbm>>
        tpu.enqueue_dma source(%dma_start3A_411 : memref<2x128xi32, #tpu.memory_space<hbm>>) target(%dma_start3A_407 : memref<2x128xi32, #tpu.memory_space<vmem>>) target_semaphore(%arg18 : memref<!tpu.dma_semaphore, #tpu.memory_space<semaphore_mem>>)
      } else {
      }
      %add3A_235 = arith.constant 1 : i32
      %add3A_236 = arith.addi %add3A_227, %add3A_235 : i32
      %lt3A_237 = arith.constant 84 : i32
      %lt3A_238 = arith.cmpi slt, %add3A_236, %lt3A_237 : i32
      %ge3A_239 = arith.constant 1 : i32
      %ge3A_240 = arith.cmpi sge, %add3A_227, %ge3A_239 : i32
      %and3A_241 = arith.andi %lt3A_238, %ge3A_240 : i1
      %convert_element_type3A_242 = arith.extui %and3A_241 : i1 to i32
      %cond3A_243 = arith.constant 0 : i32
      %cond3A_244 = arith.cmpi ne, %convert_element_type3A_242, %cond3A_243 : i32
      scf.if %cond3A_244 {
        %dma_wait3A_390 = arith.constant 0 : i32
        %dma_wait3A_391 = arith.constant 1 : i32
        %dma_wait3A_392 = arith.constant 0 : i32
        %dma_wait3A_393 = tpu.memref_slice %arg7[%dma_wait3A_390, %dma_wait3A_391, %dma_wait3A_392] : memref<4x2x128xi32, #tpu.memory_space<vmem>> -> memref<1x1x128xi32, #tpu.memory_space<vmem>>
        %dma_wait3A_394 = tpu.memref_squeeze %dma_wait3A_393 : memref<1x1x128xi32, #tpu.memory_space<vmem>> -> memref<128xi32, #tpu.memory_space<vmem>>
        %dma_wait3A_395 = arith.constant 0 : i32
        %dma_wait3A_396 = arith.constant 0 : i32
        %dma_wait3A_397 = tpu.memref_slice %arg12[%dma_wait3A_395, %dma_wait3A_396] : memref<10240x72xf32, #tpu.memory_space<vmem_shared>> -> memref<10240x72xf32, #tpu.memory_space<vmem_shared>>
        tpu.wait_indirect_dma semaphore(%arg23 : memref<!tpu.dma_semaphore, #tpu.memory_space<semaphore_mem>>) src(%arg8 : memref<128x72xf32, #tpu.memory_space<vmem>>) dst(%dma_wait3A_397 : memref<10240x72xf32, #tpu.memory_space<vmem_shared>>)
      } else {
      }
      %add3A_245 = arith.constant 1 : i32
      %add3A_246 = arith.addi %add3A_227, %add3A_245 : i32
      %lt3A_247 = arith.constant 84 : i32
      %lt3A_248 = arith.cmpi slt, %add3A_246, %lt3A_247 : i32
      %convert_element_type3A_249 = arith.extui %lt3A_248 : i1 to i32
      %cond3A_250 = arith.constant 0 : i32
      %cond3A_251 = arith.cmpi ne, %convert_element_type3A_249, %cond3A_250 : i32
      scf.if %cond3A_251 {
        %dma_wait3A_390 = arith.constant 0 : i32
        %dma_wait3A_391 = arith.constant 2 : i32
        %dma_wait3A_392 = arith.constant 0 : i32
        %dma_wait3A_393 = arith.constant 0 : i32
        %dma_wait3A_394 = tpu.memref_slice %arg7[%dma_wait3A_391, %dma_wait3A_392, %dma_wait3A_393] : memref<4x2x128xi32, #tpu.memory_space<vmem>> -> memref<1x2x128xi32, #tpu.memory_space<vmem>>
        %dma_wait3A_395 = tpu.memref_squeeze %dma_wait3A_394 : memref<1x2x128xi32, #tpu.memory_space<vmem>> -> memref<2x128xi32, #tpu.memory_space<vmem>>
        %dma_wait3A_396 = arith.constant 0 : i32
        %dma_wait3A_397 = arith.constant 0 : i32
        %dma_wait3A_398 = tpu.memref_slice %arg2[%dma_wait3A_390, %dma_wait3A_396, %dma_wait3A_397] : memref<2688x2x128xi32, #tpu.memory_space<hbm>> -> memref<1x2x128xi32, #tpu.memory_space<hbm>>
        %dma_wait3A_399 = tpu.memref_squeeze %dma_wait3A_398 : memref<1x2x128xi32, #tpu.memory_space<hbm>> -> memref<2x128xi32, #tpu.memory_space<hbm>>
        %dma_wait3A_400 = arith.constant 0 : i32
        %dma_wait3A_401 = arith.constant 0 : i32
        %dma_wait3A_402 = tpu.memref_slice %arg7[%dma_wait3A_391, %dma_wait3A_400, %dma_wait3A_401] : memref<4x2x128xi32, #tpu.memory_space<vmem>> -> memref<1x2x128xi32, #tpu.memory_space<vmem>>
        %dma_wait3A_403 = tpu.memref_squeeze %dma_wait3A_402 : memref<1x2x128xi32, #tpu.memory_space<vmem>> -> memref<2x128xi32, #tpu.memory_space<vmem>>
        %dma_wait3A_404 = arith.constant 0 : i32
        %dma_wait3A_405 = arith.constant 0 : i32
        %dma_wait3A_406 = tpu.memref_slice %arg2[%dma_wait3A_390, %dma_wait3A_404, %dma_wait3A_405] : memref<2688x2x128xi32, #tpu.memory_space<hbm>> -> memref<1x2x128xi32, #tpu.memory_space<hbm>>
        %dma_wait3A_407 = tpu.memref_squeeze %dma_wait3A_406 : memref<1x2x128xi32, #tpu.memory_space<hbm>> -> memref<2x128xi32, #tpu.memory_space<hbm>>
        tpu.wait_dma2 semaphore(%arg17 : memref<!tpu.dma_semaphore, #tpu.memory_space<semaphore_mem>>) src(%dma_wait3A_407 : memref<2x128xi32, #tpu.memory_space<hbm>>) dst(%dma_wait3A_403 : memref<2x128xi32, #tpu.memory_space<vmem>>)
        %dma_start3A_408 = arith.constant 2 : i32
        %dma_start3A_409 = arith.constant 0 : i32
        %dma_start3A_410 = arith.constant 0 : i32
        %dma_start3A_411 = tpu.memref_slice %arg7[%dma_start3A_408, %dma_start3A_409, %dma_start3A_410] : memref<4x2x128xi32, #tpu.memory_space<vmem>> -> memref<1x1x128xi32, #tpu.memory_space<vmem>>
        %dma_start3A_412 = tpu.memref_squeeze %dma_start3A_411 : memref<1x1x128xi32, #tpu.memory_space<vmem>> -> memref<128xi32, #tpu.memory_space<vmem>>
        %dma_start3A_413 = arith.constant 0 : i32
        %dma_start3A_414 = arith.constant 0 : i32
        %dma_start3A_415 = tpu.memref_slice %arg13[%dma_start3A_413, %dma_start3A_414] : memref<10240x72xf32, #tpu.memory_space<vmem_shared>> -> memref<10240x72xf32, #tpu.memory_space<vmem_shared>>
        tpu.enqueue_indirect_dma source(%dma_start3A_415 : memref<10240x72xf32, #tpu.memory_space<vmem_shared>>) target(%arg8 : memref<128x72xf32, #tpu.memory_space<vmem>>) offsets(%dma_start3A_412 : memref<128xi32, #tpu.memory_space<vmem>>) semaphore(%arg19 : memref<!tpu.dma_semaphore, #tpu.memory_space<semaphore_mem>>)
        %dma_start3A_416 = arith.constant 2 : i32
        %dma_start3A_417 = arith.constant 1 : i32
        %dma_start3A_418 = arith.constant 0 : i32
        %dma_start3A_419 = tpu.memref_slice %arg7[%dma_start3A_416, %dma_start3A_417, %dma_start3A_418] : memref<4x2x128xi32, #tpu.memory_space<vmem>> -> memref<1x1x128xi32, #tpu.memory_space<vmem>>
        %dma_start3A_420 = tpu.memref_squeeze %dma_start3A_419 : memref<1x1x128xi32, #tpu.memory_space<vmem>> -> memref<128xi32, #tpu.memory_space<vmem>>
        %dma_start3A_421 = arith.constant 0 : i32
        %dma_start3A_422 = arith.constant 0 : i32
        %dma_start3A_423 = tpu.memref_slice %arg14[%dma_start3A_421, %dma_start3A_422] : memref<10240x16xf32, #tpu.memory_space<vmem_shared>> -> memref<10240x16xf32, #tpu.memory_space<vmem_shared>>
        tpu.enqueue_indirect_dma source(%dma_start3A_423 : memref<10240x16xf32, #tpu.memory_space<vmem_shared>>) target(%arg10 : memref<128x16xf32, #tpu.memory_space<vmem>>) offsets(%dma_start3A_420 : memref<128xi32, #tpu.memory_space<vmem>>) semaphore(%arg21 : memref<!tpu.dma_semaphore, #tpu.memory_space<semaphore_mem>>)
      } else {
      }
      %dma_wait3A_252 = arith.constant 1 : i32
      %dma_wait3A_253 = arith.constant 0 : i32
      %dma_wait3A_254 = arith.constant 0 : i32
      %dma_wait3A_255 = tpu.memref_slice %arg7[%dma_wait3A_252, %dma_wait3A_253, %dma_wait3A_254] : memref<4x2x128xi32, #tpu.memory_space<vmem>> -> memref<1x1x128xi32, #tpu.memory_space<vmem>>
      %dma_wait3A_256 = tpu.memref_squeeze %dma_wait3A_255 : memref<1x1x128xi32, #tpu.memory_space<vmem>> -> memref<128xi32, #tpu.memory_space<vmem>>
      %dma_wait3A_257 = arith.constant 0 : i32
      %dma_wait3A_258 = arith.constant 0 : i32
      %dma_wait3A_259 = tpu.memref_slice %arg13[%dma_wait3A_257, %dma_wait3A_258] : memref<10240x72xf32, #tpu.memory_space<vmem_shared>> -> memref<10240x72xf32, #tpu.memory_space<vmem_shared>>
      tpu.wait_indirect_dma semaphore(%arg20 : memref<!tpu.dma_semaphore, #tpu.memory_space<semaphore_mem>>) src(%dma_wait3A_259 : memref<10240x72xf32, #tpu.memory_space<vmem_shared>>) dst(%arg9 : memref<128x72xf32, #tpu.memory_space<vmem>>)
      %dma_wait3A_260 = arith.constant 1 : i32
      %dma_wait3A_261 = arith.constant 1 : i32
      %dma_wait3A_262 = arith.constant 0 : i32
      %dma_wait3A_263 = tpu.memref_slice %arg7[%dma_wait3A_260, %dma_wait3A_261, %dma_wait3A_262] : memref<4x2x128xi32, #tpu.memory_space<vmem>> -> memref<1x1x128xi32, #tpu.memory_space<vmem>>
      %dma_wait3A_264 = tpu.memref_squeeze %dma_wait3A_263 : memref<1x1x128xi32, #tpu.memory_space<vmem>> -> memref<128xi32, #tpu.memory_space<vmem>>
      %dma_wait3A_265 = arith.constant 0 : i32
      %dma_wait3A_266 = arith.constant 0 : i32
      %dma_wait3A_267 = tpu.memref_slice %arg14[%dma_wait3A_265, %dma_wait3A_266] : memref<10240x16xf32, #tpu.memory_space<vmem_shared>> -> memref<10240x16xf32, #tpu.memory_space<vmem_shared>>
      tpu.wait_indirect_dma semaphore(%arg22 : memref<!tpu.dma_semaphore, #tpu.memory_space<semaphore_mem>>) src(%dma_wait3A_267 : memref<10240x16xf32, #tpu.memory_space<vmem_shared>>) dst(%arg11 : memref<128x16xf32, #tpu.memory_space<vmem>>)
      %parallel_loop3A_268 = arith.constant 0 : i32
      %parallel_loop3A_269 = arith.constant 128 : i32
      %parallel_loop3A_270 = arith.constant 1 : i32
      scf.for %parallel_loop3A_390 = %parallel_loop3A_268 to %parallel_loop3A_269 step %parallel_loop3A_270  : i32 {
        %parallel_loop3A_391 = tpu.iota {dimensions = array<i32: 0>} : vector<16xi32>
        %parallel_loop3A_392 = arith.index_cast %parallel_loop3A_390 : i32 to index
        %parallel_loop3A_393 = arith.constant 56 : index
        %parallel_loop3A_394 = tpu.vector_load %arg9[%parallel_loop3A_392, %parallel_loop3A_393] {strides = array<i32>} : memref<128x72xf32, #tpu.memory_space<vmem>>, vector<16xf32>,
        %parallel_loop3A_395 = arith.index_cast %parallel_loop3A_390 : i32 to index
        %parallel_loop3A_396 = arith.constant 0 : index
        %parallel_loop3A_397 = tpu.vector_load %arg11[%parallel_loop3A_395, %parallel_loop3A_396] {strides = array<i32>} : memref<128x16xf32, #tpu.memory_space<vmem>>, vector<16xf32>,
        %parallel_loop3A_398 = arith.addf %parallel_loop3A_394, %parallel_loop3A_397 : vector<16xf32>
        %parallel_loop3A_399 = arith.constant 0.000000e+00 : f32
        %parallel_loop3A_400 = vector.broadcast %parallel_loop3A_399 : f32 to vector<16xf32>
        %parallel_loop3A_401 = arith.cmpf ogt, %parallel_loop3A_398, %parallel_loop3A_400 : vector<16xf32>
        %parallel_loop3A_402 = arith.constant 2.000000e-01 : f32
        %parallel_loop3A_403 = vector.broadcast %parallel_loop3A_402 : f32 to vector<16xf32>
        %parallel_loop3A_404 = arith.mulf %parallel_loop3A_403, %parallel_loop3A_398 : vector<16xf32>
        %parallel_loop3A_405 = arith.select %parallel_loop3A_401, %parallel_loop3A_398, %parallel_loop3A_404 : vector<16xi1>, vector<16xf32>
        %parallel_loop3A_406 = math.exp %parallel_loop3A_405 : vector<16xf32>
        %parallel_loop3A_407 = arith.index_cast %parallel_loop3A_390 : i32 to index
        %parallel_loop3A_408 = arith.constant 0 : index
        %parallel_loop3A_409 = tpu.vector_load %arg9[%parallel_loop3A_407, %parallel_loop3A_408] {strides = array<i32>} : memref<128x72xf32, #tpu.memory_space<vmem>>, vector<16xf32>,
        %parallel_loop3A_410 = tpu.iota {dimensions = array<i32: 0>} : vector<16xi32>
        %parallel_loop3A_411 = arith.constant 8 : i32
        %parallel_loop3A_412 = vector.broadcast %parallel_loop3A_411 : i32 to vector<16xi32>
        %parallel_loop3A_413 = arith.divsi %parallel_loop3A_410, %parallel_loop3A_412 : vector<16xi32>
        %parallel_loop3A_414 = arith.constant 0 : i32
        %parallel_loop3A_415 = vector.broadcast %parallel_loop3A_414 : i32 to vector<16xi32>
        %parallel_loop3A_416 = arith.cmpi sgt, %parallel_loop3A_410, %parallel_loop3A_415 : vector<16xi32>
        %parallel_loop3A_417 = arith.extui %parallel_loop3A_416 : vector<16xi1> to vector<16xi32>
        %parallel_loop3A_418 = arith.constant 0 : i32
        %parallel_loop3A_419 = vector.broadcast %parallel_loop3A_418 : i32 to vector<16xi32>
        %parallel_loop3A_420 = arith.cmpi slt, %parallel_loop3A_410, %parallel_loop3A_419 : vector<16xi32>
        %parallel_loop3A_421 = arith.extui %parallel_loop3A_420 : vector<16xi1> to vector<16xi32>
        %parallel_loop3A_422 = arith.subi %parallel_loop3A_417, %parallel_loop3A_421 : vector<16xi32>
        %parallel_loop3A_423 = arith.constant 0 : i32
        %parallel_loop3A_424 = arith.cmpi sgt, %parallel_loop3A_411, %parallel_loop3A_423 : i32
        %parallel_loop3A_425 = arith.extui %parallel_loop3A_424 : i1 to i32
        %parallel_loop3A_426 = arith.constant 0 : i32
        %parallel_loop3A_427 = arith.cmpi slt, %parallel_loop3A_411, %parallel_loop3A_426 : i32
        %parallel_loop3A_428 = arith.extui %parallel_loop3A_427 : i1 to i32
        %parallel_loop3A_429 = arith.subi %parallel_loop3A_425, %parallel_loop3A_428 : i32
        %parallel_loop3A_430 = vector.broadcast %parallel_loop3A_429 : i32 to vector<16xi32>
        %parallel_loop3A_431 = arith.cmpi ne, %parallel_loop3A_422, %parallel_loop3A_430 : vector<16xi32>
        %parallel_loop3A_432 = vector.broadcast %parallel_loop3A_411 : i32 to vector<16xi32>
        %parallel_loop3A_433 = arith.remsi %parallel_loop3A_410, %parallel_loop3A_432 : vector<16xi32>
        %parallel_loop3A_434 = arith.constant 0 : i32
        %parallel_loop3A_435 = vector.broadcast %parallel_loop3A_434 : i32 to vector<16xi32>
        %parallel_loop3A_436 = arith.cmpi ne, %parallel_loop3A_433, %parallel_loop3A_435 : vector<16xi32>
        %parallel_loop3A_437 = arith.andi %parallel_loop3A_431, %parallel_loop3A_436 : vector<16xi1>
        %parallel_loop3A_438 = arith.constant 1 : i32
        %parallel_loop3A_439 = vector.broadcast %parallel_loop3A_438 : i32 to vector<16xi32>
        %parallel_loop3A_440 = arith.subi %parallel_loop3A_413, %parallel_loop3A_439 : vector<16xi32>
        %parallel_loop3A_441 = arith.select %parallel_loop3A_437, %parallel_loop3A_440, %parallel_loop3A_413 : vector<16xi1>, vector<16xi32>
        %parallel_loop3A_442 = arith.constant 0 : i32
        %parallel_loop3A_443 = vector.broadcast %parallel_loop3A_442 : i32 to vector<16xi32>
        %parallel_loop3A_444 = arith.addi %parallel_loop3A_441, %parallel_loop3A_443 : vector<16xi32>
        %parallel_loop3A_445 = arith.constant 8 : i32
        %parallel_loop3A_446 = vector.broadcast %parallel_loop3A_445 : i32 to vector<16xi32>
        %parallel_loop3A_447 = arith.addi %parallel_loop3A_444, %parallel_loop3A_446 : vector<16xi32>
        %parallel_loop3A_448 = vector.shape_cast %parallel_loop3A_447 : vector<16xi32> to vector<16x1xi32>
        %parallel_loop3A_449 = vector.shape_cast %parallel_loop3A_448 : vector<16x1xi32> to vector<16xi32>
        %parallel_loop3A_450 = tpu.dynamic_gather %parallel_loop3A_406[%parallel_loop3A_449] in [0] : vector<16xf32>, vector<16xi32> -> vector<16xf32>
        %parallel_loop3A_451 = arith.mulf %parallel_loop3A_409, %parallel_loop3A_450 : vector<16xf32>
        %parallel_loop3A_452 = arith.index_cast %parallel_loop3A_390 : i32 to index
        %parallel_loop3A_453 = arith.constant 0 : index
        %parallel_loop3A_454 = tpu.vector_load %arg9[%parallel_loop3A_452, %parallel_loop3A_453] {strides = array<i32>} : memref<128x72xf32, #tpu.memory_space<vmem>>, vector<16xf32>,
        tpu.vector_store %arg9[%parallel_loop3A_452, %parallel_loop3A_453], %parallel_loop3A_451 {strides = array<i32>} : memref<128x72xf32, #tpu.memory_space<vmem>>, vector<16xf32>,
        %parallel_loop3A_455 = arith.index_cast %parallel_loop3A_390 : i32 to index
        %parallel_loop3A_456 = arith.constant 16 : index
        %parallel_loop3A_457 = tpu.vector_load %arg9[%parallel_loop3A_455, %parallel_loop3A_456] {strides = array<i32>} : memref<128x72xf32, #tpu.memory_space<vmem>>, vector<16xf32>,
        %parallel_loop3A_458 = tpu.iota {dimensions = array<i32: 0>} : vector<16xi32>
        %parallel_loop3A_459 = arith.constant 8 : i32
        %parallel_loop3A_460 = vector.broadcast %parallel_loop3A_459 : i32 to vector<16xi32>
        %parallel_loop3A_461 = arith.divsi %parallel_loop3A_458, %parallel_loop3A_460 : vector<16xi32>
        %parallel_loop3A_462 = arith.constant 0 : i32
        %parallel_loop3A_463 = vector.broadcast %parallel_loop3A_462 : i32 to vector<16xi32>
        %parallel_loop3A_464 = arith.cmpi sgt, %parallel_loop3A_458, %parallel_loop3A_463 : vector<16xi32>
        %parallel_loop3A_465 = arith.extui %parallel_loop3A_464 : vector<16xi1> to vector<16xi32>
        %parallel_loop3A_466 = arith.constant 0 : i32
        %parallel_loop3A_467 = vector.broadcast %parallel_loop3A_466 : i32 to vector<16xi32>
        %parallel_loop3A_468 = arith.cmpi slt, %parallel_loop3A_458, %parallel_loop3A_467 : vector<16xi32>
        %parallel_loop3A_469 = arith.extui %parallel_loop3A_468 : vector<16xi1> to vector<16xi32>
        %parallel_loop3A_470 = arith.subi %parallel_loop3A_465, %parallel_loop3A_469 : vector<16xi32>
        %parallel_loop3A_471 = arith.constant 0 : i32
        %parallel_loop3A_472 = arith.cmpi sgt, %parallel_loop3A_459, %parallel_loop3A_471 : i32
        %parallel_loop3A_473 = arith.extui %parallel_loop3A_472 : i1 to i32
        %parallel_loop3A_474 = arith.constant 0 : i32
        %parallel_loop3A_475 = arith.cmpi slt, %parallel_loop3A_459, %parallel_loop3A_474 : i32
        %parallel_loop3A_476 = arith.extui %parallel_loop3A_475 : i1 to i32
        %parallel_loop3A_477 = arith.subi %parallel_loop3A_473, %parallel_loop3A_476 : i32
        %parallel_loop3A_478 = vector.broadcast %parallel_loop3A_477 : i32 to vector<16xi32>
        %parallel_loop3A_479 = arith.cmpi ne, %parallel_loop3A_470, %parallel_loop3A_478 : vector<16xi32>
        %parallel_loop3A_480 = vector.broadcast %parallel_loop3A_459 : i32 to vector<16xi32>
        %parallel_loop3A_481 = arith.remsi %parallel_loop3A_458, %parallel_loop3A_480 : vector<16xi32>
        %parallel_loop3A_482 = arith.constant 0 : i32
        %parallel_loop3A_483 = vector.broadcast %parallel_loop3A_482 : i32 to vector<16xi32>
        %parallel_loop3A_484 = arith.cmpi ne, %parallel_loop3A_481, %parallel_loop3A_483 : vector<16xi32>
        %parallel_loop3A_485 = arith.andi %parallel_loop3A_479, %parallel_loop3A_484 : vector<16xi1>
        %parallel_loop3A_486 = arith.constant 1 : i32
        %parallel_loop3A_487 = vector.broadcast %parallel_loop3A_486 : i32 to vector<16xi32>
        %parallel_loop3A_488 = arith.subi %parallel_loop3A_461, %parallel_loop3A_487 : vector<16xi32>
        %parallel_loop3A_489 = arith.select %parallel_loop3A_485, %parallel_loop3A_488, %parallel_loop3A_461 : vector<16xi1>, vector<16xi32>
        %parallel_loop3A_490 = arith.constant 2 : i32
        %parallel_loop3A_491 = vector.broadcast %parallel_loop3A_490 : i32 to vector<16xi32>
        %parallel_loop3A_492 = arith.addi %parallel_loop3A_489, %parallel_loop3A_491 : vector<16xi32>
        %parallel_loop3A_493 = arith.constant 8 : i32
        %parallel_loop3A_494 = vector.broadcast %parallel_loop3A_493 : i32 to vector<16xi32>
        %parallel_loop3A_495 = arith.addi %parallel_loop3A_492, %parallel_loop3A_494 : vector<16xi32>
        %parallel_loop3A_496 = vector.shape_cast %parallel_loop3A_495 : vector<16xi32> to vector<16x1xi32>
        %parallel_loop3A_497 = vector.shape_cast %parallel_loop3A_496 : vector<16x1xi32> to vector<16xi32>
        %parallel_loop3A_498 = tpu.dynamic_gather %parallel_loop3A_406[%parallel_loop3A_497] in [0] : vector<16xf32>, vector<16xi32> -> vector<16xf32>
        %parallel_loop3A_499 = arith.mulf %parallel_loop3A_457, %parallel_loop3A_498 : vector<16xf32>
        %parallel_loop3A_500 = arith.index_cast %parallel_loop3A_390 : i32 to index
        %parallel_loop3A_501 = arith.constant 16 : index
        %parallel_loop3A_502 = tpu.vector_load %arg9[%parallel_loop3A_500, %parallel_loop3A_501] {strides = array<i32>} : memref<128x72xf32, #tpu.memory_space<vmem>>, vector<16xf32>,
        tpu.vector_store %arg9[%parallel_loop3A_500, %parallel_loop3A_501], %parallel_loop3A_499 {strides = array<i32>} : memref<128x72xf32, #tpu.memory_space<vmem>>, vector<16xf32>,
        %parallel_loop3A_503 = arith.index_cast %parallel_loop3A_390 : i32 to index
        %parallel_loop3A_504 = arith.constant 32 : index
        %parallel_loop3A_505 = tpu.vector_load %arg9[%parallel_loop3A_503, %parallel_loop3A_504] {strides = array<i32>} : memref<128x72xf32, #tpu.memory_space<vmem>>, vector<16xf32>,
        %parallel_loop3A_506 = tpu.iota {dimensions = array<i32: 0>} : vector<16xi32>
        %parallel_loop3A_507 = arith.constant 8 : i32
        %parallel_loop3A_508 = vector.broadcast %parallel_loop3A_507 : i32 to vector<16xi32>
        %parallel_loop3A_509 = arith.divsi %parallel_loop3A_506, %parallel_loop3A_508 : vector<16xi32>
        %parallel_loop3A_510 = arith.constant 0 : i32
        %parallel_loop3A_511 = vector.broadcast %parallel_loop3A_510 : i32 to vector<16xi32>
        %parallel_loop3A_512 = arith.cmpi sgt, %parallel_loop3A_506, %parallel_loop3A_511 : vector<16xi32>
        %parallel_loop3A_513 = arith.extui %parallel_loop3A_512 : vector<16xi1> to vector<16xi32>
        %parallel_loop3A_514 = arith.constant 0 : i32
        %parallel_loop3A_515 = vector.broadcast %parallel_loop3A_514 : i32 to vector<16xi32>
        %parallel_loop3A_516 = arith.cmpi slt, %parallel_loop3A_506, %parallel_loop3A_515 : vector<16xi32>
        %parallel_loop3A_517 = arith.extui %parallel_loop3A_516 : vector<16xi1> to vector<16xi32>
        %parallel_loop3A_518 = arith.subi %parallel_loop3A_513, %parallel_loop3A_517 : vector<16xi32>
        %parallel_loop3A_519 = arith.constant 0 : i32
        %parallel_loop3A_520 = arith.cmpi sgt, %parallel_loop3A_507, %parallel_loop3A_519 : i32
        %parallel_loop3A_521 = arith.extui %parallel_loop3A_520 : i1 to i32
        %parallel_loop3A_522 = arith.constant 0 : i32
        %parallel_loop3A_523 = arith.cmpi slt, %parallel_loop3A_507, %parallel_loop3A_522 : i32
        %parallel_loop3A_524 = arith.extui %parallel_loop3A_523 : i1 to i32
        %parallel_loop3A_525 = arith.subi %parallel_loop3A_521, %parallel_loop3A_524 : i32
        %parallel_loop3A_526 = vector.broadcast %parallel_loop3A_525 : i32 to vector<16xi32>
        %parallel_loop3A_527 = arith.cmpi ne, %parallel_loop3A_518, %parallel_loop3A_526 : vector<16xi32>
        %parallel_loop3A_528 = vector.broadcast %parallel_loop3A_507 : i32 to vector<16xi32>
        %parallel_loop3A_529 = arith.remsi %parallel_loop3A_506, %parallel_loop3A_528 : vector<16xi32>
        %parallel_loop3A_530 = arith.constant 0 : i32
        %parallel_loop3A_531 = vector.broadcast %parallel_loop3A_530 : i32 to vector<16xi32>
        %parallel_loop3A_532 = arith.cmpi ne, %parallel_loop3A_529, %parallel_loop3A_531 : vector<16xi32>
        %parallel_loop3A_533 = arith.andi %parallel_loop3A_527, %parallel_loop3A_532 : vector<16xi1>
        %parallel_loop3A_534 = arith.constant 1 : i32
        %parallel_loop3A_535 = vector.broadcast %parallel_loop3A_534 : i32 to vector<16xi32>
        %parallel_loop3A_536 = arith.subi %parallel_loop3A_509, %parallel_loop3A_535 : vector<16xi32>
        %parallel_loop3A_537 = arith.select %parallel_loop3A_533, %parallel_loop3A_536, %parallel_loop3A_509 : vector<16xi1>, vector<16xi32>
        %parallel_loop3A_538 = arith.constant 4 : i32
        %parallel_loop3A_539 = vector.broadcast %parallel_loop3A_538 : i32 to vector<16xi32>
        %parallel_loop3A_540 = arith.addi %parallel_loop3A_537, %parallel_loop3A_539 : vector<16xi32>
        %parallel_loop3A_541 = arith.constant 8 : i32
        %parallel_loop3A_542 = vector.broadcast %parallel_loop3A_541 : i32 to vector<16xi32>
        %parallel_loop3A_543 = arith.addi %parallel_loop3A_540, %parallel_loop3A_542 : vector<16xi32>
        %parallel_loop3A_544 = vector.shape_cast %parallel_loop3A_543 : vector<16xi32> to vector<16x1xi32>
        %parallel_loop3A_545 = vector.shape_cast %parallel_loop3A_544 : vector<16x1xi32> to vector<16xi32>
        %parallel_loop3A_546 = tpu.dynamic_gather %parallel_loop3A_406[%parallel_loop3A_545] in [0] : vector<16xf32>, vector<16xi32> -> vector<16xf32>
        %parallel_loop3A_547 = arith.mulf %parallel_loop3A_505, %parallel_loop3A_546 : vector<16xf32>
        %parallel_loop3A_548 = arith.index_cast %parallel_loop3A_390 : i32 to index
        %parallel_loop3A_549 = arith.constant 32 : index
        %parallel_loop3A_550 = tpu.vector_load %arg9[%parallel_loop3A_548, %parallel_loop3A_549] {strides = array<i32>} : memref<128x72xf32, #tpu.memory_space<vmem>>, vector<16xf32>,
        tpu.vector_store %arg9[%parallel_loop3A_548, %parallel_loop3A_549], %parallel_loop3A_547 {strides = array<i32>} : memref<128x72xf32, #tpu.memory_space<vmem>>, vector<16xf32>,
        %parallel_loop3A_551 = arith.index_cast %parallel_loop3A_390 : i32 to index
        %parallel_loop3A_552 = arith.constant 48 : index
        %parallel_loop3A_553 = tpu.vector_load %arg9[%parallel_loop3A_551, %parallel_loop3A_552] {strides = array<i32>} : memref<128x72xf32, #tpu.memory_space<vmem>>, vector<16xf32>,
        %parallel_loop3A_554 = tpu.iota {dimensions = array<i32: 0>} : vector<16xi32>
        %parallel_loop3A_555 = arith.constant 8 : i32
        %parallel_loop3A_556 = vector.broadcast %parallel_loop3A_555 : i32 to vector<16xi32>
        %parallel_loop3A_557 = arith.divsi %parallel_loop3A_554, %parallel_loop3A_556 : vector<16xi32>
        %parallel_loop3A_558 = arith.constant 0 : i32
        %parallel_loop3A_559 = vector.broadcast %parallel_loop3A_558 : i32 to vector<16xi32>
        %parallel_loop3A_560 = arith.cmpi sgt, %parallel_loop3A_554, %parallel_loop3A_559 : vector<16xi32>
        %parallel_loop3A_561 = arith.extui %parallel_loop3A_560 : vector<16xi1> to vector<16xi32>
        %parallel_loop3A_562 = arith.constant 0 : i32
        %parallel_loop3A_563 = vector.broadcast %parallel_loop3A_562 : i32 to vector<16xi32>
        %parallel_loop3A_564 = arith.cmpi slt, %parallel_loop3A_554, %parallel_loop3A_563 : vector<16xi32>
        %parallel_loop3A_565 = arith.extui %parallel_loop3A_564 : vector<16xi1> to vector<16xi32>
        %parallel_loop3A_566 = arith.subi %parallel_loop3A_561, %parallel_loop3A_565 : vector<16xi32>
        %parallel_loop3A_567 = arith.constant 0 : i32
        %parallel_loop3A_568 = arith.cmpi sgt, %parallel_loop3A_555, %parallel_loop3A_567 : i32
        %parallel_loop3A_569 = arith.extui %parallel_loop3A_568 : i1 to i32
        %parallel_loop3A_570 = arith.constant 0 : i32
        %parallel_loop3A_571 = arith.cmpi slt, %parallel_loop3A_555, %parallel_loop3A_570 : i32
        %parallel_loop3A_572 = arith.extui %parallel_loop3A_571 : i1 to i32
        %parallel_loop3A_573 = arith.subi %parallel_loop3A_569, %parallel_loop3A_572 : i32
        %parallel_loop3A_574 = vector.broadcast %parallel_loop3A_573 : i32 to vector<16xi32>
        %parallel_loop3A_575 = arith.cmpi ne, %parallel_loop3A_566, %parallel_loop3A_574 : vector<16xi32>
        %parallel_loop3A_576 = vector.broadcast %parallel_loop3A_555 : i32 to vector<16xi32>
        %parallel_loop3A_577 = arith.remsi %parallel_loop3A_554, %parallel_loop3A_576 : vector<16xi32>
        %parallel_loop3A_578 = arith.constant 0 : i32
        %parallel_loop3A_579 = vector.broadcast %parallel_loop3A_578 : i32 to vector<16xi32>
        %parallel_loop3A_580 = arith.cmpi ne, %parallel_loop3A_577, %parallel_loop3A_579 : vector<16xi32>
        %parallel_loop3A_581 = arith.andi %parallel_loop3A_575, %parallel_loop3A_580 : vector<16xi1>
        %parallel_loop3A_582 = arith.constant 1 : i32
        %parallel_loop3A_583 = vector.broadcast %parallel_loop3A_582 : i32 to vector<16xi32>
        %parallel_loop3A_584 = arith.subi %parallel_loop3A_557, %parallel_loop3A_583 : vector<16xi32>
        %parallel_loop3A_585 = arith.select %parallel_loop3A_581, %parallel_loop3A_584, %parallel_loop3A_557 : vector<16xi1>, vector<16xi32>
        %parallel_loop3A_586 = arith.constant 6 : i32
        %parallel_loop3A_587 = vector.broadcast %parallel_loop3A_586 : i32 to vector<16xi32>
        %parallel_loop3A_588 = arith.addi %parallel_loop3A_585, %parallel_loop3A_587 : vector<16xi32>
        %parallel_loop3A_589 = arith.constant 8 : i32
        %parallel_loop3A_590 = vector.broadcast %parallel_loop3A_589 : i32 to vector<16xi32>
        %parallel_loop3A_591 = arith.addi %parallel_loop3A_588, %parallel_loop3A_590 : vector<16xi32>
        %parallel_loop3A_592 = vector.shape_cast %parallel_loop3A_591 : vector<16xi32> to vector<16x1xi32>
        %parallel_loop3A_593 = vector.shape_cast %parallel_loop3A_592 : vector<16x1xi32> to vector<16xi32>
        %parallel_loop3A_594 = tpu.dynamic_gather %parallel_loop3A_406[%parallel_loop3A_593] in [0] : vector<16xf32>, vector<16xi32> -> vector<16xf32>
        %parallel_loop3A_595 = arith.mulf %parallel_loop3A_553, %parallel_loop3A_594 : vector<16xf32>
        %parallel_loop3A_596 = arith.index_cast %parallel_loop3A_390 : i32 to index
        %parallel_loop3A_597 = arith.constant 48 : index
        %parallel_loop3A_598 = tpu.vector_load %arg9[%parallel_loop3A_596, %parallel_loop3A_597] {strides = array<i32>} : memref<128x72xf32, #tpu.memory_space<vmem>>, vector<16xf32>,
        tpu.vector_store %arg9[%parallel_loop3A_596, %parallel_loop3A_597], %parallel_loop3A_595 {strides = array<i32>} : memref<128x72xf32, #tpu.memory_space<vmem>>, vector<16xf32>,
        %parallel_loop3A_599 = arith.constant 0 : i32
        %parallel_loop3A_600 = vector.broadcast %parallel_loop3A_599 : i32 to vector<16xi32>
        %parallel_loop3A_601 = vector.broadcast %parallel_loop3A_390 : i32 to vector<16xi32>
        %parallel_loop3A_602 = arith.addi %parallel_loop3A_600, %parallel_loop3A_601 : vector<16xi32>
        %parallel_loop3A_603 = arith.constant 56 : i32
        %parallel_loop3A_604 = vector.broadcast %parallel_loop3A_603 : i32 to vector<16xi32>
        %parallel_loop3A_605 = arith.addi %parallel_loop3A_391, %parallel_loop3A_604 : vector<16xi32>
        %parallel_loop3A_606 = arith.constant 8 : i32
        %parallel_loop3A_607 = vector.broadcast %parallel_loop3A_606 : i32 to vector<16xi32>
        %parallel_loop3A_608 = arith.cmpi sge, %parallel_loop3A_391, %parallel_loop3A_607 : vector<16xi32>
        tpu.vector_store_idx %arg9[%parallel_loop3A_602, %parallel_loop3A_605], %parallel_loop3A_406 masked %parallel_loop3A_608 : memref<128x72xf32, #tpu.memory_space<vmem>>[vector<16xi32>, vector<16xi32>], vector<16xf32>, vector<16xi1>
      } {sc.loop_unroll_factor = 4 : i64, sc.parallel_access}
      %dma_start3A_271 = arith.constant 1 : i32
      %dma_start3A_272 = arith.constant 1 : i32
      %dma_start3A_273 = arith.constant 0 : i32
      %dma_start3A_274 = tpu.memref_slice %arg7[%dma_start3A_271, %dma_start3A_272, %dma_start3A_273] : memref<4x2x128xi32, #tpu.memory_space<vmem>> -> memref<1x1x128xi32, #tpu.memory_space<vmem>>
      %dma_start3A_275 = tpu.memref_squeeze %dma_start3A_274 : memref<1x1x128xi32, #tpu.memory_space<vmem>> -> memref<128xi32, #tpu.memory_space<vmem>>
      %dma_start3A_276 = arith.constant 0 : i32
      %dma_start3A_277 = arith.constant 0 : i32
      %dma_start3A_278 = tpu.memref_slice %arg12[%dma_start3A_276, %dma_start3A_277] : memref<10240x72xf32, #tpu.memory_space<vmem_shared>> -> memref<10240x72xf32, #tpu.memory_space<vmem_shared>>
      tpu.enqueue_indirect_dma source(%arg9 : memref<128x72xf32, #tpu.memory_space<vmem>>) target(%dma_start3A_278 : memref<10240x72xf32, #tpu.memory_space<vmem_shared>>) offsets(%dma_start3A_275 : memref<128xi32, #tpu.memory_space<vmem>>) semaphore(%arg24 : memref<!tpu.dma_semaphore, #tpu.memory_space<semaphore_mem>>) {add = true}
      %mul3A_279 = arith.constant 4 : i32
      %mul3A_280 = arith.muli %mul3A_279, %scan3A_171 : i32
      %add3A_281 = arith.constant 2 : i32
      %add3A_282 = arith.addi %mul3A_280, %add3A_281 : i32
      %add3A_283 = arith.constant 2 : i32
      %add3A_284 = arith.addi %add3A_282, %add3A_283 : i32
      %lt3A_285 = arith.constant 84 : i32
      %lt3A_286 = arith.cmpi slt, %add3A_284, %lt3A_285 : i32
      %convert_element_type3A_287 = arith.extui %lt3A_286 : i1 to i32
      %cond3A_288 = arith.constant 0 : i32
      %cond3A_289 = arith.cmpi ne, %convert_element_type3A_287, %cond3A_288 : i32
      scf.if %cond3A_289 {
        %add3A_390 = arith.constant 2 : i32
        %add3A_391 = arith.addi %add3A_282, %add3A_390 : i32
        %mul3A_392 = arith.constant 32 : i32
        %mul3A_393 = arith.muli %add3A_391, %mul3A_392 : i32
        %add3A_394 = arith.addi %mul3A_393, %add3A : i32
        %dma_start3A_395 = arith.constant 0 : i32
        %dma_start3A_396 = arith.constant 0 : i32
        %dma_start3A_397 = arith.constant 0 : i32
        %dma_start3A_398 = tpu.memref_slice %arg7[%dma_start3A_395, %dma_start3A_396, %dma_start3A_397] : memref<4x2x128xi32, #tpu.memory_space<vmem>> -> memref<1x2x128xi32, #tpu.memory_space<vmem>>
        %dma_start3A_399 = tpu.memref_squeeze %dma_start3A_398 : memref<1x2x128xi32, #tpu.memory_space<vmem>> -> memref<2x128xi32, #tpu.memory_space<vmem>>
        %dma_start3A_400 = arith.constant 0 : i32
        %dma_start3A_401 = arith.constant 0 : i32
        %dma_start3A_402 = tpu.memref_slice %arg2[%add3A_394, %dma_start3A_400, %dma_start3A_401] : memref<2688x2x128xi32, #tpu.memory_space<hbm>> -> memref<1x2x128xi32, #tpu.memory_space<hbm>>
        %dma_start3A_403 = tpu.memref_squeeze %dma_start3A_402 : memref<1x2x128xi32, #tpu.memory_space<hbm>> -> memref<2x128xi32, #tpu.memory_space<hbm>>
        %dma_start3A_404 = arith.constant 0 : i32
        %dma_start3A_405 = arith.constant 0 : i32
        %dma_start3A_406 = tpu.memref_slice %arg7[%dma_start3A_395, %dma_start3A_404, %dma_start3A_405] : memref<4x2x128xi32, #tpu.memory_space<vmem>> -> memref<1x2x128xi32, #tpu.memory_space<vmem>>
        %dma_start3A_407 = tpu.memref_squeeze %dma_start3A_406 : memref<1x2x128xi32, #tpu.memory_space<vmem>> -> memref<2x128xi32, #tpu.memory_space<vmem>>
        %dma_start3A_408 = arith.constant 0 : i32
        %dma_start3A_409 = arith.constant 0 : i32
        %dma_start3A_410 = tpu.memref_slice %arg2[%add3A_394, %dma_start3A_408, %dma_start3A_409] : memref<2688x2x128xi32, #tpu.memory_space<hbm>> -> memref<1x2x128xi32, #tpu.memory_space<hbm>>
        %dma_start3A_411 = tpu.memref_squeeze %dma_start3A_410 : memref<1x2x128xi32, #tpu.memory_space<hbm>> -> memref<2x128xi32, #tpu.memory_space<hbm>>
        tpu.enqueue_dma source(%dma_start3A_411 : memref<2x128xi32, #tpu.memory_space<hbm>>) target(%dma_start3A_407 : memref<2x128xi32, #tpu.memory_space<vmem>>) target_semaphore(%arg15 : memref<!tpu.dma_semaphore, #tpu.memory_space<semaphore_mem>>)
      } else {
      }
      %add3A_290 = arith.constant 1 : i32
      %add3A_291 = arith.addi %add3A_282, %add3A_290 : i32
      %lt3A_292 = arith.constant 84 : i32
      %lt3A_293 = arith.cmpi slt, %add3A_291, %lt3A_292 : i32
      %ge3A_294 = arith.constant 1 : i32
      %ge3A_295 = arith.cmpi sge, %add3A_282, %ge3A_294 : i32
      %and3A_296 = arith.andi %lt3A_293, %ge3A_295 : i1
      %convert_element_type3A_297 = arith.extui %and3A_296 : i1 to i32
      %cond3A_298 = arith.constant 0 : i32
      %cond3A_299 = arith.cmpi ne, %convert_element_type3A_297, %cond3A_298 : i32
      scf.if %cond3A_299 {
        %dma_wait3A_390 = arith.constant 0 : i32
        %dma_wait3A_391 = arith.constant 1 : i32
        %dma_wait3A_392 = arith.constant 0 : i32
        %dma_wait3A_393 = tpu.memref_slice %arg7[%dma_wait3A_390, %dma_wait3A_391, %dma_wait3A_392] : memref<4x2x128xi32, #tpu.memory_space<vmem>> -> memref<1x1x128xi32, #tpu.memory_space<vmem>>
        %dma_wait3A_394 = tpu.memref_squeeze %dma_wait3A_393 : memref<1x1x128xi32, #tpu.memory_space<vmem>> -> memref<128xi32, #tpu.memory_space<vmem>>
        %dma_wait3A_395 = arith.constant 0 : i32
        %dma_wait3A_396 = arith.constant 0 : i32
        %dma_wait3A_397 = tpu.memref_slice %arg12[%dma_wait3A_395, %dma_wait3A_396] : memref<10240x72xf32, #tpu.memory_space<vmem_shared>> -> memref<10240x72xf32, #tpu.memory_space<vmem_shared>>
        tpu.wait_indirect_dma semaphore(%arg24 : memref<!tpu.dma_semaphore, #tpu.memory_space<semaphore_mem>>) src(%arg9 : memref<128x72xf32, #tpu.memory_space<vmem>>) dst(%dma_wait3A_397 : memref<10240x72xf32, #tpu.memory_space<vmem_shared>>)
      } else {
      }
      %add3A_300 = arith.constant 1 : i32
      %add3A_301 = arith.addi %add3A_282, %add3A_300 : i32
      %lt3A_302 = arith.constant 84 : i32
      %lt3A_303 = arith.cmpi slt, %add3A_301, %lt3A_302 : i32
      %convert_element_type3A_304 = arith.extui %lt3A_303 : i1 to i32
      %cond3A_305 = arith.constant 0 : i32
      %cond3A_306 = arith.cmpi ne, %convert_element_type3A_304, %cond3A_305 : i32
      scf.if %cond3A_306 {
        %dma_wait3A_390 = arith.constant 0 : i32
        %dma_wait3A_391 = arith.constant 3 : i32
        %dma_wait3A_392 = arith.constant 0 : i32
        %dma_wait3A_393 = arith.constant 0 : i32
        %dma_wait3A_394 = tpu.memref_slice %arg7[%dma_wait3A_391, %dma_wait3A_392, %dma_wait3A_393] : memref<4x2x128xi32, #tpu.memory_space<vmem>> -> memref<1x2x128xi32, #tpu.memory_space<vmem>>
        %dma_wait3A_395 = tpu.memref_squeeze %dma_wait3A_394 : memref<1x2x128xi32, #tpu.memory_space<vmem>> -> memref<2x128xi32, #tpu.memory_space<vmem>>
        %dma_wait3A_396 = arith.constant 0 : i32
        %dma_wait3A_397 = arith.constant 0 : i32
        %dma_wait3A_398 = tpu.memref_slice %arg2[%dma_wait3A_390, %dma_wait3A_396, %dma_wait3A_397] : memref<2688x2x128xi32, #tpu.memory_space<hbm>> -> memref<1x2x128xi32, #tpu.memory_space<hbm>>
        %dma_wait3A_399 = tpu.memref_squeeze %dma_wait3A_398 : memref<1x2x128xi32, #tpu.memory_space<hbm>> -> memref<2x128xi32, #tpu.memory_space<hbm>>
        %dma_wait3A_400 = arith.constant 0 : i32
        %dma_wait3A_401 = arith.constant 0 : i32
        %dma_wait3A_402 = tpu.memref_slice %arg7[%dma_wait3A_391, %dma_wait3A_400, %dma_wait3A_401] : memref<4x2x128xi32, #tpu.memory_space<vmem>> -> memref<1x2x128xi32, #tpu.memory_space<vmem>>
        %dma_wait3A_403 = tpu.memref_squeeze %dma_wait3A_402 : memref<1x2x128xi32, #tpu.memory_space<vmem>> -> memref<2x128xi32, #tpu.memory_space<vmem>>
        %dma_wait3A_404 = arith.constant 0 : i32
        %dma_wait3A_405 = arith.constant 0 : i32
        %dma_wait3A_406 = tpu.memref_slice %arg2[%dma_wait3A_390, %dma_wait3A_404, %dma_wait3A_405] : memref<2688x2x128xi32, #tpu.memory_space<hbm>> -> memref<1x2x128xi32, #tpu.memory_space<hbm>>
        %dma_wait3A_407 = tpu.memref_squeeze %dma_wait3A_406 : memref<1x2x128xi32, #tpu.memory_space<hbm>> -> memref<2x128xi32, #tpu.memory_space<hbm>>
        tpu.wait_dma2 semaphore(%arg18 : memref<!tpu.dma_semaphore, #tpu.memory_space<semaphore_mem>>) src(%dma_wait3A_407 : memref<2x128xi32, #tpu.memory_space<hbm>>) dst(%dma_wait3A_403 : memref<2x128xi32, #tpu.memory_space<vmem>>)
        %dma_start3A_408 = arith.constant 3 : i32
        %dma_start3A_409 = arith.constant 0 : i32
        %dma_start3A_410 = arith.constant 0 : i32
        %dma_start3A_411 = tpu.memref_slice %arg7[%dma_start3A_408, %dma_start3A_409, %dma_start3A_410] : memref<4x2x128xi32, #tpu.memory_space<vmem>> -> memref<1x1x128xi32, #tpu.memory_space<vmem>>
        %dma_start3A_412 = tpu.memref_squeeze %dma_start3A_411 : memref<1x1x128xi32, #tpu.memory_space<vmem>> -> memref<128xi32, #tpu.memory_space<vmem>>
        %dma_start3A_413 = arith.constant 0 : i32
        %dma_start3A_414 = arith.constant 0 : i32
        %dma_start3A_415 = tpu.memref_slice %arg13[%dma_start3A_413, %dma_start3A_414] : memref<10240x72xf32, #tpu.memory_space<vmem_shared>> -> memref<10240x72xf32, #tpu.memory_space<vmem_shared>>
        tpu.enqueue_indirect_dma source(%dma_start3A_415 : memref<10240x72xf32, #tpu.memory_space<vmem_shared>>) target(%arg9 : memref<128x72xf32, #tpu.memory_space<vmem>>) offsets(%dma_start3A_412 : memref<128xi32, #tpu.memory_space<vmem>>) semaphore(%arg20 : memref<!tpu.dma_semaphore, #tpu.memory_space<semaphore_mem>>)
        %dma_start3A_416 = arith.constant 3 : i32
        %dma_start3A_417 = arith.constant 1 : i32
        %dma_start3A_418 = arith.constant 0 : i32
        %dma_start3A_419 = tpu.memref_slice %arg7[%dma_start3A_416, %dma_start3A_417, %dma_start3A_418] : memref<4x2x128xi32, #tpu.memory_space<vmem>> -> memref<1x1x128xi32, #tpu.memory_space<vmem>>
        %dma_start3A_420 = tpu.memref_squeeze %dma_start3A_419 : memref<1x1x128xi32, #tpu.memory_space<vmem>> -> memref<128xi32, #tpu.memory_space<vmem>>
        %dma_start3A_421 = arith.constant 0 : i32
        %dma_start3A_422 = arith.constant 0 : i32
        %dma_start3A_423 = tpu.memref_slice %arg14[%dma_start3A_421, %dma_start3A_422] : memref<10240x16xf32, #tpu.memory_space<vmem_shared>> -> memref<10240x16xf32, #tpu.memory_space<vmem_shared>>
        tpu.enqueue_indirect_dma source(%dma_start3A_423 : memref<10240x16xf32, #tpu.memory_space<vmem_shared>>) target(%arg11 : memref<128x16xf32, #tpu.memory_space<vmem>>) offsets(%dma_start3A_420 : memref<128xi32, #tpu.memory_space<vmem>>) semaphore(%arg22 : memref<!tpu.dma_semaphore, #tpu.memory_space<semaphore_mem>>)
      } else {
      }
      %dma_wait3A_307 = arith.constant 2 : i32
      %dma_wait3A_308 = arith.constant 0 : i32
      %dma_wait3A_309 = arith.constant 0 : i32
      %dma_wait3A_310 = tpu.memref_slice %arg7[%dma_wait3A_307, %dma_wait3A_308, %dma_wait3A_309] : memref<4x2x128xi32, #tpu.memory_space<vmem>> -> memref<1x1x128xi32, #tpu.memory_space<vmem>>
      %dma_wait3A_311 = tpu.memref_squeeze %dma_wait3A_310 : memref<1x1x128xi32, #tpu.memory_space<vmem>> -> memref<128xi32, #tpu.memory_space<vmem>>
      %dma_wait3A_312 = arith.constant 0 : i32
      %dma_wait3A_313 = arith.constant 0 : i32
      %dma_wait3A_314 = tpu.memref_slice %arg13[%dma_wait3A_312, %dma_wait3A_313] : memref<10240x72xf32, #tpu.memory_space<vmem_shared>> -> memref<10240x72xf32, #tpu.memory_space<vmem_shared>>
      tpu.wait_indirect_dma semaphore(%arg19 : memref<!tpu.dma_semaphore, #tpu.memory_space<semaphore_mem>>) src(%dma_wait3A_314 : memref<10240x72xf32, #tpu.memory_space<vmem_shared>>) dst(%arg8 : memref<128x72xf32, #tpu.memory_space<vmem>>)
      %dma_wait3A_315 = arith.constant 2 : i32
      %dma_wait3A_316 = arith.constant 1 : i32
      %dma_wait3A_317 = arith.constant 0 : i32
      %dma_wait3A_318 = tpu.memref_slice %arg7[%dma_wait3A_315, %dma_wait3A_316, %dma_wait3A_317] : memref<4x2x128xi32, #tpu.memory_space<vmem>> -> memref<1x1x128xi32, #tpu.memory_space<vmem>>
      %dma_wait3A_319 = tpu.memref_squeeze %dma_wait3A_318 : memref<1x1x128xi32, #tpu.memory_space<vmem>> -> memref<128xi32, #tpu.memory_space<vmem>>
      %dma_wait3A_320 = arith.constant 0 : i32
      %dma_wait3A_321 = arith.constant 0 : i32
      %dma_wait3A_322 = tpu.memref_slice %arg14[%dma_wait3A_320, %dma_wait3A_321] : memref<10240x16xf32, #tpu.memory_space<vmem_shared>> -> memref<10240x16xf32, #tpu.memory_space<vmem_shared>>
      tpu.wait_indirect_dma semaphore(%arg21 : memref<!tpu.dma_semaphore, #tpu.memory_space<semaphore_mem>>) src(%dma_wait3A_322 : memref<10240x16xf32, #tpu.memory_space<vmem_shared>>) dst(%arg10 : memref<128x16xf32, #tpu.memory_space<vmem>>)
      %parallel_loop3A_323 = arith.constant 0 : i32
      %parallel_loop3A_324 = arith.constant 128 : i32
      %parallel_loop3A_325 = arith.constant 1 : i32
      scf.for %parallel_loop3A_390 = %parallel_loop3A_323 to %parallel_loop3A_324 step %parallel_loop3A_325  : i32 {
        %parallel_loop3A_391 = tpu.iota {dimensions = array<i32: 0>} : vector<16xi32>
        %parallel_loop3A_392 = arith.index_cast %parallel_loop3A_390 : i32 to index
        %parallel_loop3A_393 = arith.constant 56 : index
        %parallel_loop3A_394 = tpu.vector_load %arg8[%parallel_loop3A_392, %parallel_loop3A_393] {strides = array<i32>} : memref<128x72xf32, #tpu.memory_space<vmem>>, vector<16xf32>,
        %parallel_loop3A_395 = arith.index_cast %parallel_loop3A_390 : i32 to index
        %parallel_loop3A_396 = arith.constant 0 : index
        %parallel_loop3A_397 = tpu.vector_load %arg10[%parallel_loop3A_395, %parallel_loop3A_396] {strides = array<i32>} : memref<128x16xf32, #tpu.memory_space<vmem>>, vector<16xf32>,
        %parallel_loop3A_398 = arith.addf %parallel_loop3A_394, %parallel_loop3A_397 : vector<16xf32>
        %parallel_loop3A_399 = arith.constant 0.000000e+00 : f32
        %parallel_loop3A_400 = vector.broadcast %parallel_loop3A_399 : f32 to vector<16xf32>
        %parallel_loop3A_401 = arith.cmpf ogt, %parallel_loop3A_398, %parallel_loop3A_400 : vector<16xf32>
        %parallel_loop3A_402 = arith.constant 2.000000e-01 : f32
        %parallel_loop3A_403 = vector.broadcast %parallel_loop3A_402 : f32 to vector<16xf32>
        %parallel_loop3A_404 = arith.mulf %parallel_loop3A_403, %parallel_loop3A_398 : vector<16xf32>
        %parallel_loop3A_405 = arith.select %parallel_loop3A_401, %parallel_loop3A_398, %parallel_loop3A_404 : vector<16xi1>, vector<16xf32>
        %parallel_loop3A_406 = math.exp %parallel_loop3A_405 : vector<16xf32>
        %parallel_loop3A_407 = arith.index_cast %parallel_loop3A_390 : i32 to index
        %parallel_loop3A_408 = arith.constant 0 : index
        %parallel_loop3A_409 = tpu.vector_load %arg8[%parallel_loop3A_407, %parallel_loop3A_408] {strides = array<i32>} : memref<128x72xf32, #tpu.memory_space<vmem>>, vector<16xf32>,
        %parallel_loop3A_410 = tpu.iota {dimensions = array<i32: 0>} : vector<16xi32>
        %parallel_loop3A_411 = arith.constant 8 : i32
        %parallel_loop3A_412 = vector.broadcast %parallel_loop3A_411 : i32 to vector<16xi32>
        %parallel_loop3A_413 = arith.divsi %parallel_loop3A_410, %parallel_loop3A_412 : vector<16xi32>
        %parallel_loop3A_414 = arith.constant 0 : i32
        %parallel_loop3A_415 = vector.broadcast %parallel_loop3A_414 : i32 to vector<16xi32>
        %parallel_loop3A_416 = arith.cmpi sgt, %parallel_loop3A_410, %parallel_loop3A_415 : vector<16xi32>
        %parallel_loop3A_417 = arith.extui %parallel_loop3A_416 : vector<16xi1> to vector<16xi32>
        %parallel_loop3A_418 = arith.constant 0 : i32
        %parallel_loop3A_419 = vector.broadcast %parallel_loop3A_418 : i32 to vector<16xi32>
        %parallel_loop3A_420 = arith.cmpi slt, %parallel_loop3A_410, %parallel_loop3A_419 : vector<16xi32>
        %parallel_loop3A_421 = arith.extui %parallel_loop3A_420 : vector<16xi1> to vector<16xi32>
        %parallel_loop3A_422 = arith.subi %parallel_loop3A_417, %parallel_loop3A_421 : vector<16xi32>
        %parallel_loop3A_423 = arith.constant 0 : i32
        %parallel_loop3A_424 = arith.cmpi sgt, %parallel_loop3A_411, %parallel_loop3A_423 : i32
        %parallel_loop3A_425 = arith.extui %parallel_loop3A_424 : i1 to i32
        %parallel_loop3A_426 = arith.constant 0 : i32
        %parallel_loop3A_427 = arith.cmpi slt, %parallel_loop3A_411, %parallel_loop3A_426 : i32
        %parallel_loop3A_428 = arith.extui %parallel_loop3A_427 : i1 to i32
        %parallel_loop3A_429 = arith.subi %parallel_loop3A_425, %parallel_loop3A_428 : i32
        %parallel_loop3A_430 = vector.broadcast %parallel_loop3A_429 : i32 to vector<16xi32>
        %parallel_loop3A_431 = arith.cmpi ne, %parallel_loop3A_422, %parallel_loop3A_430 : vector<16xi32>
        %parallel_loop3A_432 = vector.broadcast %parallel_loop3A_411 : i32 to vector<16xi32>
        %parallel_loop3A_433 = arith.remsi %parallel_loop3A_410, %parallel_loop3A_432 : vector<16xi32>
        %parallel_loop3A_434 = arith.constant 0 : i32
        %parallel_loop3A_435 = vector.broadcast %parallel_loop3A_434 : i32 to vector<16xi32>
        %parallel_loop3A_436 = arith.cmpi ne, %parallel_loop3A_433, %parallel_loop3A_435 : vector<16xi32>
        %parallel_loop3A_437 = arith.andi %parallel_loop3A_431, %parallel_loop3A_436 : vector<16xi1>
        %parallel_loop3A_438 = arith.constant 1 : i32
        %parallel_loop3A_439 = vector.broadcast %parallel_loop3A_438 : i32 to vector<16xi32>
        %parallel_loop3A_440 = arith.subi %parallel_loop3A_413, %parallel_loop3A_439 : vector<16xi32>
        %parallel_loop3A_441 = arith.select %parallel_loop3A_437, %parallel_loop3A_440, %parallel_loop3A_413 : vector<16xi1>, vector<16xi32>
        %parallel_loop3A_442 = arith.constant 0 : i32
        %parallel_loop3A_443 = vector.broadcast %parallel_loop3A_442 : i32 to vector<16xi32>
        %parallel_loop3A_444 = arith.addi %parallel_loop3A_441, %parallel_loop3A_443 : vector<16xi32>
        %parallel_loop3A_445 = arith.constant 8 : i32
        %parallel_loop3A_446 = vector.broadcast %parallel_loop3A_445 : i32 to vector<16xi32>
        %parallel_loop3A_447 = arith.addi %parallel_loop3A_444, %parallel_loop3A_446 : vector<16xi32>
        %parallel_loop3A_448 = vector.shape_cast %parallel_loop3A_447 : vector<16xi32> to vector<16x1xi32>
        %parallel_loop3A_449 = vector.shape_cast %parallel_loop3A_448 : vector<16x1xi32> to vector<16xi32>
        %parallel_loop3A_450 = tpu.dynamic_gather %parallel_loop3A_406[%parallel_loop3A_449] in [0] : vector<16xf32>, vector<16xi32> -> vector<16xf32>
        %parallel_loop3A_451 = arith.mulf %parallel_loop3A_409, %parallel_loop3A_450 : vector<16xf32>
        %parallel_loop3A_452 = arith.index_cast %parallel_loop3A_390 : i32 to index
        %parallel_loop3A_453 = arith.constant 0 : index
        %parallel_loop3A_454 = tpu.vector_load %arg8[%parallel_loop3A_452, %parallel_loop3A_453] {strides = array<i32>} : memref<128x72xf32, #tpu.memory_space<vmem>>, vector<16xf32>,
        tpu.vector_store %arg8[%parallel_loop3A_452, %parallel_loop3A_453], %parallel_loop3A_451 {strides = array<i32>} : memref<128x72xf32, #tpu.memory_space<vmem>>, vector<16xf32>,
        %parallel_loop3A_455 = arith.index_cast %parallel_loop3A_390 : i32 to index
        %parallel_loop3A_456 = arith.constant 16 : index
        %parallel_loop3A_457 = tpu.vector_load %arg8[%parallel_loop3A_455, %parallel_loop3A_456] {strides = array<i32>} : memref<128x72xf32, #tpu.memory_space<vmem>>, vector<16xf32>,
        %parallel_loop3A_458 = tpu.iota {dimensions = array<i32: 0>} : vector<16xi32>
        %parallel_loop3A_459 = arith.constant 8 : i32
        %parallel_loop3A_460 = vector.broadcast %parallel_loop3A_459 : i32 to vector<16xi32>
        %parallel_loop3A_461 = arith.divsi %parallel_loop3A_458, %parallel_loop3A_460 : vector<16xi32>
        %parallel_loop3A_462 = arith.constant 0 : i32
        %parallel_loop3A_463 = vector.broadcast %parallel_loop3A_462 : i32 to vector<16xi32>
        %parallel_loop3A_464 = arith.cmpi sgt, %parallel_loop3A_458, %parallel_loop3A_463 : vector<16xi32>
        %parallel_loop3A_465 = arith.extui %parallel_loop3A_464 : vector<16xi1> to vector<16xi32>
        %parallel_loop3A_466 = arith.constant 0 : i32
        %parallel_loop3A_467 = vector.broadcast %parallel_loop3A_466 : i32 to vector<16xi32>
        %parallel_loop3A_468 = arith.cmpi slt, %parallel_loop3A_458, %parallel_loop3A_467 : vector<16xi32>
        %parallel_loop3A_469 = arith.extui %parallel_loop3A_468 : vector<16xi1> to vector<16xi32>
        %parallel_loop3A_470 = arith.subi %parallel_loop3A_465, %parallel_loop3A_469 : vector<16xi32>
        %parallel_loop3A_471 = arith.constant 0 : i32
        %parallel_loop3A_472 = arith.cmpi sgt, %parallel_loop3A_459, %parallel_loop3A_471 : i32
        %parallel_loop3A_473 = arith.extui %parallel_loop3A_472 : i1 to i32
        %parallel_loop3A_474 = arith.constant 0 : i32
        %parallel_loop3A_475 = arith.cmpi slt, %parallel_loop3A_459, %parallel_loop3A_474 : i32
        %parallel_loop3A_476 = arith.extui %parallel_loop3A_475 : i1 to i32
        %parallel_loop3A_477 = arith.subi %parallel_loop3A_473, %parallel_loop3A_476 : i32
        %parallel_loop3A_478 = vector.broadcast %parallel_loop3A_477 : i32 to vector<16xi32>
        %parallel_loop3A_479 = arith.cmpi ne, %parallel_loop3A_470, %parallel_loop3A_478 : vector<16xi32>
        %parallel_loop3A_480 = vector.broadcast %parallel_loop3A_459 : i32 to vector<16xi32>
        %parallel_loop3A_481 = arith.remsi %parallel_loop3A_458, %parallel_loop3A_480 : vector<16xi32>
        %parallel_loop3A_482 = arith.constant 0 : i32
        %parallel_loop3A_483 = vector.broadcast %parallel_loop3A_482 : i32 to vector<16xi32>
        %parallel_loop3A_484 = arith.cmpi ne, %parallel_loop3A_481, %parallel_loop3A_483 : vector<16xi32>
        %parallel_loop3A_485 = arith.andi %parallel_loop3A_479, %parallel_loop3A_484 : vector<16xi1>
        %parallel_loop3A_486 = arith.constant 1 : i32
        %parallel_loop3A_487 = vector.broadcast %parallel_loop3A_486 : i32 to vector<16xi32>
        %parallel_loop3A_488 = arith.subi %parallel_loop3A_461, %parallel_loop3A_487 : vector<16xi32>
        %parallel_loop3A_489 = arith.select %parallel_loop3A_485, %parallel_loop3A_488, %parallel_loop3A_461 : vector<16xi1>, vector<16xi32>
        %parallel_loop3A_490 = arith.constant 2 : i32
        %parallel_loop3A_491 = vector.broadcast %parallel_loop3A_490 : i32 to vector<16xi32>
        %parallel_loop3A_492 = arith.addi %parallel_loop3A_489, %parallel_loop3A_491 : vector<16xi32>
        %parallel_loop3A_493 = arith.constant 8 : i32
        %parallel_loop3A_494 = vector.broadcast %parallel_loop3A_493 : i32 to vector<16xi32>
        %parallel_loop3A_495 = arith.addi %parallel_loop3A_492, %parallel_loop3A_494 : vector<16xi32>
        %parallel_loop3A_496 = vector.shape_cast %parallel_loop3A_495 : vector<16xi32> to vector<16x1xi32>
        %parallel_loop3A_497 = vector.shape_cast %parallel_loop3A_496 : vector<16x1xi32> to vector<16xi32>
        %parallel_loop3A_498 = tpu.dynamic_gather %parallel_loop3A_406[%parallel_loop3A_497] in [0] : vector<16xf32>, vector<16xi32> -> vector<16xf32>
        %parallel_loop3A_499 = arith.mulf %parallel_loop3A_457, %parallel_loop3A_498 : vector<16xf32>
        %parallel_loop3A_500 = arith.index_cast %parallel_loop3A_390 : i32 to index
        %parallel_loop3A_501 = arith.constant 16 : index
        %parallel_loop3A_502 = tpu.vector_load %arg8[%parallel_loop3A_500, %parallel_loop3A_501] {strides = array<i32>} : memref<128x72xf32, #tpu.memory_space<vmem>>, vector<16xf32>,
        tpu.vector_store %arg8[%parallel_loop3A_500, %parallel_loop3A_501], %parallel_loop3A_499 {strides = array<i32>} : memref<128x72xf32, #tpu.memory_space<vmem>>, vector<16xf32>,
        %parallel_loop3A_503 = arith.index_cast %parallel_loop3A_390 : i32 to index
        %parallel_loop3A_504 = arith.constant 32 : index
        %parallel_loop3A_505 = tpu.vector_load %arg8[%parallel_loop3A_503, %parallel_loop3A_504] {strides = array<i32>} : memref<128x72xf32, #tpu.memory_space<vmem>>, vector<16xf32>,
        %parallel_loop3A_506 = tpu.iota {dimensions = array<i32: 0>} : vector<16xi32>
        %parallel_loop3A_507 = arith.constant 8 : i32
        %parallel_loop3A_508 = vector.broadcast %parallel_loop3A_507 : i32 to vector<16xi32>
        %parallel_loop3A_509 = arith.divsi %parallel_loop3A_506, %parallel_loop3A_508 : vector<16xi32>
        %parallel_loop3A_510 = arith.constant 0 : i32
        %parallel_loop3A_511 = vector.broadcast %parallel_loop3A_510 : i32 to vector<16xi32>
        %parallel_loop3A_512 = arith.cmpi sgt, %parallel_loop3A_506, %parallel_loop3A_511 : vector<16xi32>
        %parallel_loop3A_513 = arith.extui %parallel_loop3A_512 : vector<16xi1> to vector<16xi32>
        %parallel_loop3A_514 = arith.constant 0 : i32
        %parallel_loop3A_515 = vector.broadcast %parallel_loop3A_514 : i32 to vector<16xi32>
        %parallel_loop3A_516 = arith.cmpi slt, %parallel_loop3A_506, %parallel_loop3A_515 : vector<16xi32>
        %parallel_loop3A_517 = arith.extui %parallel_loop3A_516 : vector<16xi1> to vector<16xi32>
        %parallel_loop3A_518 = arith.subi %parallel_loop3A_513, %parallel_loop3A_517 : vector<16xi32>
        %parallel_loop3A_519 = arith.constant 0 : i32
        %parallel_loop3A_520 = arith.cmpi sgt, %parallel_loop3A_507, %parallel_loop3A_519 : i32
        %parallel_loop3A_521 = arith.extui %parallel_loop3A_520 : i1 to i32
        %parallel_loop3A_522 = arith.constant 0 : i32
        %parallel_loop3A_523 = arith.cmpi slt, %parallel_loop3A_507, %parallel_loop3A_522 : i32
        %parallel_loop3A_524 = arith.extui %parallel_loop3A_523 : i1 to i32
        %parallel_loop3A_525 = arith.subi %parallel_loop3A_521, %parallel_loop3A_524 : i32
        %parallel_loop3A_526 = vector.broadcast %parallel_loop3A_525 : i32 to vector<16xi32>
        %parallel_loop3A_527 = arith.cmpi ne, %parallel_loop3A_518, %parallel_loop3A_526 : vector<16xi32>
        %parallel_loop3A_528 = vector.broadcast %parallel_loop3A_507 : i32 to vector<16xi32>
        %parallel_loop3A_529 = arith.remsi %parallel_loop3A_506, %parallel_loop3A_528 : vector<16xi32>
        %parallel_loop3A_530 = arith.constant 0 : i32
        %parallel_loop3A_531 = vector.broadcast %parallel_loop3A_530 : i32 to vector<16xi32>
        %parallel_loop3A_532 = arith.cmpi ne, %parallel_loop3A_529, %parallel_loop3A_531 : vector<16xi32>
        %parallel_loop3A_533 = arith.andi %parallel_loop3A_527, %parallel_loop3A_532 : vector<16xi1>
        %parallel_loop3A_534 = arith.constant 1 : i32
        %parallel_loop3A_535 = vector.broadcast %parallel_loop3A_534 : i32 to vector<16xi32>
        %parallel_loop3A_536 = arith.subi %parallel_loop3A_509, %parallel_loop3A_535 : vector<16xi32>
        %parallel_loop3A_537 = arith.select %parallel_loop3A_533, %parallel_loop3A_536, %parallel_loop3A_509 : vector<16xi1>, vector<16xi32>
        %parallel_loop3A_538 = arith.constant 4 : i32
        %parallel_loop3A_539 = vector.broadcast %parallel_loop3A_538 : i32 to vector<16xi32>
        %parallel_loop3A_540 = arith.addi %parallel_loop3A_537, %parallel_loop3A_539 : vector<16xi32>
        %parallel_loop3A_541 = arith.constant 8 : i32
        %parallel_loop3A_542 = vector.broadcast %parallel_loop3A_541 : i32 to vector<16xi32>
        %parallel_loop3A_543 = arith.addi %parallel_loop3A_540, %parallel_loop3A_542 : vector<16xi32>
        %parallel_loop3A_544 = vector.shape_cast %parallel_loop3A_543 : vector<16xi32> to vector<16x1xi32>
        %parallel_loop3A_545 = vector.shape_cast %parallel_loop3A_544 : vector<16x1xi32> to vector<16xi32>
        %parallel_loop3A_546 = tpu.dynamic_gather %parallel_loop3A_406[%parallel_loop3A_545] in [0] : vector<16xf32>, vector<16xi32> -> vector<16xf32>
        %parallel_loop3A_547 = arith.mulf %parallel_loop3A_505, %parallel_loop3A_546 : vector<16xf32>
        %parallel_loop3A_548 = arith.index_cast %parallel_loop3A_390 : i32 to index
        %parallel_loop3A_549 = arith.constant 32 : index
        %parallel_loop3A_550 = tpu.vector_load %arg8[%parallel_loop3A_548, %parallel_loop3A_549] {strides = array<i32>} : memref<128x72xf32, #tpu.memory_space<vmem>>, vector<16xf32>,
        tpu.vector_store %arg8[%parallel_loop3A_548, %parallel_loop3A_549], %parallel_loop3A_547 {strides = array<i32>} : memref<128x72xf32, #tpu.memory_space<vmem>>, vector<16xf32>,
        %parallel_loop3A_551 = arith.index_cast %parallel_loop3A_390 : i32 to index
        %parallel_loop3A_552 = arith.constant 48 : index
        %parallel_loop3A_553 = tpu.vector_load %arg8[%parallel_loop3A_551, %parallel_loop3A_552] {strides = array<i32>} : memref<128x72xf32, #tpu.memory_space<vmem>>, vector<16xf32>,
        %parallel_loop3A_554 = tpu.iota {dimensions = array<i32: 0>} : vector<16xi32>
        %parallel_loop3A_555 = arith.constant 8 : i32
        %parallel_loop3A_556 = vector.broadcast %parallel_loop3A_555 : i32 to vector<16xi32>
        %parallel_loop3A_557 = arith.divsi %parallel_loop3A_554, %parallel_loop3A_556 : vector<16xi32>
        %parallel_loop3A_558 = arith.constant 0 : i32
        %parallel_loop3A_559 = vector.broadcast %parallel_loop3A_558 : i32 to vector<16xi32>
        %parallel_loop3A_560 = arith.cmpi sgt, %parallel_loop3A_554, %parallel_loop3A_559 : vector<16xi32>
        %parallel_loop3A_561 = arith.extui %parallel_loop3A_560 : vector<16xi1> to vector<16xi32>
        %parallel_loop3A_562 = arith.constant 0 : i32
        %parallel_loop3A_563 = vector.broadcast %parallel_loop3A_562 : i32 to vector<16xi32>
        %parallel_loop3A_564 = arith.cmpi slt, %parallel_loop3A_554, %parallel_loop3A_563 : vector<16xi32>
        %parallel_loop3A_565 = arith.extui %parallel_loop3A_564 : vector<16xi1> to vector<16xi32>
        %parallel_loop3A_566 = arith.subi %parallel_loop3A_561, %parallel_loop3A_565 : vector<16xi32>
        %parallel_loop3A_567 = arith.constant 0 : i32
        %parallel_loop3A_568 = arith.cmpi sgt, %parallel_loop3A_555, %parallel_loop3A_567 : i32
        %parallel_loop3A_569 = arith.extui %parallel_loop3A_568 : i1 to i32
        %parallel_loop3A_570 = arith.constant 0 : i32
        %parallel_loop3A_571 = arith.cmpi slt, %parallel_loop3A_555, %parallel_loop3A_570 : i32
        %parallel_loop3A_572 = arith.extui %parallel_loop3A_571 : i1 to i32
        %parallel_loop3A_573 = arith.subi %parallel_loop3A_569, %parallel_loop3A_572 : i32
        %parallel_loop3A_574 = vector.broadcast %parallel_loop3A_573 : i32 to vector<16xi32>
        %parallel_loop3A_575 = arith.cmpi ne, %parallel_loop3A_566, %parallel_loop3A_574 : vector<16xi32>
        %parallel_loop3A_576 = vector.broadcast %parallel_loop3A_555 : i32 to vector<16xi32>
        %parallel_loop3A_577 = arith.remsi %parallel_loop3A_554, %parallel_loop3A_576 : vector<16xi32>
        %parallel_loop3A_578 = arith.constant 0 : i32
        %parallel_loop3A_579 = vector.broadcast %parallel_loop3A_578 : i32 to vector<16xi32>
        %parallel_loop3A_580 = arith.cmpi ne, %parallel_loop3A_577, %parallel_loop3A_579 : vector<16xi32>
        %parallel_loop3A_581 = arith.andi %parallel_loop3A_575, %parallel_loop3A_580 : vector<16xi1>
        %parallel_loop3A_582 = arith.constant 1 : i32
        %parallel_loop3A_583 = vector.broadcast %parallel_loop3A_582 : i32 to vector<16xi32>
        %parallel_loop3A_584 = arith.subi %parallel_loop3A_557, %parallel_loop3A_583 : vector<16xi32>
        %parallel_loop3A_585 = arith.select %parallel_loop3A_581, %parallel_loop3A_584, %parallel_loop3A_557 : vector<16xi1>, vector<16xi32>
        %parallel_loop3A_586 = arith.constant 6 : i32
        %parallel_loop3A_587 = vector.broadcast %parallel_loop3A_586 : i32 to vector<16xi32>
        %parallel_loop3A_588 = arith.addi %parallel_loop3A_585, %parallel_loop3A_587 : vector<16xi32>
        %parallel_loop3A_589 = arith.constant 8 : i32
        %parallel_loop3A_590 = vector.broadcast %parallel_loop3A_589 : i32 to vector<16xi32>
        %parallel_loop3A_591 = arith.addi %parallel_loop3A_588, %parallel_loop3A_590 : vector<16xi32>
        %parallel_loop3A_592 = vector.shape_cast %parallel_loop3A_591 : vector<16xi32> to vector<16x1xi32>
        %parallel_loop3A_593 = vector.shape_cast %parallel_loop3A_592 : vector<16x1xi32> to vector<16xi32>
        %parallel_loop3A_594 = tpu.dynamic_gather %parallel_loop3A_406[%parallel_loop3A_593] in [0] : vector<16xf32>, vector<16xi32> -> vector<16xf32>
        %parallel_loop3A_595 = arith.mulf %parallel_loop3A_553, %parallel_loop3A_594 : vector<16xf32>
        %parallel_loop3A_596 = arith.index_cast %parallel_loop3A_390 : i32 to index
        %parallel_loop3A_597 = arith.constant 48 : index
        %parallel_loop3A_598 = tpu.vector_load %arg8[%parallel_loop3A_596, %parallel_loop3A_597] {strides = array<i32>} : memref<128x72xf32, #tpu.memory_space<vmem>>, vector<16xf32>,
        tpu.vector_store %arg8[%parallel_loop3A_596, %parallel_loop3A_597], %parallel_loop3A_595 {strides = array<i32>} : memref<128x72xf32, #tpu.memory_space<vmem>>, vector<16xf32>,
        %parallel_loop3A_599 = arith.constant 0 : i32
        %parallel_loop3A_600 = vector.broadcast %parallel_loop3A_599 : i32 to vector<16xi32>
        %parallel_loop3A_601 = vector.broadcast %parallel_loop3A_390 : i32 to vector<16xi32>
        %parallel_loop3A_602 = arith.addi %parallel_loop3A_600, %parallel_loop3A_601 : vector<16xi32>
        %parallel_loop3A_603 = arith.constant 56 : i32
        %parallel_loop3A_604 = vector.broadcast %parallel_loop3A_603 : i32 to vector<16xi32>
        %parallel_loop3A_605 = arith.addi %parallel_loop3A_391, %parallel_loop3A_604 : vector<16xi32>
        %parallel_loop3A_606 = arith.constant 8 : i32
        %parallel_loop3A_607 = vector.broadcast %parallel_loop3A_606 : i32 to vector<16xi32>
        %parallel_loop3A_608 = arith.cmpi sge, %parallel_loop3A_391, %parallel_loop3A_607 : vector<16xi32>
        tpu.vector_store_idx %arg8[%parallel_loop3A_602, %parallel_loop3A_605], %parallel_loop3A_406 masked %parallel_loop3A_608 : memref<128x72xf32, #tpu.memory_space<vmem>>[vector<16xi32>, vector<16xi32>], vector<16xf32>, vector<16xi1>
      } {sc.loop_unroll_factor = 4 : i64, sc.parallel_access}
      %dma_start3A_326 = arith.constant 2 : i32
      %dma_start3A_327 = arith.constant 1 : i32
      %dma_start3A_328 = arith.constant 0 : i32
      %dma_start3A_329 = tpu.memref_slice %arg7[%dma_start3A_326, %dma_start3A_327, %dma_start3A_328] : memref<4x2x128xi32, #tpu.memory_space<vmem>> -> memref<1x1x128xi32, #tpu.memory_space<vmem>>
      %dma_start3A_330 = tpu.memref_squeeze %dma_start3A_329 : memref<1x1x128xi32, #tpu.memory_space<vmem>> -> memref<128xi32, #tpu.memory_space<vmem>>
      %dma_start3A_331 = arith.constant 0 : i32
      %dma_start3A_332 = arith.constant 0 : i32
      %dma_start3A_333 = tpu.memref_slice %arg12[%dma_start3A_331, %dma_start3A_332] : memref<10240x72xf32, #tpu.memory_space<vmem_shared>> -> memref<10240x72xf32, #tpu.memory_space<vmem_shared>>
      tpu.enqueue_indirect_dma source(%arg8 : memref<128x72xf32, #tpu.memory_space<vmem>>) target(%dma_start3A_333 : memref<10240x72xf32, #tpu.memory_space<vmem_shared>>) offsets(%dma_start3A_330 : memref<128xi32, #tpu.memory_space<vmem>>) semaphore(%arg23 : memref<!tpu.dma_semaphore, #tpu.memory_space<semaphore_mem>>) {add = true}
      %mul3A_334 = arith.constant 4 : i32
      %mul3A_335 = arith.muli %mul3A_334, %scan3A_171 : i32
      %add3A_336 = arith.constant 3 : i32
      %add3A_337 = arith.addi %mul3A_335, %add3A_336 : i32
      %add3A_338 = arith.constant 2 : i32
      %add3A_339 = arith.addi %add3A_337, %add3A_338 : i32
      %lt3A_340 = arith.constant 84 : i32
      %lt3A_341 = arith.cmpi slt, %add3A_339, %lt3A_340 : i32
      %convert_element_type3A_342 = arith.extui %lt3A_341 : i1 to i32
      %cond3A_343 = arith.constant 0 : i32
      %cond3A_344 = arith.cmpi ne, %convert_element_type3A_342, %cond3A_343 : i32
      scf.if %cond3A_344 {
        %add3A_390 = arith.constant 2 : i32
        %add3A_391 = arith.addi %add3A_337, %add3A_390 : i32
        %mul3A_392 = arith.constant 32 : i32
        %mul3A_393 = arith.muli %add3A_391, %mul3A_392 : i32
        %add3A_394 = arith.addi %mul3A_393, %add3A : i32
        %dma_start3A_395 = arith.constant 1 : i32
        %dma_start3A_396 = arith.constant 0 : i32
        %dma_start3A_397 = arith.constant 0 : i32
        %dma_start3A_398 = tpu.memref_slice %arg7[%dma_start3A_395, %dma_start3A_396, %dma_start3A_397] : memref<4x2x128xi32, #tpu.memory_space<vmem>> -> memref<1x2x128xi32, #tpu.memory_space<vmem>>
        %dma_start3A_399 = tpu.memref_squeeze %dma_start3A_398 : memref<1x2x128xi32, #tpu.memory_space<vmem>> -> memref<2x128xi32, #tpu.memory_space<vmem>>
        %dma_start3A_400 = arith.constant 0 : i32
        %dma_start3A_401 = arith.constant 0 : i32
        %dma_start3A_402 = tpu.memref_slice %arg2[%add3A_394, %dma_start3A_400, %dma_start3A_401] : memref<2688x2x128xi32, #tpu.memory_space<hbm>> -> memref<1x2x128xi32, #tpu.memory_space<hbm>>
        %dma_start3A_403 = tpu.memref_squeeze %dma_start3A_402 : memref<1x2x128xi32, #tpu.memory_space<hbm>> -> memref<2x128xi32, #tpu.memory_space<hbm>>
        %dma_start3A_404 = arith.constant 0 : i32
        %dma_start3A_405 = arith.constant 0 : i32
        %dma_start3A_406 = tpu.memref_slice %arg7[%dma_start3A_395, %dma_start3A_404, %dma_start3A_405] : memref<4x2x128xi32, #tpu.memory_space<vmem>> -> memref<1x2x128xi32, #tpu.memory_space<vmem>>
        %dma_start3A_407 = tpu.memref_squeeze %dma_start3A_406 : memref<1x2x128xi32, #tpu.memory_space<vmem>> -> memref<2x128xi32, #tpu.memory_space<vmem>>
        %dma_start3A_408 = arith.constant 0 : i32
        %dma_start3A_409 = arith.constant 0 : i32
        %dma_start3A_410 = tpu.memref_slice %arg2[%add3A_394, %dma_start3A_408, %dma_start3A_409] : memref<2688x2x128xi32, #tpu.memory_space<hbm>> -> memref<1x2x128xi32, #tpu.memory_space<hbm>>
        %dma_start3A_411 = tpu.memref_squeeze %dma_start3A_410 : memref<1x2x128xi32, #tpu.memory_space<hbm>> -> memref<2x128xi32, #tpu.memory_space<hbm>>
        tpu.enqueue_dma source(%dma_start3A_411 : memref<2x128xi32, #tpu.memory_space<hbm>>) target(%dma_start3A_407 : memref<2x128xi32, #tpu.memory_space<vmem>>) target_semaphore(%arg16 : memref<!tpu.dma_semaphore, #tpu.memory_space<semaphore_mem>>)
      } else {
      }
      %add3A_345 = arith.constant 1 : i32
      %add3A_346 = arith.addi %add3A_337, %add3A_345 : i32
      %lt3A_347 = arith.constant 84 : i32
      %lt3A_348 = arith.cmpi slt, %add3A_346, %lt3A_347 : i32
      %ge3A_349 = arith.constant 1 : i32
      %ge3A_350 = arith.cmpi sge, %add3A_337, %ge3A_349 : i32
      %and3A_351 = arith.andi %lt3A_348, %ge3A_350 : i1
      %convert_element_type3A_352 = arith.extui %and3A_351 : i1 to i32
      %cond3A_353 = arith.constant 0 : i32
      %cond3A_354 = arith.cmpi ne, %convert_element_type3A_352, %cond3A_353 : i32
      scf.if %cond3A_354 {
        %dma_wait3A_390 = arith.constant 0 : i32
        %dma_wait3A_391 = arith.constant 1 : i32
        %dma_wait3A_392 = arith.constant 0 : i32
        %dma_wait3A_393 = tpu.memref_slice %arg7[%dma_wait3A_390, %dma_wait3A_391, %dma_wait3A_392] : memref<4x2x128xi32, #tpu.memory_space<vmem>> -> memref<1x1x128xi32, #tpu.memory_space<vmem>>
        %dma_wait3A_394 = tpu.memref_squeeze %dma_wait3A_393 : memref<1x1x128xi32, #tpu.memory_space<vmem>> -> memref<128xi32, #tpu.memory_space<vmem>>
        %dma_wait3A_395 = arith.constant 0 : i32
        %dma_wait3A_396 = arith.constant 0 : i32
        %dma_wait3A_397 = tpu.memref_slice %arg12[%dma_wait3A_395, %dma_wait3A_396] : memref<10240x72xf32, #tpu.memory_space<vmem_shared>> -> memref<10240x72xf32, #tpu.memory_space<vmem_shared>>
        tpu.wait_indirect_dma semaphore(%arg23 : memref<!tpu.dma_semaphore, #tpu.memory_space<semaphore_mem>>) src(%arg8 : memref<128x72xf32, #tpu.memory_space<vmem>>) dst(%dma_wait3A_397 : memref<10240x72xf32, #tpu.memory_space<vmem_shared>>)
      } else {
      }
      %add3A_355 = arith.constant 1 : i32
      %add3A_356 = arith.addi %add3A_337, %add3A_355 : i32
      %lt3A_357 = arith.constant 84 : i32
      %lt3A_358 = arith.cmpi slt, %add3A_356, %lt3A_357 : i32
      %convert_element_type3A_359 = arith.extui %lt3A_358 : i1 to i32
      %cond3A_360 = arith.constant 0 : i32
      %cond3A_361 = arith.cmpi ne, %convert_element_type3A_359, %cond3A_360 : i32
      scf.if %cond3A_361 {
        %dma_wait3A_390 = arith.constant 0 : i32
        %dma_wait3A_391 = arith.constant 0 : i32
        %dma_wait3A_392 = arith.constant 0 : i32
        %dma_wait3A_393 = arith.constant 0 : i32
        %dma_wait3A_394 = tpu.memref_slice %arg7[%dma_wait3A_391, %dma_wait3A_392, %dma_wait3A_393] : memref<4x2x128xi32, #tpu.memory_space<vmem>> -> memref<1x2x128xi32, #tpu.memory_space<vmem>>
        %dma_wait3A_395 = tpu.memref_squeeze %dma_wait3A_394 : memref<1x2x128xi32, #tpu.memory_space<vmem>> -> memref<2x128xi32, #tpu.memory_space<vmem>>
        %dma_wait3A_396 = arith.constant 0 : i32
        %dma_wait3A_397 = arith.constant 0 : i32
        %dma_wait3A_398 = tpu.memref_slice %arg2[%dma_wait3A_390, %dma_wait3A_396, %dma_wait3A_397] : memref<2688x2x128xi32, #tpu.memory_space<hbm>> -> memref<1x2x128xi32, #tpu.memory_space<hbm>>
        %dma_wait3A_399 = tpu.memref_squeeze %dma_wait3A_398 : memref<1x2x128xi32, #tpu.memory_space<hbm>> -> memref<2x128xi32, #tpu.memory_space<hbm>>
        %dma_wait3A_400 = arith.constant 0 : i32
        %dma_wait3A_401 = arith.constant 0 : i32
        %dma_wait3A_402 = tpu.memref_slice %arg7[%dma_wait3A_391, %dma_wait3A_400, %dma_wait3A_401] : memref<4x2x128xi32, #tpu.memory_space<vmem>> -> memref<1x2x128xi32, #tpu.memory_space<vmem>>
        %dma_wait3A_403 = tpu.memref_squeeze %dma_wait3A_402 : memref<1x2x128xi32, #tpu.memory_space<vmem>> -> memref<2x128xi32, #tpu.memory_space<vmem>>
        %dma_wait3A_404 = arith.constant 0 : i32
        %dma_wait3A_405 = arith.constant 0 : i32
        %dma_wait3A_406 = tpu.memref_slice %arg2[%dma_wait3A_390, %dma_wait3A_404, %dma_wait3A_405] : memref<2688x2x128xi32, #tpu.memory_space<hbm>> -> memref<1x2x128xi32, #tpu.memory_space<hbm>>
        %dma_wait3A_407 = tpu.memref_squeeze %dma_wait3A_406 : memref<1x2x128xi32, #tpu.memory_space<hbm>> -> memref<2x128xi32, #tpu.memory_space<hbm>>
        tpu.wait_dma2 semaphore(%arg15 : memref<!tpu.dma_semaphore, #tpu.memory_space<semaphore_mem>>) src(%dma_wait3A_407 : memref<2x128xi32, #tpu.memory_space<hbm>>) dst(%dma_wait3A_403 : memref<2x128xi32, #tpu.memory_space<vmem>>)
        %dma_start3A_408 = arith.constant 0 : i32
        %dma_start3A_409 = arith.constant 0 : i32
        %dma_start3A_410 = arith.constant 0 : i32
        %dma_start3A_411 = tpu.memref_slice %arg7[%dma_start3A_408, %dma_start3A_409, %dma_start3A_410] : memref<4x2x128xi32, #tpu.memory_space<vmem>> -> memref<1x1x128xi32, #tpu.memory_space<vmem>>
        %dma_start3A_412 = tpu.memref_squeeze %dma_start3A_411 : memref<1x1x128xi32, #tpu.memory_space<vmem>> -> memref<128xi32, #tpu.memory_space<vmem>>
        %dma_start3A_413 = arith.constant 0 : i32
        %dma_start3A_414 = arith.constant 0 : i32
        %dma_start3A_415 = tpu.memref_slice %arg13[%dma_start3A_413, %dma_start3A_414] : memref<10240x72xf32, #tpu.memory_space<vmem_shared>> -> memref<10240x72xf32, #tpu.memory_space<vmem_shared>>
        tpu.enqueue_indirect_dma source(%dma_start3A_415 : memref<10240x72xf32, #tpu.memory_space<vmem_shared>>) target(%arg8 : memref<128x72xf32, #tpu.memory_space<vmem>>) offsets(%dma_start3A_412 : memref<128xi32, #tpu.memory_space<vmem>>) semaphore(%arg19 : memref<!tpu.dma_semaphore, #tpu.memory_space<semaphore_mem>>)
        %dma_start3A_416 = arith.constant 0 : i32
        %dma_start3A_417 = arith.constant 1 : i32
        %dma_start3A_418 = arith.constant 0 : i32
        %dma_start3A_419 = tpu.memref_slice %arg7[%dma_start3A_416, %dma_start3A_417, %dma_start3A_418] : memref<4x2x128xi32, #tpu.memory_space<vmem>> -> memref<1x1x128xi32, #tpu.memory_space<vmem>>
        %dma_start3A_420 = tpu.memref_squeeze %dma_start3A_419 : memref<1x1x128xi32, #tpu.memory_space<vmem>> -> memref<128xi32, #tpu.memory_space<vmem>>
        %dma_start3A_421 = arith.constant 0 : i32
        %dma_start3A_422 = arith.constant 0 : i32
        %dma_start3A_423 = tpu.memref_slice %arg14[%dma_start3A_421, %dma_start3A_422] : memref<10240x16xf32, #tpu.memory_space<vmem_shared>> -> memref<10240x16xf32, #tpu.memory_space<vmem_shared>>
        tpu.enqueue_indirect_dma source(%dma_start3A_423 : memref<10240x16xf32, #tpu.memory_space<vmem_shared>>) target(%arg10 : memref<128x16xf32, #tpu.memory_space<vmem>>) offsets(%dma_start3A_420 : memref<128xi32, #tpu.memory_space<vmem>>) semaphore(%arg21 : memref<!tpu.dma_semaphore, #tpu.memory_space<semaphore_mem>>)
      } else {
      }
      %dma_wait3A_362 = arith.constant 3 : i32
      %dma_wait3A_363 = arith.constant 0 : i32
      %dma_wait3A_364 = arith.constant 0 : i32
      %dma_wait3A_365 = tpu.memref_slice %arg7[%dma_wait3A_362, %dma_wait3A_363, %dma_wait3A_364] : memref<4x2x128xi32, #tpu.memory_space<vmem>> -> memref<1x1x128xi32, #tpu.memory_space<vmem>>
      %dma_wait3A_366 = tpu.memref_squeeze %dma_wait3A_365 : memref<1x1x128xi32, #tpu.memory_space<vmem>> -> memref<128xi32, #tpu.memory_space<vmem>>
      %dma_wait3A_367 = arith.constant 0 : i32
      %dma_wait3A_368 = arith.constant 0 : i32
      %dma_wait3A_369 = tpu.memref_slice %arg13[%dma_wait3A_367, %dma_wait3A_368] : memref<10240x72xf32, #tpu.memory_space<vmem_shared>> -> memref<10240x72xf32, #tpu.memory_space<vmem_shared>>
      tpu.wait_indirect_dma semaphore(%arg20 : memref<!tpu.dma_semaphore, #tpu.memory_space<semaphore_mem>>) src(%dma_wait3A_369 : memref<10240x72xf32, #tpu.memory_space<vmem_shared>>) dst(%arg9 : memref<128x72xf32, #tpu.memory_space<vmem>>)
      %dma_wait3A_370 = arith.constant 3 : i32
      %dma_wait3A_371 = arith.constant 1 : i32
      %dma_wait3A_372 = arith.constant 0 : i32
      %dma_wait3A_373 = tpu.memref_slice %arg7[%dma_wait3A_370, %dma_wait3A_371, %dma_wait3A_372] : memref<4x2x128xi32, #tpu.memory_space<vmem>> -> memref<1x1x128xi32, #tpu.memory_space<vmem>>
      %dma_wait3A_374 = tpu.memref_squeeze %dma_wait3A_373 : memref<1x1x128xi32, #tpu.memory_space<vmem>> -> memref<128xi32, #tpu.memory_space<vmem>>
      %dma_wait3A_375 = arith.constant 0 : i32
      %dma_wait3A_376 = arith.constant 0 : i32
      %dma_wait3A_377 = tpu.memref_slice %arg14[%dma_wait3A_375, %dma_wait3A_376] : memref<10240x16xf32, #tpu.memory_space<vmem_shared>> -> memref<10240x16xf32, #tpu.memory_space<vmem_shared>>
      tpu.wait_indirect_dma semaphore(%arg22 : memref<!tpu.dma_semaphore, #tpu.memory_space<semaphore_mem>>) src(%dma_wait3A_377 : memref<10240x16xf32, #tpu.memory_space<vmem_shared>>) dst(%arg11 : memref<128x16xf32, #tpu.memory_space<vmem>>)
      %parallel_loop3A_378 = arith.constant 0 : i32
      %parallel_loop3A_379 = arith.constant 128 : i32
      %parallel_loop3A_380 = arith.constant 1 : i32
      scf.for %parallel_loop3A_390 = %parallel_loop3A_378 to %parallel_loop3A_379 step %parallel_loop3A_380  : i32 {
        %parallel_loop3A_391 = tpu.iota {dimensions = array<i32: 0>} : vector<16xi32>
        %parallel_loop3A_392 = arith.index_cast %parallel_loop3A_390 : i32 to index
        %parallel_loop3A_393 = arith.constant 56 : index
        %parallel_loop3A_394 = tpu.vector_load %arg9[%parallel_loop3A_392, %parallel_loop3A_393] {strides = array<i32>} : memref<128x72xf32, #tpu.memory_space<vmem>>, vector<16xf32>,
        %parallel_loop3A_395 = arith.index_cast %parallel_loop3A_390 : i32 to index
        %parallel_loop3A_396 = arith.constant 0 : index
        %parallel_loop3A_397 = tpu.vector_load %arg11[%parallel_loop3A_395, %parallel_loop3A_396] {strides = array<i32>} : memref<128x16xf32, #tpu.memory_space<vmem>>, vector<16xf32>,
        %parallel_loop3A_398 = arith.addf %parallel_loop3A_394, %parallel_loop3A_397 : vector<16xf32>
        %parallel_loop3A_399 = arith.constant 0.000000e+00 : f32
        %parallel_loop3A_400 = vector.broadcast %parallel_loop3A_399 : f32 to vector<16xf32>
        %parallel_loop3A_401 = arith.cmpf ogt, %parallel_loop3A_398, %parallel_loop3A_400 : vector<16xf32>
        %parallel_loop3A_402 = arith.constant 2.000000e-01 : f32
        %parallel_loop3A_403 = vector.broadcast %parallel_loop3A_402 : f32 to vector<16xf32>
        %parallel_loop3A_404 = arith.mulf %parallel_loop3A_403, %parallel_loop3A_398 : vector<16xf32>
        %parallel_loop3A_405 = arith.select %parallel_loop3A_401, %parallel_loop3A_398, %parallel_loop3A_404 : vector<16xi1>, vector<16xf32>
        %parallel_loop3A_406 = math.exp %parallel_loop3A_405 : vector<16xf32>
        %parallel_loop3A_407 = arith.index_cast %parallel_loop3A_390 : i32 to index
        %parallel_loop3A_408 = arith.constant 0 : index
        %parallel_loop3A_409 = tpu.vector_load %arg9[%parallel_loop3A_407, %parallel_loop3A_408] {strides = array<i32>} : memref<128x72xf32, #tpu.memory_space<vmem>>, vector<16xf32>,
        %parallel_loop3A_410 = tpu.iota {dimensions = array<i32: 0>} : vector<16xi32>
        %parallel_loop3A_411 = arith.constant 8 : i32
        %parallel_loop3A_412 = vector.broadcast %parallel_loop3A_411 : i32 to vector<16xi32>
        %parallel_loop3A_413 = arith.divsi %parallel_loop3A_410, %parallel_loop3A_412 : vector<16xi32>
        %parallel_loop3A_414 = arith.constant 0 : i32
        %parallel_loop3A_415 = vector.broadcast %parallel_loop3A_414 : i32 to vector<16xi32>
        %parallel_loop3A_416 = arith.cmpi sgt, %parallel_loop3A_410, %parallel_loop3A_415 : vector<16xi32>
        %parallel_loop3A_417 = arith.extui %parallel_loop3A_416 : vector<16xi1> to vector<16xi32>
        %parallel_loop3A_418 = arith.constant 0 : i32
        %parallel_loop3A_419 = vector.broadcast %parallel_loop3A_418 : i32 to vector<16xi32>
        %parallel_loop3A_420 = arith.cmpi slt, %parallel_loop3A_410, %parallel_loop3A_419 : vector<16xi32>
        %parallel_loop3A_421 = arith.extui %parallel_loop3A_420 : vector<16xi1> to vector<16xi32>
        %parallel_loop3A_422 = arith.subi %parallel_loop3A_417, %parallel_loop3A_421 : vector<16xi32>
        %parallel_loop3A_423 = arith.constant 0 : i32
        %parallel_loop3A_424 = arith.cmpi sgt, %parallel_loop3A_411, %parallel_loop3A_423 : i32
        %parallel_loop3A_425 = arith.extui %parallel_loop3A_424 : i1 to i32
        %parallel_loop3A_426 = arith.constant 0 : i32
        %parallel_loop3A_427 = arith.cmpi slt, %parallel_loop3A_411, %parallel_loop3A_426 : i32
        %parallel_loop3A_428 = arith.extui %parallel_loop3A_427 : i1 to i32
        %parallel_loop3A_429 = arith.subi %parallel_loop3A_425, %parallel_loop3A_428 : i32
        %parallel_loop3A_430 = vector.broadcast %parallel_loop3A_429 : i32 to vector<16xi32>
        %parallel_loop3A_431 = arith.cmpi ne, %parallel_loop3A_422, %parallel_loop3A_430 : vector<16xi32>
        %parallel_loop3A_432 = vector.broadcast %parallel_loop3A_411 : i32 to vector<16xi32>
        %parallel_loop3A_433 = arith.remsi %parallel_loop3A_410, %parallel_loop3A_432 : vector<16xi32>
        %parallel_loop3A_434 = arith.constant 0 : i32
        %parallel_loop3A_435 = vector.broadcast %parallel_loop3A_434 : i32 to vector<16xi32>
        %parallel_loop3A_436 = arith.cmpi ne, %parallel_loop3A_433, %parallel_loop3A_435 : vector<16xi32>
        %parallel_loop3A_437 = arith.andi %parallel_loop3A_431, %parallel_loop3A_436 : vector<16xi1>
        %parallel_loop3A_438 = arith.constant 1 : i32
        %parallel_loop3A_439 = vector.broadcast %parallel_loop3A_438 : i32 to vector<16xi32>
        %parallel_loop3A_440 = arith.subi %parallel_loop3A_413, %parallel_loop3A_439 : vector<16xi32>
        %parallel_loop3A_441 = arith.select %parallel_loop3A_437, %parallel_loop3A_440, %parallel_loop3A_413 : vector<16xi1>, vector<16xi32>
        %parallel_loop3A_442 = arith.constant 0 : i32
        %parallel_loop3A_443 = vector.broadcast %parallel_loop3A_442 : i32 to vector<16xi32>
        %parallel_loop3A_444 = arith.addi %parallel_loop3A_441, %parallel_loop3A_443 : vector<16xi32>
        %parallel_loop3A_445 = arith.constant 8 : i32
        %parallel_loop3A_446 = vector.broadcast %parallel_loop3A_445 : i32 to vector<16xi32>
        %parallel_loop3A_447 = arith.addi %parallel_loop3A_444, %parallel_loop3A_446 : vector<16xi32>
        %parallel_loop3A_448 = vector.shape_cast %parallel_loop3A_447 : vector<16xi32> to vector<16x1xi32>
        %parallel_loop3A_449 = vector.shape_cast %parallel_loop3A_448 : vector<16x1xi32> to vector<16xi32>
        %parallel_loop3A_450 = tpu.dynamic_gather %parallel_loop3A_406[%parallel_loop3A_449] in [0] : vector<16xf32>, vector<16xi32> -> vector<16xf32>
        %parallel_loop3A_451 = arith.mulf %parallel_loop3A_409, %parallel_loop3A_450 : vector<16xf32>
        %parallel_loop3A_452 = arith.index_cast %parallel_loop3A_390 : i32 to index
        %parallel_loop3A_453 = arith.constant 0 : index
        %parallel_loop3A_454 = tpu.vector_load %arg9[%parallel_loop3A_452, %parallel_loop3A_453] {strides = array<i32>} : memref<128x72xf32, #tpu.memory_space<vmem>>, vector<16xf32>,
        tpu.vector_store %arg9[%parallel_loop3A_452, %parallel_loop3A_453], %parallel_loop3A_451 {strides = array<i32>} : memref<128x72xf32, #tpu.memory_space<vmem>>, vector<16xf32>,
        %parallel_loop3A_455 = arith.index_cast %parallel_loop3A_390 : i32 to index
        %parallel_loop3A_456 = arith.constant 16 : index
        %parallel_loop3A_457 = tpu.vector_load %arg9[%parallel_loop3A_455, %parallel_loop3A_456] {strides = array<i32>} : memref<128x72xf32, #tpu.memory_space<vmem>>, vector<16xf32>,
        %parallel_loop3A_458 = tpu.iota {dimensions = array<i32: 0>} : vector<16xi32>
        %parallel_loop3A_459 = arith.constant 8 : i32
        %parallel_loop3A_460 = vector.broadcast %parallel_loop3A_459 : i32 to vector<16xi32>
        %parallel_loop3A_461 = arith.divsi %parallel_loop3A_458, %parallel_loop3A_460 : vector<16xi32>
        %parallel_loop3A_462 = arith.constant 0 : i32
        %parallel_loop3A_463 = vector.broadcast %parallel_loop3A_462 : i32 to vector<16xi32>
        %parallel_loop3A_464 = arith.cmpi sgt, %parallel_loop3A_458, %parallel_loop3A_463 : vector<16xi32>
        %parallel_loop3A_465 = arith.extui %parallel_loop3A_464 : vector<16xi1> to vector<16xi32>
        %parallel_loop3A_466 = arith.constant 0 : i32
        %parallel_loop3A_467 = vector.broadcast %parallel_loop3A_466 : i32 to vector<16xi32>
        %parallel_loop3A_468 = arith.cmpi slt, %parallel_loop3A_458, %parallel_loop3A_467 : vector<16xi32>
        %parallel_loop3A_469 = arith.extui %parallel_loop3A_468 : vector<16xi1> to vector<16xi32>
        %parallel_loop3A_470 = arith.subi %parallel_loop3A_465, %parallel_loop3A_469 : vector<16xi32>
        %parallel_loop3A_471 = arith.constant 0 : i32
        %parallel_loop3A_472 = arith.cmpi sgt, %parallel_loop3A_459, %parallel_loop3A_471 : i32
        %parallel_loop3A_473 = arith.extui %parallel_loop3A_472 : i1 to i32
        %parallel_loop3A_474 = arith.constant 0 : i32
        %parallel_loop3A_475 = arith.cmpi slt, %parallel_loop3A_459, %parallel_loop3A_474 : i32
        %parallel_loop3A_476 = arith.extui %parallel_loop3A_475 : i1 to i32
        %parallel_loop3A_477 = arith.subi %parallel_loop3A_473, %parallel_loop3A_476 : i32
        %parallel_loop3A_478 = vector.broadcast %parallel_loop3A_477 : i32 to vector<16xi32>
        %parallel_loop3A_479 = arith.cmpi ne, %parallel_loop3A_470, %parallel_loop3A_478 : vector<16xi32>
        %parallel_loop3A_480 = vector.broadcast %parallel_loop3A_459 : i32 to vector<16xi32>
        %parallel_loop3A_481 = arith.remsi %parallel_loop3A_458, %parallel_loop3A_480 : vector<16xi32>
        %parallel_loop3A_482 = arith.constant 0 : i32
        %parallel_loop3A_483 = vector.broadcast %parallel_loop3A_482 : i32 to vector<16xi32>
        %parallel_loop3A_484 = arith.cmpi ne, %parallel_loop3A_481, %parallel_loop3A_483 : vector<16xi32>
        %parallel_loop3A_485 = arith.andi %parallel_loop3A_479, %parallel_loop3A_484 : vector<16xi1>
        %parallel_loop3A_486 = arith.constant 1 : i32
        %parallel_loop3A_487 = vector.broadcast %parallel_loop3A_486 : i32 to vector<16xi32>
        %parallel_loop3A_488 = arith.subi %parallel_loop3A_461, %parallel_loop3A_487 : vector<16xi32>
        %parallel_loop3A_489 = arith.select %parallel_loop3A_485, %parallel_loop3A_488, %parallel_loop3A_461 : vector<16xi1>, vector<16xi32>
        %parallel_loop3A_490 = arith.constant 2 : i32
        %parallel_loop3A_491 = vector.broadcast %parallel_loop3A_490 : i32 to vector<16xi32>
        %parallel_loop3A_492 = arith.addi %parallel_loop3A_489, %parallel_loop3A_491 : vector<16xi32>
        %parallel_loop3A_493 = arith.constant 8 : i32
        %parallel_loop3A_494 = vector.broadcast %parallel_loop3A_493 : i32 to vector<16xi32>
        %parallel_loop3A_495 = arith.addi %parallel_loop3A_492, %parallel_loop3A_494 : vector<16xi32>
        %parallel_loop3A_496 = vector.shape_cast %parallel_loop3A_495 : vector<16xi32> to vector<16x1xi32>
        %parallel_loop3A_497 = vector.shape_cast %parallel_loop3A_496 : vector<16x1xi32> to vector<16xi32>
        %parallel_loop3A_498 = tpu.dynamic_gather %parallel_loop3A_406[%parallel_loop3A_497] in [0] : vector<16xf32>, vector<16xi32> -> vector<16xf32>
        %parallel_loop3A_499 = arith.mulf %parallel_loop3A_457, %parallel_loop3A_498 : vector<16xf32>
        %parallel_loop3A_500 = arith.index_cast %parallel_loop3A_390 : i32 to index
        %parallel_loop3A_501 = arith.constant 16 : index
        %parallel_loop3A_502 = tpu.vector_load %arg9[%parallel_loop3A_500, %parallel_loop3A_501] {strides = array<i32>} : memref<128x72xf32, #tpu.memory_space<vmem>>, vector<16xf32>,
        tpu.vector_store %arg9[%parallel_loop3A_500, %parallel_loop3A_501], %parallel_loop3A_499 {strides = array<i32>} : memref<128x72xf32, #tpu.memory_space<vmem>>, vector<16xf32>,
        %parallel_loop3A_503 = arith.index_cast %parallel_loop3A_390 : i32 to index
        %parallel_loop3A_504 = arith.constant 32 : index
        %parallel_loop3A_505 = tpu.vector_load %arg9[%parallel_loop3A_503, %parallel_loop3A_504] {strides = array<i32>} : memref<128x72xf32, #tpu.memory_space<vmem>>, vector<16xf32>,
        %parallel_loop3A_506 = tpu.iota {dimensions = array<i32: 0>} : vector<16xi32>
        %parallel_loop3A_507 = arith.constant 8 : i32
        %parallel_loop3A_508 = vector.broadcast %parallel_loop3A_507 : i32 to vector<16xi32>
        %parallel_loop3A_509 = arith.divsi %parallel_loop3A_506, %parallel_loop3A_508 : vector<16xi32>
        %parallel_loop3A_510 = arith.constant 0 : i32
        %parallel_loop3A_511 = vector.broadcast %parallel_loop3A_510 : i32 to vector<16xi32>
        %parallel_loop3A_512 = arith.cmpi sgt, %parallel_loop3A_506, %parallel_loop3A_511 : vector<16xi32>
        %parallel_loop3A_513 = arith.extui %parallel_loop3A_512 : vector<16xi1> to vector<16xi32>
        %parallel_loop3A_514 = arith.constant 0 : i32
        %parallel_loop3A_515 = vector.broadcast %parallel_loop3A_514 : i32 to vector<16xi32>
        %parallel_loop3A_516 = arith.cmpi slt, %parallel_loop3A_506, %parallel_loop3A_515 : vector<16xi32>
        %parallel_loop3A_517 = arith.extui %parallel_loop3A_516 : vector<16xi1> to vector<16xi32>
        %parallel_loop3A_518 = arith.subi %parallel_loop3A_513, %parallel_loop3A_517 : vector<16xi32>
        %parallel_loop3A_519 = arith.constant 0 : i32
        %parallel_loop3A_520 = arith.cmpi sgt, %parallel_loop3A_507, %parallel_loop3A_519 : i32
        %parallel_loop3A_521 = arith.extui %parallel_loop3A_520 : i1 to i32
        %parallel_loop3A_522 = arith.constant 0 : i32
        %parallel_loop3A_523 = arith.cmpi slt, %parallel_loop3A_507, %parallel_loop3A_522 : i32
        %parallel_loop3A_524 = arith.extui %parallel_loop3A_523 : i1 to i32
        %parallel_loop3A_525 = arith.subi %parallel_loop3A_521, %parallel_loop3A_524 : i32
        %parallel_loop3A_526 = vector.broadcast %parallel_loop3A_525 : i32 to vector<16xi32>
        %parallel_loop3A_527 = arith.cmpi ne, %parallel_loop3A_518, %parallel_loop3A_526 : vector<16xi32>
        %parallel_loop3A_528 = vector.broadcast %parallel_loop3A_507 : i32 to vector<16xi32>
        %parallel_loop3A_529 = arith.remsi %parallel_loop3A_506, %parallel_loop3A_528 : vector<16xi32>
        %parallel_loop3A_530 = arith.constant 0 : i32
        %parallel_loop3A_531 = vector.broadcast %parallel_loop3A_530 : i32 to vector<16xi32>
        %parallel_loop3A_532 = arith.cmpi ne, %parallel_loop3A_529, %parallel_loop3A_531 : vector<16xi32>
        %parallel_loop3A_533 = arith.andi %parallel_loop3A_527, %parallel_loop3A_532 : vector<16xi1>
        %parallel_loop3A_534 = arith.constant 1 : i32
        %parallel_loop3A_535 = vector.broadcast %parallel_loop3A_534 : i32 to vector<16xi32>
        %parallel_loop3A_536 = arith.subi %parallel_loop3A_509, %parallel_loop3A_535 : vector<16xi32>
        %parallel_loop3A_537 = arith.select %parallel_loop3A_533, %parallel_loop3A_536, %parallel_loop3A_509 : vector<16xi1>, vector<16xi32>
        %parallel_loop3A_538 = arith.constant 4 : i32
        %parallel_loop3A_539 = vector.broadcast %parallel_loop3A_538 : i32 to vector<16xi32>
        %parallel_loop3A_540 = arith.addi %parallel_loop3A_537, %parallel_loop3A_539 : vector<16xi32>
        %parallel_loop3A_541 = arith.constant 8 : i32
        %parallel_loop3A_542 = vector.broadcast %parallel_loop3A_541 : i32 to vector<16xi32>
        %parallel_loop3A_543 = arith.addi %parallel_loop3A_540, %parallel_loop3A_542 : vector<16xi32>
        %parallel_loop3A_544 = vector.shape_cast %parallel_loop3A_543 : vector<16xi32> to vector<16x1xi32>
        %parallel_loop3A_545 = vector.shape_cast %parallel_loop3A_544 : vector<16x1xi32> to vector<16xi32>
        %parallel_loop3A_546 = tpu.dynamic_gather %parallel_loop3A_406[%parallel_loop3A_545] in [0] : vector<16xf32>, vector<16xi32> -> vector<16xf32>
        %parallel_loop3A_547 = arith.mulf %parallel_loop3A_505, %parallel_loop3A_546 : vector<16xf32>
        %parallel_loop3A_548 = arith.index_cast %parallel_loop3A_390 : i32 to index
        %parallel_loop3A_549 = arith.constant 32 : index
        %parallel_loop3A_550 = tpu.vector_load %arg9[%parallel_loop3A_548, %parallel_loop3A_549] {strides = array<i32>} : memref<128x72xf32, #tpu.memory_space<vmem>>, vector<16xf32>,
        tpu.vector_store %arg9[%parallel_loop3A_548, %parallel_loop3A_549], %parallel_loop3A_547 {strides = array<i32>} : memref<128x72xf32, #tpu.memory_space<vmem>>, vector<16xf32>,
        %parallel_loop3A_551 = arith.index_cast %parallel_loop3A_390 : i32 to index
        %parallel_loop3A_552 = arith.constant 48 : index
        %parallel_loop3A_553 = tpu.vector_load %arg9[%parallel_loop3A_551, %parallel_loop3A_552] {strides = array<i32>} : memref<128x72xf32, #tpu.memory_space<vmem>>, vector<16xf32>,
        %parallel_loop3A_554 = tpu.iota {dimensions = array<i32: 0>} : vector<16xi32>
        %parallel_loop3A_555 = arith.constant 8 : i32
        %parallel_loop3A_556 = vector.broadcast %parallel_loop3A_555 : i32 to vector<16xi32>
        %parallel_loop3A_557 = arith.divsi %parallel_loop3A_554, %parallel_loop3A_556 : vector<16xi32>
        %parallel_loop3A_558 = arith.constant 0 : i32
        %parallel_loop3A_559 = vector.broadcast %parallel_loop3A_558 : i32 to vector<16xi32>
        %parallel_loop3A_560 = arith.cmpi sgt, %parallel_loop3A_554, %parallel_loop3A_559 : vector<16xi32>
        %parallel_loop3A_561 = arith.extui %parallel_loop3A_560 : vector<16xi1> to vector<16xi32>
        %parallel_loop3A_562 = arith.constant 0 : i32
        %parallel_loop3A_563 = vector.broadcast %parallel_loop3A_562 : i32 to vector<16xi32>
        %parallel_loop3A_564 = arith.cmpi slt, %parallel_loop3A_554, %parallel_loop3A_563 : vector<16xi32>
        %parallel_loop3A_565 = arith.extui %parallel_loop3A_564 : vector<16xi1> to vector<16xi32>
        %parallel_loop3A_566 = arith.subi %parallel_loop3A_561, %parallel_loop3A_565 : vector<16xi32>
        %parallel_loop3A_567 = arith.constant 0 : i32
        %parallel_loop3A_568 = arith.cmpi sgt, %parallel_loop3A_555, %parallel_loop3A_567 : i32
        %parallel_loop3A_569 = arith.extui %parallel_loop3A_568 : i1 to i32
        %parallel_loop3A_570 = arith.constant 0 : i32
        %parallel_loop3A_571 = arith.cmpi slt, %parallel_loop3A_555, %parallel_loop3A_570 : i32
        %parallel_loop3A_572 = arith.extui %parallel_loop3A_571 : i1 to i32
        %parallel_loop3A_573 = arith.subi %parallel_loop3A_569, %parallel_loop3A_572 : i32
        %parallel_loop3A_574 = vector.broadcast %parallel_loop3A_573 : i32 to vector<16xi32>
        %parallel_loop3A_575 = arith.cmpi ne, %parallel_loop3A_566, %parallel_loop3A_574 : vector<16xi32>
        %parallel_loop3A_576 = vector.broadcast %parallel_loop3A_555 : i32 to vector<16xi32>
        %parallel_loop3A_577 = arith.remsi %parallel_loop3A_554, %parallel_loop3A_576 : vector<16xi32>
        %parallel_loop3A_578 = arith.constant 0 : i32
        %parallel_loop3A_579 = vector.broadcast %parallel_loop3A_578 : i32 to vector<16xi32>
        %parallel_loop3A_580 = arith.cmpi ne, %parallel_loop3A_577, %parallel_loop3A_579 : vector<16xi32>
        %parallel_loop3A_581 = arith.andi %parallel_loop3A_575, %parallel_loop3A_580 : vector<16xi1>
        %parallel_loop3A_582 = arith.constant 1 : i32
        %parallel_loop3A_583 = vector.broadcast %parallel_loop3A_582 : i32 to vector<16xi32>
        %parallel_loop3A_584 = arith.subi %parallel_loop3A_557, %parallel_loop3A_583 : vector<16xi32>
        %parallel_loop3A_585 = arith.select %parallel_loop3A_581, %parallel_loop3A_584, %parallel_loop3A_557 : vector<16xi1>, vector<16xi32>
        %parallel_loop3A_586 = arith.constant 6 : i32
        %parallel_loop3A_587 = vector.broadcast %parallel_loop3A_586 : i32 to vector<16xi32>
        %parallel_loop3A_588 = arith.addi %parallel_loop3A_585, %parallel_loop3A_587 : vector<16xi32>
        %parallel_loop3A_589 = arith.constant 8 : i32
        %parallel_loop3A_590 = vector.broadcast %parallel_loop3A_589 : i32 to vector<16xi32>
        %parallel_loop3A_591 = arith.addi %parallel_loop3A_588, %parallel_loop3A_590 : vector<16xi32>
        %parallel_loop3A_592 = vector.shape_cast %parallel_loop3A_591 : vector<16xi32> to vector<16x1xi32>
        %parallel_loop3A_593 = vector.shape_cast %parallel_loop3A_592 : vector<16x1xi32> to vector<16xi32>
        %parallel_loop3A_594 = tpu.dynamic_gather %parallel_loop3A_406[%parallel_loop3A_593] in [0] : vector<16xf32>, vector<16xi32> -> vector<16xf32>
        %parallel_loop3A_595 = arith.mulf %parallel_loop3A_553, %parallel_loop3A_594 : vector<16xf32>
        %parallel_loop3A_596 = arith.index_cast %parallel_loop3A_390 : i32 to index
        %parallel_loop3A_597 = arith.constant 48 : index
        %parallel_loop3A_598 = tpu.vector_load %arg9[%parallel_loop3A_596, %parallel_loop3A_597] {strides = array<i32>} : memref<128x72xf32, #tpu.memory_space<vmem>>, vector<16xf32>,
        tpu.vector_store %arg9[%parallel_loop3A_596, %parallel_loop3A_597], %parallel_loop3A_595 {strides = array<i32>} : memref<128x72xf32, #tpu.memory_space<vmem>>, vector<16xf32>,
        %parallel_loop3A_599 = arith.constant 0 : i32
        %parallel_loop3A_600 = vector.broadcast %parallel_loop3A_599 : i32 to vector<16xi32>
        %parallel_loop3A_601 = vector.broadcast %parallel_loop3A_390 : i32 to vector<16xi32>
        %parallel_loop3A_602 = arith.addi %parallel_loop3A_600, %parallel_loop3A_601 : vector<16xi32>
        %parallel_loop3A_603 = arith.constant 56 : i32
        %parallel_loop3A_604 = vector.broadcast %parallel_loop3A_603 : i32 to vector<16xi32>
        %parallel_loop3A_605 = arith.addi %parallel_loop3A_391, %parallel_loop3A_604 : vector<16xi32>
        %parallel_loop3A_606 = arith.constant 8 : i32
        %parallel_loop3A_607 = vector.broadcast %parallel_loop3A_606 : i32 to vector<16xi32>
        %parallel_loop3A_608 = arith.cmpi sge, %parallel_loop3A_391, %parallel_loop3A_607 : vector<16xi32>
        tpu.vector_store_idx %arg9[%parallel_loop3A_602, %parallel_loop3A_605], %parallel_loop3A_406 masked %parallel_loop3A_608 : memref<128x72xf32, #tpu.memory_space<vmem>>[vector<16xi32>, vector<16xi32>], vector<16xf32>, vector<16xi1>
      } {sc.loop_unroll_factor = 4 : i64, sc.parallel_access}
      %dma_start3A_381 = arith.constant 3 : i32
      %dma_start3A_382 = arith.constant 1 : i32
      %dma_start3A_383 = arith.constant 0 : i32
      %dma_start3A_384 = tpu.memref_slice %arg7[%dma_start3A_381, %dma_start3A_382, %dma_start3A_383] : memref<4x2x128xi32, #tpu.memory_space<vmem>> -> memref<1x1x128xi32, #tpu.memory_space<vmem>>
      %dma_start3A_385 = tpu.memref_squeeze %dma_start3A_384 : memref<1x1x128xi32, #tpu.memory_space<vmem>> -> memref<128xi32, #tpu.memory_space<vmem>>
      %dma_start3A_386 = arith.constant 0 : i32
      %dma_start3A_387 = arith.constant 0 : i32
      %dma_start3A_388 = tpu.memref_slice %arg12[%dma_start3A_386, %dma_start3A_387] : memref<10240x72xf32, #tpu.memory_space<vmem_shared>> -> memref<10240x72xf32, #tpu.memory_space<vmem_shared>>
      tpu.enqueue_indirect_dma source(%arg9 : memref<128x72xf32, #tpu.memory_space<vmem>>) target(%dma_start3A_388 : memref<10240x72xf32, #tpu.memory_space<vmem_shared>>) offsets(%dma_start3A_385 : memref<128xi32, #tpu.memory_space<vmem>>) semaphore(%arg24 : memref<!tpu.dma_semaphore, #tpu.memory_space<semaphore_mem>>) {add = true}
      %scan3A_389 = arith.constant 0 : i32
      scf.yield %scan3A_389 : i32
    }
    %scan3A_96 = arith.constant 21 : i32
    %dma_wait3A_97 = arith.constant 0 : i32
    %dma_wait3A_98 = arith.constant 1 : i32
    %dma_wait3A_99 = arith.constant 0 : i32
    %dma_wait3A_100 = tpu.memref_slice %arg7[%dma_wait3A_97, %dma_wait3A_98, %dma_wait3A_99] : memref<4x2x128xi32, #tpu.memory_space<vmem>> -> memref<1x1x128xi32, #tpu.memory_space<vmem>>
    %dma_wait3A_101 = tpu.memref_squeeze %dma_wait3A_100 : memref<1x1x128xi32, #tpu.memory_space<vmem>> -> memref<128xi32, #tpu.memory_space<vmem>>
    %dma_wait3A_102 = arith.constant 0 : i32
    %dma_wait3A_103 = arith.constant 0 : i32
    %dma_wait3A_104 = tpu.memref_slice %arg12[%dma_wait3A_102, %dma_wait3A_103] : memref<10240x72xf32, #tpu.memory_space<vmem_shared>> -> memref<10240x72xf32, #tpu.memory_space<vmem_shared>>
    tpu.wait_indirect_dma semaphore(%arg23 : memref<!tpu.dma_semaphore, #tpu.memory_space<semaphore_mem>>) src(%arg8 : memref<128x72xf32, #tpu.memory_space<vmem>>) dst(%dma_wait3A_104 : memref<10240x72xf32, #tpu.memory_space<vmem_shared>>)
    %dma_wait3A_105 = arith.constant 0 : i32
    %dma_wait3A_106 = arith.constant 1 : i32
    %dma_wait3A_107 = arith.constant 0 : i32
    %dma_wait3A_108 = tpu.memref_slice %arg7[%dma_wait3A_105, %dma_wait3A_106, %dma_wait3A_107] : memref<4x2x128xi32, #tpu.memory_space<vmem>> -> memref<1x1x128xi32, #tpu.memory_space<vmem>>
    %dma_wait3A_109 = tpu.memref_squeeze %dma_wait3A_108 : memref<1x1x128xi32, #tpu.memory_space<vmem>> -> memref<128xi32, #tpu.memory_space<vmem>>
    %dma_wait3A_110 = arith.constant 0 : i32
    %dma_wait3A_111 = arith.constant 0 : i32
    %dma_wait3A_112 = tpu.memref_slice %arg12[%dma_wait3A_110, %dma_wait3A_111] : memref<10240x72xf32, #tpu.memory_space<vmem_shared>> -> memref<10240x72xf32, #tpu.memory_space<vmem_shared>>
    tpu.wait_indirect_dma semaphore(%arg24 : memref<!tpu.dma_semaphore, #tpu.memory_space<semaphore_mem>>) src(%arg9 : memref<128x72xf32, #tpu.memory_space<vmem>>) dst(%dma_wait3A_112 : memref<10240x72xf32, #tpu.memory_space<vmem_shared>>)
    %barrier3A_113 = arith.constant 0 : index
    tpu.barrier barrier_id(%barrier3A_113)
    %add3A_114 = arith.constant 0 : i32
    %add3A_115 = arith.addi %mul3A_2, %add3A_114 : i32
    "tpu.region"() ({
      %run_scoped3A = tpu.sem_alloc : memref<!tpu.dma_semaphore, #tpu.memory_space<semaphore_mem>>
      %dma_start3A_171 = arith.constant 0 : i32
      %dma_start3A_172 = tpu.memref_slice %arg12[%add3A_115, %dma_start3A_171] : memref<10240x72xf32, #tpu.memory_space<vmem_shared>> -> memref<128x72xf32, #tpu.memory_space<vmem_shared>>
      %dma_start3A_173 = arith.constant 0 : i32
      %dma_start3A_174 = tpu.memref_slice %arg12[%add3A_115, %dma_start3A_173] : memref<10240x72xf32, #tpu.memory_space<vmem_shared>> -> memref<128x72xf32, #tpu.memory_space<vmem_shared>>
      tpu.enqueue_dma source(%dma_start3A_174 : memref<128x72xf32, #tpu.memory_space<vmem_shared>>) target(%arg8 : memref<128x72xf32, #tpu.memory_space<vmem>>) target_semaphore(%run_scoped3A : memref<!tpu.dma_semaphore, #tpu.memory_space<semaphore_mem>>)
      %dma_wait3A_175 = arith.constant 0 : i32
      %dma_wait3A_176 = tpu.memref_slice %arg12[%add3A_115, %dma_wait3A_175] : memref<10240x72xf32, #tpu.memory_space<vmem_shared>> -> memref<128x72xf32, #tpu.memory_space<vmem_shared>>
      %dma_wait3A_177 = arith.constant 0 : i32
      %dma_wait3A_178 = tpu.memref_slice %arg12[%add3A_115, %dma_wait3A_177] : memref<10240x72xf32, #tpu.memory_space<vmem_shared>> -> memref<128x72xf32, #tpu.memory_space<vmem_shared>>
      tpu.wait_dma2 semaphore(%run_scoped3A : memref<!tpu.dma_semaphore, #tpu.memory_space<semaphore_mem>>) src(%dma_wait3A_178 : memref<128x72xf32, #tpu.memory_space<vmem_shared>>) dst(%arg8 : memref<128x72xf32, #tpu.memory_space<vmem>>)
      tpu.yield
    }) : () -> ()
    %eq3A = arith.constant 0 : i32
    %eq3A_116 = arith.cmpi eq, %arg0, %eq3A : i32
    %convert_element_type3A = arith.extui %eq3A_116 : i1 to i32
    %cond3A = arith.constant 0 : i32
    %cond3A_117 = arith.cmpi ne, %convert_element_type3A, %cond3A : i32
    scf.if %cond3A_117 {
      "tpu.region"() ({
        %run_scoped3A = tpu.sem_alloc : memref<!tpu.dma_semaphore, #tpu.memory_space<semaphore_mem>>
        %dma_start3A_171 = arith.constant 0 : i32
        %dma_start3A_172 = tpu.memref_slice %arg5[%add3A_115, %dma_start3A_171] : memref<10240x72xf32, #tpu.memory_space<hbm>> -> memref<128x72xf32, #tpu.memory_space<hbm>>
        %dma_start3A_173 = arith.constant 0 : i32
        %dma_start3A_174 = tpu.memref_slice %arg5[%add3A_115, %dma_start3A_173] : memref<10240x72xf32, #tpu.memory_space<hbm>> -> memref<128x72xf32, #tpu.memory_space<hbm>>
        tpu.enqueue_dma source(%arg8 : memref<128x72xf32, #tpu.memory_space<vmem>>) target(%dma_start3A_174 : memref<128x72xf32, #tpu.memory_space<hbm>>) target_semaphore(%run_scoped3A : memref<!tpu.dma_semaphore, #tpu.memory_space<semaphore_mem>>)
        %dma_wait3A_175 = arith.constant 0 : i32
        %dma_wait3A_176 = tpu.memref_slice %arg5[%add3A_115, %dma_wait3A_175] : memref<10240x72xf32, #tpu.memory_space<hbm>> -> memref<128x72xf32, #tpu.memory_space<hbm>>
        %dma_wait3A_177 = arith.constant 0 : i32
        %dma_wait3A_178 = tpu.memref_slice %arg5[%add3A_115, %dma_wait3A_177] : memref<10240x72xf32, #tpu.memory_space<hbm>> -> memref<128x72xf32, #tpu.memory_space<hbm>>
        tpu.wait_dma2 semaphore(%run_scoped3A : memref<!tpu.dma_semaphore, #tpu.memory_space<semaphore_mem>>) src(%arg8 : memref<128x72xf32, #tpu.memory_space<vmem>>) dst(%dma_wait3A_178 : memref<128x72xf32, #tpu.memory_space<hbm>>)
        tpu.yield
      }) : () -> ()
    } else {
    }
    %eq3A_118 = arith.constant 1 : i32
    %eq3A_119 = arith.cmpi eq, %arg0, %eq3A_118 : i32
    %convert_element_type3A_120 = arith.extui %eq3A_119 : i1 to i32
    %cond3A_121 = arith.constant 0 : i32
    %cond3A_122 = arith.cmpi ne, %convert_element_type3A_120, %cond3A_121 : i32
    scf.if %cond3A_122 {
      "tpu.region"() ({
        %run_scoped3A = tpu.sem_alloc : memref<!tpu.dma_semaphore, #tpu.memory_space<semaphore_mem>>
        %dma_start3A_171 = arith.constant 0 : i32
        %dma_start3A_172 = tpu.memref_slice %arg6[%add3A_115, %dma_start3A_171] : memref<10240x72xf32, #tpu.memory_space<hbm>> -> memref<128x72xf32, #tpu.memory_space<hbm>>
        %dma_start3A_173 = arith.constant 0 : i32
        %dma_start3A_174 = tpu.memref_slice %arg6[%add3A_115, %dma_start3A_173] : memref<10240x72xf32, #tpu.memory_space<hbm>> -> memref<128x72xf32, #tpu.memory_space<hbm>>
        tpu.enqueue_dma source(%arg8 : memref<128x72xf32, #tpu.memory_space<vmem>>) target(%dma_start3A_174 : memref<128x72xf32, #tpu.memory_space<hbm>>) target_semaphore(%run_scoped3A : memref<!tpu.dma_semaphore, #tpu.memory_space<semaphore_mem>>)
        %dma_wait3A_175 = arith.constant 0 : i32
        %dma_wait3A_176 = tpu.memref_slice %arg6[%add3A_115, %dma_wait3A_175] : memref<10240x72xf32, #tpu.memory_space<hbm>> -> memref<128x72xf32, #tpu.memory_space<hbm>>
        %dma_wait3A_177 = arith.constant 0 : i32
        %dma_wait3A_178 = tpu.memref_slice %arg6[%add3A_115, %dma_wait3A_177] : memref<10240x72xf32, #tpu.memory_space<hbm>> -> memref<128x72xf32, #tpu.memory_space<hbm>>
        tpu.wait_dma2 semaphore(%run_scoped3A : memref<!tpu.dma_semaphore, #tpu.memory_space<semaphore_mem>>) src(%arg8 : memref<128x72xf32, #tpu.memory_space<vmem>>) dst(%dma_wait3A_178 : memref<128x72xf32, #tpu.memory_space<hbm>>)
        tpu.yield
      }) : () -> ()
    } else {
    }
    %add3A_123 = arith.constant 128 : i32
    %add3A_124 = arith.addi %mul3A_2, %add3A_123 : i32
    "tpu.region"() ({
      %run_scoped3A = tpu.sem_alloc : memref<!tpu.dma_semaphore, #tpu.memory_space<semaphore_mem>>
      %dma_start3A_171 = arith.constant 0 : i32
      %dma_start3A_172 = tpu.memref_slice %arg12[%add3A_124, %dma_start3A_171] : memref<10240x72xf32, #tpu.memory_space<vmem_shared>> -> memref<128x72xf32, #tpu.memory_space<vmem_shared>>
      %dma_start3A_173 = arith.constant 0 : i32
      %dma_start3A_174 = tpu.memref_slice %arg12[%add3A_124, %dma_start3A_173] : memref<10240x72xf32, #tpu.memory_space<vmem_shared>> -> memref<128x72xf32, #tpu.memory_space<vmem_shared>>
      tpu.enqueue_dma source(%dma_start3A_174 : memref<128x72xf32, #tpu.memory_space<vmem_shared>>) target(%arg8 : memref<128x72xf32, #tpu.memory_space<vmem>>) target_semaphore(%run_scoped3A : memref<!tpu.dma_semaphore, #tpu.memory_space<semaphore_mem>>)
      %dma_wait3A_175 = arith.constant 0 : i32
      %dma_wait3A_176 = tpu.memref_slice %arg12[%add3A_124, %dma_wait3A_175] : memref<10240x72xf32, #tpu.memory_space<vmem_shared>> -> memref<128x72xf32, #tpu.memory_space<vmem_shared>>
      %dma_wait3A_177 = arith.constant 0 : i32
      %dma_wait3A_178 = tpu.memref_slice %arg12[%add3A_124, %dma_wait3A_177] : memref<10240x72xf32, #tpu.memory_space<vmem_shared>> -> memref<128x72xf32, #tpu.memory_space<vmem_shared>>
      tpu.wait_dma2 semaphore(%run_scoped3A : memref<!tpu.dma_semaphore, #tpu.memory_space<semaphore_mem>>) src(%dma_wait3A_178 : memref<128x72xf32, #tpu.memory_space<vmem_shared>>) dst(%arg8 : memref<128x72xf32, #tpu.memory_space<vmem>>)
      tpu.yield
    }) : () -> ()
    %eq3A_125 = arith.constant 0 : i32
    %eq3A_126 = arith.cmpi eq, %arg0, %eq3A_125 : i32
    %convert_element_type3A_127 = arith.extui %eq3A_126 : i1 to i32
    %cond3A_128 = arith.constant 0 : i32
    %cond3A_129 = arith.cmpi ne, %convert_element_type3A_127, %cond3A_128 : i32
    scf.if %cond3A_129 {
      "tpu.region"() ({
        %run_scoped3A = tpu.sem_alloc : memref<!tpu.dma_semaphore, #tpu.memory_space<semaphore_mem>>
        %dma_start3A_171 = arith.constant 0 : i32
        %dma_start3A_172 = tpu.memref_slice %arg5[%add3A_124, %dma_start3A_171] : memref<10240x72xf32, #tpu.memory_space<hbm>> -> memref<128x72xf32, #tpu.memory_space<hbm>>
        %dma_start3A_173 = arith.constant 0 : i32
        %dma_start3A_174 = tpu.memref_slice %arg5[%add3A_124, %dma_start3A_173] : memref<10240x72xf32, #tpu.memory_space<hbm>> -> memref<128x72xf32, #tpu.memory_space<hbm>>
        tpu.enqueue_dma source(%arg8 : memref<128x72xf32, #tpu.memory_space<vmem>>) target(%dma_start3A_174 : memref<128x72xf32, #tpu.memory_space<hbm>>) target_semaphore(%run_scoped3A : memref<!tpu.dma_semaphore, #tpu.memory_space<semaphore_mem>>)
        %dma_wait3A_175 = arith.constant 0 : i32
        %dma_wait3A_176 = tpu.memref_slice %arg5[%add3A_124, %dma_wait3A_175] : memref<10240x72xf32, #tpu.memory_space<hbm>> -> memref<128x72xf32, #tpu.memory_space<hbm>>
        %dma_wait3A_177 = arith.constant 0 : i32
        %dma_wait3A_178 = tpu.memref_slice %arg5[%add3A_124, %dma_wait3A_177] : memref<10240x72xf32, #tpu.memory_space<hbm>> -> memref<128x72xf32, #tpu.memory_space<hbm>>
        tpu.wait_dma2 semaphore(%run_scoped3A : memref<!tpu.dma_semaphore, #tpu.memory_space<semaphore_mem>>) src(%arg8 : memref<128x72xf32, #tpu.memory_space<vmem>>) dst(%dma_wait3A_178 : memref<128x72xf32, #tpu.memory_space<hbm>>)
        tpu.yield
      }) : () -> ()
    } else {
    }
    %eq3A_130 = arith.constant 1 : i32
    %eq3A_131 = arith.cmpi eq, %arg0, %eq3A_130 : i32
    %convert_element_type3A_132 = arith.extui %eq3A_131 : i1 to i32
    %cond3A_133 = arith.constant 0 : i32
    %cond3A_134 = arith.cmpi ne, %convert_element_type3A_132, %cond3A_133 : i32
    scf.if %cond3A_134 {
      "tpu.region"() ({
        %run_scoped3A = tpu.sem_alloc : memref<!tpu.dma_semaphore, #tpu.memory_space<semaphore_mem>>
        %dma_start3A_171 = arith.constant 0 : i32
        %dma_start3A_172 = tpu.memref_slice %arg6[%add3A_124, %dma_start3A_171] : memref<10240x72xf32, #tpu.memory_space<hbm>> -> memref<128x72xf32, #tpu.memory_space<hbm>>
        %dma_start3A_173 = arith.constant 0 : i32
        %dma_start3A_174 = tpu.memref_slice %arg6[%add3A_124, %dma_start3A_173] : memref<10240x72xf32, #tpu.memory_space<hbm>> -> memref<128x72xf32, #tpu.memory_space<hbm>>
        tpu.enqueue_dma source(%arg8 : memref<128x72xf32, #tpu.memory_space<vmem>>) target(%dma_start3A_174 : memref<128x72xf32, #tpu.memory_space<hbm>>) target_semaphore(%run_scoped3A : memref<!tpu.dma_semaphore, #tpu.memory_space<semaphore_mem>>)
        %dma_wait3A_175 = arith.constant 0 : i32
        %dma_wait3A_176 = tpu.memref_slice %arg6[%add3A_124, %dma_wait3A_175] : memref<10240x72xf32, #tpu.memory_space<hbm>> -> memref<128x72xf32, #tpu.memory_space<hbm>>
        %dma_wait3A_177 = arith.constant 0 : i32
        %dma_wait3A_178 = tpu.memref_slice %arg6[%add3A_124, %dma_wait3A_177] : memref<10240x72xf32, #tpu.memory_space<hbm>> -> memref<128x72xf32, #tpu.memory_space<hbm>>
        tpu.wait_dma2 semaphore(%run_scoped3A : memref<!tpu.dma_semaphore, #tpu.memory_space<semaphore_mem>>) src(%arg8 : memref<128x72xf32, #tpu.memory_space<vmem>>) dst(%dma_wait3A_178 : memref<128x72xf32, #tpu.memory_space<hbm>>)
        tpu.yield
      }) : () -> ()
    } else {
    }
    %add3A_135 = arith.constant 256 : i32
    %add3A_136 = arith.addi %mul3A_2, %add3A_135 : i32
    "tpu.region"() ({
      %run_scoped3A = tpu.sem_alloc : memref<!tpu.dma_semaphore, #tpu.memory_space<semaphore_mem>>
      %dma_start3A_171 = arith.constant 0 : i32
      %dma_start3A_172 = tpu.memref_slice %arg12[%add3A_136, %dma_start3A_171] : memref<10240x72xf32, #tpu.memory_space<vmem_shared>> -> memref<128x72xf32, #tpu.memory_space<vmem_shared>>
      %dma_start3A_173 = arith.constant 0 : i32
      %dma_start3A_174 = tpu.memref_slice %arg12[%add3A_136, %dma_start3A_173] : memref<10240x72xf32, #tpu.memory_space<vmem_shared>> -> memref<128x72xf32, #tpu.memory_space<vmem_shared>>
      tpu.enqueue_dma source(%dma_start3A_174 : memref<128x72xf32, #tpu.memory_space<vmem_shared>>) target(%arg8 : memref<128x72xf32, #tpu.memory_space<vmem>>) target_semaphore(%run_scoped3A : memref<!tpu.dma_semaphore, #tpu.memory_space<semaphore_mem>>)
      %dma_wait3A_175 = arith.constant 0 : i32
      %dma_wait3A_176 = tpu.memref_slice %arg12[%add3A_136, %dma_wait3A_175] : memref<10240x72xf32, #tpu.memory_space<vmem_shared>> -> memref<128x72xf32, #tpu.memory_space<vmem_shared>>
      %dma_wait3A_177 = arith.constant 0 : i32
      %dma_wait3A_178 = tpu.memref_slice %arg12[%add3A_136, %dma_wait3A_177] : memref<10240x72xf32, #tpu.memory_space<vmem_shared>> -> memref<128x72xf32, #tpu.memory_space<vmem_shared>>
      tpu.wait_dma2 semaphore(%run_scoped3A : memref<!tpu.dma_semaphore, #tpu.memory_space<semaphore_mem>>) src(%dma_wait3A_178 : memref<128x72xf32, #tpu.memory_space<vmem_shared>>) dst(%arg8 : memref<128x72xf32, #tpu.memory_space<vmem>>)
      tpu.yield
    }) : () -> ()
    %eq3A_137 = arith.constant 0 : i32
    %eq3A_138 = arith.cmpi eq, %arg0, %eq3A_137 : i32
    %convert_element_type3A_139 = arith.extui %eq3A_138 : i1 to i32
    %cond3A_140 = arith.constant 0 : i32
    %cond3A_141 = arith.cmpi ne, %convert_element_type3A_139, %cond3A_140 : i32
    scf.if %cond3A_141 {
      "tpu.region"() ({
        %run_scoped3A = tpu.sem_alloc : memref<!tpu.dma_semaphore, #tpu.memory_space<semaphore_mem>>
        %dma_start3A_171 = arith.constant 0 : i32
        %dma_start3A_172 = tpu.memref_slice %arg5[%add3A_136, %dma_start3A_171] : memref<10240x72xf32, #tpu.memory_space<hbm>> -> memref<128x72xf32, #tpu.memory_space<hbm>>
        %dma_start3A_173 = arith.constant 0 : i32
        %dma_start3A_174 = tpu.memref_slice %arg5[%add3A_136, %dma_start3A_173] : memref<10240x72xf32, #tpu.memory_space<hbm>> -> memref<128x72xf32, #tpu.memory_space<hbm>>
        tpu.enqueue_dma source(%arg8 : memref<128x72xf32, #tpu.memory_space<vmem>>) target(%dma_start3A_174 : memref<128x72xf32, #tpu.memory_space<hbm>>) target_semaphore(%run_scoped3A : memref<!tpu.dma_semaphore, #tpu.memory_space<semaphore_mem>>)
        %dma_wait3A_175 = arith.constant 0 : i32
        %dma_wait3A_176 = tpu.memref_slice %arg5[%add3A_136, %dma_wait3A_175] : memref<10240x72xf32, #tpu.memory_space<hbm>> -> memref<128x72xf32, #tpu.memory_space<hbm>>
        %dma_wait3A_177 = arith.constant 0 : i32
        %dma_wait3A_178 = tpu.memref_slice %arg5[%add3A_136, %dma_wait3A_177] : memref<10240x72xf32, #tpu.memory_space<hbm>> -> memref<128x72xf32, #tpu.memory_space<hbm>>
        tpu.wait_dma2 semaphore(%run_scoped3A : memref<!tpu.dma_semaphore, #tpu.memory_space<semaphore_mem>>) src(%arg8 : memref<128x72xf32, #tpu.memory_space<vmem>>) dst(%dma_wait3A_178 : memref<128x72xf32, #tpu.memory_space<hbm>>)
        tpu.yield
      }) : () -> ()
    } else {
    }
    %eq3A_142 = arith.constant 1 : i32
    %eq3A_143 = arith.cmpi eq, %arg0, %eq3A_142 : i32
    %convert_element_type3A_144 = arith.extui %eq3A_143 : i1 to i32
    %cond3A_145 = arith.constant 0 : i32
    %cond3A_146 = arith.cmpi ne, %convert_element_type3A_144, %cond3A_145 : i32
    scf.if %cond3A_146 {
      "tpu.region"() ({
        %run_scoped3A = tpu.sem_alloc : memref<!tpu.dma_semaphore, #tpu.memory_space<semaphore_mem>>
        %dma_start3A_171 = arith.constant 0 : i32
        %dma_start3A_172 = tpu.memref_slice %arg6[%add3A_136, %dma_start3A_171] : memref<10240x72xf32, #tpu.memory_space<hbm>> -> memref<128x72xf32, #tpu.memory_space<hbm>>
        %dma_start3A_173 = arith.constant 0 : i32
        %dma_start3A_174 = tpu.memref_slice %arg6[%add3A_136, %dma_start3A_173] : memref<10240x72xf32, #tpu.memory_space<hbm>> -> memref<128x72xf32, #tpu.memory_space<hbm>>
        tpu.enqueue_dma source(%arg8 : memref<128x72xf32, #tpu.memory_space<vmem>>) target(%dma_start3A_174 : memref<128x72xf32, #tpu.memory_space<hbm>>) target_semaphore(%run_scoped3A : memref<!tpu.dma_semaphore, #tpu.memory_space<semaphore_mem>>)
        %dma_wait3A_175 = arith.constant 0 : i32
        %dma_wait3A_176 = tpu.memref_slice %arg6[%add3A_136, %dma_wait3A_175] : memref<10240x72xf32, #tpu.memory_space<hbm>> -> memref<128x72xf32, #tpu.memory_space<hbm>>
        %dma_wait3A_177 = arith.constant 0 : i32
        %dma_wait3A_178 = tpu.memref_slice %arg6[%add3A_136, %dma_wait3A_177] : memref<10240x72xf32, #tpu.memory_space<hbm>> -> memref<128x72xf32, #tpu.memory_space<hbm>>
        tpu.wait_dma2 semaphore(%run_scoped3A : memref<!tpu.dma_semaphore, #tpu.memory_space<semaphore_mem>>) src(%arg8 : memref<128x72xf32, #tpu.memory_space<vmem>>) dst(%dma_wait3A_178 : memref<128x72xf32, #tpu.memory_space<hbm>>)
        tpu.yield
      }) : () -> ()
    } else {
    }
    %add3A_147 = arith.constant 384 : i32
    %add3A_148 = arith.addi %mul3A_2, %add3A_147 : i32
    "tpu.region"() ({
      %run_scoped3A = tpu.sem_alloc : memref<!tpu.dma_semaphore, #tpu.memory_space<semaphore_mem>>
      %dma_start3A_171 = arith.constant 0 : i32
      %dma_start3A_172 = tpu.memref_slice %arg12[%add3A_148, %dma_start3A_171] : memref<10240x72xf32, #tpu.memory_space<vmem_shared>> -> memref<128x72xf32, #tpu.memory_space<vmem_shared>>
      %dma_start3A_173 = arith.constant 0 : i32
      %dma_start3A_174 = tpu.memref_slice %arg12[%add3A_148, %dma_start3A_173] : memref<10240x72xf32, #tpu.memory_space<vmem_shared>> -> memref<128x72xf32, #tpu.memory_space<vmem_shared>>
      tpu.enqueue_dma source(%dma_start3A_174 : memref<128x72xf32, #tpu.memory_space<vmem_shared>>) target(%arg8 : memref<128x72xf32, #tpu.memory_space<vmem>>) target_semaphore(%run_scoped3A : memref<!tpu.dma_semaphore, #tpu.memory_space<semaphore_mem>>)
      %dma_wait3A_175 = arith.constant 0 : i32
      %dma_wait3A_176 = tpu.memref_slice %arg12[%add3A_148, %dma_wait3A_175] : memref<10240x72xf32, #tpu.memory_space<vmem_shared>> -> memref<128x72xf32, #tpu.memory_space<vmem_shared>>
      %dma_wait3A_177 = arith.constant 0 : i32
      %dma_wait3A_178 = tpu.memref_slice %arg12[%add3A_148, %dma_wait3A_177] : memref<10240x72xf32, #tpu.memory_space<vmem_shared>> -> memref<128x72xf32, #tpu.memory_space<vmem_shared>>
      tpu.wait_dma2 semaphore(%run_scoped3A : memref<!tpu.dma_semaphore, #tpu.memory_space<semaphore_mem>>) src(%dma_wait3A_178 : memref<128x72xf32, #tpu.memory_space<vmem_shared>>) dst(%arg8 : memref<128x72xf32, #tpu.memory_space<vmem>>)
      tpu.yield
    }) : () -> ()
    %eq3A_149 = arith.constant 0 : i32
    %eq3A_150 = arith.cmpi eq, %arg0, %eq3A_149 : i32
    %convert_element_type3A_151 = arith.extui %eq3A_150 : i1 to i32
    %cond3A_152 = arith.constant 0 : i32
    %cond3A_153 = arith.cmpi ne, %convert_element_type3A_151, %cond3A_152 : i32
    scf.if %cond3A_153 {
      "tpu.region"() ({
        %run_scoped3A = tpu.sem_alloc : memref<!tpu.dma_semaphore, #tpu.memory_space<semaphore_mem>>
        %dma_start3A_171 = arith.constant 0 : i32
        %dma_start3A_172 = tpu.memref_slice %arg5[%add3A_148, %dma_start3A_171] : memref<10240x72xf32, #tpu.memory_space<hbm>> -> memref<128x72xf32, #tpu.memory_space<hbm>>
        %dma_start3A_173 = arith.constant 0 : i32
        %dma_start3A_174 = tpu.memref_slice %arg5[%add3A_148, %dma_start3A_173] : memref<10240x72xf32, #tpu.memory_space<hbm>> -> memref<128x72xf32, #tpu.memory_space<hbm>>
        tpu.enqueue_dma source(%arg8 : memref<128x72xf32, #tpu.memory_space<vmem>>) target(%dma_start3A_174 : memref<128x72xf32, #tpu.memory_space<hbm>>) target_semaphore(%run_scoped3A : memref<!tpu.dma_semaphore, #tpu.memory_space<semaphore_mem>>)
        %dma_wait3A_175 = arith.constant 0 : i32
        %dma_wait3A_176 = tpu.memref_slice %arg5[%add3A_148, %dma_wait3A_175] : memref<10240x72xf32, #tpu.memory_space<hbm>> -> memref<128x72xf32, #tpu.memory_space<hbm>>
        %dma_wait3A_177 = arith.constant 0 : i32
        %dma_wait3A_178 = tpu.memref_slice %arg5[%add3A_148, %dma_wait3A_177] : memref<10240x72xf32, #tpu.memory_space<hbm>> -> memref<128x72xf32, #tpu.memory_space<hbm>>
        tpu.wait_dma2 semaphore(%run_scoped3A : memref<!tpu.dma_semaphore, #tpu.memory_space<semaphore_mem>>) src(%arg8 : memref<128x72xf32, #tpu.memory_space<vmem>>) dst(%dma_wait3A_178 : memref<128x72xf32, #tpu.memory_space<hbm>>)
        tpu.yield
      }) : () -> ()
    } else {
    }
    %eq3A_154 = arith.constant 1 : i32
    %eq3A_155 = arith.cmpi eq, %arg0, %eq3A_154 : i32
    %convert_element_type3A_156 = arith.extui %eq3A_155 : i1 to i32
    %cond3A_157 = arith.constant 0 : i32
    %cond3A_158 = arith.cmpi ne, %convert_element_type3A_156, %cond3A_157 : i32
    scf.if %cond3A_158 {
      "tpu.region"() ({
        %run_scoped3A = tpu.sem_alloc : memref<!tpu.dma_semaphore, #tpu.memory_space<semaphore_mem>>
        %dma_start3A_171 = arith.constant 0 : i32
        %dma_start3A_172 = tpu.memref_slice %arg6[%add3A_148, %dma_start3A_171] : memref<10240x72xf32, #tpu.memory_space<hbm>> -> memref<128x72xf32, #tpu.memory_space<hbm>>
        %dma_start3A_173 = arith.constant 0 : i32
        %dma_start3A_174 = tpu.memref_slice %arg6[%add3A_148, %dma_start3A_173] : memref<10240x72xf32, #tpu.memory_space<hbm>> -> memref<128x72xf32, #tpu.memory_space<hbm>>
        tpu.enqueue_dma source(%arg8 : memref<128x72xf32, #tpu.memory_space<vmem>>) target(%dma_start3A_174 : memref<128x72xf32, #tpu.memory_space<hbm>>) target_semaphore(%run_scoped3A : memref<!tpu.dma_semaphore, #tpu.memory_space<semaphore_mem>>)
        %dma_wait3A_175 = arith.constant 0 : i32
        %dma_wait3A_176 = tpu.memref_slice %arg6[%add3A_148, %dma_wait3A_175] : memref<10240x72xf32, #tpu.memory_space<hbm>> -> memref<128x72xf32, #tpu.memory_space<hbm>>
        %dma_wait3A_177 = arith.constant 0 : i32
        %dma_wait3A_178 = tpu.memref_slice %arg6[%add3A_148, %dma_wait3A_177] : memref<10240x72xf32, #tpu.memory_space<hbm>> -> memref<128x72xf32, #tpu.memory_space<hbm>>
        tpu.wait_dma2 semaphore(%run_scoped3A : memref<!tpu.dma_semaphore, #tpu.memory_space<semaphore_mem>>) src(%arg8 : memref<128x72xf32, #tpu.memory_space<vmem>>) dst(%dma_wait3A_178 : memref<128x72xf32, #tpu.memory_space<hbm>>)
        tpu.yield
      }) : () -> ()
    } else {
    }
    %add3A_159 = arith.constant 512 : i32
    %add3A_160 = arith.addi %mul3A_2, %add3A_159 : i32
    "tpu.region"() ({
      %run_scoped3A = tpu.sem_alloc : memref<!tpu.dma_semaphore, #tpu.memory_space<semaphore_mem>>
      %dma_start3A_171 = arith.constant 0 : i32
      %dma_start3A_172 = tpu.memref_slice %arg12[%add3A_160, %dma_start3A_171] : memref<10240x72xf32, #tpu.memory_space<vmem_shared>> -> memref<128x72xf32, #tpu.memory_space<vmem_shared>>
      %dma_start3A_173 = arith.constant 0 : i32
      %dma_start3A_174 = tpu.memref_slice %arg12[%add3A_160, %dma_start3A_173] : memref<10240x72xf32, #tpu.memory_space<vmem_shared>> -> memref<128x72xf32, #tpu.memory_space<vmem_shared>>
      tpu.enqueue_dma source(%dma_start3A_174 : memref<128x72xf32, #tpu.memory_space<vmem_shared>>) target(%arg8 : memref<128x72xf32, #tpu.memory_space<vmem>>) target_semaphore(%run_scoped3A : memref<!tpu.dma_semaphore, #tpu.memory_space<semaphore_mem>>)
      %dma_wait3A_175 = arith.constant 0 : i32
      %dma_wait3A_176 = tpu.memref_slice %arg12[%add3A_160, %dma_wait3A_175] : memref<10240x72xf32, #tpu.memory_space<vmem_shared>> -> memref<128x72xf32, #tpu.memory_space<vmem_shared>>
      %dma_wait3A_177 = arith.constant 0 : i32
      %dma_wait3A_178 = tpu.memref_slice %arg12[%add3A_160, %dma_wait3A_177] : memref<10240x72xf32, #tpu.memory_space<vmem_shared>> -> memref<128x72xf32, #tpu.memory_space<vmem_shared>>
      tpu.wait_dma2 semaphore(%run_scoped3A : memref<!tpu.dma_semaphore, #tpu.memory_space<semaphore_mem>>) src(%dma_wait3A_178 : memref<128x72xf32, #tpu.memory_space<vmem_shared>>) dst(%arg8 : memref<128x72xf32, #tpu.memory_space<vmem>>)
      tpu.yield
    }) : () -> ()
    %eq3A_161 = arith.constant 0 : i32
    %eq3A_162 = arith.cmpi eq, %arg0, %eq3A_161 : i32
    %convert_element_type3A_163 = arith.extui %eq3A_162 : i1 to i32
    %cond3A_164 = arith.constant 0 : i32
    %cond3A_165 = arith.cmpi ne, %convert_element_type3A_163, %cond3A_164 : i32
    scf.if %cond3A_165 {
      "tpu.region"() ({
        %run_scoped3A = tpu.sem_alloc : memref<!tpu.dma_semaphore, #tpu.memory_space<semaphore_mem>>
        %dma_start3A_171 = arith.constant 0 : i32
        %dma_start3A_172 = tpu.memref_slice %arg5[%add3A_160, %dma_start3A_171] : memref<10240x72xf32, #tpu.memory_space<hbm>> -> memref<128x72xf32, #tpu.memory_space<hbm>>
        %dma_start3A_173 = arith.constant 0 : i32
        %dma_start3A_174 = tpu.memref_slice %arg5[%add3A_160, %dma_start3A_173] : memref<10240x72xf32, #tpu.memory_space<hbm>> -> memref<128x72xf32, #tpu.memory_space<hbm>>
        tpu.enqueue_dma source(%arg8 : memref<128x72xf32, #tpu.memory_space<vmem>>) target(%dma_start3A_174 : memref<128x72xf32, #tpu.memory_space<hbm>>) target_semaphore(%run_scoped3A : memref<!tpu.dma_semaphore, #tpu.memory_space<semaphore_mem>>)
        %dma_wait3A_175 = arith.constant 0 : i32
        %dma_wait3A_176 = tpu.memref_slice %arg5[%add3A_160, %dma_wait3A_175] : memref<10240x72xf32, #tpu.memory_space<hbm>> -> memref<128x72xf32, #tpu.memory_space<hbm>>
        %dma_wait3A_177 = arith.constant 0 : i32
        %dma_wait3A_178 = tpu.memref_slice %arg5[%add3A_160, %dma_wait3A_177] : memref<10240x72xf32, #tpu.memory_space<hbm>> -> memref<128x72xf32, #tpu.memory_space<hbm>>
        tpu.wait_dma2 semaphore(%run_scoped3A : memref<!tpu.dma_semaphore, #tpu.memory_space<semaphore_mem>>) src(%arg8 : memref<128x72xf32, #tpu.memory_space<vmem>>) dst(%dma_wait3A_178 : memref<128x72xf32, #tpu.memory_space<hbm>>)
        tpu.yield
      }) : () -> ()
    } else {
    }
    %eq3A_166 = arith.constant 1 : i32
    %eq3A_167 = arith.cmpi eq, %arg0, %eq3A_166 : i32
    %convert_element_type3A_168 = arith.extui %eq3A_167 : i1 to i32
    %cond3A_169 = arith.constant 0 : i32
    %cond3A_170 = arith.cmpi ne, %convert_element_type3A_168, %cond3A_169 : i32
    scf.if %cond3A_170 {
      "tpu.region"() ({
        %run_scoped3A = tpu.sem_alloc : memref<!tpu.dma_semaphore, #tpu.memory_space<semaphore_mem>>
        %dma_start3A_171 = arith.constant 0 : i32
        %dma_start3A_172 = tpu.memref_slice %arg6[%add3A_160, %dma_start3A_171] : memref<10240x72xf32, #tpu.memory_space<hbm>> -> memref<128x72xf32, #tpu.memory_space<hbm>>
        %dma_start3A_173 = arith.constant 0 : i32
        %dma_start3A_174 = tpu.memref_slice %arg6[%add3A_160, %dma_start3A_173] : memref<10240x72xf32, #tpu.memory_space<hbm>> -> memref<128x72xf32, #tpu.memory_space<hbm>>
        tpu.enqueue_dma source(%arg8 : memref<128x72xf32, #tpu.memory_space<vmem>>) target(%dma_start3A_174 : memref<128x72xf32, #tpu.memory_space<hbm>>) target_semaphore(%run_scoped3A : memref<!tpu.dma_semaphore, #tpu.memory_space<semaphore_mem>>)
        %dma_wait3A_175 = arith.constant 0 : i32
        %dma_wait3A_176 = tpu.memref_slice %arg6[%add3A_160, %dma_wait3A_175] : memref<10240x72xf32, #tpu.memory_space<hbm>> -> memref<128x72xf32, #tpu.memory_space<hbm>>
        %dma_wait3A_177 = arith.constant 0 : i32
        %dma_wait3A_178 = tpu.memref_slice %arg6[%add3A_160, %dma_wait3A_177] : memref<10240x72xf32, #tpu.memory_space<hbm>> -> memref<128x72xf32, #tpu.memory_space<hbm>>
        tpu.wait_dma2 semaphore(%run_scoped3A : memref<!tpu.dma_semaphore, #tpu.memory_space<semaphore_mem>>) src(%arg8 : memref<128x72xf32, #tpu.memory_space<vmem>>) dst(%dma_wait3A_178 : memref<128x72xf32, #tpu.memory_space<hbm>>)
        tpu.yield
      }) : () -> ()
    } else {
    }
    return
  }
}

#map = affine_map<(d0, d1) -> (0, 0, 0)>
#map1 = affine_map<(d0, d1) -> (0, 0)>
module attributes {stable_mosaic.version = 14 : i64} {
  func.func @body(%arg0: i32, %arg1: i32, %arg2: memref<2688x2x128xi32, #tpu.memory_space<hbm>>, %arg3: memref<10240x32xf32, #tpu.memory_space<hbm>>, %arg4: memref<10240x16xf32, #tpu.memory_space<hbm>>, %arg5: memref<10240x32xf32, #tpu.memory_space<hbm>>, %arg6: memref<10240x32xf32, #tpu.memory_space<hbm>>, %arg7: memref<4x2x128xi32, #tpu.memory_space<vmem>>, %arg8: memref<128x32xf32, #tpu.memory_space<vmem>>, %arg9: memref<128x32xf32, #tpu.memory_space<vmem>>, %arg10: memref<128x16xf32, #tpu.memory_space<vmem>>, %arg11: memref<128x16xf32, #tpu.memory_space<vmem>>, %arg12: memref<10240x32xf32, #tpu.memory_space<vmem_shared>>, %arg13: memref<10240x32xf32, #tpu.memory_space<vmem_shared>>, %arg14: memref<10240x16xf32, #tpu.memory_space<vmem_shared>>, %arg15: memref<!tpu.dma_semaphore, #tpu.memory_space<semaphore_mem>>, %arg16: memref<!tpu.dma_semaphore, #tpu.memory_space<semaphore_mem>>, %arg17: memref<!tpu.dma_semaphore, #tpu.memory_space<semaphore_mem>>, %arg18: memref<!tpu.dma_semaphore, #tpu.memory_space<semaphore_mem>>, %arg19: memref<!tpu.dma_semaphore, #tpu.memory_space<semaphore_mem>>, %arg20: memref<!tpu.dma_semaphore, #tpu.memory_space<semaphore_mem>>, %arg21: memref<!tpu.dma_semaphore, #tpu.memory_space<semaphore_mem>>, %arg22: memref<!tpu.dma_semaphore, #tpu.memory_space<semaphore_mem>>, %arg23: memref<!tpu.dma_semaphore, #tpu.memory_space<semaphore_mem>>, %arg24: memref<!tpu.dma_semaphore, #tpu.memory_space<semaphore_mem>>) attributes {dimension_semantics = [#tpu.dimension_semantics<core_parallel>, #tpu.dimension_semantics<subcore_parallel>], iteration_bounds = array<i64: 2, 16>, scalar_prefetch = 0 : i64, scratch_operands = 18 : i64, tpu.core_type = #tpu.core_type<sc_vector_subcore>, window_params = [{transform_indices = #map}, {transform_indices = #map1}, {transform_indices = #map1}, {transform_indices = #map1}, {transform_indices = #map1}]} {
    %mul3A = arith.constant 16 : i32
    %mul3A_0 = arith.muli %arg0, %mul3A : i32
    %add3A = arith.addi %mul3A_0, %arg1 : i32
    %mul3A_1 = arith.constant 640 : i32
    %mul3A_2 = arith.muli %arg1, %mul3A_1 : i32
    "tpu.region"() ({
      %run_scoped3A = tpu.sem_alloc : memref<!tpu.dma_semaphore, #tpu.memory_space<semaphore_mem>>
      %dma_start3A_171 = arith.constant 0 : i32
      %dma_start3A_172 = tpu.memref_slice %arg13[%mul3A_2, %dma_start3A_171] : memref<10240x32xf32, #tpu.memory_space<vmem_shared>> -> memref<640x32xf32, #tpu.memory_space<vmem_shared>>
      %dma_start3A_173 = arith.constant 0 : i32
      %dma_start3A_174 = tpu.memref_slice %arg3[%mul3A_2, %dma_start3A_173] : memref<10240x32xf32, #tpu.memory_space<hbm>> -> memref<640x32xf32, #tpu.memory_space<hbm>>
      tpu.enqueue_dma source(%dma_start3A_174 : memref<640x32xf32, #tpu.memory_space<hbm>>) target(%dma_start3A_172 : memref<640x32xf32, #tpu.memory_space<vmem_shared>>) target_semaphore(%run_scoped3A : memref<!tpu.dma_semaphore, #tpu.memory_space<semaphore_mem>>)
      %dma_wait3A_175 = arith.constant 0 : i32
      %dma_wait3A_176 = tpu.memref_slice %arg13[%mul3A_2, %dma_wait3A_175] : memref<10240x32xf32, #tpu.memory_space<vmem_shared>> -> memref<640x32xf32, #tpu.memory_space<vmem_shared>>
      %dma_wait3A_177 = arith.constant 0 : i32
      %dma_wait3A_178 = tpu.memref_slice %arg3[%mul3A_2, %dma_wait3A_177] : memref<10240x32xf32, #tpu.memory_space<hbm>> -> memref<640x32xf32, #tpu.memory_space<hbm>>
      tpu.wait_dma2 semaphore(%run_scoped3A : memref<!tpu.dma_semaphore, #tpu.memory_space<semaphore_mem>>) src(%dma_wait3A_178 : memref<640x32xf32, #tpu.memory_space<hbm>>) dst(%dma_wait3A_176 : memref<640x32xf32, #tpu.memory_space<vmem_shared>>)
      tpu.yield
    }) : () -> ()
    "tpu.region"() ({
      %run_scoped3A = tpu.sem_alloc : memref<!tpu.dma_semaphore, #tpu.memory_space<semaphore_mem>>
      %dma_start3A_171 = arith.constant 0 : i32
      %dma_start3A_172 = tpu.memref_slice %arg14[%mul3A_2, %dma_start3A_171] : memref<10240x16xf32, #tpu.memory_space<vmem_shared>> -> memref<640x16xf32, #tpu.memory_space<vmem_shared>>
      %dma_start3A_173 = arith.constant 0 : i32
      %dma_start3A_174 = tpu.memref_slice %arg4[%mul3A_2, %dma_start3A_173] : memref<10240x16xf32, #tpu.memory_space<hbm>> -> memref<640x16xf32, #tpu.memory_space<hbm>>
      tpu.enqueue_dma source(%dma_start3A_174 : memref<640x16xf32, #tpu.memory_space<hbm>>) target(%dma_start3A_172 : memref<640x16xf32, #tpu.memory_space<vmem_shared>>) target_semaphore(%run_scoped3A : memref<!tpu.dma_semaphore, #tpu.memory_space<semaphore_mem>>)
      %dma_wait3A_175 = arith.constant 0 : i32
      %dma_wait3A_176 = tpu.memref_slice %arg14[%mul3A_2, %dma_wait3A_175] : memref<10240x16xf32, #tpu.memory_space<vmem_shared>> -> memref<640x16xf32, #tpu.memory_space<vmem_shared>>
      %dma_wait3A_177 = arith.constant 0 : i32
      %dma_wait3A_178 = tpu.memref_slice %arg4[%mul3A_2, %dma_wait3A_177] : memref<10240x16xf32, #tpu.memory_space<hbm>> -> memref<640x16xf32, #tpu.memory_space<hbm>>
      tpu.wait_dma2 semaphore(%run_scoped3A : memref<!tpu.dma_semaphore, #tpu.memory_space<semaphore_mem>>) src(%dma_wait3A_178 : memref<640x16xf32, #tpu.memory_space<hbm>>) dst(%dma_wait3A_176 : memref<640x16xf32, #tpu.memory_space<vmem_shared>>)
      tpu.yield
    }) : () -> ()
    %broadcast_in_dim3A = arith.constant 0.000000e+00 : f32
    %broadcast_in_dim3A_3 = vector.broadcast %broadcast_in_dim3A : f32 to vector<16xf32>
    %scan3A = arith.constant 0 : i32
    %scan3A_4 = arith.constant 0 : i32
    %scan3A_5 = arith.constant 128 : i32
    %scan3A_6 = arith.addi %scan3A_4, %scan3A_5 : i32
    %scan3A_7 = arith.constant 1 : i32
    %scan3A_8 = scf.for %scan3A_171 = %scan3A_4 to %scan3A_6 step %scan3A_7 iter_args(%scan3A_172 = %scan3A) -> (i32)  : i32 {
      %swap3A = arith.index_cast %scan3A_171 : i32 to index
      %swap3A_173 = arith.constant 0 : index
      %swap3A_174 = tpu.vector_load %arg8[%swap3A, %swap3A_173] {strides = array<i32>} : memref<128x32xf32, #tpu.memory_space<vmem>>, vector<16xf32>,
      tpu.vector_store %arg8[%swap3A, %swap3A_173], %broadcast_in_dim3A_3 {strides = array<i32>} : memref<128x32xf32, #tpu.memory_space<vmem>>, vector<16xf32>,
      %swap3A_175 = arith.index_cast %scan3A_171 : i32 to index
      %swap3A_176 = arith.constant 16 : index
      %swap3A_177 = tpu.vector_load %arg8[%swap3A_175, %swap3A_176] {strides = array<i32>} : memref<128x32xf32, #tpu.memory_space<vmem>>, vector<16xf32>,
      tpu.vector_store %arg8[%swap3A_175, %swap3A_176], %broadcast_in_dim3A_3 {strides = array<i32>} : memref<128x32xf32, #tpu.memory_space<vmem>>, vector<16xf32>,
      %scan3A_178 = arith.constant 0 : i32
      scf.yield %scan3A_178 : i32
    }
    %scan3A_9 = arith.constant 128 : i32
    %add3A_10 = arith.constant 0 : i32
    %add3A_11 = arith.addi %mul3A_2, %add3A_10 : i32
    "tpu.region"() ({
      %run_scoped3A = tpu.sem_alloc : memref<!tpu.dma_semaphore, #tpu.memory_space<semaphore_mem>>
      %dma_start3A_171 = arith.constant 0 : i32
      %dma_start3A_172 = tpu.memref_slice %arg12[%add3A_11, %dma_start3A_171] : memref<10240x32xf32, #tpu.memory_space<vmem_shared>> -> memref<128x32xf32, #tpu.memory_space<vmem_shared>>
      %dma_start3A_173 = arith.constant 0 : i32
      %dma_start3A_174 = tpu.memref_slice %arg12[%add3A_11, %dma_start3A_173] : memref<10240x32xf32, #tpu.memory_space<vmem_shared>> -> memref<128x32xf32, #tpu.memory_space<vmem_shared>>
      tpu.enqueue_dma source(%arg8 : memref<128x32xf32, #tpu.memory_space<vmem>>) target(%dma_start3A_174 : memref<128x32xf32, #tpu.memory_space<vmem_shared>>) target_semaphore(%run_scoped3A : memref<!tpu.dma_semaphore, #tpu.memory_space<semaphore_mem>>)
      %dma_wait3A_175 = arith.constant 0 : i32
      %dma_wait3A_176 = tpu.memref_slice %arg12[%add3A_11, %dma_wait3A_175] : memref<10240x32xf32, #tpu.memory_space<vmem_shared>> -> memref<128x32xf32, #tpu.memory_space<vmem_shared>>
      %dma_wait3A_177 = arith.constant 0 : i32
      %dma_wait3A_178 = tpu.memref_slice %arg12[%add3A_11, %dma_wait3A_177] : memref<10240x32xf32, #tpu.memory_space<vmem_shared>> -> memref<128x32xf32, #tpu.memory_space<vmem_shared>>
      tpu.wait_dma2 semaphore(%run_scoped3A : memref<!tpu.dma_semaphore, #tpu.memory_space<semaphore_mem>>) src(%arg8 : memref<128x32xf32, #tpu.memory_space<vmem>>) dst(%dma_wait3A_178 : memref<128x32xf32, #tpu.memory_space<vmem_shared>>)
      tpu.yield
    }) : () -> ()
    %add3A_12 = arith.constant 128 : i32
    %add3A_13 = arith.addi %mul3A_2, %add3A_12 : i32
    "tpu.region"() ({
      %run_scoped3A = tpu.sem_alloc : memref<!tpu.dma_semaphore, #tpu.memory_space<semaphore_mem>>
      %dma_start3A_171 = arith.constant 0 : i32
      %dma_start3A_172 = tpu.memref_slice %arg12[%add3A_13, %dma_start3A_171] : memref<10240x32xf32, #tpu.memory_space<vmem_shared>> -> memref<128x32xf32, #tpu.memory_space<vmem_shared>>
      %dma_start3A_173 = arith.constant 0 : i32
      %dma_start3A_174 = tpu.memref_slice %arg12[%add3A_13, %dma_start3A_173] : memref<10240x32xf32, #tpu.memory_space<vmem_shared>> -> memref<128x32xf32, #tpu.memory_space<vmem_shared>>
      tpu.enqueue_dma source(%arg8 : memref<128x32xf32, #tpu.memory_space<vmem>>) target(%dma_start3A_174 : memref<128x32xf32, #tpu.memory_space<vmem_shared>>) target_semaphore(%run_scoped3A : memref<!tpu.dma_semaphore, #tpu.memory_space<semaphore_mem>>)
      %dma_wait3A_175 = arith.constant 0 : i32
      %dma_wait3A_176 = tpu.memref_slice %arg12[%add3A_13, %dma_wait3A_175] : memref<10240x32xf32, #tpu.memory_space<vmem_shared>> -> memref<128x32xf32, #tpu.memory_space<vmem_shared>>
      %dma_wait3A_177 = arith.constant 0 : i32
      %dma_wait3A_178 = tpu.memref_slice %arg12[%add3A_13, %dma_wait3A_177] : memref<10240x32xf32, #tpu.memory_space<vmem_shared>> -> memref<128x32xf32, #tpu.memory_space<vmem_shared>>
      tpu.wait_dma2 semaphore(%run_scoped3A : memref<!tpu.dma_semaphore, #tpu.memory_space<semaphore_mem>>) src(%arg8 : memref<128x32xf32, #tpu.memory_space<vmem>>) dst(%dma_wait3A_178 : memref<128x32xf32, #tpu.memory_space<vmem_shared>>)
      tpu.yield
    }) : () -> ()
    %add3A_14 = arith.constant 256 : i32
    %add3A_15 = arith.addi %mul3A_2, %add3A_14 : i32
    "tpu.region"() ({
      %run_scoped3A = tpu.sem_alloc : memref<!tpu.dma_semaphore, #tpu.memory_space<semaphore_mem>>
      %dma_start3A_171 = arith.constant 0 : i32
      %dma_start3A_172 = tpu.memref_slice %arg12[%add3A_15, %dma_start3A_171] : memref<10240x32xf32, #tpu.memory_space<vmem_shared>> -> memref<128x32xf32, #tpu.memory_space<vmem_shared>>
      %dma_start3A_173 = arith.constant 0 : i32
      %dma_start3A_174 = tpu.memref_slice %arg12[%add3A_15, %dma_start3A_173] : memref<10240x32xf32, #tpu.memory_space<vmem_shared>> -> memref<128x32xf32, #tpu.memory_space<vmem_shared>>
      tpu.enqueue_dma source(%arg8 : memref<128x32xf32, #tpu.memory_space<vmem>>) target(%dma_start3A_174 : memref<128x32xf32, #tpu.memory_space<vmem_shared>>) target_semaphore(%run_scoped3A : memref<!tpu.dma_semaphore, #tpu.memory_space<semaphore_mem>>)
      %dma_wait3A_175 = arith.constant 0 : i32
      %dma_wait3A_176 = tpu.memref_slice %arg12[%add3A_15, %dma_wait3A_175] : memref<10240x32xf32, #tpu.memory_space<vmem_shared>> -> memref<128x32xf32, #tpu.memory_space<vmem_shared>>
      %dma_wait3A_177 = arith.constant 0 : i32
      %dma_wait3A_178 = tpu.memref_slice %arg12[%add3A_15, %dma_wait3A_177] : memref<10240x32xf32, #tpu.memory_space<vmem_shared>> -> memref<128x32xf32, #tpu.memory_space<vmem_shared>>
      tpu.wait_dma2 semaphore(%run_scoped3A : memref<!tpu.dma_semaphore, #tpu.memory_space<semaphore_mem>>) src(%arg8 : memref<128x32xf32, #tpu.memory_space<vmem>>) dst(%dma_wait3A_178 : memref<128x32xf32, #tpu.memory_space<vmem_shared>>)
      tpu.yield
    }) : () -> ()
    %add3A_16 = arith.constant 384 : i32
    %add3A_17 = arith.addi %mul3A_2, %add3A_16 : i32
    "tpu.region"() ({
      %run_scoped3A = tpu.sem_alloc : memref<!tpu.dma_semaphore, #tpu.memory_space<semaphore_mem>>
      %dma_start3A_171 = arith.constant 0 : i32
      %dma_start3A_172 = tpu.memref_slice %arg12[%add3A_17, %dma_start3A_171] : memref<10240x32xf32, #tpu.memory_space<vmem_shared>> -> memref<128x32xf32, #tpu.memory_space<vmem_shared>>
      %dma_start3A_173 = arith.constant 0 : i32
      %dma_start3A_174 = tpu.memref_slice %arg12[%add3A_17, %dma_start3A_173] : memref<10240x32xf32, #tpu.memory_space<vmem_shared>> -> memref<128x32xf32, #tpu.memory_space<vmem_shared>>
      tpu.enqueue_dma source(%arg8 : memref<128x32xf32, #tpu.memory_space<vmem>>) target(%dma_start3A_174 : memref<128x32xf32, #tpu.memory_space<vmem_shared>>) target_semaphore(%run_scoped3A : memref<!tpu.dma_semaphore, #tpu.memory_space<semaphore_mem>>)
      %dma_wait3A_175 = arith.constant 0 : i32
      %dma_wait3A_176 = tpu.memref_slice %arg12[%add3A_17, %dma_wait3A_175] : memref<10240x32xf32, #tpu.memory_space<vmem_shared>> -> memref<128x32xf32, #tpu.memory_space<vmem_shared>>
      %dma_wait3A_177 = arith.constant 0 : i32
      %dma_wait3A_178 = tpu.memref_slice %arg12[%add3A_17, %dma_wait3A_177] : memref<10240x32xf32, #tpu.memory_space<vmem_shared>> -> memref<128x32xf32, #tpu.memory_space<vmem_shared>>
      tpu.wait_dma2 semaphore(%run_scoped3A : memref<!tpu.dma_semaphore, #tpu.memory_space<semaphore_mem>>) src(%arg8 : memref<128x32xf32, #tpu.memory_space<vmem>>) dst(%dma_wait3A_178 : memref<128x32xf32, #tpu.memory_space<vmem_shared>>)
      tpu.yield
    }) : () -> ()
    %add3A_18 = arith.constant 512 : i32
    %add3A_19 = arith.addi %mul3A_2, %add3A_18 : i32
    "tpu.region"() ({
      %run_scoped3A = tpu.sem_alloc : memref<!tpu.dma_semaphore, #tpu.memory_space<semaphore_mem>>
      %dma_start3A_171 = arith.constant 0 : i32
      %dma_start3A_172 = tpu.memref_slice %arg12[%add3A_19, %dma_start3A_171] : memref<10240x32xf32, #tpu.memory_space<vmem_shared>> -> memref<128x32xf32, #tpu.memory_space<vmem_shared>>
      %dma_start3A_173 = arith.constant 0 : i32
      %dma_start3A_174 = tpu.memref_slice %arg12[%add3A_19, %dma_start3A_173] : memref<10240x32xf32, #tpu.memory_space<vmem_shared>> -> memref<128x32xf32, #tpu.memory_space<vmem_shared>>
      tpu.enqueue_dma source(%arg8 : memref<128x32xf32, #tpu.memory_space<vmem>>) target(%dma_start3A_174 : memref<128x32xf32, #tpu.memory_space<vmem_shared>>) target_semaphore(%run_scoped3A : memref<!tpu.dma_semaphore, #tpu.memory_space<semaphore_mem>>)
      %dma_wait3A_175 = arith.constant 0 : i32
      %dma_wait3A_176 = tpu.memref_slice %arg12[%add3A_19, %dma_wait3A_175] : memref<10240x32xf32, #tpu.memory_space<vmem_shared>> -> memref<128x32xf32, #tpu.memory_space<vmem_shared>>
      %dma_wait3A_177 = arith.constant 0 : i32
      %dma_wait3A_178 = tpu.memref_slice %arg12[%add3A_19, %dma_wait3A_177] : memref<10240x32xf32, #tpu.memory_space<vmem_shared>> -> memref<128x32xf32, #tpu.memory_space<vmem_shared>>
      tpu.wait_dma2 semaphore(%run_scoped3A : memref<!tpu.dma_semaphore, #tpu.memory_space<semaphore_mem>>) src(%arg8 : memref<128x32xf32, #tpu.memory_space<vmem>>) dst(%dma_wait3A_178 : memref<128x32xf32, #tpu.memory_space<vmem_shared>>)
      tpu.yield
    }) : () -> ()
    %barrier3A = arith.constant 0 : index
    tpu.barrier barrier_id(%barrier3A)
    %add3A_20 = arith.constant 0 : i32
    %add3A_21 = arith.addi %add3A_20, %add3A : i32
    %dma_start3A = arith.constant 0 : i32
    %dma_start3A_22 = arith.constant 0 : i32
    %dma_start3A_23 = arith.constant 0 : i32
    %dma_start3A_24 = tpu.memref_slice %arg7[%dma_start3A, %dma_start3A_22, %dma_start3A_23] : memref<4x2x128xi32, #tpu.memory_space<vmem>> -> memref<1x2x128xi32, #tpu.memory_space<vmem>>
    %dma_start3A_25 = tpu.memref_squeeze %dma_start3A_24 : memref<1x2x128xi32, #tpu.memory_space<vmem>> -> memref<2x128xi32, #tpu.memory_space<vmem>>
    %dma_start3A_26 = arith.constant 0 : i32
    %dma_start3A_27 = arith.constant 0 : i32
    %dma_start3A_28 = tpu.memref_slice %arg2[%add3A_21, %dma_start3A_26, %dma_start3A_27] : memref<2688x2x128xi32, #tpu.memory_space<hbm>> -> memref<1x2x128xi32, #tpu.memory_space<hbm>>
    %dma_start3A_29 = tpu.memref_squeeze %dma_start3A_28 : memref<1x2x128xi32, #tpu.memory_space<hbm>> -> memref<2x128xi32, #tpu.memory_space<hbm>>
    %dma_start3A_30 = arith.constant 0 : i32
    %dma_start3A_31 = arith.constant 0 : i32
    %dma_start3A_32 = tpu.memref_slice %arg7[%dma_start3A, %dma_start3A_30, %dma_start3A_31] : memref<4x2x128xi32, #tpu.memory_space<vmem>> -> memref<1x2x128xi32, #tpu.memory_space<vmem>>
    %dma_start3A_33 = tpu.memref_squeeze %dma_start3A_32 : memref<1x2x128xi32, #tpu.memory_space<vmem>> -> memref<2x128xi32, #tpu.memory_space<vmem>>
    %dma_start3A_34 = arith.constant 0 : i32
    %dma_start3A_35 = arith.constant 0 : i32
    %dma_start3A_36 = tpu.memref_slice %arg2[%add3A_21, %dma_start3A_34, %dma_start3A_35] : memref<2688x2x128xi32, #tpu.memory_space<hbm>> -> memref<1x2x128xi32, #tpu.memory_space<hbm>>
    %dma_start3A_37 = tpu.memref_squeeze %dma_start3A_36 : memref<1x2x128xi32, #tpu.memory_space<hbm>> -> memref<2x128xi32, #tpu.memory_space<hbm>>
    tpu.enqueue_dma source(%dma_start3A_37 : memref<2x128xi32, #tpu.memory_space<hbm>>) target(%dma_start3A_33 : memref<2x128xi32, #tpu.memory_space<vmem>>) target_semaphore(%arg15 : memref<!tpu.dma_semaphore, #tpu.memory_space<semaphore_mem>>)
    %add3A_38 = arith.constant 32 : i32
    %add3A_39 = arith.addi %add3A_38, %add3A : i32
    %dma_start3A_40 = arith.constant 1 : i32
    %dma_start3A_41 = arith.constant 0 : i32
    %dma_start3A_42 = arith.constant 0 : i32
    %dma_start3A_43 = tpu.memref_slice %arg7[%dma_start3A_40, %dma_start3A_41, %dma_start3A_42] : memref<4x2x128xi32, #tpu.memory_space<vmem>> -> memref<1x2x128xi32, #tpu.memory_space<vmem>>
    %dma_start3A_44 = tpu.memref_squeeze %dma_start3A_43 : memref<1x2x128xi32, #tpu.memory_space<vmem>> -> memref<2x128xi32, #tpu.memory_space<vmem>>
    %dma_start3A_45 = arith.constant 0 : i32
    %dma_start3A_46 = arith.constant 0 : i32
    %dma_start3A_47 = tpu.memref_slice %arg2[%add3A_39, %dma_start3A_45, %dma_start3A_46] : memref<2688x2x128xi32, #tpu.memory_space<hbm>> -> memref<1x2x128xi32, #tpu.memory_space<hbm>>
    %dma_start3A_48 = tpu.memref_squeeze %dma_start3A_47 : memref<1x2x128xi32, #tpu.memory_space<hbm>> -> memref<2x128xi32, #tpu.memory_space<hbm>>
    %dma_start3A_49 = arith.constant 0 : i32
    %dma_start3A_50 = arith.constant 0 : i32
    %dma_start3A_51 = tpu.memref_slice %arg7[%dma_start3A_40, %dma_start3A_49, %dma_start3A_50] : memref<4x2x128xi32, #tpu.memory_space<vmem>> -> memref<1x2x128xi32, #tpu.memory_space<vmem>>
    %dma_start3A_52 = tpu.memref_squeeze %dma_start3A_51 : memref<1x2x128xi32, #tpu.memory_space<vmem>> -> memref<2x128xi32, #tpu.memory_space<vmem>>
    %dma_start3A_53 = arith.constant 0 : i32
    %dma_start3A_54 = arith.constant 0 : i32
    %dma_start3A_55 = tpu.memref_slice %arg2[%add3A_39, %dma_start3A_53, %dma_start3A_54] : memref<2688x2x128xi32, #tpu.memory_space<hbm>> -> memref<1x2x128xi32, #tpu.memory_space<hbm>>
    %dma_start3A_56 = tpu.memref_squeeze %dma_start3A_55 : memref<1x2x128xi32, #tpu.memory_space<hbm>> -> memref<2x128xi32, #tpu.memory_space<hbm>>
    tpu.enqueue_dma source(%dma_start3A_56 : memref<2x128xi32, #tpu.memory_space<hbm>>) target(%dma_start3A_52 : memref<2x128xi32, #tpu.memory_space<vmem>>) target_semaphore(%arg16 : memref<!tpu.dma_semaphore, #tpu.memory_space<semaphore_mem>>)
    %dma_wait3A = arith.constant 0 : i32
    %dma_wait3A_57 = arith.constant 0 : i32
    %dma_wait3A_58 = arith.constant 0 : i32
    %dma_wait3A_59 = arith.constant 0 : i32
    %dma_wait3A_60 = tpu.memref_slice %arg7[%dma_wait3A_57, %dma_wait3A_58, %dma_wait3A_59] : memref<4x2x128xi32, #tpu.memory_space<vmem>> -> memref<1x2x128xi32, #tpu.memory_space<vmem>>
    %dma_wait3A_61 = tpu.memref_squeeze %dma_wait3A_60 : memref<1x2x128xi32, #tpu.memory_space<vmem>> -> memref<2x128xi32, #tpu.memory_space<vmem>>
    %dma_wait3A_62 = arith.constant 0 : i32
    %dma_wait3A_63 = arith.constant 0 : i32
    %dma_wait3A_64 = tpu.memref_slice %arg2[%dma_wait3A, %dma_wait3A_62, %dma_wait3A_63] : memref<2688x2x128xi32, #tpu.memory_space<hbm>> -> memref<1x2x128xi32, #tpu.memory_space<hbm>>
    %dma_wait3A_65 = tpu.memref_squeeze %dma_wait3A_64 : memref<1x2x128xi32, #tpu.memory_space<hbm>> -> memref<2x128xi32, #tpu.memory_space<hbm>>
    %dma_wait3A_66 = arith.constant 0 : i32
    %dma_wait3A_67 = arith.constant 0 : i32
    %dma_wait3A_68 = tpu.memref_slice %arg7[%dma_wait3A_57, %dma_wait3A_66, %dma_wait3A_67] : memref<4x2x128xi32, #tpu.memory_space<vmem>> -> memref<1x2x128xi32, #tpu.memory_space<vmem>>
    %dma_wait3A_69 = tpu.memref_squeeze %dma_wait3A_68 : memref<1x2x128xi32, #tpu.memory_space<vmem>> -> memref<2x128xi32, #tpu.memory_space<vmem>>
    %dma_wait3A_70 = arith.constant 0 : i32
    %dma_wait3A_71 = arith.constant 0 : i32
    %dma_wait3A_72 = tpu.memref_slice %arg2[%dma_wait3A, %dma_wait3A_70, %dma_wait3A_71] : memref<2688x2x128xi32, #tpu.memory_space<hbm>> -> memref<1x2x128xi32, #tpu.memory_space<hbm>>
    %dma_wait3A_73 = tpu.memref_squeeze %dma_wait3A_72 : memref<1x2x128xi32, #tpu.memory_space<hbm>> -> memref<2x128xi32, #tpu.memory_space<hbm>>
    tpu.wait_dma2 semaphore(%arg15 : memref<!tpu.dma_semaphore, #tpu.memory_space<semaphore_mem>>) src(%dma_wait3A_73 : memref<2x128xi32, #tpu.memory_space<hbm>>) dst(%dma_wait3A_69 : memref<2x128xi32, #tpu.memory_space<vmem>>)
    %dma_start3A_74 = arith.constant 0 : i32
    %dma_start3A_75 = arith.constant 0 : i32
    %dma_start3A_76 = arith.constant 0 : i32
    %dma_start3A_77 = tpu.memref_slice %arg7[%dma_start3A_74, %dma_start3A_75, %dma_start3A_76] : memref<4x2x128xi32, #tpu.memory_space<vmem>> -> memref<1x1x128xi32, #tpu.memory_space<vmem>>
    %dma_start3A_78 = tpu.memref_squeeze %dma_start3A_77 : memref<1x1x128xi32, #tpu.memory_space<vmem>> -> memref<128xi32, #tpu.memory_space<vmem>>
    %dma_start3A_79 = arith.constant 0 : i32
    %dma_start3A_80 = arith.constant 0 : i32
    %dma_start3A_81 = tpu.memref_slice %arg13[%dma_start3A_79, %dma_start3A_80] : memref<10240x32xf32, #tpu.memory_space<vmem_shared>> -> memref<10240x32xf32, #tpu.memory_space<vmem_shared>>
    tpu.enqueue_indirect_dma source(%dma_start3A_81 : memref<10240x32xf32, #tpu.memory_space<vmem_shared>>) target(%arg8 : memref<128x32xf32, #tpu.memory_space<vmem>>) offsets(%dma_start3A_78 : memref<128xi32, #tpu.memory_space<vmem>>) semaphore(%arg19 : memref<!tpu.dma_semaphore, #tpu.memory_space<semaphore_mem>>)
    %dma_start3A_82 = arith.constant 0 : i32
    %dma_start3A_83 = arith.constant 1 : i32
    %dma_start3A_84 = arith.constant 0 : i32
    %dma_start3A_85 = tpu.memref_slice %arg7[%dma_start3A_82, %dma_start3A_83, %dma_start3A_84] : memref<4x2x128xi32, #tpu.memory_space<vmem>> -> memref<1x1x128xi32, #tpu.memory_space<vmem>>
    %dma_start3A_86 = tpu.memref_squeeze %dma_start3A_85 : memref<1x1x128xi32, #tpu.memory_space<vmem>> -> memref<128xi32, #tpu.memory_space<vmem>>
    %dma_start3A_87 = arith.constant 0 : i32
    %dma_start3A_88 = arith.constant 0 : i32
    %dma_start3A_89 = tpu.memref_slice %arg14[%dma_start3A_87, %dma_start3A_88] : memref<10240x16xf32, #tpu.memory_space<vmem_shared>> -> memref<10240x16xf32, #tpu.memory_space<vmem_shared>>
    tpu.enqueue_indirect_dma source(%dma_start3A_89 : memref<10240x16xf32, #tpu.memory_space<vmem_shared>>) target(%arg10 : memref<128x16xf32, #tpu.memory_space<vmem>>) offsets(%dma_start3A_86 : memref<128xi32, #tpu.memory_space<vmem>>) semaphore(%arg21 : memref<!tpu.dma_semaphore, #tpu.memory_space<semaphore_mem>>)
    %scan3A_90 = arith.constant 0 : i32
    %scan3A_91 = arith.constant 0 : i32
    %scan3A_92 = arith.constant 21 : i32
    %scan3A_93 = arith.addi %scan3A_91, %scan3A_92 : i32
    %scan3A_94 = arith.constant 1 : i32
    %scan3A_95 = scf.for %scan3A_171 = %scan3A_91 to %scan3A_93 step %scan3A_94 iter_args(%scan3A_172 = %scan3A_90) -> (i32)  : i32 {
      %mul3A_173 = arith.constant 4 : i32
      %mul3A_174 = arith.muli %mul3A_173, %scan3A_171 : i32
      %add3A_175 = arith.constant 0 : i32
      %add3A_176 = arith.addi %mul3A_174, %add3A_175 : i32
      %add3A_177 = arith.constant 2 : i32
      %add3A_178 = arith.addi %add3A_176, %add3A_177 : i32
      %lt3A = arith.constant 84 : i32
      %lt3A_179 = arith.cmpi slt, %add3A_178, %lt3A : i32
      %convert_element_type3A_180 = arith.extui %lt3A_179 : i1 to i32
      %cond3A_181 = arith.constant 0 : i32
      %cond3A_182 = arith.cmpi ne, %convert_element_type3A_180, %cond3A_181 : i32
      scf.if %cond3A_182 {
        %add3A_390 = arith.constant 2 : i32
        %add3A_391 = arith.addi %add3A_176, %add3A_390 : i32
        %mul3A_392 = arith.constant 32 : i32
        %mul3A_393 = arith.muli %add3A_391, %mul3A_392 : i32
        %add3A_394 = arith.addi %mul3A_393, %add3A : i32
        %dma_start3A_395 = arith.constant 2 : i32
        %dma_start3A_396 = arith.constant 0 : i32
        %dma_start3A_397 = arith.constant 0 : i32
        %dma_start3A_398 = tpu.memref_slice %arg7[%dma_start3A_395, %dma_start3A_396, %dma_start3A_397] : memref<4x2x128xi32, #tpu.memory_space<vmem>> -> memref<1x2x128xi32, #tpu.memory_space<vmem>>
        %dma_start3A_399 = tpu.memref_squeeze %dma_start3A_398 : memref<1x2x128xi32, #tpu.memory_space<vmem>> -> memref<2x128xi32, #tpu.memory_space<vmem>>
        %dma_start3A_400 = arith.constant 0 : i32
        %dma_start3A_401 = arith.constant 0 : i32
        %dma_start3A_402 = tpu.memref_slice %arg2[%add3A_394, %dma_start3A_400, %dma_start3A_401] : memref<2688x2x128xi32, #tpu.memory_space<hbm>> -> memref<1x2x128xi32, #tpu.memory_space<hbm>>
        %dma_start3A_403 = tpu.memref_squeeze %dma_start3A_402 : memref<1x2x128xi32, #tpu.memory_space<hbm>> -> memref<2x128xi32, #tpu.memory_space<hbm>>
        %dma_start3A_404 = arith.constant 0 : i32
        %dma_start3A_405 = arith.constant 0 : i32
        %dma_start3A_406 = tpu.memref_slice %arg7[%dma_start3A_395, %dma_start3A_404, %dma_start3A_405] : memref<4x2x128xi32, #tpu.memory_space<vmem>> -> memref<1x2x128xi32, #tpu.memory_space<vmem>>
        %dma_start3A_407 = tpu.memref_squeeze %dma_start3A_406 : memref<1x2x128xi32, #tpu.memory_space<vmem>> -> memref<2x128xi32, #tpu.memory_space<vmem>>
        %dma_start3A_408 = arith.constant 0 : i32
        %dma_start3A_409 = arith.constant 0 : i32
        %dma_start3A_410 = tpu.memref_slice %arg2[%add3A_394, %dma_start3A_408, %dma_start3A_409] : memref<2688x2x128xi32, #tpu.memory_space<hbm>> -> memref<1x2x128xi32, #tpu.memory_space<hbm>>
        %dma_start3A_411 = tpu.memref_squeeze %dma_start3A_410 : memref<1x2x128xi32, #tpu.memory_space<hbm>> -> memref<2x128xi32, #tpu.memory_space<hbm>>
        tpu.enqueue_dma source(%dma_start3A_411 : memref<2x128xi32, #tpu.memory_space<hbm>>) target(%dma_start3A_407 : memref<2x128xi32, #tpu.memory_space<vmem>>) target_semaphore(%arg17 : memref<!tpu.dma_semaphore, #tpu.memory_space<semaphore_mem>>)
      } else {
      }
      %add3A_183 = arith.constant 1 : i32
      %add3A_184 = arith.addi %add3A_176, %add3A_183 : i32
      %lt3A_185 = arith.constant 84 : i32
      %lt3A_186 = arith.cmpi slt, %add3A_184, %lt3A_185 : i32
      %ge3A = arith.constant 1 : i32
      %ge3A_187 = arith.cmpi sge, %add3A_176, %ge3A : i32
      %and3A = arith.andi %lt3A_186, %ge3A_187 : i1
      %convert_element_type3A_188 = arith.extui %and3A : i1 to i32
      %cond3A_189 = arith.constant 0 : i32
      %cond3A_190 = arith.cmpi ne, %convert_element_type3A_188, %cond3A_189 : i32
      scf.if %cond3A_190 {
        %dma_wait3A_390 = arith.constant 0 : i32
        %dma_wait3A_391 = arith.constant 1 : i32
        %dma_wait3A_392 = arith.constant 0 : i32
        %dma_wait3A_393 = tpu.memref_slice %arg7[%dma_wait3A_390, %dma_wait3A_391, %dma_wait3A_392] : memref<4x2x128xi32, #tpu.memory_space<vmem>> -> memref<1x1x128xi32, #tpu.memory_space<vmem>>
        %dma_wait3A_394 = tpu.memref_squeeze %dma_wait3A_393 : memref<1x1x128xi32, #tpu.memory_space<vmem>> -> memref<128xi32, #tpu.memory_space<vmem>>
        %dma_wait3A_395 = arith.constant 0 : i32
        %dma_wait3A_396 = arith.constant 0 : i32
        %dma_wait3A_397 = tpu.memref_slice %arg12[%dma_wait3A_395, %dma_wait3A_396] : memref<10240x32xf32, #tpu.memory_space<vmem_shared>> -> memref<10240x32xf32, #tpu.memory_space<vmem_shared>>
        tpu.wait_indirect_dma semaphore(%arg24 : memref<!tpu.dma_semaphore, #tpu.memory_space<semaphore_mem>>) src(%arg9 : memref<128x32xf32, #tpu.memory_space<vmem>>) dst(%dma_wait3A_397 : memref<10240x32xf32, #tpu.memory_space<vmem_shared>>)
      } else {
      }
      %add3A_191 = arith.constant 1 : i32
      %add3A_192 = arith.addi %add3A_176, %add3A_191 : i32
      %lt3A_193 = arith.constant 84 : i32
      %lt3A_194 = arith.cmpi slt, %add3A_192, %lt3A_193 : i32
      %convert_element_type3A_195 = arith.extui %lt3A_194 : i1 to i32
      %cond3A_196 = arith.constant 0 : i32
      %cond3A_197 = arith.cmpi ne, %convert_element_type3A_195, %cond3A_196 : i32
      scf.if %cond3A_197 {
        %dma_wait3A_390 = arith.constant 0 : i32
        %dma_wait3A_391 = arith.constant 1 : i32
        %dma_wait3A_392 = arith.constant 0 : i32
        %dma_wait3A_393 = arith.constant 0 : i32
        %dma_wait3A_394 = tpu.memref_slice %arg7[%dma_wait3A_391, %dma_wait3A_392, %dma_wait3A_393] : memref<4x2x128xi32, #tpu.memory_space<vmem>> -> memref<1x2x128xi32, #tpu.memory_space<vmem>>
        %dma_wait3A_395 = tpu.memref_squeeze %dma_wait3A_394 : memref<1x2x128xi32, #tpu.memory_space<vmem>> -> memref<2x128xi32, #tpu.memory_space<vmem>>
        %dma_wait3A_396 = arith.constant 0 : i32
        %dma_wait3A_397 = arith.constant 0 : i32
        %dma_wait3A_398 = tpu.memref_slice %arg2[%dma_wait3A_390, %dma_wait3A_396, %dma_wait3A_397] : memref<2688x2x128xi32, #tpu.memory_space<hbm>> -> memref<1x2x128xi32, #tpu.memory_space<hbm>>
        %dma_wait3A_399 = tpu.memref_squeeze %dma_wait3A_398 : memref<1x2x128xi32, #tpu.memory_space<hbm>> -> memref<2x128xi32, #tpu.memory_space<hbm>>
        %dma_wait3A_400 = arith.constant 0 : i32
        %dma_wait3A_401 = arith.constant 0 : i32
        %dma_wait3A_402 = tpu.memref_slice %arg7[%dma_wait3A_391, %dma_wait3A_400, %dma_wait3A_401] : memref<4x2x128xi32, #tpu.memory_space<vmem>> -> memref<1x2x128xi32, #tpu.memory_space<vmem>>
        %dma_wait3A_403 = tpu.memref_squeeze %dma_wait3A_402 : memref<1x2x128xi32, #tpu.memory_space<vmem>> -> memref<2x128xi32, #tpu.memory_space<vmem>>
        %dma_wait3A_404 = arith.constant 0 : i32
        %dma_wait3A_405 = arith.constant 0 : i32
        %dma_wait3A_406 = tpu.memref_slice %arg2[%dma_wait3A_390, %dma_wait3A_404, %dma_wait3A_405] : memref<2688x2x128xi32, #tpu.memory_space<hbm>> -> memref<1x2x128xi32, #tpu.memory_space<hbm>>
        %dma_wait3A_407 = tpu.memref_squeeze %dma_wait3A_406 : memref<1x2x128xi32, #tpu.memory_space<hbm>> -> memref<2x128xi32, #tpu.memory_space<hbm>>
        tpu.wait_dma2 semaphore(%arg16 : memref<!tpu.dma_semaphore, #tpu.memory_space<semaphore_mem>>) src(%dma_wait3A_407 : memref<2x128xi32, #tpu.memory_space<hbm>>) dst(%dma_wait3A_403 : memref<2x128xi32, #tpu.memory_space<vmem>>)
        %dma_start3A_408 = arith.constant 1 : i32
        %dma_start3A_409 = arith.constant 0 : i32
        %dma_start3A_410 = arith.constant 0 : i32
        %dma_start3A_411 = tpu.memref_slice %arg7[%dma_start3A_408, %dma_start3A_409, %dma_start3A_410] : memref<4x2x128xi32, #tpu.memory_space<vmem>> -> memref<1x1x128xi32, #tpu.memory_space<vmem>>
        %dma_start3A_412 = tpu.memref_squeeze %dma_start3A_411 : memref<1x1x128xi32, #tpu.memory_space<vmem>> -> memref<128xi32, #tpu.memory_space<vmem>>
        %dma_start3A_413 = arith.constant 0 : i32
        %dma_start3A_414 = arith.constant 0 : i32
        %dma_start3A_415 = tpu.memref_slice %arg13[%dma_start3A_413, %dma_start3A_414] : memref<10240x32xf32, #tpu.memory_space<vmem_shared>> -> memref<10240x32xf32, #tpu.memory_space<vmem_shared>>
        tpu.enqueue_indirect_dma source(%dma_start3A_415 : memref<10240x32xf32, #tpu.memory_space<vmem_shared>>) target(%arg9 : memref<128x32xf32, #tpu.memory_space<vmem>>) offsets(%dma_start3A_412 : memref<128xi32, #tpu.memory_space<vmem>>) semaphore(%arg20 : memref<!tpu.dma_semaphore, #tpu.memory_space<semaphore_mem>>)
        %dma_start3A_416 = arith.constant 1 : i32
        %dma_start3A_417 = arith.constant 1 : i32
        %dma_start3A_418 = arith.constant 0 : i32
        %dma_start3A_419 = tpu.memref_slice %arg7[%dma_start3A_416, %dma_start3A_417, %dma_start3A_418] : memref<4x2x128xi32, #tpu.memory_space<vmem>> -> memref<1x1x128xi32, #tpu.memory_space<vmem>>
        %dma_start3A_420 = tpu.memref_squeeze %dma_start3A_419 : memref<1x1x128xi32, #tpu.memory_space<vmem>> -> memref<128xi32, #tpu.memory_space<vmem>>
        %dma_start3A_421 = arith.constant 0 : i32
        %dma_start3A_422 = arith.constant 0 : i32
        %dma_start3A_423 = tpu.memref_slice %arg14[%dma_start3A_421, %dma_start3A_422] : memref<10240x16xf32, #tpu.memory_space<vmem_shared>> -> memref<10240x16xf32, #tpu.memory_space<vmem_shared>>
        tpu.enqueue_indirect_dma source(%dma_start3A_423 : memref<10240x16xf32, #tpu.memory_space<vmem_shared>>) target(%arg11 : memref<128x16xf32, #tpu.memory_space<vmem>>) offsets(%dma_start3A_420 : memref<128xi32, #tpu.memory_space<vmem>>) semaphore(%arg22 : memref<!tpu.dma_semaphore, #tpu.memory_space<semaphore_mem>>)
      } else {
      }
      %dma_wait3A_198 = arith.constant 0 : i32
      %dma_wait3A_199 = arith.constant 0 : i32
      %dma_wait3A_200 = arith.constant 0 : i32
      %dma_wait3A_201 = tpu.memref_slice %arg7[%dma_wait3A_198, %dma_wait3A_199, %dma_wait3A_200] : memref<4x2x128xi32, #tpu.memory_space<vmem>> -> memref<1x1x128xi32, #tpu.memory_space<vmem>>
      %dma_wait3A_202 = tpu.memref_squeeze %dma_wait3A_201 : memref<1x1x128xi32, #tpu.memory_space<vmem>> -> memref<128xi32, #tpu.memory_space<vmem>>
      %dma_wait3A_203 = arith.constant 0 : i32
      %dma_wait3A_204 = arith.constant 0 : i32
      %dma_wait3A_205 = tpu.memref_slice %arg13[%dma_wait3A_203, %dma_wait3A_204] : memref<10240x32xf32, #tpu.memory_space<vmem_shared>> -> memref<10240x32xf32, #tpu.memory_space<vmem_shared>>
      tpu.wait_indirect_dma semaphore(%arg19 : memref<!tpu.dma_semaphore, #tpu.memory_space<semaphore_mem>>) src(%dma_wait3A_205 : memref<10240x32xf32, #tpu.memory_space<vmem_shared>>) dst(%arg8 : memref<128x32xf32, #tpu.memory_space<vmem>>)
      %dma_wait3A_206 = arith.constant 0 : i32
      %dma_wait3A_207 = arith.constant 1 : i32
      %dma_wait3A_208 = arith.constant 0 : i32
      %dma_wait3A_209 = tpu.memref_slice %arg7[%dma_wait3A_206, %dma_wait3A_207, %dma_wait3A_208] : memref<4x2x128xi32, #tpu.memory_space<vmem>> -> memref<1x1x128xi32, #tpu.memory_space<vmem>>
      %dma_wait3A_210 = tpu.memref_squeeze %dma_wait3A_209 : memref<1x1x128xi32, #tpu.memory_space<vmem>> -> memref<128xi32, #tpu.memory_space<vmem>>
      %dma_wait3A_211 = arith.constant 0 : i32
      %dma_wait3A_212 = arith.constant 0 : i32
      %dma_wait3A_213 = tpu.memref_slice %arg14[%dma_wait3A_211, %dma_wait3A_212] : memref<10240x16xf32, #tpu.memory_space<vmem_shared>> -> memref<10240x16xf32, #tpu.memory_space<vmem_shared>>
      tpu.wait_indirect_dma semaphore(%arg21 : memref<!tpu.dma_semaphore, #tpu.memory_space<semaphore_mem>>) src(%dma_wait3A_213 : memref<10240x16xf32, #tpu.memory_space<vmem_shared>>) dst(%arg10 : memref<128x16xf32, #tpu.memory_space<vmem>>)
      %parallel_loop3A = arith.constant 0 : i32
      %parallel_loop3A_214 = arith.constant 128 : i32
      %parallel_loop3A_215 = arith.constant 1 : i32
      scf.for %parallel_loop3A_390 = %parallel_loop3A to %parallel_loop3A_214 step %parallel_loop3A_215  : i32 {
        %parallel_loop3A_391 = arith.index_cast %parallel_loop3A_390 : i32 to index
        %parallel_loop3A_392 = arith.constant 16 : index
        %parallel_loop3A_393 = tpu.vector_load %arg8[%parallel_loop3A_391, %parallel_loop3A_392] {strides = array<i32>} : memref<128x32xf32, #tpu.memory_space<vmem>>, vector<16xf32>,
        %parallel_loop3A_394 = arith.index_cast %parallel_loop3A_390 : i32 to index
        %parallel_loop3A_395 = arith.constant 0 : index
        %parallel_loop3A_396 = tpu.vector_load %arg10[%parallel_loop3A_394, %parallel_loop3A_395] {strides = array<i32>} : memref<128x16xf32, #tpu.memory_space<vmem>>, vector<16xf32>,
        %parallel_loop3A_397 = arith.addf %parallel_loop3A_393, %parallel_loop3A_396 : vector<16xf32>
        %parallel_loop3A_398 = arith.constant 0.000000e+00 : f32
        %parallel_loop3A_399 = vector.broadcast %parallel_loop3A_398 : f32 to vector<16xf32>
        %parallel_loop3A_400 = arith.cmpf ogt, %parallel_loop3A_397, %parallel_loop3A_399 : vector<16xf32>
        %parallel_loop3A_401 = arith.constant 2.000000e-01 : f32
        %parallel_loop3A_402 = vector.broadcast %parallel_loop3A_401 : f32 to vector<16xf32>
        %parallel_loop3A_403 = arith.mulf %parallel_loop3A_402, %parallel_loop3A_397 : vector<16xf32>
        %parallel_loop3A_404 = arith.select %parallel_loop3A_400, %parallel_loop3A_397, %parallel_loop3A_403 : vector<16xi1>, vector<16xf32>
        %parallel_loop3A_405 = math.exp %parallel_loop3A_404 : vector<16xf32>
        %parallel_loop3A_406 = arith.index_cast %parallel_loop3A_390 : i32 to index
        %parallel_loop3A_407 = arith.constant 0 : index
        %parallel_loop3A_408 = tpu.vector_load %arg8[%parallel_loop3A_406, %parallel_loop3A_407] {strides = array<i32>} : memref<128x32xf32, #tpu.memory_space<vmem>>, vector<16xf32>,
        %parallel_loop3A_409 = arith.mulf %parallel_loop3A_408, %parallel_loop3A_405 : vector<16xf32>
        %parallel_loop3A_410 = arith.index_cast %parallel_loop3A_390 : i32 to index
        %parallel_loop3A_411 = arith.constant 0 : index
        %parallel_loop3A_412 = tpu.vector_load %arg8[%parallel_loop3A_410, %parallel_loop3A_411] {strides = array<i32>} : memref<128x32xf32, #tpu.memory_space<vmem>>, vector<16xf32>,
        tpu.vector_store %arg8[%parallel_loop3A_410, %parallel_loop3A_411], %parallel_loop3A_409 {strides = array<i32>} : memref<128x32xf32, #tpu.memory_space<vmem>>, vector<16xf32>,
        %parallel_loop3A_413 = tpu.iota {dimensions = array<i32: 0>} : vector<16xi32>
        %parallel_loop3A_414 = arith.constant 0 : i32
        %parallel_loop3A_415 = vector.broadcast %parallel_loop3A_414 : i32 to vector<16xi32>
        %parallel_loop3A_416 = arith.cmpi eq, %parallel_loop3A_413, %parallel_loop3A_415 : vector<16xi32>
        %parallel_loop3A_417 = arith.constant 0.000000e+00 : f32
        %parallel_loop3A_418 = vector.broadcast %parallel_loop3A_417 : f32 to vector<16xf32>
        %parallel_loop3A_419 = arith.select %parallel_loop3A_416, %parallel_loop3A_405, %parallel_loop3A_418 : vector<16xi1>, vector<16xf32>
        %parallel_loop3A_420 = arith.index_cast %parallel_loop3A_390 : i32 to index
        %parallel_loop3A_421 = arith.constant 16 : index
        %parallel_loop3A_422 = tpu.vector_load %arg8[%parallel_loop3A_420, %parallel_loop3A_421] {strides = array<i32>} : memref<128x32xf32, #tpu.memory_space<vmem>>, vector<16xf32>,
        tpu.vector_store %arg8[%parallel_loop3A_420, %parallel_loop3A_421], %parallel_loop3A_419 {strides = array<i32>} : memref<128x32xf32, #tpu.memory_space<vmem>>, vector<16xf32>,
      } {sc.loop_unroll_factor = 4 : i64, sc.parallel_access}
      %dma_start3A_216 = arith.constant 0 : i32
      %dma_start3A_217 = arith.constant 1 : i32
      %dma_start3A_218 = arith.constant 0 : i32
      %dma_start3A_219 = tpu.memref_slice %arg7[%dma_start3A_216, %dma_start3A_217, %dma_start3A_218] : memref<4x2x128xi32, #tpu.memory_space<vmem>> -> memref<1x1x128xi32, #tpu.memory_space<vmem>>
      %dma_start3A_220 = tpu.memref_squeeze %dma_start3A_219 : memref<1x1x128xi32, #tpu.memory_space<vmem>> -> memref<128xi32, #tpu.memory_space<vmem>>
      %dma_start3A_221 = arith.constant 0 : i32
      %dma_start3A_222 = arith.constant 0 : i32
      %dma_start3A_223 = tpu.memref_slice %arg12[%dma_start3A_221, %dma_start3A_222] : memref<10240x32xf32, #tpu.memory_space<vmem_shared>> -> memref<10240x32xf32, #tpu.memory_space<vmem_shared>>
      tpu.enqueue_indirect_dma source(%arg8 : memref<128x32xf32, #tpu.memory_space<vmem>>) target(%dma_start3A_223 : memref<10240x32xf32, #tpu.memory_space<vmem_shared>>) offsets(%dma_start3A_220 : memref<128xi32, #tpu.memory_space<vmem>>) semaphore(%arg23 : memref<!tpu.dma_semaphore, #tpu.memory_space<semaphore_mem>>) {add = true}
      %mul3A_224 = arith.constant 4 : i32
      %mul3A_225 = arith.muli %mul3A_224, %scan3A_171 : i32
      %add3A_226 = arith.constant 1 : i32
      %add3A_227 = arith.addi %mul3A_225, %add3A_226 : i32
      %add3A_228 = arith.constant 2 : i32
      %add3A_229 = arith.addi %add3A_227, %add3A_228 : i32
      %lt3A_230 = arith.constant 84 : i32
      %lt3A_231 = arith.cmpi slt, %add3A_229, %lt3A_230 : i32
      %convert_element_type3A_232 = arith.extui %lt3A_231 : i1 to i32
      %cond3A_233 = arith.constant 0 : i32
      %cond3A_234 = arith.cmpi ne, %convert_element_type3A_232, %cond3A_233 : i32
      scf.if %cond3A_234 {
        %add3A_390 = arith.constant 2 : i32
        %add3A_391 = arith.addi %add3A_227, %add3A_390 : i32
        %mul3A_392 = arith.constant 32 : i32
        %mul3A_393 = arith.muli %add3A_391, %mul3A_392 : i32
        %add3A_394 = arith.addi %mul3A_393, %add3A : i32
        %dma_start3A_395 = arith.constant 3 : i32
        %dma_start3A_396 = arith.constant 0 : i32
        %dma_start3A_397 = arith.constant 0 : i32
        %dma_start3A_398 = tpu.memref_slice %arg7[%dma_start3A_395, %dma_start3A_396, %dma_start3A_397] : memref<4x2x128xi32, #tpu.memory_space<vmem>> -> memref<1x2x128xi32, #tpu.memory_space<vmem>>
        %dma_start3A_399 = tpu.memref_squeeze %dma_start3A_398 : memref<1x2x128xi32, #tpu.memory_space<vmem>> -> memref<2x128xi32, #tpu.memory_space<vmem>>
        %dma_start3A_400 = arith.constant 0 : i32
        %dma_start3A_401 = arith.constant 0 : i32
        %dma_start3A_402 = tpu.memref_slice %arg2[%add3A_394, %dma_start3A_400, %dma_start3A_401] : memref<2688x2x128xi32, #tpu.memory_space<hbm>> -> memref<1x2x128xi32, #tpu.memory_space<hbm>>
        %dma_start3A_403 = tpu.memref_squeeze %dma_start3A_402 : memref<1x2x128xi32, #tpu.memory_space<hbm>> -> memref<2x128xi32, #tpu.memory_space<hbm>>
        %dma_start3A_404 = arith.constant 0 : i32
        %dma_start3A_405 = arith.constant 0 : i32
        %dma_start3A_406 = tpu.memref_slice %arg7[%dma_start3A_395, %dma_start3A_404, %dma_start3A_405] : memref<4x2x128xi32, #tpu.memory_space<vmem>> -> memref<1x2x128xi32, #tpu.memory_space<vmem>>
        %dma_start3A_407 = tpu.memref_squeeze %dma_start3A_406 : memref<1x2x128xi32, #tpu.memory_space<vmem>> -> memref<2x128xi32, #tpu.memory_space<vmem>>
        %dma_start3A_408 = arith.constant 0 : i32
        %dma_start3A_409 = arith.constant 0 : i32
        %dma_start3A_410 = tpu.memref_slice %arg2[%add3A_394, %dma_start3A_408, %dma_start3A_409] : memref<2688x2x128xi32, #tpu.memory_space<hbm>> -> memref<1x2x128xi32, #tpu.memory_space<hbm>>
        %dma_start3A_411 = tpu.memref_squeeze %dma_start3A_410 : memref<1x2x128xi32, #tpu.memory_space<hbm>> -> memref<2x128xi32, #tpu.memory_space<hbm>>
        tpu.enqueue_dma source(%dma_start3A_411 : memref<2x128xi32, #tpu.memory_space<hbm>>) target(%dma_start3A_407 : memref<2x128xi32, #tpu.memory_space<vmem>>) target_semaphore(%arg18 : memref<!tpu.dma_semaphore, #tpu.memory_space<semaphore_mem>>)
      } else {
      }
      %add3A_235 = arith.constant 1 : i32
      %add3A_236 = arith.addi %add3A_227, %add3A_235 : i32
      %lt3A_237 = arith.constant 84 : i32
      %lt3A_238 = arith.cmpi slt, %add3A_236, %lt3A_237 : i32
      %ge3A_239 = arith.constant 1 : i32
      %ge3A_240 = arith.cmpi sge, %add3A_227, %ge3A_239 : i32
      %and3A_241 = arith.andi %lt3A_238, %ge3A_240 : i1
      %convert_element_type3A_242 = arith.extui %and3A_241 : i1 to i32
      %cond3A_243 = arith.constant 0 : i32
      %cond3A_244 = arith.cmpi ne, %convert_element_type3A_242, %cond3A_243 : i32
      scf.if %cond3A_244 {
        %dma_wait3A_390 = arith.constant 0 : i32
        %dma_wait3A_391 = arith.constant 1 : i32
        %dma_wait3A_392 = arith.constant 0 : i32
        %dma_wait3A_393 = tpu.memref_slice %arg7[%dma_wait3A_390, %dma_wait3A_391, %dma_wait3A_392] : memref<4x2x128xi32, #tpu.memory_space<vmem>> -> memref<1x1x128xi32, #tpu.memory_space<vmem>>
        %dma_wait3A_394 = tpu.memref_squeeze %dma_wait3A_393 : memref<1x1x128xi32, #tpu.memory_space<vmem>> -> memref<128xi32, #tpu.memory_space<vmem>>
        %dma_wait3A_395 = arith.constant 0 : i32
        %dma_wait3A_396 = arith.constant 0 : i32
        %dma_wait3A_397 = tpu.memref_slice %arg12[%dma_wait3A_395, %dma_wait3A_396] : memref<10240x32xf32, #tpu.memory_space<vmem_shared>> -> memref<10240x32xf32, #tpu.memory_space<vmem_shared>>
        tpu.wait_indirect_dma semaphore(%arg23 : memref<!tpu.dma_semaphore, #tpu.memory_space<semaphore_mem>>) src(%arg8 : memref<128x32xf32, #tpu.memory_space<vmem>>) dst(%dma_wait3A_397 : memref<10240x32xf32, #tpu.memory_space<vmem_shared>>)
      } else {
      }
      %add3A_245 = arith.constant 1 : i32
      %add3A_246 = arith.addi %add3A_227, %add3A_245 : i32
      %lt3A_247 = arith.constant 84 : i32
      %lt3A_248 = arith.cmpi slt, %add3A_246, %lt3A_247 : i32
      %convert_element_type3A_249 = arith.extui %lt3A_248 : i1 to i32
      %cond3A_250 = arith.constant 0 : i32
      %cond3A_251 = arith.cmpi ne, %convert_element_type3A_249, %cond3A_250 : i32
      scf.if %cond3A_251 {
        %dma_wait3A_390 = arith.constant 0 : i32
        %dma_wait3A_391 = arith.constant 2 : i32
        %dma_wait3A_392 = arith.constant 0 : i32
        %dma_wait3A_393 = arith.constant 0 : i32
        %dma_wait3A_394 = tpu.memref_slice %arg7[%dma_wait3A_391, %dma_wait3A_392, %dma_wait3A_393] : memref<4x2x128xi32, #tpu.memory_space<vmem>> -> memref<1x2x128xi32, #tpu.memory_space<vmem>>
        %dma_wait3A_395 = tpu.memref_squeeze %dma_wait3A_394 : memref<1x2x128xi32, #tpu.memory_space<vmem>> -> memref<2x128xi32, #tpu.memory_space<vmem>>
        %dma_wait3A_396 = arith.constant 0 : i32
        %dma_wait3A_397 = arith.constant 0 : i32
        %dma_wait3A_398 = tpu.memref_slice %arg2[%dma_wait3A_390, %dma_wait3A_396, %dma_wait3A_397] : memref<2688x2x128xi32, #tpu.memory_space<hbm>> -> memref<1x2x128xi32, #tpu.memory_space<hbm>>
        %dma_wait3A_399 = tpu.memref_squeeze %dma_wait3A_398 : memref<1x2x128xi32, #tpu.memory_space<hbm>> -> memref<2x128xi32, #tpu.memory_space<hbm>>
        %dma_wait3A_400 = arith.constant 0 : i32
        %dma_wait3A_401 = arith.constant 0 : i32
        %dma_wait3A_402 = tpu.memref_slice %arg7[%dma_wait3A_391, %dma_wait3A_400, %dma_wait3A_401] : memref<4x2x128xi32, #tpu.memory_space<vmem>> -> memref<1x2x128xi32, #tpu.memory_space<vmem>>
        %dma_wait3A_403 = tpu.memref_squeeze %dma_wait3A_402 : memref<1x2x128xi32, #tpu.memory_space<vmem>> -> memref<2x128xi32, #tpu.memory_space<vmem>>
        %dma_wait3A_404 = arith.constant 0 : i32
        %dma_wait3A_405 = arith.constant 0 : i32
        %dma_wait3A_406 = tpu.memref_slice %arg2[%dma_wait3A_390, %dma_wait3A_404, %dma_wait3A_405] : memref<2688x2x128xi32, #tpu.memory_space<hbm>> -> memref<1x2x128xi32, #tpu.memory_space<hbm>>
        %dma_wait3A_407 = tpu.memref_squeeze %dma_wait3A_406 : memref<1x2x128xi32, #tpu.memory_space<hbm>> -> memref<2x128xi32, #tpu.memory_space<hbm>>
        tpu.wait_dma2 semaphore(%arg17 : memref<!tpu.dma_semaphore, #tpu.memory_space<semaphore_mem>>) src(%dma_wait3A_407 : memref<2x128xi32, #tpu.memory_space<hbm>>) dst(%dma_wait3A_403 : memref<2x128xi32, #tpu.memory_space<vmem>>)
        %dma_start3A_408 = arith.constant 2 : i32
        %dma_start3A_409 = arith.constant 0 : i32
        %dma_start3A_410 = arith.constant 0 : i32
        %dma_start3A_411 = tpu.memref_slice %arg7[%dma_start3A_408, %dma_start3A_409, %dma_start3A_410] : memref<4x2x128xi32, #tpu.memory_space<vmem>> -> memref<1x1x128xi32, #tpu.memory_space<vmem>>
        %dma_start3A_412 = tpu.memref_squeeze %dma_start3A_411 : memref<1x1x128xi32, #tpu.memory_space<vmem>> -> memref<128xi32, #tpu.memory_space<vmem>>
        %dma_start3A_413 = arith.constant 0 : i32
        %dma_start3A_414 = arith.constant 0 : i32
        %dma_start3A_415 = tpu.memref_slice %arg13[%dma_start3A_413, %dma_start3A_414] : memref<10240x32xf32, #tpu.memory_space<vmem_shared>> -> memref<10240x32xf32, #tpu.memory_space<vmem_shared>>
        tpu.enqueue_indirect_dma source(%dma_start3A_415 : memref<10240x32xf32, #tpu.memory_space<vmem_shared>>) target(%arg8 : memref<128x32xf32, #tpu.memory_space<vmem>>) offsets(%dma_start3A_412 : memref<128xi32, #tpu.memory_space<vmem>>) semaphore(%arg19 : memref<!tpu.dma_semaphore, #tpu.memory_space<semaphore_mem>>)
        %dma_start3A_416 = arith.constant 2 : i32
        %dma_start3A_417 = arith.constant 1 : i32
        %dma_start3A_418 = arith.constant 0 : i32
        %dma_start3A_419 = tpu.memref_slice %arg7[%dma_start3A_416, %dma_start3A_417, %dma_start3A_418] : memref<4x2x128xi32, #tpu.memory_space<vmem>> -> memref<1x1x128xi32, #tpu.memory_space<vmem>>
        %dma_start3A_420 = tpu.memref_squeeze %dma_start3A_419 : memref<1x1x128xi32, #tpu.memory_space<vmem>> -> memref<128xi32, #tpu.memory_space<vmem>>
        %dma_start3A_421 = arith.constant 0 : i32
        %dma_start3A_422 = arith.constant 0 : i32
        %dma_start3A_423 = tpu.memref_slice %arg14[%dma_start3A_421, %dma_start3A_422] : memref<10240x16xf32, #tpu.memory_space<vmem_shared>> -> memref<10240x16xf32, #tpu.memory_space<vmem_shared>>
        tpu.enqueue_indirect_dma source(%dma_start3A_423 : memref<10240x16xf32, #tpu.memory_space<vmem_shared>>) target(%arg10 : memref<128x16xf32, #tpu.memory_space<vmem>>) offsets(%dma_start3A_420 : memref<128xi32, #tpu.memory_space<vmem>>) semaphore(%arg21 : memref<!tpu.dma_semaphore, #tpu.memory_space<semaphore_mem>>)
      } else {
      }
      %dma_wait3A_252 = arith.constant 1 : i32
      %dma_wait3A_253 = arith.constant 0 : i32
      %dma_wait3A_254 = arith.constant 0 : i32
      %dma_wait3A_255 = tpu.memref_slice %arg7[%dma_wait3A_252, %dma_wait3A_253, %dma_wait3A_254] : memref<4x2x128xi32, #tpu.memory_space<vmem>> -> memref<1x1x128xi32, #tpu.memory_space<vmem>>
      %dma_wait3A_256 = tpu.memref_squeeze %dma_wait3A_255 : memref<1x1x128xi32, #tpu.memory_space<vmem>> -> memref<128xi32, #tpu.memory_space<vmem>>
      %dma_wait3A_257 = arith.constant 0 : i32
      %dma_wait3A_258 = arith.constant 0 : i32
      %dma_wait3A_259 = tpu.memref_slice %arg13[%dma_wait3A_257, %dma_wait3A_258] : memref<10240x32xf32, #tpu.memory_space<vmem_shared>> -> memref<10240x32xf32, #tpu.memory_space<vmem_shared>>
      tpu.wait_indirect_dma semaphore(%arg20 : memref<!tpu.dma_semaphore, #tpu.memory_space<semaphore_mem>>) src(%dma_wait3A_259 : memref<10240x32xf32, #tpu.memory_space<vmem_shared>>) dst(%arg9 : memref<128x32xf32, #tpu.memory_space<vmem>>)
      %dma_wait3A_260 = arith.constant 1 : i32
      %dma_wait3A_261 = arith.constant 1 : i32
      %dma_wait3A_262 = arith.constant 0 : i32
      %dma_wait3A_263 = tpu.memref_slice %arg7[%dma_wait3A_260, %dma_wait3A_261, %dma_wait3A_262] : memref<4x2x128xi32, #tpu.memory_space<vmem>> -> memref<1x1x128xi32, #tpu.memory_space<vmem>>
      %dma_wait3A_264 = tpu.memref_squeeze %dma_wait3A_263 : memref<1x1x128xi32, #tpu.memory_space<vmem>> -> memref<128xi32, #tpu.memory_space<vmem>>
      %dma_wait3A_265 = arith.constant 0 : i32
      %dma_wait3A_266 = arith.constant 0 : i32
      %dma_wait3A_267 = tpu.memref_slice %arg14[%dma_wait3A_265, %dma_wait3A_266] : memref<10240x16xf32, #tpu.memory_space<vmem_shared>> -> memref<10240x16xf32, #tpu.memory_space<vmem_shared>>
      tpu.wait_indirect_dma semaphore(%arg22 : memref<!tpu.dma_semaphore, #tpu.memory_space<semaphore_mem>>) src(%dma_wait3A_267 : memref<10240x16xf32, #tpu.memory_space<vmem_shared>>) dst(%arg11 : memref<128x16xf32, #tpu.memory_space<vmem>>)
      %parallel_loop3A_268 = arith.constant 0 : i32
      %parallel_loop3A_269 = arith.constant 128 : i32
      %parallel_loop3A_270 = arith.constant 1 : i32
      scf.for %parallel_loop3A_390 = %parallel_loop3A_268 to %parallel_loop3A_269 step %parallel_loop3A_270  : i32 {
        %parallel_loop3A_391 = arith.index_cast %parallel_loop3A_390 : i32 to index
        %parallel_loop3A_392 = arith.constant 16 : index
        %parallel_loop3A_393 = tpu.vector_load %arg9[%parallel_loop3A_391, %parallel_loop3A_392] {strides = array<i32>} : memref<128x32xf32, #tpu.memory_space<vmem>>, vector<16xf32>,
        %parallel_loop3A_394 = arith.index_cast %parallel_loop3A_390 : i32 to index
        %parallel_loop3A_395 = arith.constant 0 : index
        %parallel_loop3A_396 = tpu.vector_load %arg11[%parallel_loop3A_394, %parallel_loop3A_395] {strides = array<i32>} : memref<128x16xf32, #tpu.memory_space<vmem>>, vector<16xf32>,
        %parallel_loop3A_397 = arith.addf %parallel_loop3A_393, %parallel_loop3A_396 : vector<16xf32>
        %parallel_loop3A_398 = arith.constant 0.000000e+00 : f32
        %parallel_loop3A_399 = vector.broadcast %parallel_loop3A_398 : f32 to vector<16xf32>
        %parallel_loop3A_400 = arith.cmpf ogt, %parallel_loop3A_397, %parallel_loop3A_399 : vector<16xf32>
        %parallel_loop3A_401 = arith.constant 2.000000e-01 : f32
        %parallel_loop3A_402 = vector.broadcast %parallel_loop3A_401 : f32 to vector<16xf32>
        %parallel_loop3A_403 = arith.mulf %parallel_loop3A_402, %parallel_loop3A_397 : vector<16xf32>
        %parallel_loop3A_404 = arith.select %parallel_loop3A_400, %parallel_loop3A_397, %parallel_loop3A_403 : vector<16xi1>, vector<16xf32>
        %parallel_loop3A_405 = math.exp %parallel_loop3A_404 : vector<16xf32>
        %parallel_loop3A_406 = arith.index_cast %parallel_loop3A_390 : i32 to index
        %parallel_loop3A_407 = arith.constant 0 : index
        %parallel_loop3A_408 = tpu.vector_load %arg9[%parallel_loop3A_406, %parallel_loop3A_407] {strides = array<i32>} : memref<128x32xf32, #tpu.memory_space<vmem>>, vector<16xf32>,
        %parallel_loop3A_409 = arith.mulf %parallel_loop3A_408, %parallel_loop3A_405 : vector<16xf32>
        %parallel_loop3A_410 = arith.index_cast %parallel_loop3A_390 : i32 to index
        %parallel_loop3A_411 = arith.constant 0 : index
        %parallel_loop3A_412 = tpu.vector_load %arg9[%parallel_loop3A_410, %parallel_loop3A_411] {strides = array<i32>} : memref<128x32xf32, #tpu.memory_space<vmem>>, vector<16xf32>,
        tpu.vector_store %arg9[%parallel_loop3A_410, %parallel_loop3A_411], %parallel_loop3A_409 {strides = array<i32>} : memref<128x32xf32, #tpu.memory_space<vmem>>, vector<16xf32>,
        %parallel_loop3A_413 = tpu.iota {dimensions = array<i32: 0>} : vector<16xi32>
        %parallel_loop3A_414 = arith.constant 0 : i32
        %parallel_loop3A_415 = vector.broadcast %parallel_loop3A_414 : i32 to vector<16xi32>
        %parallel_loop3A_416 = arith.cmpi eq, %parallel_loop3A_413, %parallel_loop3A_415 : vector<16xi32>
        %parallel_loop3A_417 = arith.constant 0.000000e+00 : f32
        %parallel_loop3A_418 = vector.broadcast %parallel_loop3A_417 : f32 to vector<16xf32>
        %parallel_loop3A_419 = arith.select %parallel_loop3A_416, %parallel_loop3A_405, %parallel_loop3A_418 : vector<16xi1>, vector<16xf32>
        %parallel_loop3A_420 = arith.index_cast %parallel_loop3A_390 : i32 to index
        %parallel_loop3A_421 = arith.constant 16 : index
        %parallel_loop3A_422 = tpu.vector_load %arg9[%parallel_loop3A_420, %parallel_loop3A_421] {strides = array<i32>} : memref<128x32xf32, #tpu.memory_space<vmem>>, vector<16xf32>,
        tpu.vector_store %arg9[%parallel_loop3A_420, %parallel_loop3A_421], %parallel_loop3A_419 {strides = array<i32>} : memref<128x32xf32, #tpu.memory_space<vmem>>, vector<16xf32>,
      } {sc.loop_unroll_factor = 4 : i64, sc.parallel_access}
      %dma_start3A_271 = arith.constant 1 : i32
      %dma_start3A_272 = arith.constant 1 : i32
      %dma_start3A_273 = arith.constant 0 : i32
      %dma_start3A_274 = tpu.memref_slice %arg7[%dma_start3A_271, %dma_start3A_272, %dma_start3A_273] : memref<4x2x128xi32, #tpu.memory_space<vmem>> -> memref<1x1x128xi32, #tpu.memory_space<vmem>>
      %dma_start3A_275 = tpu.memref_squeeze %dma_start3A_274 : memref<1x1x128xi32, #tpu.memory_space<vmem>> -> memref<128xi32, #tpu.memory_space<vmem>>
      %dma_start3A_276 = arith.constant 0 : i32
      %dma_start3A_277 = arith.constant 0 : i32
      %dma_start3A_278 = tpu.memref_slice %arg12[%dma_start3A_276, %dma_start3A_277] : memref<10240x32xf32, #tpu.memory_space<vmem_shared>> -> memref<10240x32xf32, #tpu.memory_space<vmem_shared>>
      tpu.enqueue_indirect_dma source(%arg9 : memref<128x32xf32, #tpu.memory_space<vmem>>) target(%dma_start3A_278 : memref<10240x32xf32, #tpu.memory_space<vmem_shared>>) offsets(%dma_start3A_275 : memref<128xi32, #tpu.memory_space<vmem>>) semaphore(%arg24 : memref<!tpu.dma_semaphore, #tpu.memory_space<semaphore_mem>>) {add = true}
      %mul3A_279 = arith.constant 4 : i32
      %mul3A_280 = arith.muli %mul3A_279, %scan3A_171 : i32
      %add3A_281 = arith.constant 2 : i32
      %add3A_282 = arith.addi %mul3A_280, %add3A_281 : i32
      %add3A_283 = arith.constant 2 : i32
      %add3A_284 = arith.addi %add3A_282, %add3A_283 : i32
      %lt3A_285 = arith.constant 84 : i32
      %lt3A_286 = arith.cmpi slt, %add3A_284, %lt3A_285 : i32
      %convert_element_type3A_287 = arith.extui %lt3A_286 : i1 to i32
      %cond3A_288 = arith.constant 0 : i32
      %cond3A_289 = arith.cmpi ne, %convert_element_type3A_287, %cond3A_288 : i32
      scf.if %cond3A_289 {
        %add3A_390 = arith.constant 2 : i32
        %add3A_391 = arith.addi %add3A_282, %add3A_390 : i32
        %mul3A_392 = arith.constant 32 : i32
        %mul3A_393 = arith.muli %add3A_391, %mul3A_392 : i32
        %add3A_394 = arith.addi %mul3A_393, %add3A : i32
        %dma_start3A_395 = arith.constant 0 : i32
        %dma_start3A_396 = arith.constant 0 : i32
        %dma_start3A_397 = arith.constant 0 : i32
        %dma_start3A_398 = tpu.memref_slice %arg7[%dma_start3A_395, %dma_start3A_396, %dma_start3A_397] : memref<4x2x128xi32, #tpu.memory_space<vmem>> -> memref<1x2x128xi32, #tpu.memory_space<vmem>>
        %dma_start3A_399 = tpu.memref_squeeze %dma_start3A_398 : memref<1x2x128xi32, #tpu.memory_space<vmem>> -> memref<2x128xi32, #tpu.memory_space<vmem>>
        %dma_start3A_400 = arith.constant 0 : i32
        %dma_start3A_401 = arith.constant 0 : i32
        %dma_start3A_402 = tpu.memref_slice %arg2[%add3A_394, %dma_start3A_400, %dma_start3A_401] : memref<2688x2x128xi32, #tpu.memory_space<hbm>> -> memref<1x2x128xi32, #tpu.memory_space<hbm>>
        %dma_start3A_403 = tpu.memref_squeeze %dma_start3A_402 : memref<1x2x128xi32, #tpu.memory_space<hbm>> -> memref<2x128xi32, #tpu.memory_space<hbm>>
        %dma_start3A_404 = arith.constant 0 : i32
        %dma_start3A_405 = arith.constant 0 : i32
        %dma_start3A_406 = tpu.memref_slice %arg7[%dma_start3A_395, %dma_start3A_404, %dma_start3A_405] : memref<4x2x128xi32, #tpu.memory_space<vmem>> -> memref<1x2x128xi32, #tpu.memory_space<vmem>>
        %dma_start3A_407 = tpu.memref_squeeze %dma_start3A_406 : memref<1x2x128xi32, #tpu.memory_space<vmem>> -> memref<2x128xi32, #tpu.memory_space<vmem>>
        %dma_start3A_408 = arith.constant 0 : i32
        %dma_start3A_409 = arith.constant 0 : i32
        %dma_start3A_410 = tpu.memref_slice %arg2[%add3A_394, %dma_start3A_408, %dma_start3A_409] : memref<2688x2x128xi32, #tpu.memory_space<hbm>> -> memref<1x2x128xi32, #tpu.memory_space<hbm>>
        %dma_start3A_411 = tpu.memref_squeeze %dma_start3A_410 : memref<1x2x128xi32, #tpu.memory_space<hbm>> -> memref<2x128xi32, #tpu.memory_space<hbm>>
        tpu.enqueue_dma source(%dma_start3A_411 : memref<2x128xi32, #tpu.memory_space<hbm>>) target(%dma_start3A_407 : memref<2x128xi32, #tpu.memory_space<vmem>>) target_semaphore(%arg15 : memref<!tpu.dma_semaphore, #tpu.memory_space<semaphore_mem>>)
      } else {
      }
      %add3A_290 = arith.constant 1 : i32
      %add3A_291 = arith.addi %add3A_282, %add3A_290 : i32
      %lt3A_292 = arith.constant 84 : i32
      %lt3A_293 = arith.cmpi slt, %add3A_291, %lt3A_292 : i32
      %ge3A_294 = arith.constant 1 : i32
      %ge3A_295 = arith.cmpi sge, %add3A_282, %ge3A_294 : i32
      %and3A_296 = arith.andi %lt3A_293, %ge3A_295 : i1
      %convert_element_type3A_297 = arith.extui %and3A_296 : i1 to i32
      %cond3A_298 = arith.constant 0 : i32
      %cond3A_299 = arith.cmpi ne, %convert_element_type3A_297, %cond3A_298 : i32
      scf.if %cond3A_299 {
        %dma_wait3A_390 = arith.constant 0 : i32
        %dma_wait3A_391 = arith.constant 1 : i32
        %dma_wait3A_392 = arith.constant 0 : i32
        %dma_wait3A_393 = tpu.memref_slice %arg7[%dma_wait3A_390, %dma_wait3A_391, %dma_wait3A_392] : memref<4x2x128xi32, #tpu.memory_space<vmem>> -> memref<1x1x128xi32, #tpu.memory_space<vmem>>
        %dma_wait3A_394 = tpu.memref_squeeze %dma_wait3A_393 : memref<1x1x128xi32, #tpu.memory_space<vmem>> -> memref<128xi32, #tpu.memory_space<vmem>>
        %dma_wait3A_395 = arith.constant 0 : i32
        %dma_wait3A_396 = arith.constant 0 : i32
        %dma_wait3A_397 = tpu.memref_slice %arg12[%dma_wait3A_395, %dma_wait3A_396] : memref<10240x32xf32, #tpu.memory_space<vmem_shared>> -> memref<10240x32xf32, #tpu.memory_space<vmem_shared>>
        tpu.wait_indirect_dma semaphore(%arg24 : memref<!tpu.dma_semaphore, #tpu.memory_space<semaphore_mem>>) src(%arg9 : memref<128x32xf32, #tpu.memory_space<vmem>>) dst(%dma_wait3A_397 : memref<10240x32xf32, #tpu.memory_space<vmem_shared>>)
      } else {
      }
      %add3A_300 = arith.constant 1 : i32
      %add3A_301 = arith.addi %add3A_282, %add3A_300 : i32
      %lt3A_302 = arith.constant 84 : i32
      %lt3A_303 = arith.cmpi slt, %add3A_301, %lt3A_302 : i32
      %convert_element_type3A_304 = arith.extui %lt3A_303 : i1 to i32
      %cond3A_305 = arith.constant 0 : i32
      %cond3A_306 = arith.cmpi ne, %convert_element_type3A_304, %cond3A_305 : i32
      scf.if %cond3A_306 {
        %dma_wait3A_390 = arith.constant 0 : i32
        %dma_wait3A_391 = arith.constant 3 : i32
        %dma_wait3A_392 = arith.constant 0 : i32
        %dma_wait3A_393 = arith.constant 0 : i32
        %dma_wait3A_394 = tpu.memref_slice %arg7[%dma_wait3A_391, %dma_wait3A_392, %dma_wait3A_393] : memref<4x2x128xi32, #tpu.memory_space<vmem>> -> memref<1x2x128xi32, #tpu.memory_space<vmem>>
        %dma_wait3A_395 = tpu.memref_squeeze %dma_wait3A_394 : memref<1x2x128xi32, #tpu.memory_space<vmem>> -> memref<2x128xi32, #tpu.memory_space<vmem>>
        %dma_wait3A_396 = arith.constant 0 : i32
        %dma_wait3A_397 = arith.constant 0 : i32
        %dma_wait3A_398 = tpu.memref_slice %arg2[%dma_wait3A_390, %dma_wait3A_396, %dma_wait3A_397] : memref<2688x2x128xi32, #tpu.memory_space<hbm>> -> memref<1x2x128xi32, #tpu.memory_space<hbm>>
        %dma_wait3A_399 = tpu.memref_squeeze %dma_wait3A_398 : memref<1x2x128xi32, #tpu.memory_space<hbm>> -> memref<2x128xi32, #tpu.memory_space<hbm>>
        %dma_wait3A_400 = arith.constant 0 : i32
        %dma_wait3A_401 = arith.constant 0 : i32
        %dma_wait3A_402 = tpu.memref_slice %arg7[%dma_wait3A_391, %dma_wait3A_400, %dma_wait3A_401] : memref<4x2x128xi32, #tpu.memory_space<vmem>> -> memref<1x2x128xi32, #tpu.memory_space<vmem>>
        %dma_wait3A_403 = tpu.memref_squeeze %dma_wait3A_402 : memref<1x2x128xi32, #tpu.memory_space<vmem>> -> memref<2x128xi32, #tpu.memory_space<vmem>>
        %dma_wait3A_404 = arith.constant 0 : i32
        %dma_wait3A_405 = arith.constant 0 : i32
        %dma_wait3A_406 = tpu.memref_slice %arg2[%dma_wait3A_390, %dma_wait3A_404, %dma_wait3A_405] : memref<2688x2x128xi32, #tpu.memory_space<hbm>> -> memref<1x2x128xi32, #tpu.memory_space<hbm>>
        %dma_wait3A_407 = tpu.memref_squeeze %dma_wait3A_406 : memref<1x2x128xi32, #tpu.memory_space<hbm>> -> memref<2x128xi32, #tpu.memory_space<hbm>>
        tpu.wait_dma2 semaphore(%arg18 : memref<!tpu.dma_semaphore, #tpu.memory_space<semaphore_mem>>) src(%dma_wait3A_407 : memref<2x128xi32, #tpu.memory_space<hbm>>) dst(%dma_wait3A_403 : memref<2x128xi32, #tpu.memory_space<vmem>>)
        %dma_start3A_408 = arith.constant 3 : i32
        %dma_start3A_409 = arith.constant 0 : i32
        %dma_start3A_410 = arith.constant 0 : i32
        %dma_start3A_411 = tpu.memref_slice %arg7[%dma_start3A_408, %dma_start3A_409, %dma_start3A_410] : memref<4x2x128xi32, #tpu.memory_space<vmem>> -> memref<1x1x128xi32, #tpu.memory_space<vmem>>
        %dma_start3A_412 = tpu.memref_squeeze %dma_start3A_411 : memref<1x1x128xi32, #tpu.memory_space<vmem>> -> memref<128xi32, #tpu.memory_space<vmem>>
        %dma_start3A_413 = arith.constant 0 : i32
        %dma_start3A_414 = arith.constant 0 : i32
        %dma_start3A_415 = tpu.memref_slice %arg13[%dma_start3A_413, %dma_start3A_414] : memref<10240x32xf32, #tpu.memory_space<vmem_shared>> -> memref<10240x32xf32, #tpu.memory_space<vmem_shared>>
        tpu.enqueue_indirect_dma source(%dma_start3A_415 : memref<10240x32xf32, #tpu.memory_space<vmem_shared>>) target(%arg9 : memref<128x32xf32, #tpu.memory_space<vmem>>) offsets(%dma_start3A_412 : memref<128xi32, #tpu.memory_space<vmem>>) semaphore(%arg20 : memref<!tpu.dma_semaphore, #tpu.memory_space<semaphore_mem>>)
        %dma_start3A_416 = arith.constant 3 : i32
        %dma_start3A_417 = arith.constant 1 : i32
        %dma_start3A_418 = arith.constant 0 : i32
        %dma_start3A_419 = tpu.memref_slice %arg7[%dma_start3A_416, %dma_start3A_417, %dma_start3A_418] : memref<4x2x128xi32, #tpu.memory_space<vmem>> -> memref<1x1x128xi32, #tpu.memory_space<vmem>>
        %dma_start3A_420 = tpu.memref_squeeze %dma_start3A_419 : memref<1x1x128xi32, #tpu.memory_space<vmem>> -> memref<128xi32, #tpu.memory_space<vmem>>
        %dma_start3A_421 = arith.constant 0 : i32
        %dma_start3A_422 = arith.constant 0 : i32
        %dma_start3A_423 = tpu.memref_slice %arg14[%dma_start3A_421, %dma_start3A_422] : memref<10240x16xf32, #tpu.memory_space<vmem_shared>> -> memref<10240x16xf32, #tpu.memory_space<vmem_shared>>
        tpu.enqueue_indirect_dma source(%dma_start3A_423 : memref<10240x16xf32, #tpu.memory_space<vmem_shared>>) target(%arg11 : memref<128x16xf32, #tpu.memory_space<vmem>>) offsets(%dma_start3A_420 : memref<128xi32, #tpu.memory_space<vmem>>) semaphore(%arg22 : memref<!tpu.dma_semaphore, #tpu.memory_space<semaphore_mem>>)
      } else {
      }
      %dma_wait3A_307 = arith.constant 2 : i32
      %dma_wait3A_308 = arith.constant 0 : i32
      %dma_wait3A_309 = arith.constant 0 : i32
      %dma_wait3A_310 = tpu.memref_slice %arg7[%dma_wait3A_307, %dma_wait3A_308, %dma_wait3A_309] : memref<4x2x128xi32, #tpu.memory_space<vmem>> -> memref<1x1x128xi32, #tpu.memory_space<vmem>>
      %dma_wait3A_311 = tpu.memref_squeeze %dma_wait3A_310 : memref<1x1x128xi32, #tpu.memory_space<vmem>> -> memref<128xi32, #tpu.memory_space<vmem>>
      %dma_wait3A_312 = arith.constant 0 : i32
      %dma_wait3A_313 = arith.constant 0 : i32
      %dma_wait3A_314 = tpu.memref_slice %arg13[%dma_wait3A_312, %dma_wait3A_313] : memref<10240x32xf32, #tpu.memory_space<vmem_shared>> -> memref<10240x32xf32, #tpu.memory_space<vmem_shared>>
      tpu.wait_indirect_dma semaphore(%arg19 : memref<!tpu.dma_semaphore, #tpu.memory_space<semaphore_mem>>) src(%dma_wait3A_314 : memref<10240x32xf32, #tpu.memory_space<vmem_shared>>) dst(%arg8 : memref<128x32xf32, #tpu.memory_space<vmem>>)
      %dma_wait3A_315 = arith.constant 2 : i32
      %dma_wait3A_316 = arith.constant 1 : i32
      %dma_wait3A_317 = arith.constant 0 : i32
      %dma_wait3A_318 = tpu.memref_slice %arg7[%dma_wait3A_315, %dma_wait3A_316, %dma_wait3A_317] : memref<4x2x128xi32, #tpu.memory_space<vmem>> -> memref<1x1x128xi32, #tpu.memory_space<vmem>>
      %dma_wait3A_319 = tpu.memref_squeeze %dma_wait3A_318 : memref<1x1x128xi32, #tpu.memory_space<vmem>> -> memref<128xi32, #tpu.memory_space<vmem>>
      %dma_wait3A_320 = arith.constant 0 : i32
      %dma_wait3A_321 = arith.constant 0 : i32
      %dma_wait3A_322 = tpu.memref_slice %arg14[%dma_wait3A_320, %dma_wait3A_321] : memref<10240x16xf32, #tpu.memory_space<vmem_shared>> -> memref<10240x16xf32, #tpu.memory_space<vmem_shared>>
      tpu.wait_indirect_dma semaphore(%arg21 : memref<!tpu.dma_semaphore, #tpu.memory_space<semaphore_mem>>) src(%dma_wait3A_322 : memref<10240x16xf32, #tpu.memory_space<vmem_shared>>) dst(%arg10 : memref<128x16xf32, #tpu.memory_space<vmem>>)
      %parallel_loop3A_323 = arith.constant 0 : i32
      %parallel_loop3A_324 = arith.constant 128 : i32
      %parallel_loop3A_325 = arith.constant 1 : i32
      scf.for %parallel_loop3A_390 = %parallel_loop3A_323 to %parallel_loop3A_324 step %parallel_loop3A_325  : i32 {
        %parallel_loop3A_391 = arith.index_cast %parallel_loop3A_390 : i32 to index
        %parallel_loop3A_392 = arith.constant 16 : index
        %parallel_loop3A_393 = tpu.vector_load %arg8[%parallel_loop3A_391, %parallel_loop3A_392] {strides = array<i32>} : memref<128x32xf32, #tpu.memory_space<vmem>>, vector<16xf32>,
        %parallel_loop3A_394 = arith.index_cast %parallel_loop3A_390 : i32 to index
        %parallel_loop3A_395 = arith.constant 0 : index
        %parallel_loop3A_396 = tpu.vector_load %arg10[%parallel_loop3A_394, %parallel_loop3A_395] {strides = array<i32>} : memref<128x16xf32, #tpu.memory_space<vmem>>, vector<16xf32>,
        %parallel_loop3A_397 = arith.addf %parallel_loop3A_393, %parallel_loop3A_396 : vector<16xf32>
        %parallel_loop3A_398 = arith.constant 0.000000e+00 : f32
        %parallel_loop3A_399 = vector.broadcast %parallel_loop3A_398 : f32 to vector<16xf32>
        %parallel_loop3A_400 = arith.cmpf ogt, %parallel_loop3A_397, %parallel_loop3A_399 : vector<16xf32>
        %parallel_loop3A_401 = arith.constant 2.000000e-01 : f32
        %parallel_loop3A_402 = vector.broadcast %parallel_loop3A_401 : f32 to vector<16xf32>
        %parallel_loop3A_403 = arith.mulf %parallel_loop3A_402, %parallel_loop3A_397 : vector<16xf32>
        %parallel_loop3A_404 = arith.select %parallel_loop3A_400, %parallel_loop3A_397, %parallel_loop3A_403 : vector<16xi1>, vector<16xf32>
        %parallel_loop3A_405 = math.exp %parallel_loop3A_404 : vector<16xf32>
        %parallel_loop3A_406 = arith.index_cast %parallel_loop3A_390 : i32 to index
        %parallel_loop3A_407 = arith.constant 0 : index
        %parallel_loop3A_408 = tpu.vector_load %arg8[%parallel_loop3A_406, %parallel_loop3A_407] {strides = array<i32>} : memref<128x32xf32, #tpu.memory_space<vmem>>, vector<16xf32>,
        %parallel_loop3A_409 = arith.mulf %parallel_loop3A_408, %parallel_loop3A_405 : vector<16xf32>
        %parallel_loop3A_410 = arith.index_cast %parallel_loop3A_390 : i32 to index
        %parallel_loop3A_411 = arith.constant 0 : index
        %parallel_loop3A_412 = tpu.vector_load %arg8[%parallel_loop3A_410, %parallel_loop3A_411] {strides = array<i32>} : memref<128x32xf32, #tpu.memory_space<vmem>>, vector<16xf32>,
        tpu.vector_store %arg8[%parallel_loop3A_410, %parallel_loop3A_411], %parallel_loop3A_409 {strides = array<i32>} : memref<128x32xf32, #tpu.memory_space<vmem>>, vector<16xf32>,
        %parallel_loop3A_413 = tpu.iota {dimensions = array<i32: 0>} : vector<16xi32>
        %parallel_loop3A_414 = arith.constant 0 : i32
        %parallel_loop3A_415 = vector.broadcast %parallel_loop3A_414 : i32 to vector<16xi32>
        %parallel_loop3A_416 = arith.cmpi eq, %parallel_loop3A_413, %parallel_loop3A_415 : vector<16xi32>
        %parallel_loop3A_417 = arith.constant 0.000000e+00 : f32
        %parallel_loop3A_418 = vector.broadcast %parallel_loop3A_417 : f32 to vector<16xf32>
        %parallel_loop3A_419 = arith.select %parallel_loop3A_416, %parallel_loop3A_405, %parallel_loop3A_418 : vector<16xi1>, vector<16xf32>
        %parallel_loop3A_420 = arith.index_cast %parallel_loop3A_390 : i32 to index
        %parallel_loop3A_421 = arith.constant 16 : index
        %parallel_loop3A_422 = tpu.vector_load %arg8[%parallel_loop3A_420, %parallel_loop3A_421] {strides = array<i32>} : memref<128x32xf32, #tpu.memory_space<vmem>>, vector<16xf32>,
        tpu.vector_store %arg8[%parallel_loop3A_420, %parallel_loop3A_421], %parallel_loop3A_419 {strides = array<i32>} : memref<128x32xf32, #tpu.memory_space<vmem>>, vector<16xf32>,
      } {sc.loop_unroll_factor = 4 : i64, sc.parallel_access}
      %dma_start3A_326 = arith.constant 2 : i32
      %dma_start3A_327 = arith.constant 1 : i32
      %dma_start3A_328 = arith.constant 0 : i32
      %dma_start3A_329 = tpu.memref_slice %arg7[%dma_start3A_326, %dma_start3A_327, %dma_start3A_328] : memref<4x2x128xi32, #tpu.memory_space<vmem>> -> memref<1x1x128xi32, #tpu.memory_space<vmem>>
      %dma_start3A_330 = tpu.memref_squeeze %dma_start3A_329 : memref<1x1x128xi32, #tpu.memory_space<vmem>> -> memref<128xi32, #tpu.memory_space<vmem>>
      %dma_start3A_331 = arith.constant 0 : i32
      %dma_start3A_332 = arith.constant 0 : i32
      %dma_start3A_333 = tpu.memref_slice %arg12[%dma_start3A_331, %dma_start3A_332] : memref<10240x32xf32, #tpu.memory_space<vmem_shared>> -> memref<10240x32xf32, #tpu.memory_space<vmem_shared>>
      tpu.enqueue_indirect_dma source(%arg8 : memref<128x32xf32, #tpu.memory_space<vmem>>) target(%dma_start3A_333 : memref<10240x32xf32, #tpu.memory_space<vmem_shared>>) offsets(%dma_start3A_330 : memref<128xi32, #tpu.memory_space<vmem>>) semaphore(%arg23 : memref<!tpu.dma_semaphore, #tpu.memory_space<semaphore_mem>>) {add = true}
      %mul3A_334 = arith.constant 4 : i32
      %mul3A_335 = arith.muli %mul3A_334, %scan3A_171 : i32
      %add3A_336 = arith.constant 3 : i32
      %add3A_337 = arith.addi %mul3A_335, %add3A_336 : i32
      %add3A_338 = arith.constant 2 : i32
      %add3A_339 = arith.addi %add3A_337, %add3A_338 : i32
      %lt3A_340 = arith.constant 84 : i32
      %lt3A_341 = arith.cmpi slt, %add3A_339, %lt3A_340 : i32
      %convert_element_type3A_342 = arith.extui %lt3A_341 : i1 to i32
      %cond3A_343 = arith.constant 0 : i32
      %cond3A_344 = arith.cmpi ne, %convert_element_type3A_342, %cond3A_343 : i32
      scf.if %cond3A_344 {
        %add3A_390 = arith.constant 2 : i32
        %add3A_391 = arith.addi %add3A_337, %add3A_390 : i32
        %mul3A_392 = arith.constant 32 : i32
        %mul3A_393 = arith.muli %add3A_391, %mul3A_392 : i32
        %add3A_394 = arith.addi %mul3A_393, %add3A : i32
        %dma_start3A_395 = arith.constant 1 : i32
        %dma_start3A_396 = arith.constant 0 : i32
        %dma_start3A_397 = arith.constant 0 : i32
        %dma_start3A_398 = tpu.memref_slice %arg7[%dma_start3A_395, %dma_start3A_396, %dma_start3A_397] : memref<4x2x128xi32, #tpu.memory_space<vmem>> -> memref<1x2x128xi32, #tpu.memory_space<vmem>>
        %dma_start3A_399 = tpu.memref_squeeze %dma_start3A_398 : memref<1x2x128xi32, #tpu.memory_space<vmem>> -> memref<2x128xi32, #tpu.memory_space<vmem>>
        %dma_start3A_400 = arith.constant 0 : i32
        %dma_start3A_401 = arith.constant 0 : i32
        %dma_start3A_402 = tpu.memref_slice %arg2[%add3A_394, %dma_start3A_400, %dma_start3A_401] : memref<2688x2x128xi32, #tpu.memory_space<hbm>> -> memref<1x2x128xi32, #tpu.memory_space<hbm>>
        %dma_start3A_403 = tpu.memref_squeeze %dma_start3A_402 : memref<1x2x128xi32, #tpu.memory_space<hbm>> -> memref<2x128xi32, #tpu.memory_space<hbm>>
        %dma_start3A_404 = arith.constant 0 : i32
        %dma_start3A_405 = arith.constant 0 : i32
        %dma_start3A_406 = tpu.memref_slice %arg7[%dma_start3A_395, %dma_start3A_404, %dma_start3A_405] : memref<4x2x128xi32, #tpu.memory_space<vmem>> -> memref<1x2x128xi32, #tpu.memory_space<vmem>>
        %dma_start3A_407 = tpu.memref_squeeze %dma_start3A_406 : memref<1x2x128xi32, #tpu.memory_space<vmem>> -> memref<2x128xi32, #tpu.memory_space<vmem>>
        %dma_start3A_408 = arith.constant 0 : i32
        %dma_start3A_409 = arith.constant 0 : i32
        %dma_start3A_410 = tpu.memref_slice %arg2[%add3A_394, %dma_start3A_408, %dma_start3A_409] : memref<2688x2x128xi32, #tpu.memory_space<hbm>> -> memref<1x2x128xi32, #tpu.memory_space<hbm>>
        %dma_start3A_411 = tpu.memref_squeeze %dma_start3A_410 : memref<1x2x128xi32, #tpu.memory_space<hbm>> -> memref<2x128xi32, #tpu.memory_space<hbm>>
        tpu.enqueue_dma source(%dma_start3A_411 : memref<2x128xi32, #tpu.memory_space<hbm>>) target(%dma_start3A_407 : memref<2x128xi32, #tpu.memory_space<vmem>>) target_semaphore(%arg16 : memref<!tpu.dma_semaphore, #tpu.memory_space<semaphore_mem>>)
      } else {
      }
      %add3A_345 = arith.constant 1 : i32
      %add3A_346 = arith.addi %add3A_337, %add3A_345 : i32
      %lt3A_347 = arith.constant 84 : i32
      %lt3A_348 = arith.cmpi slt, %add3A_346, %lt3A_347 : i32
      %ge3A_349 = arith.constant 1 : i32
      %ge3A_350 = arith.cmpi sge, %add3A_337, %ge3A_349 : i32
      %and3A_351 = arith.andi %lt3A_348, %ge3A_350 : i1
      %convert_element_type3A_352 = arith.extui %and3A_351 : i1 to i32
      %cond3A_353 = arith.constant 0 : i32
      %cond3A_354 = arith.cmpi ne, %convert_element_type3A_352, %cond3A_353 : i32
      scf.if %cond3A_354 {
        %dma_wait3A_390 = arith.constant 0 : i32
        %dma_wait3A_391 = arith.constant 1 : i32
        %dma_wait3A_392 = arith.constant 0 : i32
        %dma_wait3A_393 = tpu.memref_slice %arg7[%dma_wait3A_390, %dma_wait3A_391, %dma_wait3A_392] : memref<4x2x128xi32, #tpu.memory_space<vmem>> -> memref<1x1x128xi32, #tpu.memory_space<vmem>>
        %dma_wait3A_394 = tpu.memref_squeeze %dma_wait3A_393 : memref<1x1x128xi32, #tpu.memory_space<vmem>> -> memref<128xi32, #tpu.memory_space<vmem>>
        %dma_wait3A_395 = arith.constant 0 : i32
        %dma_wait3A_396 = arith.constant 0 : i32
        %dma_wait3A_397 = tpu.memref_slice %arg12[%dma_wait3A_395, %dma_wait3A_396] : memref<10240x32xf32, #tpu.memory_space<vmem_shared>> -> memref<10240x32xf32, #tpu.memory_space<vmem_shared>>
        tpu.wait_indirect_dma semaphore(%arg23 : memref<!tpu.dma_semaphore, #tpu.memory_space<semaphore_mem>>) src(%arg8 : memref<128x32xf32, #tpu.memory_space<vmem>>) dst(%dma_wait3A_397 : memref<10240x32xf32, #tpu.memory_space<vmem_shared>>)
      } else {
      }
      %add3A_355 = arith.constant 1 : i32
      %add3A_356 = arith.addi %add3A_337, %add3A_355 : i32
      %lt3A_357 = arith.constant 84 : i32
      %lt3A_358 = arith.cmpi slt, %add3A_356, %lt3A_357 : i32
      %convert_element_type3A_359 = arith.extui %lt3A_358 : i1 to i32
      %cond3A_360 = arith.constant 0 : i32
      %cond3A_361 = arith.cmpi ne, %convert_element_type3A_359, %cond3A_360 : i32
      scf.if %cond3A_361 {
        %dma_wait3A_390 = arith.constant 0 : i32
        %dma_wait3A_391 = arith.constant 0 : i32
        %dma_wait3A_392 = arith.constant 0 : i32
        %dma_wait3A_393 = arith.constant 0 : i32
        %dma_wait3A_394 = tpu.memref_slice %arg7[%dma_wait3A_391, %dma_wait3A_392, %dma_wait3A_393] : memref<4x2x128xi32, #tpu.memory_space<vmem>> -> memref<1x2x128xi32, #tpu.memory_space<vmem>>
        %dma_wait3A_395 = tpu.memref_squeeze %dma_wait3A_394 : memref<1x2x128xi32, #tpu.memory_space<vmem>> -> memref<2x128xi32, #tpu.memory_space<vmem>>
        %dma_wait3A_396 = arith.constant 0 : i32
        %dma_wait3A_397 = arith.constant 0 : i32
        %dma_wait3A_398 = tpu.memref_slice %arg2[%dma_wait3A_390, %dma_wait3A_396, %dma_wait3A_397] : memref<2688x2x128xi32, #tpu.memory_space<hbm>> -> memref<1x2x128xi32, #tpu.memory_space<hbm>>
        %dma_wait3A_399 = tpu.memref_squeeze %dma_wait3A_398 : memref<1x2x128xi32, #tpu.memory_space<hbm>> -> memref<2x128xi32, #tpu.memory_space<hbm>>
        %dma_wait3A_400 = arith.constant 0 : i32
        %dma_wait3A_401 = arith.constant 0 : i32
        %dma_wait3A_402 = tpu.memref_slice %arg7[%dma_wait3A_391, %dma_wait3A_400, %dma_wait3A_401] : memref<4x2x128xi32, #tpu.memory_space<vmem>> -> memref<1x2x128xi32, #tpu.memory_space<vmem>>
        %dma_wait3A_403 = tpu.memref_squeeze %dma_wait3A_402 : memref<1x2x128xi32, #tpu.memory_space<vmem>> -> memref<2x128xi32, #tpu.memory_space<vmem>>
        %dma_wait3A_404 = arith.constant 0 : i32
        %dma_wait3A_405 = arith.constant 0 : i32
        %dma_wait3A_406 = tpu.memref_slice %arg2[%dma_wait3A_390, %dma_wait3A_404, %dma_wait3A_405] : memref<2688x2x128xi32, #tpu.memory_space<hbm>> -> memref<1x2x128xi32, #tpu.memory_space<hbm>>
        %dma_wait3A_407 = tpu.memref_squeeze %dma_wait3A_406 : memref<1x2x128xi32, #tpu.memory_space<hbm>> -> memref<2x128xi32, #tpu.memory_space<hbm>>
        tpu.wait_dma2 semaphore(%arg15 : memref<!tpu.dma_semaphore, #tpu.memory_space<semaphore_mem>>) src(%dma_wait3A_407 : memref<2x128xi32, #tpu.memory_space<hbm>>) dst(%dma_wait3A_403 : memref<2x128xi32, #tpu.memory_space<vmem>>)
        %dma_start3A_408 = arith.constant 0 : i32
        %dma_start3A_409 = arith.constant 0 : i32
        %dma_start3A_410 = arith.constant 0 : i32
        %dma_start3A_411 = tpu.memref_slice %arg7[%dma_start3A_408, %dma_start3A_409, %dma_start3A_410] : memref<4x2x128xi32, #tpu.memory_space<vmem>> -> memref<1x1x128xi32, #tpu.memory_space<vmem>>
        %dma_start3A_412 = tpu.memref_squeeze %dma_start3A_411 : memref<1x1x128xi32, #tpu.memory_space<vmem>> -> memref<128xi32, #tpu.memory_space<vmem>>
        %dma_start3A_413 = arith.constant 0 : i32
        %dma_start3A_414 = arith.constant 0 : i32
        %dma_start3A_415 = tpu.memref_slice %arg13[%dma_start3A_413, %dma_start3A_414] : memref<10240x32xf32, #tpu.memory_space<vmem_shared>> -> memref<10240x32xf32, #tpu.memory_space<vmem_shared>>
        tpu.enqueue_indirect_dma source(%dma_start3A_415 : memref<10240x32xf32, #tpu.memory_space<vmem_shared>>) target(%arg8 : memref<128x32xf32, #tpu.memory_space<vmem>>) offsets(%dma_start3A_412 : memref<128xi32, #tpu.memory_space<vmem>>) semaphore(%arg19 : memref<!tpu.dma_semaphore, #tpu.memory_space<semaphore_mem>>)
        %dma_start3A_416 = arith.constant 0 : i32
        %dma_start3A_417 = arith.constant 1 : i32
        %dma_start3A_418 = arith.constant 0 : i32
        %dma_start3A_419 = tpu.memref_slice %arg7[%dma_start3A_416, %dma_start3A_417, %dma_start3A_418] : memref<4x2x128xi32, #tpu.memory_space<vmem>> -> memref<1x1x128xi32, #tpu.memory_space<vmem>>
        %dma_start3A_420 = tpu.memref_squeeze %dma_start3A_419 : memref<1x1x128xi32, #tpu.memory_space<vmem>> -> memref<128xi32, #tpu.memory_space<vmem>>
        %dma_start3A_421 = arith.constant 0 : i32
        %dma_start3A_422 = arith.constant 0 : i32
        %dma_start3A_423 = tpu.memref_slice %arg14[%dma_start3A_421, %dma_start3A_422] : memref<10240x16xf32, #tpu.memory_space<vmem_shared>> -> memref<10240x16xf32, #tpu.memory_space<vmem_shared>>
        tpu.enqueue_indirect_dma source(%dma_start3A_423 : memref<10240x16xf32, #tpu.memory_space<vmem_shared>>) target(%arg10 : memref<128x16xf32, #tpu.memory_space<vmem>>) offsets(%dma_start3A_420 : memref<128xi32, #tpu.memory_space<vmem>>) semaphore(%arg21 : memref<!tpu.dma_semaphore, #tpu.memory_space<semaphore_mem>>)
      } else {
      }
      %dma_wait3A_362 = arith.constant 3 : i32
      %dma_wait3A_363 = arith.constant 0 : i32
      %dma_wait3A_364 = arith.constant 0 : i32
      %dma_wait3A_365 = tpu.memref_slice %arg7[%dma_wait3A_362, %dma_wait3A_363, %dma_wait3A_364] : memref<4x2x128xi32, #tpu.memory_space<vmem>> -> memref<1x1x128xi32, #tpu.memory_space<vmem>>
      %dma_wait3A_366 = tpu.memref_squeeze %dma_wait3A_365 : memref<1x1x128xi32, #tpu.memory_space<vmem>> -> memref<128xi32, #tpu.memory_space<vmem>>
      %dma_wait3A_367 = arith.constant 0 : i32
      %dma_wait3A_368 = arith.constant 0 : i32
      %dma_wait3A_369 = tpu.memref_slice %arg13[%dma_wait3A_367, %dma_wait3A_368] : memref<10240x32xf32, #tpu.memory_space<vmem_shared>> -> memref<10240x32xf32, #tpu.memory_space<vmem_shared>>
      tpu.wait_indirect_dma semaphore(%arg20 : memref<!tpu.dma_semaphore, #tpu.memory_space<semaphore_mem>>) src(%dma_wait3A_369 : memref<10240x32xf32, #tpu.memory_space<vmem_shared>>) dst(%arg9 : memref<128x32xf32, #tpu.memory_space<vmem>>)
      %dma_wait3A_370 = arith.constant 3 : i32
      %dma_wait3A_371 = arith.constant 1 : i32
      %dma_wait3A_372 = arith.constant 0 : i32
      %dma_wait3A_373 = tpu.memref_slice %arg7[%dma_wait3A_370, %dma_wait3A_371, %dma_wait3A_372] : memref<4x2x128xi32, #tpu.memory_space<vmem>> -> memref<1x1x128xi32, #tpu.memory_space<vmem>>
      %dma_wait3A_374 = tpu.memref_squeeze %dma_wait3A_373 : memref<1x1x128xi32, #tpu.memory_space<vmem>> -> memref<128xi32, #tpu.memory_space<vmem>>
      %dma_wait3A_375 = arith.constant 0 : i32
      %dma_wait3A_376 = arith.constant 0 : i32
      %dma_wait3A_377 = tpu.memref_slice %arg14[%dma_wait3A_375, %dma_wait3A_376] : memref<10240x16xf32, #tpu.memory_space<vmem_shared>> -> memref<10240x16xf32, #tpu.memory_space<vmem_shared>>
      tpu.wait_indirect_dma semaphore(%arg22 : memref<!tpu.dma_semaphore, #tpu.memory_space<semaphore_mem>>) src(%dma_wait3A_377 : memref<10240x16xf32, #tpu.memory_space<vmem_shared>>) dst(%arg11 : memref<128x16xf32, #tpu.memory_space<vmem>>)
      %parallel_loop3A_378 = arith.constant 0 : i32
      %parallel_loop3A_379 = arith.constant 128 : i32
      %parallel_loop3A_380 = arith.constant 1 : i32
      scf.for %parallel_loop3A_390 = %parallel_loop3A_378 to %parallel_loop3A_379 step %parallel_loop3A_380  : i32 {
        %parallel_loop3A_391 = arith.index_cast %parallel_loop3A_390 : i32 to index
        %parallel_loop3A_392 = arith.constant 16 : index
        %parallel_loop3A_393 = tpu.vector_load %arg9[%parallel_loop3A_391, %parallel_loop3A_392] {strides = array<i32>} : memref<128x32xf32, #tpu.memory_space<vmem>>, vector<16xf32>,
        %parallel_loop3A_394 = arith.index_cast %parallel_loop3A_390 : i32 to index
        %parallel_loop3A_395 = arith.constant 0 : index
        %parallel_loop3A_396 = tpu.vector_load %arg11[%parallel_loop3A_394, %parallel_loop3A_395] {strides = array<i32>} : memref<128x16xf32, #tpu.memory_space<vmem>>, vector<16xf32>,
        %parallel_loop3A_397 = arith.addf %parallel_loop3A_393, %parallel_loop3A_396 : vector<16xf32>
        %parallel_loop3A_398 = arith.constant 0.000000e+00 : f32
        %parallel_loop3A_399 = vector.broadcast %parallel_loop3A_398 : f32 to vector<16xf32>
        %parallel_loop3A_400 = arith.cmpf ogt, %parallel_loop3A_397, %parallel_loop3A_399 : vector<16xf32>
        %parallel_loop3A_401 = arith.constant 2.000000e-01 : f32
        %parallel_loop3A_402 = vector.broadcast %parallel_loop3A_401 : f32 to vector<16xf32>
        %parallel_loop3A_403 = arith.mulf %parallel_loop3A_402, %parallel_loop3A_397 : vector<16xf32>
        %parallel_loop3A_404 = arith.select %parallel_loop3A_400, %parallel_loop3A_397, %parallel_loop3A_403 : vector<16xi1>, vector<16xf32>
        %parallel_loop3A_405 = math.exp %parallel_loop3A_404 : vector<16xf32>
        %parallel_loop3A_406 = arith.index_cast %parallel_loop3A_390 : i32 to index
        %parallel_loop3A_407 = arith.constant 0 : index
        %parallel_loop3A_408 = tpu.vector_load %arg9[%parallel_loop3A_406, %parallel_loop3A_407] {strides = array<i32>} : memref<128x32xf32, #tpu.memory_space<vmem>>, vector<16xf32>,
        %parallel_loop3A_409 = arith.mulf %parallel_loop3A_408, %parallel_loop3A_405 : vector<16xf32>
        %parallel_loop3A_410 = arith.index_cast %parallel_loop3A_390 : i32 to index
        %parallel_loop3A_411 = arith.constant 0 : index
        %parallel_loop3A_412 = tpu.vector_load %arg9[%parallel_loop3A_410, %parallel_loop3A_411] {strides = array<i32>} : memref<128x32xf32, #tpu.memory_space<vmem>>, vector<16xf32>,
        tpu.vector_store %arg9[%parallel_loop3A_410, %parallel_loop3A_411], %parallel_loop3A_409 {strides = array<i32>} : memref<128x32xf32, #tpu.memory_space<vmem>>, vector<16xf32>,
        %parallel_loop3A_413 = tpu.iota {dimensions = array<i32: 0>} : vector<16xi32>
        %parallel_loop3A_414 = arith.constant 0 : i32
        %parallel_loop3A_415 = vector.broadcast %parallel_loop3A_414 : i32 to vector<16xi32>
        %parallel_loop3A_416 = arith.cmpi eq, %parallel_loop3A_413, %parallel_loop3A_415 : vector<16xi32>
        %parallel_loop3A_417 = arith.constant 0.000000e+00 : f32
        %parallel_loop3A_418 = vector.broadcast %parallel_loop3A_417 : f32 to vector<16xf32>
        %parallel_loop3A_419 = arith.select %parallel_loop3A_416, %parallel_loop3A_405, %parallel_loop3A_418 : vector<16xi1>, vector<16xf32>
        %parallel_loop3A_420 = arith.index_cast %parallel_loop3A_390 : i32 to index
        %parallel_loop3A_421 = arith.constant 16 : index
        %parallel_loop3A_422 = tpu.vector_load %arg9[%parallel_loop3A_420, %parallel_loop3A_421] {strides = array<i32>} : memref<128x32xf32, #tpu.memory_space<vmem>>, vector<16xf32>,
        tpu.vector_store %arg9[%parallel_loop3A_420, %parallel_loop3A_421], %parallel_loop3A_419 {strides = array<i32>} : memref<128x32xf32, #tpu.memory_space<vmem>>, vector<16xf32>,
      } {sc.loop_unroll_factor = 4 : i64, sc.parallel_access}
      %dma_start3A_381 = arith.constant 3 : i32
      %dma_start3A_382 = arith.constant 1 : i32
      %dma_start3A_383 = arith.constant 0 : i32
      %dma_start3A_384 = tpu.memref_slice %arg7[%dma_start3A_381, %dma_start3A_382, %dma_start3A_383] : memref<4x2x128xi32, #tpu.memory_space<vmem>> -> memref<1x1x128xi32, #tpu.memory_space<vmem>>
      %dma_start3A_385 = tpu.memref_squeeze %dma_start3A_384 : memref<1x1x128xi32, #tpu.memory_space<vmem>> -> memref<128xi32, #tpu.memory_space<vmem>>
      %dma_start3A_386 = arith.constant 0 : i32
      %dma_start3A_387 = arith.constant 0 : i32
      %dma_start3A_388 = tpu.memref_slice %arg12[%dma_start3A_386, %dma_start3A_387] : memref<10240x32xf32, #tpu.memory_space<vmem_shared>> -> memref<10240x32xf32, #tpu.memory_space<vmem_shared>>
      tpu.enqueue_indirect_dma source(%arg9 : memref<128x32xf32, #tpu.memory_space<vmem>>) target(%dma_start3A_388 : memref<10240x32xf32, #tpu.memory_space<vmem_shared>>) offsets(%dma_start3A_385 : memref<128xi32, #tpu.memory_space<vmem>>) semaphore(%arg24 : memref<!tpu.dma_semaphore, #tpu.memory_space<semaphore_mem>>) {add = true}
      %scan3A_389 = arith.constant 0 : i32
      scf.yield %scan3A_389 : i32
    }
    %scan3A_96 = arith.constant 21 : i32
    %dma_wait3A_97 = arith.constant 0 : i32
    %dma_wait3A_98 = arith.constant 1 : i32
    %dma_wait3A_99 = arith.constant 0 : i32
    %dma_wait3A_100 = tpu.memref_slice %arg7[%dma_wait3A_97, %dma_wait3A_98, %dma_wait3A_99] : memref<4x2x128xi32, #tpu.memory_space<vmem>> -> memref<1x1x128xi32, #tpu.memory_space<vmem>>
    %dma_wait3A_101 = tpu.memref_squeeze %dma_wait3A_100 : memref<1x1x128xi32, #tpu.memory_space<vmem>> -> memref<128xi32, #tpu.memory_space<vmem>>
    %dma_wait3A_102 = arith.constant 0 : i32
    %dma_wait3A_103 = arith.constant 0 : i32
    %dma_wait3A_104 = tpu.memref_slice %arg12[%dma_wait3A_102, %dma_wait3A_103] : memref<10240x32xf32, #tpu.memory_space<vmem_shared>> -> memref<10240x32xf32, #tpu.memory_space<vmem_shared>>
    tpu.wait_indirect_dma semaphore(%arg23 : memref<!tpu.dma_semaphore, #tpu.memory_space<semaphore_mem>>) src(%arg8 : memref<128x32xf32, #tpu.memory_space<vmem>>) dst(%dma_wait3A_104 : memref<10240x32xf32, #tpu.memory_space<vmem_shared>>)
    %dma_wait3A_105 = arith.constant 0 : i32
    %dma_wait3A_106 = arith.constant 1 : i32
    %dma_wait3A_107 = arith.constant 0 : i32
    %dma_wait3A_108 = tpu.memref_slice %arg7[%dma_wait3A_105, %dma_wait3A_106, %dma_wait3A_107] : memref<4x2x128xi32, #tpu.memory_space<vmem>> -> memref<1x1x128xi32, #tpu.memory_space<vmem>>
    %dma_wait3A_109 = tpu.memref_squeeze %dma_wait3A_108 : memref<1x1x128xi32, #tpu.memory_space<vmem>> -> memref<128xi32, #tpu.memory_space<vmem>>
    %dma_wait3A_110 = arith.constant 0 : i32
    %dma_wait3A_111 = arith.constant 0 : i32
    %dma_wait3A_112 = tpu.memref_slice %arg12[%dma_wait3A_110, %dma_wait3A_111] : memref<10240x32xf32, #tpu.memory_space<vmem_shared>> -> memref<10240x32xf32, #tpu.memory_space<vmem_shared>>
    tpu.wait_indirect_dma semaphore(%arg24 : memref<!tpu.dma_semaphore, #tpu.memory_space<semaphore_mem>>) src(%arg9 : memref<128x32xf32, #tpu.memory_space<vmem>>) dst(%dma_wait3A_112 : memref<10240x32xf32, #tpu.memory_space<vmem_shared>>)
    %barrier3A_113 = arith.constant 0 : index
    tpu.barrier barrier_id(%barrier3A_113)
    %add3A_114 = arith.constant 0 : i32
    %add3A_115 = arith.addi %mul3A_2, %add3A_114 : i32
    "tpu.region"() ({
      %run_scoped3A = tpu.sem_alloc : memref<!tpu.dma_semaphore, #tpu.memory_space<semaphore_mem>>
      %dma_start3A_171 = arith.constant 0 : i32
      %dma_start3A_172 = tpu.memref_slice %arg12[%add3A_115, %dma_start3A_171] : memref<10240x32xf32, #tpu.memory_space<vmem_shared>> -> memref<128x32xf32, #tpu.memory_space<vmem_shared>>
      %dma_start3A_173 = arith.constant 0 : i32
      %dma_start3A_174 = tpu.memref_slice %arg12[%add3A_115, %dma_start3A_173] : memref<10240x32xf32, #tpu.memory_space<vmem_shared>> -> memref<128x32xf32, #tpu.memory_space<vmem_shared>>
      tpu.enqueue_dma source(%dma_start3A_174 : memref<128x32xf32, #tpu.memory_space<vmem_shared>>) target(%arg8 : memref<128x32xf32, #tpu.memory_space<vmem>>) target_semaphore(%run_scoped3A : memref<!tpu.dma_semaphore, #tpu.memory_space<semaphore_mem>>)
      %dma_wait3A_175 = arith.constant 0 : i32
      %dma_wait3A_176 = tpu.memref_slice %arg12[%add3A_115, %dma_wait3A_175] : memref<10240x32xf32, #tpu.memory_space<vmem_shared>> -> memref<128x32xf32, #tpu.memory_space<vmem_shared>>
      %dma_wait3A_177 = arith.constant 0 : i32
      %dma_wait3A_178 = tpu.memref_slice %arg12[%add3A_115, %dma_wait3A_177] : memref<10240x32xf32, #tpu.memory_space<vmem_shared>> -> memref<128x32xf32, #tpu.memory_space<vmem_shared>>
      tpu.wait_dma2 semaphore(%run_scoped3A : memref<!tpu.dma_semaphore, #tpu.memory_space<semaphore_mem>>) src(%dma_wait3A_178 : memref<128x32xf32, #tpu.memory_space<vmem_shared>>) dst(%arg8 : memref<128x32xf32, #tpu.memory_space<vmem>>)
      tpu.yield
    }) : () -> ()
    %eq3A = arith.constant 0 : i32
    %eq3A_116 = arith.cmpi eq, %arg0, %eq3A : i32
    %convert_element_type3A = arith.extui %eq3A_116 : i1 to i32
    %cond3A = arith.constant 0 : i32
    %cond3A_117 = arith.cmpi ne, %convert_element_type3A, %cond3A : i32
    scf.if %cond3A_117 {
      "tpu.region"() ({
        %run_scoped3A = tpu.sem_alloc : memref<!tpu.dma_semaphore, #tpu.memory_space<semaphore_mem>>
        %dma_start3A_171 = arith.constant 0 : i32
        %dma_start3A_172 = tpu.memref_slice %arg5[%add3A_115, %dma_start3A_171] : memref<10240x32xf32, #tpu.memory_space<hbm>> -> memref<128x32xf32, #tpu.memory_space<hbm>>
        %dma_start3A_173 = arith.constant 0 : i32
        %dma_start3A_174 = tpu.memref_slice %arg5[%add3A_115, %dma_start3A_173] : memref<10240x32xf32, #tpu.memory_space<hbm>> -> memref<128x32xf32, #tpu.memory_space<hbm>>
        tpu.enqueue_dma source(%arg8 : memref<128x32xf32, #tpu.memory_space<vmem>>) target(%dma_start3A_174 : memref<128x32xf32, #tpu.memory_space<hbm>>) target_semaphore(%run_scoped3A : memref<!tpu.dma_semaphore, #tpu.memory_space<semaphore_mem>>)
        %dma_wait3A_175 = arith.constant 0 : i32
        %dma_wait3A_176 = tpu.memref_slice %arg5[%add3A_115, %dma_wait3A_175] : memref<10240x32xf32, #tpu.memory_space<hbm>> -> memref<128x32xf32, #tpu.memory_space<hbm>>
        %dma_wait3A_177 = arith.constant 0 : i32
        %dma_wait3A_178 = tpu.memref_slice %arg5[%add3A_115, %dma_wait3A_177] : memref<10240x32xf32, #tpu.memory_space<hbm>> -> memref<128x32xf32, #tpu.memory_space<hbm>>
        tpu.wait_dma2 semaphore(%run_scoped3A : memref<!tpu.dma_semaphore, #tpu.memory_space<semaphore_mem>>) src(%arg8 : memref<128x32xf32, #tpu.memory_space<vmem>>) dst(%dma_wait3A_178 : memref<128x32xf32, #tpu.memory_space<hbm>>)
        tpu.yield
      }) : () -> ()
    } else {
    }
    %eq3A_118 = arith.constant 1 : i32
    %eq3A_119 = arith.cmpi eq, %arg0, %eq3A_118 : i32
    %convert_element_type3A_120 = arith.extui %eq3A_119 : i1 to i32
    %cond3A_121 = arith.constant 0 : i32
    %cond3A_122 = arith.cmpi ne, %convert_element_type3A_120, %cond3A_121 : i32
    scf.if %cond3A_122 {
      "tpu.region"() ({
        %run_scoped3A = tpu.sem_alloc : memref<!tpu.dma_semaphore, #tpu.memory_space<semaphore_mem>>
        %dma_start3A_171 = arith.constant 0 : i32
        %dma_start3A_172 = tpu.memref_slice %arg6[%add3A_115, %dma_start3A_171] : memref<10240x32xf32, #tpu.memory_space<hbm>> -> memref<128x32xf32, #tpu.memory_space<hbm>>
        %dma_start3A_173 = arith.constant 0 : i32
        %dma_start3A_174 = tpu.memref_slice %arg6[%add3A_115, %dma_start3A_173] : memref<10240x32xf32, #tpu.memory_space<hbm>> -> memref<128x32xf32, #tpu.memory_space<hbm>>
        tpu.enqueue_dma source(%arg8 : memref<128x32xf32, #tpu.memory_space<vmem>>) target(%dma_start3A_174 : memref<128x32xf32, #tpu.memory_space<hbm>>) target_semaphore(%run_scoped3A : memref<!tpu.dma_semaphore, #tpu.memory_space<semaphore_mem>>)
        %dma_wait3A_175 = arith.constant 0 : i32
        %dma_wait3A_176 = tpu.memref_slice %arg6[%add3A_115, %dma_wait3A_175] : memref<10240x32xf32, #tpu.memory_space<hbm>> -> memref<128x32xf32, #tpu.memory_space<hbm>>
        %dma_wait3A_177 = arith.constant 0 : i32
        %dma_wait3A_178 = tpu.memref_slice %arg6[%add3A_115, %dma_wait3A_177] : memref<10240x32xf32, #tpu.memory_space<hbm>> -> memref<128x32xf32, #tpu.memory_space<hbm>>
        tpu.wait_dma2 semaphore(%run_scoped3A : memref<!tpu.dma_semaphore, #tpu.memory_space<semaphore_mem>>) src(%arg8 : memref<128x32xf32, #tpu.memory_space<vmem>>) dst(%dma_wait3A_178 : memref<128x32xf32, #tpu.memory_space<hbm>>)
        tpu.yield
      }) : () -> ()
    } else {
    }
    %add3A_123 = arith.constant 128 : i32
    %add3A_124 = arith.addi %mul3A_2, %add3A_123 : i32
    "tpu.region"() ({
      %run_scoped3A = tpu.sem_alloc : memref<!tpu.dma_semaphore, #tpu.memory_space<semaphore_mem>>
      %dma_start3A_171 = arith.constant 0 : i32
      %dma_start3A_172 = tpu.memref_slice %arg12[%add3A_124, %dma_start3A_171] : memref<10240x32xf32, #tpu.memory_space<vmem_shared>> -> memref<128x32xf32, #tpu.memory_space<vmem_shared>>
      %dma_start3A_173 = arith.constant 0 : i32
      %dma_start3A_174 = tpu.memref_slice %arg12[%add3A_124, %dma_start3A_173] : memref<10240x32xf32, #tpu.memory_space<vmem_shared>> -> memref<128x32xf32, #tpu.memory_space<vmem_shared>>
      tpu.enqueue_dma source(%dma_start3A_174 : memref<128x32xf32, #tpu.memory_space<vmem_shared>>) target(%arg8 : memref<128x32xf32, #tpu.memory_space<vmem>>) target_semaphore(%run_scoped3A : memref<!tpu.dma_semaphore, #tpu.memory_space<semaphore_mem>>)
      %dma_wait3A_175 = arith.constant 0 : i32
      %dma_wait3A_176 = tpu.memref_slice %arg12[%add3A_124, %dma_wait3A_175] : memref<10240x32xf32, #tpu.memory_space<vmem_shared>> -> memref<128x32xf32, #tpu.memory_space<vmem_shared>>
      %dma_wait3A_177 = arith.constant 0 : i32
      %dma_wait3A_178 = tpu.memref_slice %arg12[%add3A_124, %dma_wait3A_177] : memref<10240x32xf32, #tpu.memory_space<vmem_shared>> -> memref<128x32xf32, #tpu.memory_space<vmem_shared>>
      tpu.wait_dma2 semaphore(%run_scoped3A : memref<!tpu.dma_semaphore, #tpu.memory_space<semaphore_mem>>) src(%dma_wait3A_178 : memref<128x32xf32, #tpu.memory_space<vmem_shared>>) dst(%arg8 : memref<128x32xf32, #tpu.memory_space<vmem>>)
      tpu.yield
    }) : () -> ()
    %eq3A_125 = arith.constant 0 : i32
    %eq3A_126 = arith.cmpi eq, %arg0, %eq3A_125 : i32
    %convert_element_type3A_127 = arith.extui %eq3A_126 : i1 to i32
    %cond3A_128 = arith.constant 0 : i32
    %cond3A_129 = arith.cmpi ne, %convert_element_type3A_127, %cond3A_128 : i32
    scf.if %cond3A_129 {
      "tpu.region"() ({
        %run_scoped3A = tpu.sem_alloc : memref<!tpu.dma_semaphore, #tpu.memory_space<semaphore_mem>>
        %dma_start3A_171 = arith.constant 0 : i32
        %dma_start3A_172 = tpu.memref_slice %arg5[%add3A_124, %dma_start3A_171] : memref<10240x32xf32, #tpu.memory_space<hbm>> -> memref<128x32xf32, #tpu.memory_space<hbm>>
        %dma_start3A_173 = arith.constant 0 : i32
        %dma_start3A_174 = tpu.memref_slice %arg5[%add3A_124, %dma_start3A_173] : memref<10240x32xf32, #tpu.memory_space<hbm>> -> memref<128x32xf32, #tpu.memory_space<hbm>>
        tpu.enqueue_dma source(%arg8 : memref<128x32xf32, #tpu.memory_space<vmem>>) target(%dma_start3A_174 : memref<128x32xf32, #tpu.memory_space<hbm>>) target_semaphore(%run_scoped3A : memref<!tpu.dma_semaphore, #tpu.memory_space<semaphore_mem>>)
        %dma_wait3A_175 = arith.constant 0 : i32
        %dma_wait3A_176 = tpu.memref_slice %arg5[%add3A_124, %dma_wait3A_175] : memref<10240x32xf32, #tpu.memory_space<hbm>> -> memref<128x32xf32, #tpu.memory_space<hbm>>
        %dma_wait3A_177 = arith.constant 0 : i32
        %dma_wait3A_178 = tpu.memref_slice %arg5[%add3A_124, %dma_wait3A_177] : memref<10240x32xf32, #tpu.memory_space<hbm>> -> memref<128x32xf32, #tpu.memory_space<hbm>>
        tpu.wait_dma2 semaphore(%run_scoped3A : memref<!tpu.dma_semaphore, #tpu.memory_space<semaphore_mem>>) src(%arg8 : memref<128x32xf32, #tpu.memory_space<vmem>>) dst(%dma_wait3A_178 : memref<128x32xf32, #tpu.memory_space<hbm>>)
        tpu.yield
      }) : () -> ()
    } else {
    }
    %eq3A_130 = arith.constant 1 : i32
    %eq3A_131 = arith.cmpi eq, %arg0, %eq3A_130 : i32
    %convert_element_type3A_132 = arith.extui %eq3A_131 : i1 to i32
    %cond3A_133 = arith.constant 0 : i32
    %cond3A_134 = arith.cmpi ne, %convert_element_type3A_132, %cond3A_133 : i32
    scf.if %cond3A_134 {
      "tpu.region"() ({
        %run_scoped3A = tpu.sem_alloc : memref<!tpu.dma_semaphore, #tpu.memory_space<semaphore_mem>>
        %dma_start3A_171 = arith.constant 0 : i32
        %dma_start3A_172 = tpu.memref_slice %arg6[%add3A_124, %dma_start3A_171] : memref<10240x32xf32, #tpu.memory_space<hbm>> -> memref<128x32xf32, #tpu.memory_space<hbm>>
        %dma_start3A_173 = arith.constant 0 : i32
        %dma_start3A_174 = tpu.memref_slice %arg6[%add3A_124, %dma_start3A_173] : memref<10240x32xf32, #tpu.memory_space<hbm>> -> memref<128x32xf32, #tpu.memory_space<hbm>>
        tpu.enqueue_dma source(%arg8 : memref<128x32xf32, #tpu.memory_space<vmem>>) target(%dma_start3A_174 : memref<128x32xf32, #tpu.memory_space<hbm>>) target_semaphore(%run_scoped3A : memref<!tpu.dma_semaphore, #tpu.memory_space<semaphore_mem>>)
        %dma_wait3A_175 = arith.constant 0 : i32
        %dma_wait3A_176 = tpu.memref_slice %arg6[%add3A_124, %dma_wait3A_175] : memref<10240x32xf32, #tpu.memory_space<hbm>> -> memref<128x32xf32, #tpu.memory_space<hbm>>
        %dma_wait3A_177 = arith.constant 0 : i32
        %dma_wait3A_178 = tpu.memref_slice %arg6[%add3A_124, %dma_wait3A_177] : memref<10240x32xf32, #tpu.memory_space<hbm>> -> memref<128x32xf32, #tpu.memory_space<hbm>>
        tpu.wait_dma2 semaphore(%run_scoped3A : memref<!tpu.dma_semaphore, #tpu.memory_space<semaphore_mem>>) src(%arg8 : memref<128x32xf32, #tpu.memory_space<vmem>>) dst(%dma_wait3A_178 : memref<128x32xf32, #tpu.memory_space<hbm>>)
        tpu.yield
      }) : () -> ()
    } else {
    }
    %add3A_135 = arith.constant 256 : i32
    %add3A_136 = arith.addi %mul3A_2, %add3A_135 : i32
    "tpu.region"() ({
      %run_scoped3A = tpu.sem_alloc : memref<!tpu.dma_semaphore, #tpu.memory_space<semaphore_mem>>
      %dma_start3A_171 = arith.constant 0 : i32
      %dma_start3A_172 = tpu.memref_slice %arg12[%add3A_136, %dma_start3A_171] : memref<10240x32xf32, #tpu.memory_space<vmem_shared>> -> memref<128x32xf32, #tpu.memory_space<vmem_shared>>
      %dma_start3A_173 = arith.constant 0 : i32
      %dma_start3A_174 = tpu.memref_slice %arg12[%add3A_136, %dma_start3A_173] : memref<10240x32xf32, #tpu.memory_space<vmem_shared>> -> memref<128x32xf32, #tpu.memory_space<vmem_shared>>
      tpu.enqueue_dma source(%dma_start3A_174 : memref<128x32xf32, #tpu.memory_space<vmem_shared>>) target(%arg8 : memref<128x32xf32, #tpu.memory_space<vmem>>) target_semaphore(%run_scoped3A : memref<!tpu.dma_semaphore, #tpu.memory_space<semaphore_mem>>)
      %dma_wait3A_175 = arith.constant 0 : i32
      %dma_wait3A_176 = tpu.memref_slice %arg12[%add3A_136, %dma_wait3A_175] : memref<10240x32xf32, #tpu.memory_space<vmem_shared>> -> memref<128x32xf32, #tpu.memory_space<vmem_shared>>
      %dma_wait3A_177 = arith.constant 0 : i32
      %dma_wait3A_178 = tpu.memref_slice %arg12[%add3A_136, %dma_wait3A_177] : memref<10240x32xf32, #tpu.memory_space<vmem_shared>> -> memref<128x32xf32, #tpu.memory_space<vmem_shared>>
      tpu.wait_dma2 semaphore(%run_scoped3A : memref<!tpu.dma_semaphore, #tpu.memory_space<semaphore_mem>>) src(%dma_wait3A_178 : memref<128x32xf32, #tpu.memory_space<vmem_shared>>) dst(%arg8 : memref<128x32xf32, #tpu.memory_space<vmem>>)
      tpu.yield
    }) : () -> ()
    %eq3A_137 = arith.constant 0 : i32
    %eq3A_138 = arith.cmpi eq, %arg0, %eq3A_137 : i32
    %convert_element_type3A_139 = arith.extui %eq3A_138 : i1 to i32
    %cond3A_140 = arith.constant 0 : i32
    %cond3A_141 = arith.cmpi ne, %convert_element_type3A_139, %cond3A_140 : i32
    scf.if %cond3A_141 {
      "tpu.region"() ({
        %run_scoped3A = tpu.sem_alloc : memref<!tpu.dma_semaphore, #tpu.memory_space<semaphore_mem>>
        %dma_start3A_171 = arith.constant 0 : i32
        %dma_start3A_172 = tpu.memref_slice %arg5[%add3A_136, %dma_start3A_171] : memref<10240x32xf32, #tpu.memory_space<hbm>> -> memref<128x32xf32, #tpu.memory_space<hbm>>
        %dma_start3A_173 = arith.constant 0 : i32
        %dma_start3A_174 = tpu.memref_slice %arg5[%add3A_136, %dma_start3A_173] : memref<10240x32xf32, #tpu.memory_space<hbm>> -> memref<128x32xf32, #tpu.memory_space<hbm>>
        tpu.enqueue_dma source(%arg8 : memref<128x32xf32, #tpu.memory_space<vmem>>) target(%dma_start3A_174 : memref<128x32xf32, #tpu.memory_space<hbm>>) target_semaphore(%run_scoped3A : memref<!tpu.dma_semaphore, #tpu.memory_space<semaphore_mem>>)
        %dma_wait3A_175 = arith.constant 0 : i32
        %dma_wait3A_176 = tpu.memref_slice %arg5[%add3A_136, %dma_wait3A_175] : memref<10240x32xf32, #tpu.memory_space<hbm>> -> memref<128x32xf32, #tpu.memory_space<hbm>>
        %dma_wait3A_177 = arith.constant 0 : i32
        %dma_wait3A_178 = tpu.memref_slice %arg5[%add3A_136, %dma_wait3A_177] : memref<10240x32xf32, #tpu.memory_space<hbm>> -> memref<128x32xf32, #tpu.memory_space<hbm>>
        tpu.wait_dma2 semaphore(%run_scoped3A : memref<!tpu.dma_semaphore, #tpu.memory_space<semaphore_mem>>) src(%arg8 : memref<128x32xf32, #tpu.memory_space<vmem>>) dst(%dma_wait3A_178 : memref<128x32xf32, #tpu.memory_space<hbm>>)
        tpu.yield
      }) : () -> ()
    } else {
    }
    %eq3A_142 = arith.constant 1 : i32
    %eq3A_143 = arith.cmpi eq, %arg0, %eq3A_142 : i32
    %convert_element_type3A_144 = arith.extui %eq3A_143 : i1 to i32
    %cond3A_145 = arith.constant 0 : i32
    %cond3A_146 = arith.cmpi ne, %convert_element_type3A_144, %cond3A_145 : i32
    scf.if %cond3A_146 {
      "tpu.region"() ({
        %run_scoped3A = tpu.sem_alloc : memref<!tpu.dma_semaphore, #tpu.memory_space<semaphore_mem>>
        %dma_start3A_171 = arith.constant 0 : i32
        %dma_start3A_172 = tpu.memref_slice %arg6[%add3A_136, %dma_start3A_171] : memref<10240x32xf32, #tpu.memory_space<hbm>> -> memref<128x32xf32, #tpu.memory_space<hbm>>
        %dma_start3A_173 = arith.constant 0 : i32
        %dma_start3A_174 = tpu.memref_slice %arg6[%add3A_136, %dma_start3A_173] : memref<10240x32xf32, #tpu.memory_space<hbm>> -> memref<128x32xf32, #tpu.memory_space<hbm>>
        tpu.enqueue_dma source(%arg8 : memref<128x32xf32, #tpu.memory_space<vmem>>) target(%dma_start3A_174 : memref<128x32xf32, #tpu.memory_space<hbm>>) target_semaphore(%run_scoped3A : memref<!tpu.dma_semaphore, #tpu.memory_space<semaphore_mem>>)
        %dma_wait3A_175 = arith.constant 0 : i32
        %dma_wait3A_176 = tpu.memref_slice %arg6[%add3A_136, %dma_wait3A_175] : memref<10240x32xf32, #tpu.memory_space<hbm>> -> memref<128x32xf32, #tpu.memory_space<hbm>>
        %dma_wait3A_177 = arith.constant 0 : i32
        %dma_wait3A_178 = tpu.memref_slice %arg6[%add3A_136, %dma_wait3A_177] : memref<10240x32xf32, #tpu.memory_space<hbm>> -> memref<128x32xf32, #tpu.memory_space<hbm>>
        tpu.wait_dma2 semaphore(%run_scoped3A : memref<!tpu.dma_semaphore, #tpu.memory_space<semaphore_mem>>) src(%arg8 : memref<128x32xf32, #tpu.memory_space<vmem>>) dst(%dma_wait3A_178 : memref<128x32xf32, #tpu.memory_space<hbm>>)
        tpu.yield
      }) : () -> ()
    } else {
    }
    %add3A_147 = arith.constant 384 : i32
    %add3A_148 = arith.addi %mul3A_2, %add3A_147 : i32
    "tpu.region"() ({
      %run_scoped3A = tpu.sem_alloc : memref<!tpu.dma_semaphore, #tpu.memory_space<semaphore_mem>>
      %dma_start3A_171 = arith.constant 0 : i32
      %dma_start3A_172 = tpu.memref_slice %arg12[%add3A_148, %dma_start3A_171] : memref<10240x32xf32, #tpu.memory_space<vmem_shared>> -> memref<128x32xf32, #tpu.memory_space<vmem_shared>>
      %dma_start3A_173 = arith.constant 0 : i32
      %dma_start3A_174 = tpu.memref_slice %arg12[%add3A_148, %dma_start3A_173] : memref<10240x32xf32, #tpu.memory_space<vmem_shared>> -> memref<128x32xf32, #tpu.memory_space<vmem_shared>>
      tpu.enqueue_dma source(%dma_start3A_174 : memref<128x32xf32, #tpu.memory_space<vmem_shared>>) target(%arg8 : memref<128x32xf32, #tpu.memory_space<vmem>>) target_semaphore(%run_scoped3A : memref<!tpu.dma_semaphore, #tpu.memory_space<semaphore_mem>>)
      %dma_wait3A_175 = arith.constant 0 : i32
      %dma_wait3A_176 = tpu.memref_slice %arg12[%add3A_148, %dma_wait3A_175] : memref<10240x32xf32, #tpu.memory_space<vmem_shared>> -> memref<128x32xf32, #tpu.memory_space<vmem_shared>>
      %dma_wait3A_177 = arith.constant 0 : i32
      %dma_wait3A_178 = tpu.memref_slice %arg12[%add3A_148, %dma_wait3A_177] : memref<10240x32xf32, #tpu.memory_space<vmem_shared>> -> memref<128x32xf32, #tpu.memory_space<vmem_shared>>
      tpu.wait_dma2 semaphore(%run_scoped3A : memref<!tpu.dma_semaphore, #tpu.memory_space<semaphore_mem>>) src(%dma_wait3A_178 : memref<128x32xf32, #tpu.memory_space<vmem_shared>>) dst(%arg8 : memref<128x32xf32, #tpu.memory_space<vmem>>)
      tpu.yield
    }) : () -> ()
    %eq3A_149 = arith.constant 0 : i32
    %eq3A_150 = arith.cmpi eq, %arg0, %eq3A_149 : i32
    %convert_element_type3A_151 = arith.extui %eq3A_150 : i1 to i32
    %cond3A_152 = arith.constant 0 : i32
    %cond3A_153 = arith.cmpi ne, %convert_element_type3A_151, %cond3A_152 : i32
    scf.if %cond3A_153 {
      "tpu.region"() ({
        %run_scoped3A = tpu.sem_alloc : memref<!tpu.dma_semaphore, #tpu.memory_space<semaphore_mem>>
        %dma_start3A_171 = arith.constant 0 : i32
        %dma_start3A_172 = tpu.memref_slice %arg5[%add3A_148, %dma_start3A_171] : memref<10240x32xf32, #tpu.memory_space<hbm>> -> memref<128x32xf32, #tpu.memory_space<hbm>>
        %dma_start3A_173 = arith.constant 0 : i32
        %dma_start3A_174 = tpu.memref_slice %arg5[%add3A_148, %dma_start3A_173] : memref<10240x32xf32, #tpu.memory_space<hbm>> -> memref<128x32xf32, #tpu.memory_space<hbm>>
        tpu.enqueue_dma source(%arg8 : memref<128x32xf32, #tpu.memory_space<vmem>>) target(%dma_start3A_174 : memref<128x32xf32, #tpu.memory_space<hbm>>) target_semaphore(%run_scoped3A : memref<!tpu.dma_semaphore, #tpu.memory_space<semaphore_mem>>)
        %dma_wait3A_175 = arith.constant 0 : i32
        %dma_wait3A_176 = tpu.memref_slice %arg5[%add3A_148, %dma_wait3A_175] : memref<10240x32xf32, #tpu.memory_space<hbm>> -> memref<128x32xf32, #tpu.memory_space<hbm>>
        %dma_wait3A_177 = arith.constant 0 : i32
        %dma_wait3A_178 = tpu.memref_slice %arg5[%add3A_148, %dma_wait3A_177] : memref<10240x32xf32, #tpu.memory_space<hbm>> -> memref<128x32xf32, #tpu.memory_space<hbm>>
        tpu.wait_dma2 semaphore(%run_scoped3A : memref<!tpu.dma_semaphore, #tpu.memory_space<semaphore_mem>>) src(%arg8 : memref<128x32xf32, #tpu.memory_space<vmem>>) dst(%dma_wait3A_178 : memref<128x32xf32, #tpu.memory_space<hbm>>)
        tpu.yield
      }) : () -> ()
    } else {
    }
    %eq3A_154 = arith.constant 1 : i32
    %eq3A_155 = arith.cmpi eq, %arg0, %eq3A_154 : i32
    %convert_element_type3A_156 = arith.extui %eq3A_155 : i1 to i32
    %cond3A_157 = arith.constant 0 : i32
    %cond3A_158 = arith.cmpi ne, %convert_element_type3A_156, %cond3A_157 : i32
    scf.if %cond3A_158 {
      "tpu.region"() ({
        %run_scoped3A = tpu.sem_alloc : memref<!tpu.dma_semaphore, #tpu.memory_space<semaphore_mem>>
        %dma_start3A_171 = arith.constant 0 : i32
        %dma_start3A_172 = tpu.memref_slice %arg6[%add3A_148, %dma_start3A_171] : memref<10240x32xf32, #tpu.memory_space<hbm>> -> memref<128x32xf32, #tpu.memory_space<hbm>>
        %dma_start3A_173 = arith.constant 0 : i32
        %dma_start3A_174 = tpu.memref_slice %arg6[%add3A_148, %dma_start3A_173] : memref<10240x32xf32, #tpu.memory_space<hbm>> -> memref<128x32xf32, #tpu.memory_space<hbm>>
        tpu.enqueue_dma source(%arg8 : memref<128x32xf32, #tpu.memory_space<vmem>>) target(%dma_start3A_174 : memref<128x32xf32, #tpu.memory_space<hbm>>) target_semaphore(%run_scoped3A : memref<!tpu.dma_semaphore, #tpu.memory_space<semaphore_mem>>)
        %dma_wait3A_175 = arith.constant 0 : i32
        %dma_wait3A_176 = tpu.memref_slice %arg6[%add3A_148, %dma_wait3A_175] : memref<10240x32xf32, #tpu.memory_space<hbm>> -> memref<128x32xf32, #tpu.memory_space<hbm>>
        %dma_wait3A_177 = arith.constant 0 : i32
        %dma_wait3A_178 = tpu.memref_slice %arg6[%add3A_148, %dma_wait3A_177] : memref<10240x32xf32, #tpu.memory_space<hbm>> -> memref<128x32xf32, #tpu.memory_space<hbm>>
        tpu.wait_dma2 semaphore(%run_scoped3A : memref<!tpu.dma_semaphore, #tpu.memory_space<semaphore_mem>>) src(%arg8 : memref<128x32xf32, #tpu.memory_space<vmem>>) dst(%dma_wait3A_178 : memref<128x32xf32, #tpu.memory_space<hbm>>)
        tpu.yield
      }) : () -> ()
    } else {
    }
    %add3A_159 = arith.constant 512 : i32
    %add3A_160 = arith.addi %mul3A_2, %add3A_159 : i32
    "tpu.region"() ({
      %run_scoped3A = tpu.sem_alloc : memref<!tpu.dma_semaphore, #tpu.memory_space<semaphore_mem>>
      %dma_start3A_171 = arith.constant 0 : i32
      %dma_start3A_172 = tpu.memref_slice %arg12[%add3A_160, %dma_start3A_171] : memref<10240x32xf32, #tpu.memory_space<vmem_shared>> -> memref<128x32xf32, #tpu.memory_space<vmem_shared>>
      %dma_start3A_173 = arith.constant 0 : i32
      %dma_start3A_174 = tpu.memref_slice %arg12[%add3A_160, %dma_start3A_173] : memref<10240x32xf32, #tpu.memory_space<vmem_shared>> -> memref<128x32xf32, #tpu.memory_space<vmem_shared>>
      tpu.enqueue_dma source(%dma_start3A_174 : memref<128x32xf32, #tpu.memory_space<vmem_shared>>) target(%arg8 : memref<128x32xf32, #tpu.memory_space<vmem>>) target_semaphore(%run_scoped3A : memref<!tpu.dma_semaphore, #tpu.memory_space<semaphore_mem>>)
      %dma_wait3A_175 = arith.constant 0 : i32
      %dma_wait3A_176 = tpu.memref_slice %arg12[%add3A_160, %dma_wait3A_175] : memref<10240x32xf32, #tpu.memory_space<vmem_shared>> -> memref<128x32xf32, #tpu.memory_space<vmem_shared>>
      %dma_wait3A_177 = arith.constant 0 : i32
      %dma_wait3A_178 = tpu.memref_slice %arg12[%add3A_160, %dma_wait3A_177] : memref<10240x32xf32, #tpu.memory_space<vmem_shared>> -> memref<128x32xf32, #tpu.memory_space<vmem_shared>>
      tpu.wait_dma2 semaphore(%run_scoped3A : memref<!tpu.dma_semaphore, #tpu.memory_space<semaphore_mem>>) src(%dma_wait3A_178 : memref<128x32xf32, #tpu.memory_space<vmem_shared>>) dst(%arg8 : memref<128x32xf32, #tpu.memory_space<vmem>>)
      tpu.yield
    }) : () -> ()
    %eq3A_161 = arith.constant 0 : i32
    %eq3A_162 = arith.cmpi eq, %arg0, %eq3A_161 : i32
    %convert_element_type3A_163 = arith.extui %eq3A_162 : i1 to i32
    %cond3A_164 = arith.constant 0 : i32
    %cond3A_165 = arith.cmpi ne, %convert_element_type3A_163, %cond3A_164 : i32
    scf.if %cond3A_165 {
      "tpu.region"() ({
        %run_scoped3A = tpu.sem_alloc : memref<!tpu.dma_semaphore, #tpu.memory_space<semaphore_mem>>
        %dma_start3A_171 = arith.constant 0 : i32
        %dma_start3A_172 = tpu.memref_slice %arg5[%add3A_160, %dma_start3A_171] : memref<10240x32xf32, #tpu.memory_space<hbm>> -> memref<128x32xf32, #tpu.memory_space<hbm>>
        %dma_start3A_173 = arith.constant 0 : i32
        %dma_start3A_174 = tpu.memref_slice %arg5[%add3A_160, %dma_start3A_173] : memref<10240x32xf32, #tpu.memory_space<hbm>> -> memref<128x32xf32, #tpu.memory_space<hbm>>
        tpu.enqueue_dma source(%arg8 : memref<128x32xf32, #tpu.memory_space<vmem>>) target(%dma_start3A_174 : memref<128x32xf32, #tpu.memory_space<hbm>>) target_semaphore(%run_scoped3A : memref<!tpu.dma_semaphore, #tpu.memory_space<semaphore_mem>>)
        %dma_wait3A_175 = arith.constant 0 : i32
        %dma_wait3A_176 = tpu.memref_slice %arg5[%add3A_160, %dma_wait3A_175] : memref<10240x32xf32, #tpu.memory_space<hbm>> -> memref<128x32xf32, #tpu.memory_space<hbm>>
        %dma_wait3A_177 = arith.constant 0 : i32
        %dma_wait3A_178 = tpu.memref_slice %arg5[%add3A_160, %dma_wait3A_177] : memref<10240x32xf32, #tpu.memory_space<hbm>> -> memref<128x32xf32, #tpu.memory_space<hbm>>
        tpu.wait_dma2 semaphore(%run_scoped3A : memref<!tpu.dma_semaphore, #tpu.memory_space<semaphore_mem>>) src(%arg8 : memref<128x32xf32, #tpu.memory_space<vmem>>) dst(%dma_wait3A_178 : memref<128x32xf32, #tpu.memory_space<hbm>>)
        tpu.yield
      }) : () -> ()
    } else {
    }
    %eq3A_166 = arith.constant 1 : i32
    %eq3A_167 = arith.cmpi eq, %arg0, %eq3A_166 : i32
    %convert_element_type3A_168 = arith.extui %eq3A_167 : i1 to i32
    %cond3A_169 = arith.constant 0 : i32
    %cond3A_170 = arith.cmpi ne, %convert_element_type3A_168, %cond3A_169 : i32
    scf.if %cond3A_170 {
      "tpu.region"() ({
        %run_scoped3A = tpu.sem_alloc : memref<!tpu.dma_semaphore, #tpu.memory_space<semaphore_mem>>
        %dma_start3A_171 = arith.constant 0 : i32
        %dma_start3A_172 = tpu.memref_slice %arg6[%add3A_160, %dma_start3A_171] : memref<10240x32xf32, #tpu.memory_space<hbm>> -> memref<128x32xf32, #tpu.memory_space<hbm>>
        %dma_start3A_173 = arith.constant 0 : i32
        %dma_start3A_174 = tpu.memref_slice %arg6[%add3A_160, %dma_start3A_173] : memref<10240x32xf32, #tpu.memory_space<hbm>> -> memref<128x32xf32, #tpu.memory_space<hbm>>
        tpu.enqueue_dma source(%arg8 : memref<128x32xf32, #tpu.memory_space<vmem>>) target(%dma_start3A_174 : memref<128x32xf32, #tpu.memory_space<hbm>>) target_semaphore(%run_scoped3A : memref<!tpu.dma_semaphore, #tpu.memory_space<semaphore_mem>>)
        %dma_wait3A_175 = arith.constant 0 : i32
        %dma_wait3A_176 = tpu.memref_slice %arg6[%add3A_160, %dma_wait3A_175] : memref<10240x32xf32, #tpu.memory_space<hbm>> -> memref<128x32xf32, #tpu.memory_space<hbm>>
        %dma_wait3A_177 = arith.constant 0 : i32
        %dma_wait3A_178 = tpu.memref_slice %arg6[%add3A_160, %dma_wait3A_177] : memref<10240x32xf32, #tpu.memory_space<hbm>> -> memref<128x32xf32, #tpu.memory_space<hbm>>
        tpu.wait_dma2 semaphore(%run_scoped3A : memref<!tpu.dma_semaphore, #tpu.memory_space<semaphore_mem>>) src(%arg8 : memref<128x32xf32, #tpu.memory_space<vmem>>) dst(%dma_wait3A_178 : memref<128x32xf32, #tpu.memory_space<hbm>>)
        tpu.yield
      }) : () -> ()
    } else {
    }
    return
  }
}

module attributes {stable_mosaic.version = 14 : i64} {
  func.func @_tc1_body(%arg0: i32, %arg1: memref<512x128xf32, #tpu.memory_space<vmem>>, %arg2: memref<128x64xf32, #tpu.memory_space<vmem>>, %arg3: memref<64x16xf32, #tpu.memory_space<vmem>>, %arg4: memref<512x72xf32, #tpu.memory_space<vmem>>, %arg5: memref<512x16xf32, #tpu.memory_space<vmem>>) attributes {dimension_semantics = [#tpu.dimension_semantics<arbitrary>], iteration_bounds = array<i64: 20>, scalar_prefetch = 0 : i64, scratch_operands = 0 : i64, tpu.core_type = #tpu.core_type<tc>, window_params = [{transform_indices = @transform_0, window_bounds = array<i64: 512, 128>}, {pipeline_mode = #tpu.pipeline_mode<synchronous>, transform_indices = @transform_1, window_bounds = array<i64: 128, 64>}, {pipeline_mode = #tpu.pipeline_mode<synchronous>, transform_indices = @transform_2, window_bounds = array<i64: 64, 16>}, {transform_indices = @transform_3, window_bounds = array<i64: 512, 72>}, {transform_indices = @transform_4, window_bounds = array<i64: 512, 16>}]} {
    %get3A = arith.constant 0 : index
    %get3A_0 = arith.constant 0 : index
    %get3A_1 = vector.load %arg1[%get3A, %get3A_0] : memref<512x128xf32, #tpu.memory_space<vmem>>, vector<512x128xf32>
    %get3A_2 = arith.constant 0 : index
    %get3A_3 = arith.constant 0 : index
    %get3A_4 = vector.load %arg2[%get3A_2, %get3A_3] : memref<128x64xf32, #tpu.memory_space<vmem>>, vector<128x64xf32>
    %dot_general3A = arith.constant dense<0.000000e+00> : vector<512x64xf32>
    %dot_general3A_5 = tpu.matmul %get3A_1, %get3A_4, %dot_general3A {dimension_numbers = #tpu.dot_dimension_numbers<[1], [0], [0], [1], [0, 0, 1, 1], [], []>, transpose_lhs_hint = false} : vector<512x128xf32>, vector<128x64xf32>, vector<512x64xf32> -> vector<512x64xf32>
    %get3A_6 = arith.constant 0 : index
    %get3A_7 = arith.constant 0 : index
    %get3A_8 = vector.load %arg3[%get3A_6, %get3A_7] : memref<64x16xf32, #tpu.memory_space<vmem>>, vector<64x16xf32>
    %dot_general3A_9 = arith.constant dense<0.000000e+00> : vector<512x16xf32>
    %dot_general3A_10 = tpu.matmul %dot_general3A_5, %get3A_8, %dot_general3A_9 {dimension_numbers = #tpu.dot_dimension_numbers<[1], [0], [0], [1], [0, 0, 1, 1], [], []>, transpose_lhs_hint = false} : vector<512x64xf32>, vector<64x16xf32>, vector<512x16xf32> -> vector<512x16xf32>
    %broadcast_in_dim3A = arith.constant 0.000000e+00 : f32
    %broadcast_in_dim3A_11 = vector.broadcast %broadcast_in_dim3A : f32 to vector<512x8xf32>
    %slice3A = vector.extract_strided_slice %dot_general3A_10 {offsets = [0, 0], sizes = [512, 8], strides = [1, 1]} : vector<512x16xf32> to vector<512x8xf32>
    %concatenate3A = tpu.concatenate %dot_general3A_5, %slice3A in 1 : vector<512x64xf32>, vector<512x8xf32> -> vector<512x72xf32>
    %swap3A = arith.constant 0 : index
    %swap3A_12 = arith.constant 0 : index
    %swap3A_13 = vector.load %arg4[%swap3A, %swap3A_12] : memref<512x72xf32, #tpu.memory_space<vmem>>, vector<512x72xf32>
    tpu.vector_store %arg4[%swap3A, %swap3A_12], %concatenate3A {strides = array<i32>} : memref<512x72xf32, #tpu.memory_space<vmem>>, vector<512x72xf32>,
    %slice3A_14 = vector.extract_strided_slice %dot_general3A_10 {offsets = [0, 8], sizes = [512, 8], strides = [1, 1]} : vector<512x16xf32> to vector<512x8xf32>
    %concatenate3A_15 = tpu.concatenate %broadcast_in_dim3A_11, %slice3A_14 in 1 : vector<512x8xf32>, vector<512x8xf32> -> vector<512x16xf32>
    %swap3A_16 = arith.constant 0 : index
    %swap3A_17 = arith.constant 0 : index
    %swap3A_18 = vector.load %arg5[%swap3A_16, %swap3A_17] : memref<512x16xf32, #tpu.memory_space<vmem>>, vector<512x16xf32>
    tpu.vector_store %arg5[%swap3A_16, %swap3A_17], %concatenate3A_15 {strides = array<i32>} : memref<512x16xf32, #tpu.memory_space<vmem>>, vector<512x16xf32>,
    return
  }
  func.func @transform_0(%arg0: i32) -> (i32, i32) {
    %c0_i32 = arith.constant 0 : i32
    %c0_i32_0 = arith.constant 0 : i32
    return %arg0, %c0_i32 : i32, i32
  }
  func.func @transform_1(%arg0: i32) -> (i32, i32) {
    %c0_i32 = arith.constant 0 : i32
    %c0_i32_0 = arith.constant 0 : i32
    %c0_i32_1 = arith.constant 0 : i32
    return %c0_i32, %c0_i32_0 : i32, i32
  }
  func.func @transform_2(%arg0: i32) -> (i32, i32) {
    %c0_i32 = arith.constant 0 : i32
    %c0_i32_0 = arith.constant 0 : i32
    %c0_i32_1 = arith.constant 0 : i32
    return %c0_i32, %c0_i32_0 : i32, i32
  }
  func.func @transform_3(%arg0: i32) -> (i32, i32) {
    %c0_i32 = arith.constant 0 : i32
    %c0_i32_0 = arith.constant 0 : i32
    return %arg0, %c0_i32 : i32, i32
  }
  func.func @transform_4(%arg0: i32) -> (i32, i32) {
    %c0_i32 = arith.constant 0 : i32
    %c0_i32_0 = arith.constant 0 : i32
    return %arg0, %c0_i32 : i32, i32
  }
}

module attributes {stable_mosaic.version = 14 : i64} {
  func.func @_tc2_body(%arg0: i32, %arg1: memref<512x72xf32, #tpu.memory_space<vmem>>, %arg2: memref<512x72xf32, #tpu.memory_space<vmem>>, %arg3: memref<8x64xf32, #tpu.memory_space<vmem>>, %arg4: memref<1x64xf32, #tpu.memory_space<vmem>>, %arg5: memref<64x16xf32, #tpu.memory_space<vmem>>, %arg6: memref<16x2xf32, #tpu.memory_space<vmem>>, %arg7: memref<512x32xf32, #tpu.memory_space<vmem>>, %arg8: memref<512x16xf32, #tpu.memory_space<vmem>>) attributes {dimension_semantics = [#tpu.dimension_semantics<arbitrary>], iteration_bounds = array<i64: 20>, scalar_prefetch = 0 : i64, scratch_operands = 0 : i64, tpu.core_type = #tpu.core_type<tc>, window_params = [{transform_indices = @transform_0, window_bounds = array<i64: 512, 72>}, {transform_indices = @transform_1, window_bounds = array<i64: 512, 72>}, {pipeline_mode = #tpu.pipeline_mode<synchronous>, transform_indices = @transform_2, window_bounds = array<i64: 8, 64>}, {pipeline_mode = #tpu.pipeline_mode<synchronous>, transform_indices = @transform_3, window_bounds = array<i64: 1, 64>}, {pipeline_mode = #tpu.pipeline_mode<synchronous>, transform_indices = @transform_4, window_bounds = array<i64: 64, 16>}, {pipeline_mode = #tpu.pipeline_mode<synchronous>, transform_indices = @transform_5, window_bounds = array<i64: 16, 2>}, {transform_indices = @transform_6, window_bounds = array<i64: 512, 32>}, {transform_indices = @transform_7, window_bounds = array<i64: 512, 16>}]} {
    %get3A = arith.constant 0 : index
    %get3A_0 = arith.constant 0 : index
    %get3A_1 = vector.load %arg1[%get3A, %get3A_0] : memref<512x72xf32, #tpu.memory_space<vmem>>, vector<512x72xf32>
    %get3A_2 = arith.constant 0 : index
    %get3A_3 = arith.constant 0 : index
    %get3A_4 = vector.load %arg2[%get3A_2, %get3A_3] : memref<512x72xf32, #tpu.memory_space<vmem>>, vector<512x72xf32>
    %add3A = arith.addf %get3A_1, %get3A_4 : vector<512x72xf32>
    %slice3A = vector.extract_strided_slice %add3A {offsets = [0, 64], sizes = [512, 8], strides = [1, 1]} : vector<512x72xf32> to vector<512x8xf32>
    %add3A_5 = arith.constant 1.000000e-16 : f32
    %add3A_6 = vector.broadcast %add3A_5 : f32 to vector<512x8xf32>
    %add3A_7 = arith.addf %slice3A, %add3A_6 : vector<512x8xf32>
    %div3A = arith.constant 1.000000e+00 : f32
    %div3A_8 = vector.broadcast %div3A : f32 to vector<512x8xf32>
    %div3A_9 = arith.divf %div3A_8, %add3A_7 : vector<512x8xf32>
    %get3A_10 = arith.constant 0 : index
    %get3A_11 = arith.constant 0 : index
    %get3A_12 = vector.load %arg3[%get3A_10, %get3A_11] : memref<8x64xf32, #tpu.memory_space<vmem>>, vector<8x64xf32>
    %dot_general3A = arith.constant dense<0.000000e+00> : vector<512x64xf32>
    %dot_general3A_13 = tpu.matmul %div3A_9, %get3A_12, %dot_general3A {dimension_numbers = #tpu.dot_dimension_numbers<[1], [0], [0], [1], [0, 0, 1, 1], [], []>, transpose_lhs_hint = false} : vector<512x8xf32>, vector<8x64xf32>, vector<512x64xf32> -> vector<512x64xf32>
    %slice3A_14 = vector.extract_strided_slice %add3A {offsets = [0, 0], sizes = [512, 64], strides = [1, 1]} : vector<512x72xf32> to vector<512x64xf32>
    %mul3A = arith.mulf %slice3A_14, %dot_general3A_13 : vector<512x64xf32>
    %get3A_15 = arith.constant 0 : index
    %get3A_16 = arith.constant 0 : index
    %get3A_17 = vector.load %arg4[%get3A_15, %get3A_16] : memref<1x64xf32, #tpu.memory_space<vmem>>, vector<1x64xf32>
    %add3A_18 = vector.broadcast %get3A_17 : vector<1x64xf32> to vector<512x64xf32>
    %add3A_19 = arith.addf %mul3A, %add3A_18 : vector<512x64xf32>
    %gt3A = arith.constant 0.000000e+00 : f32
    %gt3A_20 = vector.broadcast %gt3A : f32 to vector<512x64xf32>
    %gt3A_21 = arith.cmpf ogt, %add3A_19, %gt3A_20 : vector<512x64xf32>
    %min3A = arith.constant 0.000000e+00 : f32
    %min3A_22 = vector.broadcast %min3A : f32 to vector<512x64xf32>
    %min3A_23 = arith.minimumf %add3A_19, %min3A_22 : vector<512x64xf32>
    %exp3A = math.exp %min3A_23 : vector<512x64xf32>
    %sub3A = arith.constant 1.000000e+00 : f32
    %sub3A_24 = vector.broadcast %sub3A : f32 to vector<512x64xf32>
    %sub3A_25 = arith.subf %exp3A, %sub3A_24 : vector<512x64xf32>
    %select_n3A = arith.select %gt3A_21, %add3A_19, %sub3A_25 : vector<512x64xi1>, vector<512x64xf32>
    %get3A_26 = arith.constant 0 : index
    %get3A_27 = arith.constant 0 : index
    %get3A_28 = vector.load %arg5[%get3A_26, %get3A_27] : memref<64x16xf32, #tpu.memory_space<vmem>>, vector<64x16xf32>
    %dot_general3A_29 = arith.constant dense<0.000000e+00> : vector<512x16xf32>
    %dot_general3A_30 = tpu.matmul %select_n3A, %get3A_28, %dot_general3A_29 {dimension_numbers = #tpu.dot_dimension_numbers<[1], [0], [0], [1], [0, 0, 1, 1], [], []>, transpose_lhs_hint = false} : vector<512x64xf32>, vector<64x16xf32>, vector<512x16xf32> -> vector<512x16xf32>
    %get3A_31 = arith.constant 0 : index
    %get3A_32 = arith.constant 0 : index
    %get3A_33 = vector.load %arg6[%get3A_31, %get3A_32] : memref<16x2xf32, #tpu.memory_space<vmem>>, vector<16x2xf32>
    %dot_general3A_34 = arith.constant dense<0.000000e+00> : vector<512x2xf32>
    %dot_general3A_35 = tpu.matmul %dot_general3A_30, %get3A_33, %dot_general3A_34 {dimension_numbers = #tpu.dot_dimension_numbers<[1], [0], [0], [1], [0, 0, 1, 1], [], []>, transpose_lhs_hint = false} : vector<512x16xf32>, vector<16x2xf32>, vector<512x2xf32> -> vector<512x2xf32>
    %slice3A_36 = vector.extract_strided_slice %dot_general3A_35 {offsets = [0, 0], sizes = [512, 1], strides = [1, 1]} : vector<512x2xf32> to vector<512x1xf32>
    %broadcast_in_dim3A = vector.shape_cast %slice3A_36 : vector<512x1xf32> to vector<512x1xf32>
    %broadcast_in_dim3A_37 = vector.broadcast %broadcast_in_dim3A : vector<512x1xf32> to vector<512x16xf32>
    %concatenate3A = tpu.concatenate %dot_general3A_30, %broadcast_in_dim3A_37 in 1 : vector<512x16xf32>, vector<512x16xf32> -> vector<512x32xf32>
    %swap3A = arith.constant 0 : index
    %swap3A_38 = arith.constant 0 : index
    %swap3A_39 = vector.load %arg7[%swap3A, %swap3A_38] : memref<512x32xf32, #tpu.memory_space<vmem>>, vector<512x32xf32>
    tpu.vector_store %arg7[%swap3A, %swap3A_38], %concatenate3A {strides = array<i32>} : memref<512x32xf32, #tpu.memory_space<vmem>>, vector<512x32xf32>,
    %slice3A_40 = vector.extract_strided_slice %dot_general3A_35 {offsets = [0, 1], sizes = [512, 1], strides = [1, 1]} : vector<512x2xf32> to vector<512x1xf32>
    %broadcast_in_dim3A_41 = vector.shape_cast %slice3A_40 : vector<512x1xf32> to vector<512x1xf32>
    %broadcast_in_dim3A_42 = vector.broadcast %broadcast_in_dim3A_41 : vector<512x1xf32> to vector<512x16xf32>
    %swap3A_43 = arith.constant 0 : index
    %swap3A_44 = arith.constant 0 : index
    %swap3A_45 = vector.load %arg8[%swap3A_43, %swap3A_44] : memref<512x16xf32, #tpu.memory_space<vmem>>, vector<512x16xf32>
    tpu.vector_store %arg8[%swap3A_43, %swap3A_44], %broadcast_in_dim3A_42 {strides = array<i32>} : memref<512x16xf32, #tpu.memory_space<vmem>>, vector<512x16xf32>,
    return
  }
  func.func @transform_0(%arg0: i32) -> (i32, i32) {
    %c0_i32 = arith.constant 0 : i32
    %c0_i32_0 = arith.constant 0 : i32
    return %arg0, %c0_i32 : i32, i32
  }
  func.func @transform_1(%arg0: i32) -> (i32, i32) {
    %c0_i32 = arith.constant 0 : i32
    %c0_i32_0 = arith.constant 0 : i32
    return %arg0, %c0_i32 : i32, i32
  }
  func.func @transform_2(%arg0: i32) -> (i32, i32) {
    %c0_i32 = arith.constant 0 : i32
    %c0_i32_0 = arith.constant 0 : i32
    %c0_i32_1 = arith.constant 0 : i32
    return %c0_i32, %c0_i32_0 : i32, i32
  }
  func.func @transform_3(%arg0: i32) -> (i32, i32) {
    %c0_i32 = arith.constant 0 : i32
    %c0_i32_0 = arith.constant 0 : i32
    %c0_i32_1 = arith.constant 0 : i32
    return %c0_i32, %c0_i32_0 : i32, i32
  }
  func.func @transform_4(%arg0: i32) -> (i32, i32) {
    %c0_i32 = arith.constant 0 : i32
    %c0_i32_0 = arith.constant 0 : i32
    %c0_i32_1 = arith.constant 0 : i32
    return %c0_i32, %c0_i32_0 : i32, i32
  }
  func.func @transform_5(%arg0: i32) -> (i32, i32) {
    %c0_i32 = arith.constant 0 : i32
    %c0_i32_0 = arith.constant 0 : i32
    %c0_i32_1 = arith.constant 0 : i32
    return %c0_i32, %c0_i32_0 : i32, i32
  }
  func.func @transform_6(%arg0: i32) -> (i32, i32) {
    %c0_i32 = arith.constant 0 : i32
    %c0_i32_0 = arith.constant 0 : i32
    return %arg0, %c0_i32 : i32, i32
  }
  func.func @transform_7(%arg0: i32) -> (i32, i32) {
    %c0_i32 = arith.constant 0 : i32
    %c0_i32_0 = arith.constant 0 : i32
    return %arg0, %c0_i32 : i32, i32
  }
}

module attributes {stable_mosaic.version = 14 : i64} {
  func.func @_tc3_body(%arg0: i32, %arg1: memref<512x32xf32, #tpu.memory_space<vmem>>, %arg2: memref<512x32xf32, #tpu.memory_space<vmem>>, %arg3: memref<1x16xf32, #tpu.memory_space<vmem>>, %arg4: memref<512x16xf32, #tpu.memory_space<vmem>>) attributes {dimension_semantics = [#tpu.dimension_semantics<arbitrary>], iteration_bounds = array<i64: 20>, scalar_prefetch = 0 : i64, scratch_operands = 0 : i64, tpu.core_type = #tpu.core_type<tc>, window_params = [{transform_indices = @transform_0, window_bounds = array<i64: 512, 32>}, {transform_indices = @transform_1, window_bounds = array<i64: 512, 32>}, {pipeline_mode = #tpu.pipeline_mode<synchronous>, transform_indices = @transform_2, window_bounds = array<i64: 1, 16>}, {transform_indices = @transform_3, window_bounds = array<i64: 512, 16>}]} {
    %get3A = arith.constant 0 : index
    %get3A_0 = arith.constant 0 : index
    %get3A_1 = vector.load %arg1[%get3A, %get3A_0] : memref<512x32xf32, #tpu.memory_space<vmem>>, vector<512x32xf32>
    %get3A_2 = arith.constant 0 : index
    %get3A_3 = arith.constant 0 : index
    %get3A_4 = vector.load %arg2[%get3A_2, %get3A_3] : memref<512x32xf32, #tpu.memory_space<vmem>>, vector<512x32xf32>
    %add3A = arith.addf %get3A_1, %get3A_4 : vector<512x32xf32>
    %slice3A = vector.extract_strided_slice %add3A {offsets = [0, 16], sizes = [512, 1], strides = [1, 1]} : vector<512x32xf32> to vector<512x1xf32>
    %add3A_5 = arith.constant 1.000000e-16 : f32
    %add3A_6 = vector.broadcast %add3A_5 : f32 to vector<512x1xf32>
    %add3A_7 = arith.addf %slice3A, %add3A_6 : vector<512x1xf32>
    %slice3A_8 = vector.extract_strided_slice %add3A {offsets = [0, 0], sizes = [512, 16], strides = [1, 1]} : vector<512x32xf32> to vector<512x16xf32>
    %div3A = vector.broadcast %add3A_7 : vector<512x1xf32> to vector<512x16xf32>
    %div3A_9 = arith.divf %slice3A_8, %div3A : vector<512x16xf32>
    %get3A_10 = arith.constant 0 : index
    %get3A_11 = arith.constant 0 : index
    %get3A_12 = vector.load %arg3[%get3A_10, %get3A_11] : memref<1x16xf32, #tpu.memory_space<vmem>>, vector<1x16xf32>
    %add3A_13 = vector.broadcast %get3A_12 : vector<1x16xf32> to vector<512x16xf32>
    %add3A_14 = arith.addf %div3A_9, %add3A_13 : vector<512x16xf32>
    %swap3A = arith.constant 0 : index
    %swap3A_15 = arith.constant 0 : index
    %swap3A_16 = vector.load %arg4[%swap3A, %swap3A_15] : memref<512x16xf32, #tpu.memory_space<vmem>>, vector<512x16xf32>
    tpu.vector_store %arg4[%swap3A, %swap3A_15], %add3A_14 {strides = array<i32>} : memref<512x16xf32, #tpu.memory_space<vmem>>, vector<512x16xf32>,
    return
  }
  func.func @transform_0(%arg0: i32) -> (i32, i32) {
    %c0_i32 = arith.constant 0 : i32
    %c0_i32_0 = arith.constant 0 : i32
    return %arg0, %c0_i32 : i32, i32
  }
  func.func @transform_1(%arg0: i32) -> (i32, i32) {
    %c0_i32 = arith.constant 0 : i32
    %c0_i32_0 = arith.constant 0 : i32
    return %arg0, %c0_i32 : i32, i32
  }
  func.func @transform_2(%arg0: i32) -> (i32, i32) {
    %c0_i32 = arith.constant 0 : i32
    %c0_i32_0 = arith.constant 0 : i32
    %c0_i32_1 = arith.constant 0 : i32
    return %c0_i32, %c0_i32_0 : i32, i32
  }
  func.func @transform_3(%arg0: i32) -> (i32, i32) {
    %c0_i32 = arith.constant 0 : i32
    %c0_i32_0 = arith.constant 0 : i32
    return %arg0, %c0_i32 : i32, i32
  }
}

</mosaic_0001>

<sc_bundles>
// kernel: kernel.10.cloned.1.call-start
scs
__scs_entry_jumppad:
0x0: {  	(pc) =	sbr.rel $0x88, $3  }
0x1: {  	(tag) =	ssettag $0x0;
	lr =	simm.s32 $0x1  }
0x2: {  	[smem:$0x3F97] =	sst lr;
	_ =	strace $0xD0000000  }
0x3: {  	_ = 	snop  }
0x4: {  	_ = 	snop  }
0x5: {  	_ = 	snop  }
0x6: {  	_ = 	snop  }
0x7: {  	_ = 	snop  }
__scs_overlays_trampoline_lowered:
0x8: {  	[smem:$0x3FA6] =	sst s0  }
0x9: {  	[smem:$0x3FA7] =	sst s1  }
0xa: {  	[smem:$0x3FA8] =	sst s2  }
0xb: {  	[smem:$0x3FA9] =	sst s3  }
0xc: {  	[smem:$0x3FAA] =	sst s4  }
0xd: {  	[smem:$0x3FAB] =	sst s5  }
0xe: {  	[smem:$0x3FAC] =	sst s6  }
0xf: {  	[smem:$0x3FAD] =	sst s7  }
0x10: {  	[smem:$0x3FAE] =	sst s8  }
0x11: {  	[smem:$0x3FAF] =	sst s9;
	s0 =	simm.s32 @!p0 $0x0  }
0x12: {  	s1 =	sld [smem:$0x3F95];
	s0 =	simm.s32 @p0 $0x1  }
0x13: {  	[smem:$0x3FB0] =	sst s0;
	s0 =	simm.s32 @!p1 $0x0  }
0x14: {  	s2 =	sld [smem:$0x3F94];
	s0 =	simm.s32 @p1 $0x1  }
0x15: {  	[smem:$0x3FB1] =	sst s0;
	s0 =	simm.s32 @!p2 $0x0  }
0x16: {  	s3 =	sld [smem:$0x3FDB];
	s0 =	simm.s32 @p2 $0x1  }
0x17: {  	s4 =	simm.s32 $0x1BF5;
	[smem:$0x3FB3] =	sst s0  }
0x18: {  	s0 =	sld [smem:$0x3F96];
	_ =	swait.ge [sflag:s4], $0x0  }
0x19: {  	s7 =	sld [smem:$0x3F97]  }
0x1a: {  	s8 =	sadd.s32 $0xFFFFE003, lr  }
0x1b: {  	s9 =	sadd.s32 $0xFFFFFEF7, lr;
	s5 =	simm.s32 $0xFFFFFFFF;
	p2 =	slt.u32 s8, $0xFFFFF086  }
0x1c: {  	p1 =	slt.u32 s9, $0xF7A;
	s5 =	simm.s32 @!p2 $0x0  }
0x1d: {  	s5 =	simm.s32 @p1 $0x1;
	p0 =	seq.s32 s7, s2  }
0x1e: {  	s7 =	smul.u32 @!p0 $0xF7A, s2;
	p2 =	seq.s32 @!p0 s5, $0x0  }
0x1f: {  	s9 =	smul.u32 $0xF7A, s1;
	s8 =	simm.s32 @!p0 $0x1BF5;
	p2 =	por !p2, p0  }
0x20: {  	[sflag:s8] =	ssyncset.s32 @!p0 $0xFFFFF086;
	s6 =	sadd.s32 @!p0 s3, s7;
	s7 =	simm.s32 @!p0 $0x108  }
0x21: {  	s3 =	sadd.s32 s3, s9;
	s6 =	sadd.s32 @!p0 $0x88, s6;
	s7 =	simm.s32 @p2 $0x1082  }
0x22: {  	[simem:s7], [sflag:s8] =	dma.local @!p0 [hbm:s6], $0xF7A  }
0x23: {  	s9 =	sor.u32 $0xD0000000, s2;
	s6 =	simm.s32 $0x108;
	_ =	swait.ge @!p0 [sflag:s8], $0x0  }
0x24: {  	s3 =	sadd.s32 $0x88, s3;
	s6 =	simm.s32 @!p1 $0x1082;
	[sflag:s4] =	ssyncset.s32 $0xFFFFF086  }
0x25: {  	[simem:s6], [sflag:s4] =	dma.local [hbm:s3], $0xF7A  }
0x26: {  	[smem:$0x3F97] =	sst s1;
	(tag) =	ssettag s2;
	_ =	strace s9  }
0x27: {  	s1 =	sld [smem:$0x3FA7]  }
0x28: {  	s2 =	sld [smem:$0x3FA8]  }
0x29: {  	s4 =	sld [smem:$0x3FAA]  }
0x2a: {  	p0 =	seq.s32 s5, $0x0;
	s5 =	sld [smem:$0x3FAB]  }
0x2b: {  	s6 =	sld [smem:$0x3FAC]  }
0x2c: {  	s7 =	sld [smem:$0x3FAD]  }
0x2d: {  	s3 =	simm.s32 $0x108;
	s8 =	sld [smem:$0x3FAE]  }
0x2e: {  	s3 =	simm.s32 @!p0 $0x1082;
	s9 =	sld [smem:$0x3FAF]  }
0x2f: {  	lr =	sadd.s32 s0, s3;
	s0 =	sld [smem:$0x3FA6]  }
0x30: {  	s3 =	sld [smem:$0x3FA9]  }
0x31: {  	[smem:$0x3FB2] =	sst s10  }
0x32: {  	s10 =	sld [smem:$0x3FB0];
	_ =	sdelay $0x3  }
0x33: {  	p0 =	seq.s32 s10, $0x1;
	s10 =	sld [smem:$0x3FB2];
	_ =	sdelay $0x3  }
0x34: {  	[smem:$0x3FB2] =	sst s10  }
0x35: {  	s10 =	sld [smem:$0x3FB1];
	_ =	sdelay $0x3  }
0x36: {  	p1 =	seq.s32 s10, $0x1;
	s10 =	sld [smem:$0x3FB2];
	_ =	sdelay $0x3  }
0x37: {  	[smem:$0x3FB2] =	sst s10  }
0x38: {  	s10 =	sld [smem:$0x3FB3]  }
0x39: {  	_ = 	snop;
	(pc) =	sbr.ind lr, $3  }
0x3a: {  	_ = 	snop  }
0x3b: {  	_ = 	snop  }
0x3c: {  	p2 =	seq.s32 s10, $0x1;
	s10 =	sld [smem:$0x3FB2]  }
0x3d: {  	_ =	shalt  }
0x3e: {  	_ =	shalt  }
0x3f: {  	_ =	shalt  }
0x40: {  	_ =	shalt  }
0x41: {  	_ =	shalt  }
0x42: {  	_ =	shalt  }
0x43: {  	_ =	shalt  }
0x44: {  	_ =	shalt  }
0x45: {  	_ =	shalt  }
0x46: {  	_ =	shalt  }
0x47: {  	_ =	shalt  }
0x48: {  	_ =	shalt  }
0x49: {  	_ =	shalt  }
0x4a: {  	_ =	shalt  }
0x4b: {  	_ =	shalt  }
0x4c: {  	_ =	shalt  }
0x4d: {  	_ =	shalt  }
0x4e: {  	_ =	shalt  }
0x4f: {  	_ =	shalt  }
0x50: {  	_ =	shalt  }
0x51: {  	_ =	shalt  }
0x52: {  	_ =	shalt  }
0x53: {  	_ =	shalt  }
0x54: {  	_ =	shalt  }
0x55: {  	_ =	shalt  }
0x56: {  	_ =	shalt  }
0x57: {  	_ =	shalt  }
0x58: {  	_ =	shalt  }
0x59: {  	_ =	shalt  }
0x5a: {  	_ =	shalt  }
0x5b: {  	_ =	shalt  }
0x5c: {  	_ =	shalt  }
0x5d: {  	_ =	shalt  }
0x5e: {  	_ =	shalt  }
0x5f: {  	_ =	shalt  }
0x60: {  	_ =	shalt  }
0x61: {  	_ =	shalt  }
0x62: {  	_ =	shalt  }
0x63: {  	_ =	shalt  }
0x64: {  	_ =	shalt  }
0x65: {  	_ =	shalt  }
0x66: {  	_ =	shalt  }
0x67: {  	_ =	shalt  }
0x68: {  	_ =	shalt  }
0x69: {  	_ =	shalt  }
0x6a: {  	_ =	shalt  }
0x6b: {  	_ =	shalt  }
0x6c: {  	_ =	shalt  }
0x6d: {  	_ =	shalt  }
0x6e: {  	_ =	shalt  }
0x6f: {  	_ =	shalt  }
0x70: {  	_ =	shalt  }
0x71: {  	_ =	shalt  }
0x72: {  	_ =	shalt  }
0x73: {  	_ =	shalt  }
0x74: {  	_ =	shalt  }
0x75: {  	_ =	shalt  }
0x76: {  	_ =	shalt  }
0x77: {  	_ =	shalt  }
0x78: {  	_ =	shalt  }
0x79: {  	_ =	shalt  }
0x7a: {  	_ =	shalt  }
0x7b: {  	_ =	shalt  }
0x7c: {  	_ =	shalt  }
0x7d: {  	_ =	shalt  }
0x7e: {  	_ =	shalt  }
0x7f: {  	_ =	shalt  }
0x80: {  	_ =	shalt  }
0x81: {  	_ =	shalt  }
0x82: {  	_ =	shalt  }
0x83: {  	_ =	shalt  }
0x84: {  	_ =	shalt  }
0x85: {  	_ =	shalt  }
0x86: {  	_ =	shalt  }
0x87: {  	_ =	shalt  }
.Lfunc_end0:
.L_simem_size_0:
called_computation.1_lowered:
.L_overlay_start_0:
0x88: {  	s2 =	sld [smem:$0x3FD9]  }
0x89: {  	s3 =	sld [smem:$0x3FFE];
	_ =	sdelay $0x1  }
0x8a: {  	s1 =	srdreg.scid  }
0x8b: {  	s0 =	sand.u32 $0x1, s1  }
0x8c: {  	s16 =	sshll.u32 s0, $0xA;
	s2 =	sadd.s32 s3, s2  }
0x8d: {  	s2 =	sadd.s32 s2, s16  }
0x8e: {  	[smem:$0x3FBE] =	sst s2  }
0x8f: {  	_ = 	snop  }
0x90: {  	(tm) =	ssettm $0x1  }
0x91: {  	s17 =	sld [smem:$0x3FFB];
	_ =	sdelay $0x3  }
0x92: {  	_ =	strace s17  }
0x93: {  	s2 =	sld [smem:$0x3FFC];
	_ =	sdelay $0x3  }
0x94: {  	_ =	strace s2  }
0x95: {  	s2 =	sld [smem:$0x3FFD];
	_ =	sdelay $0x3  }
0x96: {  	_ =	strace s2  }
0x97: {  	_ =	strace $0x8FFFFFFF  }
0x98: {  	s18 =	sld [smem:$0x3FDB];
	_ =	sdelay $0x1  }
0x99: {  	s19 =	simm.s32 $_scs_section_size  }
0x9a: {  	s4 =	simm.s32 $_size__tile_overlayer_lowered;
	s5 =	simm.s32 $_tile_overlayer_lowered  }
0x9b: {  	s22 =	simm.s32 $0x1BFF;
	s21 =	sshll.u32 s5, $0x1;
	s2 =	sadd.s32 s19, s18  }
0x9c: {  	s6 =	simm.s32 $0x0;
	s20 =	sshll.u32 s4, $0x1;
	s4 =	sadd.s32 s21, s2  }
0x9d: {  	[timem:s6], [sflag:s22] =	dma.local [hbm:s4], s20  }
0x9e: {  	_ =	swait.ge [sflag:s22], s20  }
0x9f: {  	s3 =	ssub.s32 $0x0, s20;
	[sflag:s22] =	ssyncset.done $0x0  }
0xa0: {  	[sflag:s22] =	ssyncadd.s32 s3;
	_ =	sdelay $0x1  }
0xa1: {  	s23 =	simm.s32 $0x1B8B  }
0xa2: {  	_ =	swait.ge [sflag:s23], $0x1  }
0xa3: {  	[sflag:s23] =	ssyncset.done $0x0  }
0xa4: {  	s25 =	simm.s32 $0x1B8E;
	s24 =	sld [smem:$0x3FFE];
	[sflag:s23] =	ssyncadd.s32 $0xFFFFFFFF  }
0xa5: {  	s26 =	simm.s32 $execute0_lowered;
	[smem:$0x3FD2] =	sst s25  }
0xa6: {  	s4 =	sshll.u32 s26, $0x1;
	_ =	strace $0x80000049;
	[dreg:$0x1] =	wrdreg $0xFFFFFFFF  }
0xa7: {  	s28 =	simm.s32 $_size_execute0_lowered;
	s2 =	sadd.s32 s2, s4;
	[dreg:$0x0] =	wrdreg $0x0  }
0xa8: {  	s4 =	sshll.u32 s28, $0x1;
	[dreg:$0x2] =	wrdreg s2  }
0xa9: {  	[dreg:$0x3] =	wrdreg s4  }
0xaa: {  	[dreg:$0x4] =	wrdreg $0xC0  }
0xab: {  	_ =	task [dreg:s6], $0x5FFFF  }
0xac: {  	[dreg:$0x1] =	wrdreg $0xFFFFFFFF  }
0xad: {  	[dreg:$0x0] =	wrdreg $0x60  }
0xae: {  	[dreg:$0x2] =	wrdreg s24  }
0xaf: {  	[dreg:$0x3] =	wrdreg $0x84000  }
0xb0: {  	[dreg:$0x4] =	wrdreg $0xD4000  }
0xb1: {  	[dreg:$0x5] =	wrdreg $0x34000  }
0xb2: {  	[dreg:$0x6] =	wrdreg $0x9  }
0xb3: {  	_ =	task.clear_ibuf [dreg:s6], $0x7FFFF;
	_ =	strace $0x90000049  }
0xb4: {  	s29 =	simm.s32 $0x9;
	_ =	strace $0x8000004B  }
0xb5: {  	_ =	swait.ge [sflag:s29], $0x1  }
0xb6: {  	[sflag:s29] =	ssyncadd.s32 $0xFFFFFFFF  }
0xb7: {  	_ =	strace $0x9000004B  }
0xb8: {  	_ =	sfence  }
0xb9: {  	s30 =	sld [smem:$0x0];
	_ =	sdelay $0x2  }
0xba: {  	s31 =	sshll.u32 s1, $0xD;
	s1 =	sshrl.u32 s1, $0x2  }
0xbb: {  	s3 =	sand.u32 $0x4000, s31;
	s1 =	sadd.s32 s1, s30  }
0xbc: {  	s0 =	sor.u32 s3, s0;
	s1 =	sshll.u32 s1, $0x11  }
0xbd: {  	s0 =	sor.u32 s1, s0  }
0xbe: {  	s0 =	sadd.s32 $0x8F2B, s0  }
0xbf: {  	[sflag:s0] =	ssyncadd.remote.s32 $0x1  }
0xc0: {  	_ =	sfence.sel $0xFFFF  }
0xc1: {  	[dreg:$0x0] =	wrdreg $0xFFFFFFFF;
	(pc) =	sbr.abs _section_cstart, $3  }
0xc2: {  	[dreg:$0x1] =	wrdreg $0xFFFFFFFF  }
0xc3: {  	_ =	task.clear_ibuf [dreg:s6], $0x2FFFF;
	_ =	strace $0x9FFFFFFF  }
0xc4: {  	(tm) =	ssettm $0x7FFFFFFF  }
0xc5: {  	_ =	shalt  }
tec
execute0_lowered:
.L_overlay_start_1:
0x0: {  	(tag) =	ssettag $0x1  }
0x1: {  	s0 =	rddreg [dreg:$0x0]  }
0x2: {  	s1 =	rddreg [dreg:$0x1]  }
0x3: {  	s2 =	rddreg [dreg:$0x2]  }
0x4: {  	s4 =	rddreg [dreg:$0x3];
	s3 =	srdreg.scid;
	s5 =	simm.s32 $0x0  }
0x5: {  	s14 =	stileid.u32;
	s31 =	simm.s32 $0x400;
	s28 =	simm.s32 $0x9  }
0x6: {  	s29 =	simm.s32 $0x3;
	s3 =	sand.u32 $0x1, s3;
	s8 =	smul.u32 $0x5000, s14  }
0x7: {  	s7 =	sshll.u32 s14, $0x5;
	[smem:$0x7FF] =	sst s5;
	s21 =	smul.u32 $0x2800, s14  }
0x8: {  	s22 =	sshll.u32 s14, $0x6;
	s17 =	sadd.s32 $0x1DE00, s0;
	s6 =	sshll.u32 s3, $0x9  }
0x9: {  	_ =	strace $0x8000004A;
	s9 =	ssub.s32 $0x2, s3;
	p0 =	seq.s32 s3, $0x0  }
0xa: {  	s3 =	simm.s32 $0x32600;
	[dreg:$0x13] =	wrdreg s17;
	s17 =	simm.s32 $0x1400  }
0xb: {  	s7 =	sor.u32 s7, s6;
	s10 =	sshrl.u32 s8, $0x3;
	s11 =	sshrl.u32 s21, $0x3  }
0xc: {  	s12 =	sshrl.u32 s9, $0x1;
	s6 =	sadd.s32 s21, s2;
	s20 =	sadd.s32 s8, s4  }
0xd: {  	s23 =	sadd.s32 $0x1000, s8;
	s26 =	sadd.s32 $0x3000, s8;
	s3 =	simm.s32 @!p0 $0x10E00  }
0xe: {  	[dreg:$0x5] =	wrdreg s7;
	s7 =	sadd.s32 s7, s0;
	s13 =	sadd.s32 s10, s0  }
0xf: {  	s11 =	sadd.s32 s11, s0;
	s15 =	sadd.s32 s26, s4;
	[dreg:$0x9] =	wrdreg s20  }
0x10: {  	s3 =	sadd.s32 s3, s0;
	s0 =	sadd.s32 $0x1E200, s0;
	[dreg:$0xc] =	wrdreg s15  }
0x11: {  	s25 =	sadd.s32 $0x2000, s8;
	s21 =	sadd.s32 s23, s4;
	[dreg:$0x14] =	wrdreg s0  }
0x12: {  	s9 =	ssub.s32 s9, s12;
	s24 =	sadd.s32 s25, s4;
	[dreg:$0xa] =	wrdreg s21  }
0x13: {  	s12 =	sadd.s32 s8, s1;
	s13 =	sadd.s32 $0x1E00, s13;
	[dreg:$0xb] =	wrdreg s24  }
0x14: {  	s8 =	sadd.s32 $0x4000, s8;
	s11 =	sadd.s32 $0xBE00, s11;
	[dreg:$0x6] =	wrdreg s13  }
0x15: {  	s14 =	sshrl.u32 s26, $0x3;
	s30 =	sadd.s32 s8, s4;
	[dreg:$0x8] =	wrdreg s11  }
0x16: {  	s8 =	sshrl.u32 s8, $0x3;
	s10 =	sadd.s32 s3, s10;
	[dreg:$0xd] =	wrdreg s30  }
0x17: {  	s16 =	sadd.s32 s3, s14;
	s18 =	sadd.s32 $0x1D600, s7;
	[dreg:$0xe] =	wrdreg s10  }
0x18: {  	s19 =	sadd.s32 $0x1DA00, s7;
	s26 =	sshrl.u32 s12, $0x3;
	[dreg:$0x11] =	wrdreg s16  }
0x19: {  	s14 =	simm.s32 $0xB;
	s12 =	simm.s32 $0x4;
	[dreg:$0x15] =	wrdreg s18  }
0x1a: {  	s13 =	sor.u32 $0x1C0B, s22;
	s11 =	sshrl.u32 s23, $0x3;
	[dreg:$0x16] =	wrdreg s19  }
0x1b: {  	s22 =	sadd.s32 $0x1E600, s7;
	s23 =	smax.u32 s9, $0x1;
	[dreg:$0x19] =	wrdreg s26  }
0x1c: {  	s30 =	sshrl.u32 s6, $0x3;
	s16 =	simm.s32 $0x2;
	s18 =	simm.s32 $0x180  }
0x1d: {  	s19 =	simm.s32 $0x2C00;
	s26 =	simm.s32 $0x300;
	[dreg:$0x7] =	wrdreg s13  }
0x1e: {  	s10 =	simm.s32 $0x8;
	s6 =	simm.s32 $0x0;
	[dreg:$0x17] =	wrdreg s22  }
0x1f: {  	s13 =	sshrl.u32 s25, $0x3;
	s11 =	sadd.s32 s3, s11;
	[dreg:$0x18] =	wrdreg s23  }
0x20: {  	s25 =	sadd.s32 $0x1EA00, s7;
	[dreg:$0x1a] =	wrdreg s30;
	s7 =	simm.s32 $0x80  }
0x21: {  	s22 =	simm.s32 $0x5;
	s23 =	simm.s32 $0x7;
	[dreg:$0xf] =	wrdreg s11  }
0x22: {  	s15 =	sadd.s32 s3, s13;
	s3 =	sadd.s32 s3, s8;
	s8 =	simm.s32 $0x6  }
0x23: {  	s11 =	simm.s32 $0xA;
	s13 =	simm.s32 $0x380;
	[dreg:$0x10] =	wrdreg s15  }
0x24: {  	v0 =	vimm.f32 $0.0e+00;
	vm0 =	vmmov $0x1;
	[dreg:$0x12] =	wrdreg s3;
	s15 =	simm.s32 $0x200;
	s3 =	simm.s32 $0x280  }
.LBB2_1:
0x25: {  	[dreg:$0x1b] =	wrdreg s6  }
0x26: {  	s0 =	rddreg [dreg:$0x6]  }
0x27: {  	s6 =	rddreg [dreg:$0x7]  }
0x28: {  	s9 =	rddreg [dreg:$0x19]  }
0x29: {  	[spmem:s9], [sflag:s6] =	dma.local [hbm:s0], $0xA00  }
0x2a: {  	_ =	swait.ge [sflag:s14], $0xA00  }
0x2b: {  	[sflag:s14] =	ssyncset.done $0x0;
	s9 =	rddreg [dreg:$0x8]  }
0x2c: {  	s30 =	rddreg [dreg:$0x1a];
	[sflag:s14] =	ssyncadd.s32 $0xFFFFF600  }
0x2d: {  	[spmem:s30], [sflag:s6] =	dma.local [hbm:s9], $0x500  }
0x2e: {  	_ =	swait.ge [sflag:s14], $0x500  }
0x2f: {  	[sflag:s14] =	ssyncset.done $0x0  }
0x30: {  	s0 =	simm.s32 $0x80;
	s6 =	simm.s32 $0x0;
	[sflag:s14] =	ssyncadd.s32 $0xFFFFFB00  }
.LBB2_2:
0x31: {  	p0 =	sne.s32 s0, $0x3F80;
	[tilespmem:s6+$0x400] =	vst v0;
	s9 =	smov.u32 s0;
	s0 =	sadd.s32 $0x80, s0  }
.Ltmp0:
0x32: {  	[tilespmem:s6+$0x410] =	vst v0;
	(pc) =	sbr.rel @p0 .LBB2_2-.Ltmp0, $2  }
0x33: {  	_ =	sdelay $0x2  }
0x34: {  	s6 =	sshra.s32 s9, $0x2  }
0x35: {  	[tilespmem:s6+$0x400] =	vst v0  }
0x36: {  	[tilespmem:s6+$0x410] =	vst v0  }
0x37: {  	[spmem:s20] =	stream.linear.scatter [tilespmem:s31], [sflag:$0xB], $0x1000, $0x38;
	[tilespmem:$0xFC00] =	vst v63  }
0x38: {  	_ =	swait.ge [sflag:s14], $0x1000  }
0x39: {  	[sflag:s14] =	ssyncset.done $0x0  }
0x3a: {  	[sflag:s14] =	ssyncadd.s32 $0xFFFFF000  }
0x3b: {  	[spmem:s21] =	stream.linear.scatter [tilespmem:s31], [sflag:$0xB], $0x1000, $0x38;
	[tilespmem:$0xFC00] =	vst v63  }
0x3c: {  	_ =	swait.ge [sflag:s14], $0x1000  }
0x3d: {  	[sflag:s14] =	ssyncset.done $0x0  }
0x3e: {  	[sflag:s14] =	ssyncadd.s32 $0xFFFFF000  }
0x3f: {  	[spmem:s24] =	stream.linear.scatter [tilespmem:s31], [sflag:$0xB], $0x1000, $0x38;
	[tilespmem:$0xFC00] =	vst v63  }
0x40: {  	_ =	swait.ge [sflag:s14], $0x1000  }
0x41: {  	[sflag:s14] =	ssyncset.done $0x0  }
0x42: {  	s0 =	rddreg [dreg:$0xc];
	[sflag:s14] =	ssyncadd.s32 $0xFFFFF000  }
0x43: {  	[spmem:s0] =	stream.linear.scatter [tilespmem:s31], [sflag:$0xB], $0x1000, $0x38;
	[tilespmem:$0xFC00] =	vst v63  }
0x44: {  	_ =	swait.ge [sflag:s14], $0x1000  }
0x45: {  	[sflag:s14] =	ssyncset.done $0x0  }
0x46: {  	s6 =	rddreg [dreg:$0xd];
	[sflag:s14] =	ssyncadd.s32 $0xFFFFF000  }
0x47: {  	[spmem:s6] =	stream.linear.scatter [tilespmem:s31], [sflag:$0xB], $0x1000, $0x38;
	[tilespmem:$0xFC00] =	vst v63  }
0x48: {  	_ =	swait.ge [sflag:s14], $0x1000  }
0x49: {  	[sflag:s14] =	ssyncset.done $0x0  }
0x4a: {  	[sflag:s14] =	ssyncadd.s32 $0xFFFFF000  }
0x4b: {  	[bflag:$0x0] =	sbarrier.arrive $0xFFFF  }
0x4c: {  	s14 =	simm.s32 $0x0;
	s9 =	rddreg [dreg:$0x15]  }
0x4d: {  	[tilespmem:s14], [sflag:$0x1] =	stream.linear.gather [hbm4b:s9+s14], $0x100, $0x38;
	[tilespmem:$0xFC00] =	vst v63  }
0x4e: {  	s21 =	simm.s32 $0x100;
	s24 =	simm.s32 $0x1;
	s20 =	rddreg [dreg:$0x16]  }
0x4f: {  	[tilespmem:s21], [sflag:$0x2] =	stream.linear.gather [hbm4b:s20+s14], $0x100, $0x38;
	[tilespmem:$0xFC00] =	vst v63  }
0x50: {  	_ =	swait.ge [sflag:s24], $0x100  }
0x51: {  	[sflag:s24] =	ssyncset.done $0x0  }
0x52: {  	[sflag:s24] =	ssyncadd.s32 $0xFFFFFF00  }
0x53: {  	[tilespmem:s31], [sflag:$0x5] =	stream.indirect.gather [spmem:s1], $0x20, s14, s7, $0xb8;
	[tilespmem:$0xFC00] =	vst v63  }
0x54: {  	s30 =	simm.s32 $0x2400  }
0x55: {  	[tilespmem:s30], [sflag:$0x7] =	stream.indirect.gather [spmem:s2], $0x10, s7, s7, $0xb8;
	[tilespmem:$0xFC00] =	vst v63  }
.LBB2_4:
0x56: {  	s0 =	sshll.u32 s14, $0xC;
	s6 =	rddreg [dreg:$0x5]  }
0x57: {  	s20 =	rddreg [dreg:$0x13];
	s9 =	sor.u32 s6, s0  }
0x58: {  	p0 =	seq.s32 s14, $0x0;
	s6 =	sadd.s32 s9, s20  }
0x59: {  	[tilespmem:s15], [sflag:$0x3] =	stream.linear.gather [hbm4b:s6+s5], $0x100, $0x38;
	[tilespmem:$0xFC00] =	vst v63  }
0x5a: {  	s6 =	simm.s32 @!p0 $0xA  }
0x5b: {  	_ =	swait.ge @!p0 [sflag:s6], $0x1000  }
0x5c: {  	[sflag:s6] =	ssyncset.done @!p0 $0x0  }
0x5d: {  	[sflag:s6] =	ssyncadd.s32 @!p0 $0xFFFFF000  }
0x5e: {  	_ =	swait.ge [sflag:s16], $0x100  }
0x5f: {  	[sflag:s16] =	ssyncset.done $0x0  }
0x60: {  	s21 =	simm.s32 $0x100;
	[sflag:s16] =	ssyncadd.s32 $0xFFFFFF00  }
0x61: {  	[tilespmem:s17], [sflag:$0x6] =	stream.indirect.gather [spmem:s1], $0x20, s21, s7, $0xb8;
	[tilespmem:$0xFC00] =	vst v63  }
0x62: {  	_ = 	snop  }
0x63: {  	[tilespmem:s19], [sflag:$0x8] =	stream.indirect.gather [spmem:s2], $0x10, s18, s7, $0xb8;
	[tilespmem:$0xFC00] =	vst v63  }
0x64: {  	_ =	swait.ge [sflag:s22], $0x1000  }
0x65: {  	[sflag:s22] =	ssyncset.done $0x0  }
0x66: {  	[sflag:s22] =	ssyncadd.s32 $0xFFFFF000  }
0x67: {  	_ =	swait.ge [sflag:s23], $0x800  }
0x68: {  	[sflag:s23] =	ssyncset.done $0x0  }
0x69: {  	s30 =	simm.s32 $0x440;
	[sflag:s23] =	ssyncadd.s32 $0xFFFFF800  }
0x6a: {  	s24 =	simm.s32 $0x2420;
	v1 =	vld [tilespmem:s30+$0x30]  }
0x6b: {  	v2 =	vld [tilespmem:s24+$0x10];
	_ =	sdelay $0x2  }
0x6c: {  	v4 =	vld [tilespmem:s24+$0xFFFFFFE0]  }
0x6d: {  	v5 =	vld [tilespmem:s30+$0xFFFFFFF0]  }
0x6e: {  	v6 =	vld [tilespmem:s24+$0xFFFFFFF0];
	v2 =	vadd.f32 v2, v1  }
0x6f: {  	v7 =	vld [tilespmem:s30+$0x10]  }
0x70: {  	v8 =	vld [tilespmem:s24+$0x0];
	v10 =	vmul.f32 $2.000000030e-01, v2  }
0x71: {  	v9 =	vld [tilespmem:s30+$0xFFFFFFD0];
	vm1 =	vgt.f32 v2, $0.0e+00  }
0x72: {  	s6 =	simm.s32 $0x4C0;
	v3 =	vld [tilespmem:s30+$0xFFFFFFE0];
	v10 =	vsel vm1, v2, v10  }
0x73: {  	s20 =	simm.s32 $0x2460;
	v11 =	vld [tilespmem:s6+$0x30];
	v5 =	vadd.f32 v6, v5;
	v10 =	vmul.f32 $1.442695020e+00, v10  }
0x74: {  	v12 =	vld [tilespmem:s20+$0x10]  }
0x75: {  	v13 =	vld [tilespmem:s6+$0xFFFFFFF0];
	v7 =	vadd.f32 v8, v7;
	(erf) = vpow2.f32 v10;
	v10 =	vmul.f32 $2.000000030e-01, v5  }
0x76: {  	v14 =	vld [tilespmem:s20+$0xFFFFFFF0];
	v4 =	vadd.f32 v4, v9;
	vm1 =	vgt.f32 v5, $0.0e+00  }
0x77: {  	v15 =	vld [tilespmem:s30+$0x20];
	v9 =	vmul.f32 $2.000000030e-01, v7;
	v5 =	vsel vm1, v5, v10  }
0x78: {  	v1 =	vld [tilespmem:s30+$0xFFFFFFC0];
	vm1 =	vgt.f32 v7, $0.0e+00;
	v10 =	vmul.f32 $2.000000030e-01, v4;
	v5 =	vmul.f32 $1.442695020e+00, v5  }
0x79: {  	v6 =	vld [tilespmem:s20+$0xFFFFFFE0];
	v7 =	vsel vm1, v7, v9;
	vm1 =	vgt.f32 v4, $0.0e+00  }
0x7a: {  	v8 =	vld [tilespmem:s6+$0x10];
	v4 =	vsel vm1, v4, v10;
	v7 =	vmul.f32 $1.442695020e+00, v7;
	(erf) = vpow2.f32 v5  }
0x7b: {  	v12 =	vadd.f32 v12, v11;
	v2 =	vld [tilespmem:s30+$0x0];
	v5 =	vmul.f32 $1.442695020e+00, v4  }
0x7c: {  	v9 =	vld [tilespmem:s20+$0x0];
	(erf) = vpow2.f32 v7  }
0x7d: {  	v16 =	vmul.f32 $2.000000030e-01, v12;
	v10 =	vld [tilespmem:s6+$0xFFFFFFD0];
	(erf) = vpow2.f32 v5  }
0x7e: {  	v11 =	vadd.f32 v14, v13;
	vm1 =	vgt.f32 v12, $0.0e+00;
	v4 =	vld [tilespmem:s6+$0xFFFFFFC0]  }
0x7f: {  	v13 =	vsel vm1, v12, v16;
	v7 =	vld [tilespmem:s6+$0x0];
	v12 =	vpop (erf)  }
0x80: {  	s21 =	simm.s32 $0x4;
	s24 =	simm.s32 $0x540;
	vm1 =	vgt.f32 v11, $0.0e+00;
	v14 =	vmul.f32 $1.442695020e+00, v13;
	v5 =	vld [tilespmem:s6+$0xFFFFFFE0];
	v13 =	vmul.f32 v12, v15  }
.LBB2_5:
0x81: {  	v15 =	vld [tilespmem:s24+$0x30];
	v16 =	vmul.f32 $2.000000030e-01, v11;
	v8 =	vadd.f32 v9, v8;
	s20 =	sadd.s32 $0x40, s20;
	v17 =	vnsel vm0, $0x0, v12  }
0x82: {  	s21 =	sadd.s32 $0x4, s21;
	v12 =	vld [tilespmem:s20+$0x10];
	v10 =	vadd.f32 v6, v10;
	(erf) = vpow2.f32 v14;
	[tilespmem:s30+$0x20] =	vst v13  }
0x83: {  	p0 =	slt.u32 s21, $0x7C;
	v6 =	vld [tilespmem:s20+$0xFFFFFFE0];
	v11 =	vsel vm1, v11, v16;
	vm1 =	vgt.f32 v8, $0.0e+00;
	v13 =	vmul.f32 $2.000000030e-01, v8;
	[tilespmem:s30+$0x30] =	vst v17;
	v9 =	vpop (erf)  }
0x84: {  	v14 =	vld [tilespmem:s24+$0xFFFFFFF0];
	vm2 =	vgt.f32 v10, $0.0e+00;
	v16 =	vmul.f32 $2.000000030e-01, v10;
	v19 =	vmul.f32 $1.442695020e+00, v11  }
0x85: {  	v21 =	vmul.f32 v9, v3;
	v9 =	vnsel vm0, $0x0, v9;
	v17 =	vld [tilespmem:s20+$0xFFFFFFF0];
	v13 =	vsel vm1, v8, v13;
	v18 =	vpop (erf)  }
0x86: {  	v8 =	vld [tilespmem:s24+$0x10];
	v10 =	vsel vm2, v10, v16;
	v13 =	vmul.f32 $1.442695020e+00, v13;
	(erf) = vpow2.f32 v19;
	[tilespmem:s30+$0xFFFFFFF0] =	vst v9;
	v11 =	vpop (erf)  }
0x87: {  	v12 =	vadd.f32 v12, v15;
	v15 =	vmul.f32 $1.442695020e+00, v10;
	v16 =	vld [tilespmem:s6+$0x20];
	v19 =	vmul.f32 v11, v1;
	[tilespmem:s30+$0xFFFFFFE0] =	vst v21;
	v1 =	vmovc v4  }
.Ltmp1:
0x88: {  	v3 =	vmovc v5;
	v20 =	vmul.f32 v18, v2;
	v2 =	vmovc v7;
	v9 =	vld [tilespmem:s20+$0x0];
	(erf) = vpow2.f32 v13;
	v13 =	vnsel vm0, $0x0, v11;
	(pc) =	sbr.rel @p0 .LBB2_5-.Ltmp1, $4  }
0x89: {  	v10 =	vld [tilespmem:s24+$0xFFFFFFD0];
	v7 =	vmul.f32 $2.000000030e-01, v12;
	(erf) = vpow2.f32 v15;
	[tilespmem:s30+$0xFFFFFFC0] =	vst v19;
	v15 =	vnsel vm0, $0x0, v18  }
0x8a: {  	vm1 =	vgt.f32 v12, $0.0e+00;
	v4 =	vld [tilespmem:s24+$0xFFFFFFC0];
	v11 =	vadd.f32 v17, v14;
	[tilespmem:s30+$0x0] =	vst v20  }
0x8b: {  	v5 =	vld [tilespmem:s24+$0xFFFFFFE0];
	v14 =	vsel vm1, v12, v7;
	v12 =	vpop (erf);
	[tilespmem:s30+$0xFFFFFFD0] =	vst v13  }
0x8c: {  	vm1 =	vgt.f32 v11, $0.0e+00;
	v7 =	vld [tilespmem:s24+$0x0];
	v14 =	vmul.f32 $1.442695020e+00, v14;
	v13 =	vmul.f32 v12, v16;
	[tilespmem:s30+$0x10] =	vst v15;
	s30 =	smov.u32 s6;
	s6 =	smov.u32 s24;
	s24 =	sadd.s32 $0x80, s24  }
0x8d: {  	v8 =	vadd.f32 v9, v8;
	v9 =	vmul.f32 $2.000000030e-01, v11  }
0x8e: {  	v6 =	vadd.f32 v6, v10  }
0x8f: {  	v10 =	vmul.f32 $2.000000030e-01, v8;
	v9 =	vsel vm1, v11, v9  }
0x90: {  	v11 =	vmul.f32 $2.000000030e-01, v6;
	v9 =	vmul.f32 $1.442695020e+00, v9  }
0x91: {  	(erf) = vpow2.f32 v14;
	vm1 =	vgt.f32 v8, $0.0e+00;
	vm2 =	vgt.f32 v6, $0.0e+00  }
0x92: {  	v8 =	vsel vm1, v8, v10;
	v6 =	vsel vm2, v6, v11  }
0x93: {  	v8 =	vmul.f32 $1.442695020e+00, v8;
	v6 =	vmul.f32 $1.442695020e+00, v6  }
0x94: {  	(erf) = vpow2.f32 v9;
	v9 =	vpop (erf)  }
0x95: {  	[tilespmem:s30+$0x20] =	vst v13;
	(erf) = vpow2.f32 v8;
	v8 =	vnsel vm0, $0x0, v12;
	v10 =	vpop (erf)  }
0x96: {  	[tilespmem:s30+$0x30] =	vst v8;
	v3 =	vmul.f32 v9, v3;
	v8 =	vnsel vm0, $0x0, v9;
	v9 =	vld [tilespmem:s6+$0x20];
	v2 =	vmul.f32 v10, v2  }
0x97: {  	(erf) = vpow2.f32 v6;
	[tilespmem:s30+$0xFFFFFFF0] =	vst v8;
	v6 =	vpop (erf)  }
0x98: {  	[tilespmem:s30+$0xFFFFFFE0] =	vst v3;
	v1 =	vmul.f32 v6, v1  }
0x99: {  	[tilespmem:s30+$0x0] =	vst v2  }
0x9a: {  	v3 =	vnsel vm0, $0x0, v10;
	[tilespmem:s30+$0xFFFFFFC0] =	vst v1;
	v1 =	vnsel vm0, $0x0, v6;
	v2 =	vpop (erf)  }
0x9b: {  	[tilespmem:s30+$0xFFFFFFD0] =	vst v1;
	v1 =	vmul.f32 v2, v9  }
0x9c: {  	[tilespmem:s30+$0x10] =	vst v3;
	v2 =	vnsel vm0, $0x0, v2  }
0x9d: {  	v3 =	vpop (erf);
	[tilespmem:s6+$0x30] =	vst v2  }
0x9e: {  	v2 =	vmul.f32 v3, v5;
	v3 =	vnsel vm0, $0x0, v3;
	[tilespmem:s6+$0x20] =	vst v1  }
0x9f: {  	[tilespmem:s6+$0xFFFFFFF0] =	vst v3;
	v1 =	vpop (erf)  }
0xa0: {  	[tilespmem:s6+$0xFFFFFFE0] =	vst v2;
	v5 =	vpop (erf);
	v2 =	vmul.f32 v1, v7;
	v1 =	vnsel vm0, $0x0, v1  }
0xa1: {  	v3 =	vmul.f32 v5, v4;
	[tilespmem:s6+$0x10] =	vst v1  }
0xa2: {  	[tilespmem:s6+$0x0] =	vst v2  }
0xa3: {  	[tilespmem:s6+$0xFFFFFFC0] =	vst v3;
	v3 =	vnsel vm0, $0x0, v5  }
0xa4: {  	[tilespmem:s6+$0xFFFFFFD0] =	vst v3  }
0xa5: {  	[spmem:s4] =	stream.indirect.scatter.add.f32 [tilespmem:s31], [sflag:$0x9], $0x20, s7, s7, $0xb8;
	[tilespmem:$0xFC00] =	vst v63  }
0xa6: {  	s6 =	rddreg [dreg:$0x14]  }
0xa7: {  	s6 =	sadd.s32 s9, s6  }
0xa8: {  	[tilespmem:s26], [sflag:$0x4] =	stream.linear.gather [hbm4b:s6+s5], $0x100, $0x38;
	[tilespmem:$0xFC00] =	vst v63  }
0xa9: {  	_ =	swait.ge [sflag:s28], $0x1000  }
0xaa: {  	[sflag:s28] =	ssyncset.done $0x0  }
0xab: {  	[sflag:s28] =	ssyncadd.s32 $0xFFFFF000  }
0xac: {  	_ =	swait.ge [sflag:s29], $0x100  }
0xad: {  	[sflag:s29] =	ssyncset.done $0x0  }
0xae: {  	[sflag:s29] =	ssyncadd.s32 $0xFFFFFF00  }
0xaf: {  	[tilespmem:s31], [sflag:$0x5] =	stream.indirect.gather [spmem:s1], $0x20, s15, s7, $0xb8;
	[tilespmem:$0xFC00] =	vst v63  }
0xb0: {  	s24 =	simm.s32 $0x2400  }
0xb1: {  	[tilespmem:s24], [sflag:$0x7] =	stream.indirect.gather [spmem:s2], $0x10, s3, s7, $0xb8;
	[tilespmem:$0xFC00] =	vst v63  }
0xb2: {  	_ =	swait.ge [sflag:s8], $0x1000  }
0xb3: {  	[sflag:s8] =	ssyncset.done $0x0  }
0xb4: {  	[sflag:s8] =	ssyncadd.s32 $0xFFFFF000  }
0xb5: {  	_ =	swait.ge [sflag:s10], $0x800  }
0xb6: {  	[sflag:s10] =	ssyncset.done $0x0  }
0xb7: {  	s6 =	simm.s32 $0x1440;
	[sflag:s10] =	ssyncadd.s32 $0xFFFFF800  }
0xb8: {  	s30 =	simm.s32 $0x2C20;
	v1 =	vld [tilespmem:s6+$0x30]  }
0xb9: {  	v2 =	vld [tilespmem:s30+$0x10];
	_ =	sdelay $0x2  }
0xba: {  	v4 =	vld [tilespmem:s30+$0xFFFFFFE0]  }
0xbb: {  	v5 =	vld [tilespmem:s6+$0xFFFFFFF0]  }
0xbc: {  	v6 =	vld [tilespmem:s30+$0xFFFFFFF0];
	v2 =	vadd.f32 v2, v1  }
0xbd: {  	v7 =	vld [tilespmem:s6+$0x10]  }
0xbe: {  	v8 =	vld [tilespmem:s30+$0x0];
	v10 =	vmul.f32 $2.000000030e-01, v2  }
0xbf: {  	v9 =	vld [tilespmem:s6+$0xFFFFFFD0];
	vm1 =	vgt.f32 v2, $0.0e+00  }
0xc0: {  	s9 =	simm.s32 $0x14C0;
	v3 =	vld [tilespmem:s6+$0xFFFFFFE0];
	v10 =	vsel vm1, v2, v10  }
0xc1: {  	s20 =	simm.s32 $0x2C60;
	v11 =	vld [tilespmem:s9+$0x30];
	v5 =	vadd.f32 v6, v5;
	v10 =	vmul.f32 $1.442695020e+00, v10  }
0xc2: {  	v12 =	vld [tilespmem:s20+$0x10]  }
0xc3: {  	v13 =	vld [tilespmem:s9+$0xFFFFFFF0];
	v7 =	vadd.f32 v8, v7;
	(erf) = vpow2.f32 v10;
	v10 =	vmul.f32 $2.000000030e-01, v5  }
0xc4: {  	v14 =	vld [tilespmem:s20+$0xFFFFFFF0];
	v4 =	vadd.f32 v4, v9;
	vm1 =	vgt.f32 v5, $0.0e+00  }
0xc5: {  	v15 =	vld [tilespmem:s6+$0x20];
	v9 =	vmul.f32 $2.000000030e-01, v7;
	v5 =	vsel vm1, v5, v10  }
0xc6: {  	v1 =	vld [tilespmem:s6+$0xFFFFFFC0];
	vm1 =	vgt.f32 v7, $0.0e+00;
	v10 =	vmul.f32 $2.000000030e-01, v4;
	v5 =	vmul.f32 $1.442695020e+00, v5  }
0xc7: {  	v6 =	vld [tilespmem:s20+$0xFFFFFFE0];
	vm2 =	vgt.f32 v4, $0.0e+00;
	v7 =	vsel vm1, v7, v9  }
0xc8: {  	v8 =	vld [tilespmem:s9+$0x10];
	v4 =	vsel vm2, v4, v10;
	v7 =	vmul.f32 $1.442695020e+00, v7;
	(erf) = vpow2.f32 v5  }
0xc9: {  	v12 =	vadd.f32 v12, v11;
	v2 =	vld [tilespmem:s6+$0x0];
	v5 =	vmul.f32 $1.442695020e+00, v4  }
0xca: {  	v9 =	vld [tilespmem:s20+$0x0];
	(erf) = vpow2.f32 v7  }
0xcb: {  	v16 =	vmul.f32 $2.000000030e-01, v12;
	v10 =	vld [tilespmem:s9+$0xFFFFFFD0];
	(erf) = vpow2.f32 v5  }
0xcc: {  	v11 =	vadd.f32 v14, v13;
	vm1 =	vgt.f32 v12, $0.0e+00;
	v4 =	vld [tilespmem:s9+$0xFFFFFFC0]  }
0xcd: {  	v13 =	vsel vm1, v12, v16;
	v7 =	vld [tilespmem:s9+$0x0];
	v12 =	vpop (erf)  }
0xce: {  	s21 =	simm.s32 $0x4;
	s24 =	simm.s32 $0x1540;
	vm1 =	vgt.f32 v11, $0.0e+00;
	v14 =	vmul.f32 $1.442695020e+00, v13;
	v5 =	vld [tilespmem:s9+$0xFFFFFFE0];
	v13 =	vmul.f32 v12, v15  }
.LBB2_7:
0xcf: {  	v15 =	vld [tilespmem:s24+$0x30];
	v16 =	vmul.f32 $2.000000030e-01, v11;
	v8 =	vadd.f32 v9, v8;
	s20 =	sadd.s32 $0x40, s20;
	v17 =	vnsel vm0, $0x0, v12  }
0xd0: {  	s21 =	sadd.s32 $0x4, s21;
	v12 =	vld [tilespmem:s20+$0x10];
	v10 =	vadd.f32 v6, v10;
	(erf) = vpow2.f32 v14;
	[tilespmem:s6+$0x20] =	vst v13  }
0xd1: {  	p0 =	slt.u32 s21, $0x7C;
	v6 =	vld [tilespmem:s20+$0xFFFFFFE0];
	v11 =	vsel vm1, v11, v16;
	vm1 =	vgt.f32 v8, $0.0e+00;
	v13 =	vmul.f32 $2.000000030e-01, v8;
	[tilespmem:s6+$0x30] =	vst v17;
	v9 =	vpop (erf)  }
0xd2: {  	v14 =	vld [tilespmem:s24+$0xFFFFFFF0];
	vm2 =	vgt.f32 v10, $0.0e+00;
	v16 =	vmul.f32 $2.000000030e-01, v10;
	v19 =	vmul.f32 $1.442695020e+00, v11  }
0xd3: {  	v21 =	vmul.f32 v9, v3;
	v9 =	vnsel vm0, $0x0, v9;
	v17 =	vld [tilespmem:s20+$0xFFFFFFF0];
	v13 =	vsel vm1, v8, v13;
	v18 =	vpop (erf)  }
0xd4: {  	v8 =	vld [tilespmem:s24+$0x10];
	v10 =	vsel vm2, v10, v16;
	v13 =	vmul.f32 $1.442695020e+00, v13;
	(erf) = vpow2.f32 v19;
	[tilespmem:s6+$0xFFFFFFF0] =	vst v9;
	v11 =	vpop (erf)  }
0xd5: {  	v12 =	vadd.f32 v12, v15;
	v15 =	vmul.f32 $1.442695020e+00, v10;
	v16 =	vld [tilespmem:s9+$0x20];
	v19 =	vmul.f32 v11, v1;
	[tilespmem:s6+$0xFFFFFFE0] =	vst v21;
	v1 =	vmovc v4  }
.Ltmp2:
0xd6: {  	v3 =	vmovc v5;
	v20 =	vmul.f32 v18, v2;
	v2 =	vmovc v7;
	v9 =	vld [tilespmem:s20+$0x0];
	(erf) = vpow2.f32 v13;
	v13 =	vnsel vm0, $0x0, v11;
	(pc) =	sbr.rel @p0 .LBB2_7-.Ltmp2, $4  }
0xd7: {  	v10 =	vld [tilespmem:s24+$0xFFFFFFD0];
	v7 =	vmul.f32 $2.000000030e-01, v12;
	(erf) = vpow2.f32 v15;
	[tilespmem:s6+$0xFFFFFFC0] =	vst v19;
	v15 =	vnsel vm0, $0x0, v18  }
0xd8: {  	vm1 =	vgt.f32 v12, $0.0e+00;
	v4 =	vld [tilespmem:s24+$0xFFFFFFC0];
	v11 =	vadd.f32 v17, v14;
	[tilespmem:s6+$0x0] =	vst v20  }
0xd9: {  	v5 =	vld [tilespmem:s24+$0xFFFFFFE0];
	v14 =	vsel vm1, v12, v7;
	v12 =	vpop (erf);
	[tilespmem:s6+$0xFFFFFFD0] =	vst v13  }
0xda: {  	vm1 =	vgt.f32 v11, $0.0e+00;
	v7 =	vld [tilespmem:s24+$0x0];
	v14 =	vmul.f32 $1.442695020e+00, v14;
	v13 =	vmul.f32 v12, v16;
	[tilespmem:s6+$0x10] =	vst v15;
	s6 =	smov.u32 s9;
	s9 =	smov.u32 s24;
	s24 =	sadd.s32 $0x80, s24  }
0xdb: {  	v8 =	vadd.f32 v9, v8;
	v9 =	vmul.f32 $2.000000030e-01, v11  }
0xdc: {  	v6 =	vadd.f32 v6, v10  }
0xdd: {  	v10 =	vmul.f32 $2.000000030e-01, v8;
	v9 =	vsel vm1, v11, v9  }
0xde: {  	v11 =	vmul.f32 $2.000000030e-01, v6;
	v9 =	vmul.f32 $1.442695020e+00, v9  }
0xdf: {  	(erf) = vpow2.f32 v14;
	vm1 =	vgt.f32 v8, $0.0e+00;
	vm2 =	vgt.f32 v6, $0.0e+00  }
0xe0: {  	v8 =	vsel vm1, v8, v10;
	v6 =	vsel vm2, v6, v11  }
0xe1: {  	v8 =	vmul.f32 $1.442695020e+00, v8;
	v6 =	vmul.f32 $1.442695020e+00, v6  }
0xe2: {  	(erf) = vpow2.f32 v9;
	v9 =	vpop (erf)  }
0xe3: {  	[tilespmem:s6+$0x20] =	vst v13;
	(erf) = vpow2.f32 v8;
	v8 =	vnsel vm0, $0x0, v12;
	v10 =	vpop (erf)  }
0xe4: {  	[tilespmem:s6+$0x30] =	vst v8;
	v3 =	vmul.f32 v9, v3;
	v8 =	vnsel vm0, $0x0, v9;
	v9 =	vld [tilespmem:s9+$0x20];
	v2 =	vmul.f32 v10, v2  }
0xe5: {  	(erf) = vpow2.f32 v6;
	[tilespmem:s6+$0xFFFFFFF0] =	vst v8;
	v6 =	vpop (erf)  }
0xe6: {  	[tilespmem:s6+$0xFFFFFFE0] =	vst v3;
	v1 =	vmul.f32 v6, v1  }
0xe7: {  	[tilespmem:s6+$0x0] =	vst v2  }
0xe8: {  	v3 =	vnsel vm0, $0x0, v10;
	[tilespmem:s6+$0xFFFFFFC0] =	vst v1;
	v1 =	vnsel vm0, $0x0, v6;
	v2 =	vpop (erf)  }
0xe9: {  	[tilespmem:s6+$0xFFFFFFD0] =	vst v1;
	v1 =	vmul.f32 v2, v9  }
0xea: {  	[tilespmem:s6+$0x10] =	vst v3;
	v2 =	vnsel vm0, $0x0, v2  }
0xeb: {  	v3 =	vpop (erf);
	[tilespmem:s9+$0x30] =	vst v2  }
0xec: {  	v2 =	vmul.f32 v3, v5;
	v3 =	vnsel vm0, $0x0, v3;
	[tilespmem:s9+$0x20] =	vst v1  }
0xed: {  	[tilespmem:s9+$0xFFFFFFF0] =	vst v3;
	v1 =	vpop (erf)  }
0xee: {  	[tilespmem:s9+$0xFFFFFFE0] =	vst v2;
	v5 =	vpop (erf);
	v2 =	vmul.f32 v1, v7;
	v1 =	vnsel vm0, $0x0, v1  }
0xef: {  	v3 =	vmul.f32 v5, v4;
	[tilespmem:s9+$0x10] =	vst v1  }
0xf0: {  	[tilespmem:s9+$0x0] =	vst v2  }
0xf1: {  	[tilespmem:s9+$0xFFFFFFC0] =	vst v3;
	v3 =	vnsel vm0, $0x0, v5  }
0xf2: {  	[tilespmem:s9+$0xFFFFFFD0] =	vst v3  }
0xf3: {  	[spmem:s4] =	stream.indirect.scatter.add.f32 [tilespmem:s17], [sflag:$0xA], $0x20, s18, s7, $0xb8;
	[tilespmem:$0xFC00] =	vst v63  }
0xf4: {  	p0 =	seq.s32 s14, $0x14;
	s6 =	rddreg [dreg:$0x17]  }
0xf5: {  	s9 =	simm.s32 @!p0 $0x0;
	s6 =	sadd.s32 @!p0 s0, s6  }
0xf6: {  	[tilespmem:s9], [sflag:$0x1] =	stream.linear.gather @!p0 [hbm4b:s6+s9], $0x100, $0x38;
	[tilespmem:$0xFC00] =	vst v63  }
0xf7: {  	_ =	swait.ge [sflag:s11], $0x1000  }
0xf8: {  	[sflag:s11] =	ssyncset.done $0x0  }
0xf9: {  	[sflag:s11] =	ssyncadd.s32 $0xFFFFF000  }
0xfa: {  	_ =	swait.ge [sflag:s12], $0x100  }
0xfb: {  	[sflag:s12] =	ssyncset.done $0x0  }
0xfc: {  	[sflag:s12] =	ssyncadd.s32 $0xFFFFFF00  }
0xfd: {  	[tilespmem:s17], [sflag:$0x6] =	stream.indirect.gather [spmem:s1], $0x20, s26, s7, $0xb8;
	[tilespmem:$0xFC00] =	vst v63  }
0xfe: {  	_ = 	snop  }
0xff: {  	[tilespmem:s19], [sflag:$0x8] =	stream.indirect.gather [spmem:s2], $0x10, s13, s7, $0xb8;
	[tilespmem:$0xFC00] =	vst v63  }
0x100: {  	_ =	swait.ge [sflag:s22], $0x1000  }
0x101: {  	[sflag:s22] =	ssyncset.done $0x0  }
0x102: {  	[sflag:s22] =	ssyncadd.s32 $0xFFFFF000  }
0x103: {  	_ =	swait.ge [sflag:s23], $0x800  }
0x104: {  	[sflag:s23] =	ssyncset.done $0x0  }
0x105: {  	s6 =	simm.s32 $0x440;
	[sflag:s23] =	ssyncadd.s32 $0xFFFFF800  }
0x106: {  	s30 =	simm.s32 $0x2420;
	v1 =	vld [tilespmem:s6+$0x30]  }
0x107: {  	v2 =	vld [tilespmem:s30+$0x10];
	_ =	sdelay $0x2  }
0x108: {  	v4 =	vld [tilespmem:s30+$0xFFFFFFE0]  }
0x109: {  	v5 =	vld [tilespmem:s6+$0xFFFFFFF0]  }
0x10a: {  	v6 =	vld [tilespmem:s30+$0xFFFFFFF0];
	v2 =	vadd.f32 v2, v1  }
0x10b: {  	v7 =	vld [tilespmem:s6+$0x10]  }
0x10c: {  	v8 =	vld [tilespmem:s30+$0x0];
	v10 =	vmul.f32 $2.000000030e-01, v2  }
0x10d: {  	v9 =	vld [tilespmem:s6+$0xFFFFFFD0];
	vm1 =	vgt.f32 v2, $0.0e+00  }
0x10e: {  	s9 =	simm.s32 $0x4C0;
	v3 =	vld [tilespmem:s6+$0xFFFFFFE0];
	v10 =	vsel vm1, v2, v10  }
0x10f: {  	s20 =	simm.s32 $0x2460;
	v11 =	vld [tilespmem:s9+$0x30];
	v5 =	vadd.f32 v6, v5;
	v10 =	vmul.f32 $1.442695020e+00, v10  }
0x110: {  	v12 =	vld [tilespmem:s20+$0x10]  }
0x111: {  	v13 =	vld [tilespmem:s9+$0xFFFFFFF0];
	v7 =	vadd.f32 v8, v7;
	(erf) = vpow2.f32 v10;
	v10 =	vmul.f32 $2.000000030e-01, v5  }
0x112: {  	v14 =	vld [tilespmem:s20+$0xFFFFFFF0];
	v4 =	vadd.f32 v4, v9;
	vm1 =	vgt.f32 v5, $0.0e+00  }
0x113: {  	v15 =	vld [tilespmem:s6+$0x20];
	v9 =	vmul.f32 $2.000000030e-01, v7;
	v5 =	vsel vm1, v5, v10  }
0x114: {  	v1 =	vld [tilespmem:s6+$0xFFFFFFC0];
	vm1 =	vgt.f32 v7, $0.0e+00;
	v10 =	vmul.f32 $2.000000030e-01, v4;
	v5 =	vmul.f32 $1.442695020e+00, v5  }
0x115: {  	v6 =	vld [tilespmem:s20+$0xFFFFFFE0];
	vm2 =	vgt.f32 v4, $0.0e+00;
	v7 =	vsel vm1, v7, v9  }
0x116: {  	v8 =	vld [tilespmem:s9+$0x10];
	v4 =	vsel vm2, v4, v10;
	v7 =	vmul.f32 $1.442695020e+00, v7;
	(erf) = vpow2.f32 v5  }
0x117: {  	v12 =	vadd.f32 v12, v11;
	v2 =	vld [tilespmem:s6+$0x0];
	v5 =	vmul.f32 $1.442695020e+00, v4  }
0x118: {  	v9 =	vld [tilespmem:s20+$0x0];
	(erf) = vpow2.f32 v7  }
0x119: {  	v16 =	vmul.f32 $2.000000030e-01, v12;
	v10 =	vld [tilespmem:s9+$0xFFFFFFD0];
	(erf) = vpow2.f32 v5  }
0x11a: {  	v11 =	vadd.f32 v14, v13;
	vm1 =	vgt.f32 v12, $0.0e+00;
	v4 =	vld [tilespmem:s9+$0xFFFFFFC0]  }
0x11b: {  	v13 =	vsel vm1, v12, v16;
	v7 =	vld [tilespmem:s9+$0x0];
	v12 =	vpop (erf)  }
0x11c: {  	s21 =	simm.s32 $0x4;
	s24 =	simm.s32 $0x540;
	vm1 =	vgt.f32 v11, $0.0e+00;
	v14 =	vmul.f32 $1.442695020e+00, v13;
	v5 =	vld [tilespmem:s9+$0xFFFFFFE0];
	v13 =	vmul.f32 v12, v15  }
.LBB2_9:
0x11d: {  	v15 =	vld [tilespmem:s24+$0x30];
	v16 =	vmul.f32 $2.000000030e-01, v11;
	v8 =	vadd.f32 v9, v8;
	s20 =	sadd.s32 $0x40, s20;
	v17 =	vnsel vm0, $0x0, v12  }
0x11e: {  	s21 =	sadd.s32 $0x4, s21;
	v12 =	vld [tilespmem:s20+$0x10];
	v10 =	vadd.f32 v6, v10;
	(erf) = vpow2.f32 v14;
	[tilespmem:s6+$0x20] =	vst v13  }
0x11f: {  	p1 =	slt.u32 s21, $0x7C;
	v6 =	vld [tilespmem:s20+$0xFFFFFFE0];
	v11 =	vsel vm1, v11, v16;
	vm1 =	vgt.f32 v8, $0.0e+00;
	v13 =	vmul.f32 $2.000000030e-01, v8;
	[tilespmem:s6+$0x30] =	vst v17;
	v9 =	vpop (erf)  }
0x120: {  	v14 =	vld [tilespmem:s24+$0xFFFFFFF0];
	vm2 =	vgt.f32 v10, $0.0e+00;
	v16 =	vmul.f32 $2.000000030e-01, v10;
	v19 =	vmul.f32 $1.442695020e+00, v11  }
0x121: {  	v21 =	vmul.f32 v9, v3;
	v9 =	vnsel vm0, $0x0, v9;
	v17 =	vld [tilespmem:s20+$0xFFFFFFF0];
	v13 =	vsel vm1, v8, v13;
	v18 =	vpop (erf)  }
0x122: {  	v8 =	vld [tilespmem:s24+$0x10];
	v10 =	vsel vm2, v10, v16;
	v13 =	vmul.f32 $1.442695020e+00, v13;
	(erf) = vpow2.f32 v19;
	[tilespmem:s6+$0xFFFFFFF0] =	vst v9;
	v11 =	vpop (erf)  }
0x123: {  	v12 =	vadd.f32 v12, v15;
	v15 =	vmul.f32 $1.442695020e+00, v10;
	v16 =	vld [tilespmem:s9+$0x20];
	v19 =	vmul.f32 v11, v1;
	[tilespmem:s6+$0xFFFFFFE0] =	vst v21;
	v1 =	vmovc v4  }
.Ltmp3:
0x124: {  	v3 =	vmovc v5;
	v20 =	vmul.f32 v18, v2;
	v2 =	vmovc v7;
	v9 =	vld [tilespmem:s20+$0x0];
	(erf) = vpow2.f32 v13;
	v13 =	vnsel vm0, $0x0, v11;
	(pc) =	sbr.rel @p1 .LBB2_9-.Ltmp3, $4  }
0x125: {  	v10 =	vld [tilespmem:s24+$0xFFFFFFD0];
	v7 =	vmul.f32 $2.000000030e-01, v12;
	(erf) = vpow2.f32 v15;
	[tilespmem:s6+$0xFFFFFFC0] =	vst v19;
	v15 =	vnsel vm0, $0x0, v18  }
0x126: {  	vm1 =	vgt.f32 v12, $0.0e+00;
	v4 =	vld [tilespmem:s24+$0xFFFFFFC0];
	v11 =	vadd.f32 v17, v14;
	[tilespmem:s6+$0x0] =	vst v20  }
0x127: {  	v5 =	vld [tilespmem:s24+$0xFFFFFFE0];
	v14 =	vsel vm1, v12, v7;
	v12 =	vpop (erf);
	[tilespmem:s6+$0xFFFFFFD0] =	vst v13  }
0x128: {  	vm1 =	vgt.f32 v11, $0.0e+00;
	v7 =	vld [tilespmem:s24+$0x0];
	v14 =	vmul.f32 $1.442695020e+00, v14;
	v13 =	vmul.f32 v12, v16;
	[tilespmem:s6+$0x10] =	vst v15;
	s6 =	smov.u32 s9;
	s9 =	smov.u32 s24;
	s24 =	sadd.s32 $0x80, s24  }
0x129: {  	v8 =	vadd.f32 v9, v8;
	v9 =	vmul.f32 $2.000000030e-01, v11  }
0x12a: {  	v6 =	vadd.f32 v6, v10  }
0x12b: {  	v10 =	vmul.f32 $2.000000030e-01, v8;
	v9 =	vsel vm1, v11, v9  }
0x12c: {  	v11 =	vmul.f32 $2.000000030e-01, v6;
	v9 =	vmul.f32 $1.442695020e+00, v9  }
0x12d: {  	(erf) = vpow2.f32 v14;
	vm1 =	vgt.f32 v8, $0.0e+00;
	vm2 =	vgt.f32 v6, $0.0e+00  }
0x12e: {  	v8 =	vsel vm1, v8, v10;
	v6 =	vsel vm2, v6, v11  }
0x12f: {  	v8 =	vmul.f32 $1.442695020e+00, v8;
	v6 =	vmul.f32 $1.442695020e+00, v6  }
0x130: {  	(erf) = vpow2.f32 v9;
	v9 =	vpop (erf)  }
0x131: {  	[tilespmem:s6+$0x20] =	vst v13;
	(erf) = vpow2.f32 v8;
	v8 =	vnsel vm0, $0x0, v12;
	v10 =	vpop (erf)  }
0x132: {  	[tilespmem:s6+$0x30] =	vst v8;
	v3 =	vmul.f32 v9, v3;
	v8 =	vnsel vm0, $0x0, v9;
	v9 =	vld [tilespmem:s9+$0x20];
	v2 =	vmul.f32 v10, v2  }
0x133: {  	(erf) = vpow2.f32 v6;
	[tilespmem:s6+$0xFFFFFFF0] =	vst v8;
	v6 =	vpop (erf)  }
0x134: {  	[tilespmem:s6+$0xFFFFFFE0] =	vst v3;
	v1 =	vmul.f32 v6, v1  }
0x135: {  	[tilespmem:s6+$0x0] =	vst v2  }
0x136: {  	v3 =	vnsel vm0, $0x0, v10;
	[tilespmem:s6+$0xFFFFFFC0] =	vst v1;
	v1 =	vnsel vm0, $0x0, v6;
	v2 =	vpop (erf)  }
0x137: {  	[tilespmem:s6+$0xFFFFFFD0] =	vst v1;
	v1 =	vmul.f32 v2, v9  }
0x138: {  	[tilespmem:s6+$0x10] =	vst v3;
	v2 =	vnsel vm0, $0x0, v2  }
0x139: {  	v3 =	vpop (erf);
	[tilespmem:s9+$0x30] =	vst v2  }
0x13a: {  	v2 =	vmul.f32 v3, v5;
	v3 =	vnsel vm0, $0x0, v3;
	[tilespmem:s9+$0x20] =	vst v1  }
0x13b: {  	[tilespmem:s9+$0xFFFFFFF0] =	vst v3;
	v1 =	vpop (erf)  }
0x13c: {  	[tilespmem:s9+$0xFFFFFFE0] =	vst v2;
	v5 =	vpop (erf);
	v2 =	vmul.f32 v1, v7;
	v1 =	vnsel vm0, $0x0, v1  }
0x13d: {  	v3 =	vmul.f32 v5, v4;
	[tilespmem:s9+$0x10] =	vst v1  }
0x13e: {  	[tilespmem:s9+$0x0] =	vst v2  }
0x13f: {  	[tilespmem:s9+$0xFFFFFFC0] =	vst v3;
	v3 =	vnsel vm0, $0x0, v5  }
0x140: {  	[tilespmem:s9+$0xFFFFFFD0] =	vst v3  }
0x141: {  	[spmem:s4] =	stream.indirect.scatter.add.f32 [tilespmem:s31], [sflag:$0x9], $0x20, s3, s7, $0xb8;
	[tilespmem:$0xFC00] =	vst v63  }
0x142: {  	s0 =	sadd.s32 @!p0 s0, s25;
	s6 =	simm.s32 @!p0 $0x0;
	s9 =	simm.s32 @!p0 $0x100  }
0x143: {  	[tilespmem:s9], [sflag:$0x2] =	stream.linear.gather @!p0 [hbm4b:s0+s6], $0x100, $0x38;
	[tilespmem:$0xFC00] =	vst v63  }
0x144: {  	s0 =	simm.s32 @!p0 $0x9  }
0x145: {  	_ =	swait.ge @!p0 [sflag:s0], $0x1000  }
0x146: {  	[sflag:s0] =	ssyncset.done @!p0 $0x0  }
0x147: {  	[sflag:s0] =	ssyncadd.s32 @!p0 $0xFFFFF000;
	s0 =	simm.s32 @!p0 $0x1  }
0x148: {  	_ =	swait.ge @!p0 [sflag:s0], $0x100  }
0x149: {  	[sflag:s0] =	ssyncset.done @!p0 $0x0  }
0x14a: {  	s9 =	simm.s32 @!p0 $0x400;
	[sflag:s0] =	ssyncadd.s32 @!p0 $0xFFFFFF00;
	s0 =	simm.s32 @!p0 $0x80  }
0x14b: {  	[tilespmem:s9], [sflag:$0x5] =	stream.indirect.gather @!p0 [spmem:s1], $0x20, s6, s0, $0xb8;
	[tilespmem:$0xFC00] =	vst v63  }
0x14c: {  	s6 =	simm.s32 @!p0 $0x2400  }
0x14d: {  	[tilespmem:s6], [sflag:$0x7] =	stream.indirect.gather @!p0 [spmem:s2], $0x10, s0, s0, $0xb8;
	[tilespmem:$0xFC00] =	vst v63  }
0x14e: {  	_ =	swait.ge [sflag:s8], $0x1000  }
0x14f: {  	[sflag:s8] =	ssyncset.done $0x0  }
0x150: {  	[sflag:s8] =	ssyncadd.s32 $0xFFFFF000  }
0x151: {  	_ =	swait.ge [sflag:s10], $0x800  }
0x152: {  	[sflag:s10] =	ssyncset.done $0x0  }
0x153: {  	s0 =	simm.s32 $0x1440;
	[sflag:s10] =	ssyncadd.s32 $0xFFFFF800  }
0x154: {  	s30 =	simm.s32 $0x2C20;
	v1 =	vld [tilespmem:s0+$0x30]  }
0x155: {  	v2 =	vld [tilespmem:s30+$0x10];
	_ =	sdelay $0x2  }
0x156: {  	v4 =	vld [tilespmem:s30+$0xFFFFFFE0]  }
0x157: {  	v5 =	vld [tilespmem:s0+$0xFFFFFFF0]  }
0x158: {  	v6 =	vld [tilespmem:s30+$0xFFFFFFF0];
	v2 =	vadd.f32 v2, v1  }
0x159: {  	v7 =	vld [tilespmem:s0+$0x10]  }
0x15a: {  	v8 =	vld [tilespmem:s30+$0x0];
	v10 =	vmul.f32 $2.000000030e-01, v2  }
0x15b: {  	v9 =	vld [tilespmem:s0+$0xFFFFFFD0];
	vm1 =	vgt.f32 v2, $0.0e+00  }
0x15c: {  	s6 =	simm.s32 $0x14C0;
	v3 =	vld [tilespmem:s0+$0xFFFFFFE0];
	v10 =	vsel vm1, v2, v10  }
0x15d: {  	s9 =	simm.s32 $0x2C60;
	v11 =	vld [tilespmem:s6+$0x30];
	v5 =	vadd.f32 v6, v5;
	v10 =	vmul.f32 $1.442695020e+00, v10  }
0x15e: {  	v12 =	vld [tilespmem:s9+$0x10]  }
0x15f: {  	v13 =	vld [tilespmem:s6+$0xFFFFFFF0];
	v7 =	vadd.f32 v8, v7;
	(erf) = vpow2.f32 v10;
	v10 =	vmul.f32 $2.000000030e-01, v5  }
0x160: {  	v14 =	vld [tilespmem:s9+$0xFFFFFFF0];
	v4 =	vadd.f32 v4, v9;
	vm1 =	vgt.f32 v5, $0.0e+00  }
0x161: {  	v15 =	vld [tilespmem:s0+$0x20];
	v9 =	vmul.f32 $2.000000030e-01, v7;
	v5 =	vsel vm1, v5, v10  }
0x162: {  	v1 =	vld [tilespmem:s0+$0xFFFFFFC0];
	vm1 =	vgt.f32 v7, $0.0e+00;
	v10 =	vmul.f32 $2.000000030e-01, v4;
	v5 =	vmul.f32 $1.442695020e+00, v5  }
0x163: {  	v6 =	vld [tilespmem:s9+$0xFFFFFFE0];
	vm2 =	vgt.f32 v4, $0.0e+00;
	v7 =	vsel vm1, v7, v9  }
0x164: {  	v8 =	vld [tilespmem:s6+$0x10];
	v4 =	vsel vm2, v4, v10;
	v7 =	vmul.f32 $1.442695020e+00, v7;
	(erf) = vpow2.f32 v5  }
0x165: {  	v12 =	vadd.f32 v12, v11;
	v2 =	vld [tilespmem:s0+$0x0];
	v5 =	vmul.f32 $1.442695020e+00, v4  }
0x166: {  	v9 =	vld [tilespmem:s9+$0x0];
	(erf) = vpow2.f32 v7  }
0x167: {  	v16 =	vmul.f32 $2.000000030e-01, v12;
	v10 =	vld [tilespmem:s6+$0xFFFFFFD0];
	(erf) = vpow2.f32 v5  }
0x168: {  	v11 =	vadd.f32 v14, v13;
	vm1 =	vgt.f32 v12, $0.0e+00;
	v4 =	vld [tilespmem:s6+$0xFFFFFFC0]  }
0x169: {  	v13 =	vsel vm1, v12, v16;
	v7 =	vld [tilespmem:s6+$0x0];
	v12 =	vpop (erf)  }
0x16a: {  	s20 =	simm.s32 $0x4;
	s21 =	simm.s32 $0x1540;
	vm1 =	vgt.f32 v11, $0.0e+00;
	v14 =	vmul.f32 $1.442695020e+00, v13;
	v5 =	vld [tilespmem:s6+$0xFFFFFFE0];
	v13 =	vmul.f32 v12, v15  }
.LBB2_11:
0x16b: {  	v15 =	vld [tilespmem:s21+$0x30];
	v16 =	vmul.f32 $2.000000030e-01, v11;
	v8 =	vadd.f32 v9, v8;
	s9 =	sadd.s32 $0x40, s9;
	v17 =	vnsel vm0, $0x0, v12  }
0x16c: {  	s20 =	sadd.s32 $0x4, s20;
	v12 =	vld [tilespmem:s9+$0x10];
	v10 =	vadd.f32 v6, v10;
	(erf) = vpow2.f32 v14;
	[tilespmem:s0+$0x20] =	vst v13  }
0x16d: {  	p0 =	slt.u32 s20, $0x7C;
	v6 =	vld [tilespmem:s9+$0xFFFFFFE0];
	v11 =	vsel vm1, v11, v16;
	vm1 =	vgt.f32 v8, $0.0e+00;
	v13 =	vmul.f32 $2.000000030e-01, v8;
	[tilespmem:s0+$0x30] =	vst v17;
	v9 =	vpop (erf)  }
0x16e: {  	v14 =	vld [tilespmem:s21+$0xFFFFFFF0];
	vm2 =	vgt.f32 v10, $0.0e+00;
	v16 =	vmul.f32 $2.000000030e-01, v10;
	v19 =	vmul.f32 $1.442695020e+00, v11  }
0x16f: {  	v21 =	vmul.f32 v9, v3;
	v9 =	vnsel vm0, $0x0, v9;
	v17 =	vld [tilespmem:s9+$0xFFFFFFF0];
	v13 =	vsel vm1, v8, v13;
	v18 =	vpop (erf)  }
0x170: {  	v8 =	vld [tilespmem:s21+$0x10];
	v10 =	vsel vm2, v10, v16;
	v13 =	vmul.f32 $1.442695020e+00, v13;
	(erf) = vpow2.f32 v19;
	[tilespmem:s0+$0xFFFFFFF0] =	vst v9;
	v11 =	vpop (erf)  }
0x171: {  	v12 =	vadd.f32 v12, v15;
	v15 =	vmul.f32 $1.442695020e+00, v10;
	v16 =	vld [tilespmem:s6+$0x20];
	v19 =	vmul.f32 v11, v1;
	[tilespmem:s0+$0xFFFFFFE0] =	vst v21;
	v1 =	vmovc v4  }
.Ltmp4:
0x172: {  	v3 =	vmovc v5;
	v20 =	vmul.f32 v18, v2;
	v2 =	vmovc v7;
	v9 =	vld [tilespmem:s9+$0x0];
	(erf) = vpow2.f32 v13;
	v13 =	vnsel vm0, $0x0, v11;
	(pc) =	sbr.rel @p0 .LBB2_11-.Ltmp4, $4  }
0x173: {  	v10 =	vld [tilespmem:s21+$0xFFFFFFD0];
	v7 =	vmul.f32 $2.000000030e-01, v12;
	(erf) = vpow2.f32 v15;
	[tilespmem:s0+$0xFFFFFFC0] =	vst v19;
	v15 =	vnsel vm0, $0x0, v18  }
0x174: {  	vm1 =	vgt.f32 v12, $0.0e+00;
	v4 =	vld [tilespmem:s21+$0xFFFFFFC0];
	v11 =	vadd.f32 v17, v14;
	[tilespmem:s0+$0x0] =	vst v20  }
0x175: {  	v5 =	vld [tilespmem:s21+$0xFFFFFFE0];
	v14 =	vsel vm1, v12, v7;
	v12 =	vpop (erf);
	[tilespmem:s0+$0xFFFFFFD0] =	vst v13  }
0x176: {  	vm1 =	vgt.f32 v11, $0.0e+00;
	v7 =	vld [tilespmem:s21+$0x0];
	v14 =	vmul.f32 $1.442695020e+00, v14;
	v13 =	vmul.f32 v12, v16;
	[tilespmem:s0+$0x10] =	vst v15;
	s0 =	smov.u32 s6;
	s6 =	smov.u32 s21;
	s21 =	sadd.s32 $0x80, s21  }
0x177: {  	v8 =	vadd.f32 v9, v8;
	v54 =	vmul.f32 $2.000000030e-01, v11  }
0x178: {  	v6 =	vadd.f32 v6, v10  }
0x179: {  	(erf) = vpow2.f32 v14;
	v55 =	vmul.f32 $2.000000030e-01, v8;
	v9 =	vsel vm1, v11, v54  }
0x17a: {  	vm1 =	vgt.f32 v8, $0.0e+00;
	v56 =	vmul.f32 $2.000000030e-01, v6;
	v9 =	vmul.f32 $1.442695020e+00, v9  }
0x17b: {  	vm2 =	vgt.f32 v6, $0.0e+00;
	v8 =	vsel vm1, v8, v55  }
0x17c: {  	v57 =	vpop (erf);
	v6 =	vsel vm2, v6, v56;
	v8 =	vmul.f32 $1.442695020e+00, v8;
	(erf) = vpow2.f32 v9  }
0x17d: {  	v58 =	vnsel vm0, $0x0, v12;
	[tilespmem:s0+$0x20] =	vst v13;
	v3 =	vmul.f32 v57, v3;
	v59 =	vpop (erf);
	v6 =	vmul.f32 $1.442695020e+00, v6  }
0x17e: {  	v62 =	vld [tilespmem:s6+$0x20];
	[tilespmem:s0+$0x30] =	vst v58;
	v61 =	vnsel vm0, $0x0, v57;
	v2 =	vmul.f32 v59, v2;
	(erf) = vpow2.f32 v8  }
0x17f: {  	[tilespmem:s0+$0xFFFFFFF0] =	vst v61;
	v60 =	vpop (erf);
	(erf) = vpow2.f32 v6  }
0x180: {  	[tilespmem:s0+$0xFFFFFFE0] =	vst v3;
	v1 =	vmul.f32 v60, v1  }
0x181: {  	[tilespmem:s0+$0x0] =	vst v2  }
0x182: {  	v3 =	vnsel vm0, $0x0, v59;
	[tilespmem:s0+$0xFFFFFFC0] =	vst v1;
	v1 =	vnsel vm0, $0x0, v60;
	v2 =	vpop (erf)  }
0x183: {  	[tilespmem:s0+$0xFFFFFFD0] =	vst v1;
	v1 =	vmul.f32 v2, v62  }
0x184: {  	[tilespmem:s0+$0x10] =	vst v3;
	v2 =	vnsel vm0, $0x0, v2  }
0x185: {  	[tilespmem:s6+$0x30] =	vst v2;
	v3 =	vpop (erf)  }
0x186: {  	[tilespmem:s6+$0x20] =	vst v1;
	v2 =	vmul.f32 v3, v5;
	v3 =	vnsel vm0, $0x0, v3  }
0x187: {  	s14 =	sadd.s32 $0x1, s14;
	v1 =	vpop (erf);
	[tilespmem:s6+$0xFFFFFFF0] =	vst v3  }
0x188: {  	p0 =	sne.s32 s14, $0x15;
	v63 =	vpop (erf);
	[tilespmem:s6+$0xFFFFFFE0] =	vst v2;
	v2 =	vmul.f32 v1, v7;
	v1 =	vnsel vm0, $0x0, v1  }
.Ltmp5:
0x189: {  	v3 =	vmul.f32 v63, v4;
	[tilespmem:s6+$0x10] =	vst v1;
	(pc) =	sbr.rel @p0 .LBB2_4-.Ltmp5, $4  }
0x18a: {  	[tilespmem:s6+$0x0] =	vst v2  }
0x18b: {  	[tilespmem:s6+$0xFFFFFFC0] =	vst v3;
	v3 =	vnsel vm0, $0x0, v63  }
0x18c: {  	[tilespmem:s6+$0xFFFFFFD0] =	vst v3  }
0x18d: {  	[spmem:s4] =	stream.indirect.scatter.add.f32 [tilespmem:s17], [sflag:$0xA], $0x20, s13, s7, $0xb8;
	[tilespmem:$0xFC00] =	vst v63  }
0x18e: {  	_ =	swait.ge [sflag:s28], $0x1000  }
0x18f: {  	[sflag:s28] =	ssyncset.done $0x0  }
0x190: {  	[sflag:s28] =	ssyncadd.s32 $0xFFFFF000  }
0x191: {  	_ =	swait.ge [sflag:s11], $0x1000  }
0x192: {  	[sflag:s11] =	ssyncset.done $0x0  }
0x193: {  	[sflag:s11] =	ssyncadd.s32 $0xFFFFF000  }
0x194: {  	[bflag:$0x0] =	sbarrier.arrive $0xFFFF  }
0x195: {  	s14 =	simm.s32 $0xB;
	s20 =	rddreg [dreg:$0x9]  }
0x196: {  	[tilespmem:s31], [sflag:$0xB] =	stream.linear.gather [spmem:s20], $0x1000, $0x38;
	[tilespmem:$0xFC00] =	vst v63  }
0x197: {  	_ =	swait.ge [sflag:s14], $0x1000  }
0x198: {  	[sflag:s14] =	ssyncset.done $0x0  }
0x199: {  	s0 =	rddreg [dreg:$0xe];
	[sflag:s14] =	ssyncadd.s32 $0xFFFFF000  }
0x19a: {  	[hbm4b:s0+s5] =	stream.linear.scatter [tilespmem:s31], [sflag:$0xB], $0x1000, $0x38;
	[tilespmem:$0xFC00] =	vst v63  }
0x19b: {  	_ =	swait.ge [sflag:s14], $0x1000  }
0x19c: {  	[sflag:s14] =	ssyncset.done $0x0  }
0x19d: {  	s21 =	rddreg [dreg:$0xa];
	[sflag:s14] =	ssyncadd.s32 $0xFFFFF000  }
0x19e: {  	[tilespmem:s31], [sflag:$0xB] =	stream.linear.gather [spmem:s21], $0x1000, $0x38;
	[tilespmem:$0xFC00] =	vst v63  }
0x19f: {  	_ =	swait.ge [sflag:s14], $0x1000  }
0x1a0: {  	[sflag:s14] =	ssyncset.done $0x0  }
0x1a1: {  	s30 =	rddreg [dreg:$0xf];
	[sflag:s14] =	ssyncadd.s32 $0xFFFFF000  }
0x1a2: {  	[hbm4b:s30+s5] =	stream.linear.scatter [tilespmem:s31], [sflag:$0xB], $0x1000, $0x38;
	[tilespmem:$0xFC00] =	vst v63  }
0x1a3: {  	_ =	swait.ge [sflag:s14], $0x1000  }
0x1a4: {  	[sflag:s14] =	ssyncset.done $0x0  }
0x1a5: {  	s24 =	rddreg [dreg:$0xb];
	[sflag:s14] =	ssyncadd.s32 $0xFFFFF000  }
0x1a6: {  	[tilespmem:s31], [sflag:$0xB] =	stream.linear.gather [spmem:s24], $0x1000, $0x38;
	[tilespmem:$0xFC00] =	vst v63  }
0x1a7: {  	_ =	swait.ge [sflag:s14], $0x1000  }
0x1a8: {  	[sflag:s14] =	ssyncset.done $0x0  }
0x1a9: {  	s6 =	rddreg [dreg:$0x10];
	[sflag:s14] =	ssyncadd.s32 $0xFFFFF000  }
0x1aa: {  	[hbm4b:s6+s5] =	stream.linear.scatter [tilespmem:s31], [sflag:$0xB], $0x1000, $0x38;
	[tilespmem:$0xFC00] =	vst v63  }
0x1ab: {  	_ =	swait.ge [sflag:s14], $0x1000  }
0x1ac: {  	[sflag:s14] =	ssyncset.done $0x0  }
0x1ad: {  	s9 =	rddreg [dreg:$0xc];
	[sflag:s14] =	ssyncadd.s32 $0xFFFFF000  }
0x1ae: {  	[tilespmem:s31], [sflag:$0xB] =	stream.linear.gather [spmem:s9], $0x1000, $0x38;
	[tilespmem:$0xFC00] =	vst v63  }
0x1af: {  	_ =	swait.ge [sflag:s14], $0x1000  }
0x1b0: {  	[sflag:s14] =	ssyncset.done $0x0  }
0x1b1: {  	s30 =	rddreg [dreg:$0x11];
	[sflag:s14] =	ssyncadd.s32 $0xFFFFF000  }
0x1b2: {  	[hbm4b:s30+s5] =	stream.linear.scatter [tilespmem:s31], [sflag:$0xB], $0x1000, $0x38;
	[tilespmem:$0xFC00] =	vst v63  }
0x1b3: {  	_ =	swait.ge [sflag:s14], $0x1000  }
0x1b4: {  	[sflag:s14] =	ssyncset.done $0x0  }
0x1b5: {  	s6 =	rddreg [dreg:$0xd];
	[sflag:s14] =	ssyncadd.s32 $0xFFFFF000  }
0x1b6: {  	[tilespmem:s31], [sflag:$0xB] =	stream.linear.gather [spmem:s6], $0x1000, $0x38;
	[tilespmem:$0xFC00] =	vst v63  }
0x1b7: {  	_ =	swait.ge [sflag:s14], $0x1000  }
0x1b8: {  	[sflag:s14] =	ssyncset.done $0x0  }
0x1b9: {  	s9 =	rddreg [dreg:$0x12];
	[sflag:s14] =	ssyncadd.s32 $0xFFFFF000  }
0x1ba: {  	[hbm4b:s9+s5] =	stream.linear.scatter [tilespmem:s31], [sflag:$0xB], $0x1000, $0x38;
	[tilespmem:$0xFC00] =	vst v63  }
0x1bb: {  	_ =	swait.ge [sflag:s14], $0x1000  }
0x1bc: {  	s6 =	rddreg [dreg:$0x1b]  }
0x1bd: {  	s30 =	rddreg [dreg:$0x18];
	s6 =	sadd.s32 $0x1, s6  }
0x1be: {  	p0 =	sne.s32 s6, s30  }
.Ltmp6:
0x1bf: {  	_ = 	snop;
	(pc) =	sbr.rel @p0 .LBB2_1-.Ltmp6, $3  }
0x1c0: {  	_ =	sdelay $0x1  }
0x1c1: {  	[sflag:s14] =	ssyncset.done $0x0  }
0x1c2: {  	[sflag:s14] =	ssyncadd.s32 $0xFFFFF000  }
0x1c3: {  	_ =	sfence.sel $0x180000  }
0x1c4: {  	[bflag:$0x0] =	sbarrier.arrive $0xFFFF  }
0x1c5: {  	_ =	strace $0x9000004A  }
0x1c6: {  	s0 =	stileid.u32;
	[bflag:$0x2] =	sbarrier.arrive $0xFFFF  }
0x1c7: {  	p0 =	sne.s32 s0, $0x0;
	s0 =	rddreg [dreg:$0x4]  }
0x1c8: {  	s0 =	sadd.s32 @!p0 $0x100000, s0  }
0x1c9: {  	[sflag:s0] =	ssyncadd.tile.s32 @!p0 $0x1;
	_ =	shalt  }
.Lfunc_end2:
_tile_overlayer_lowered:
.L_overlay_start_2:
0x1ca: {  	(tag) =	ssettag $0x2  }
0x1cb: {  	s0 =	rddreg [dreg:$0x0];
	s2 =	stileid.u32  }
0x1cc: {  	s1 =	rddreg [dreg:$0x1];
	p0 =	sne.s32 s2, $0x0  }
0x1cd: {  	s3 =	rddreg [dreg:$0x2];
	[bflag:$0x3] =	sbarrier.arrive $0xFFFF;
	s2 =	simm.s32 @!p0 $0x1C0B  }
0x1ce: {  	[timem:s3], [sflag:s2] =	dma.local @!p0 [hbm:s0], s1  }
0x1cf: {  	s0 =	simm.s32 @!p0 $0xB  }
0x1d0: {  	_ =	swait.ge @!p0 [sflag:s0], s1  }
0x1d1: {  	s1 =	ssub.s32 @!p0 $0x0, s1;
	[sflag:s0] =	ssyncset.done @!p0 $0x0  }
0x1d2: {  	[sflag:s0] =	ssyncadd.s32 @!p0 s1  }
0x1d3: {  	[bflag:$0x3] =	sbarrier.arrive $0xFFFF  }
0x1d4: {  	_ =	shalt  }

// kernel: kernel.7.cloned.1.call-start
scs
__scs_entry_jumppad:
0x0: {  	(pc) =	sbr.rel $0x88, $3  }
0x1: {  	(tag) =	ssettag $0x0;
	lr =	simm.s32 $0x1  }
0x2: {  	[smem:$0x3F97] =	sst lr;
	_ =	strace $0xD0000000  }
0x3: {  	_ = 	snop  }
0x4: {  	_ = 	snop  }
0x5: {  	_ = 	snop  }
0x6: {  	_ = 	snop  }
0x7: {  	_ = 	snop  }
__scs_overlays_trampoline_lowered:
0x8: {  	[smem:$0x3FA6] =	sst s0  }
0x9: {  	[smem:$0x3FA7] =	sst s1  }
0xa: {  	[smem:$0x3FA8] =	sst s2  }
0xb: {  	[smem:$0x3FA9] =	sst s3  }
0xc: {  	[smem:$0x3FAA] =	sst s4  }
0xd: {  	[smem:$0x3FAB] =	sst s5  }
0xe: {  	[smem:$0x3FAC] =	sst s6  }
0xf: {  	[smem:$0x3FAD] =	sst s7  }
0x10: {  	[smem:$0x3FAE] =	sst s8  }
0x11: {  	[smem:$0x3FAF] =	sst s9;
	s0 =	simm.s32 @!p0 $0x0  }
0x12: {  	s1 =	sld [smem:$0x3F95];
	s0 =	simm.s32 @p0 $0x1  }
0x13: {  	[smem:$0x3FB0] =	sst s0;
	s0 =	simm.s32 @!p1 $0x0  }
0x14: {  	s2 =	sld [smem:$0x3F94];
	s0 =	simm.s32 @p1 $0x1  }
0x15: {  	[smem:$0x3FB1] =	sst s0;
	s0 =	simm.s32 @!p2 $0x0  }
0x16: {  	s3 =	sld [smem:$0x3FDB];
	s0 =	simm.s32 @p2 $0x1  }
0x17: {  	s4 =	simm.s32 $0x1BF5;
	[smem:$0x3FB3] =	sst s0  }
0x18: {  	s0 =	sld [smem:$0x3F96];
	_ =	swait.ge [sflag:s4], $0x0  }
0x19: {  	s7 =	sld [smem:$0x3F97]  }
0x1a: {  	s8 =	sadd.s32 $0xFFFFE003, lr  }
0x1b: {  	s9 =	sadd.s32 $0xFFFFFEF7, lr;
	s5 =	simm.s32 $0xFFFFFFFF;
	p2 =	slt.u32 s8, $0xFFFFF086  }
0x1c: {  	p1 =	slt.u32 s9, $0xF7A;
	s5 =	simm.s32 @!p2 $0x0  }
0x1d: {  	s5 =	simm.s32 @p1 $0x1;
	p0 =	seq.s32 s7, s2  }
0x1e: {  	s7 =	smul.u32 @!p0 $0xF7A, s2;
	p2 =	seq.s32 @!p0 s5, $0x0  }
0x1f: {  	s9 =	smul.u32 $0xF7A, s1;
	s8 =	simm.s32 @!p0 $0x1BF5;
	p2 =	por !p2, p0  }
0x20: {  	[sflag:s8] =	ssyncset.s32 @!p0 $0xFFFFF086;
	s6 =	sadd.s32 @!p0 s3, s7;
	s7 =	simm.s32 @!p0 $0x108  }
0x21: {  	s3 =	sadd.s32 s3, s9;
	s6 =	sadd.s32 @!p0 $0x88, s6;
	s7 =	simm.s32 @p2 $0x1082  }
0x22: {  	[simem:s7], [sflag:s8] =	dma.local @!p0 [hbm:s6], $0xF7A  }
0x23: {  	s9 =	sor.u32 $0xD0000000, s2;
	s6 =	simm.s32 $0x108;
	_ =	swait.ge @!p0 [sflag:s8], $0x0  }
0x24: {  	s3 =	sadd.s32 $0x88, s3;
	s6 =	simm.s32 @!p1 $0x1082;
	[sflag:s4] =	ssyncset.s32 $0xFFFFF086  }
0x25: {  	[simem:s6], [sflag:s4] =	dma.local [hbm:s3], $0xF7A  }
0x26: {  	[smem:$0x3F97] =	sst s1;
	(tag) =	ssettag s2;
	_ =	strace s9  }
0x27: {  	s1 =	sld [smem:$0x3FA7]  }
0x28: {  	s2 =	sld [smem:$0x3FA8]  }
0x29: {  	s4 =	sld [smem:$0x3FAA]  }
0x2a: {  	p0 =	seq.s32 s5, $0x0;
	s5 =	sld [smem:$0x3FAB]  }
0x2b: {  	s6 =	sld [smem:$0x3FAC]  }
0x2c: {  	s7 =	sld [smem:$0x3FAD]  }
0x2d: {  	s3 =	simm.s32 $0x108;
	s8 =	sld [smem:$0x3FAE]  }
0x2e: {  	s3 =	simm.s32 @!p0 $0x1082;
	s9 =	sld [smem:$0x3FAF]  }
0x2f: {  	lr =	sadd.s32 s0, s3;
	s0 =	sld [smem:$0x3FA6]  }
0x30: {  	s3 =	sld [smem:$0x3FA9]  }
0x31: {  	[smem:$0x3FB2] =	sst s10  }
0x32: {  	s10 =	sld [smem:$0x3FB0];
	_ =	sdelay $0x3  }
0x33: {  	p0 =	seq.s32 s10, $0x1;
	s10 =	sld [smem:$0x3FB2];
	_ =	sdelay $0x3  }
0x34: {  	[smem:$0x3FB2] =	sst s10  }
0x35: {  	s10 =	sld [smem:$0x3FB1];
	_ =	sdelay $0x3  }
0x36: {  	p1 =	seq.s32 s10, $0x1;
	s10 =	sld [smem:$0x3FB2];
	_ =	sdelay $0x3  }
0x37: {  	[smem:$0x3FB2] =	sst s10  }
0x38: {  	s10 =	sld [smem:$0x3FB3]  }
0x39: {  	_ = 	snop;
	(pc) =	sbr.ind lr, $3  }
0x3a: {  	_ = 	snop  }
0x3b: {  	_ = 	snop  }
0x3c: {  	p2 =	seq.s32 s10, $0x1;
	s10 =	sld [smem:$0x3FB2]  }
0x3d: {  	_ =	shalt  }
0x3e: {  	_ =	shalt  }
0x3f: {  	_ =	shalt  }
0x40: {  	_ =	shalt  }
0x41: {  	_ =	shalt  }
0x42: {  	_ =	shalt  }
0x43: {  	_ =	shalt  }
0x44: {  	_ =	shalt  }
0x45: {  	_ =	shalt  }
0x46: {  	_ =	shalt  }
0x47: {  	_ =	shalt  }
0x48: {  	_ =	shalt  }
0x49: {  	_ =	shalt  }
0x4a: {  	_ =	shalt  }
0x4b: {  	_ =	shalt  }
0x4c: {  	_ =	shalt  }
0x4d: {  	_ =	shalt  }
0x4e: {  	_ =	shalt  }
0x4f: {  	_ =	shalt  }
0x50: {  	_ =	shalt  }
0x51: {  	_ =	shalt  }
0x52: {  	_ =	shalt  }
0x53: {  	_ =	shalt  }
0x54: {  	_ =	shalt  }
0x55: {  	_ =	shalt  }
0x56: {  	_ =	shalt  }
0x57: {  	_ =	shalt  }
0x58: {  	_ =	shalt  }
0x59: {  	_ =	shalt  }
0x5a: {  	_ =	shalt  }
0x5b: {  	_ =	shalt  }
0x5c: {  	_ =	shalt  }
0x5d: {  	_ =	shalt  }
0x5e: {  	_ =	shalt  }
0x5f: {  	_ =	shalt  }
0x60: {  	_ =	shalt  }
0x61: {  	_ =	shalt  }
0x62: {  	_ =	shalt  }
0x63: {  	_ =	shalt  }
0x64: {  	_ =	shalt  }
0x65: {  	_ =	shalt  }
0x66: {  	_ =	shalt  }
0x67: {  	_ =	shalt  }
0x68: {  	_ =	shalt  }
0x69: {  	_ =	shalt  }
0x6a: {  	_ =	shalt  }
0x6b: {  	_ =	shalt  }
0x6c: {  	_ =	shalt  }
0x6d: {  	_ =	shalt  }
0x6e: {  	_ =	shalt  }
0x6f: {  	_ =	shalt  }
0x70: {  	_ =	shalt  }
0x71: {  	_ =	shalt  }
0x72: {  	_ =	shalt  }
0x73: {  	_ =	shalt  }
0x74: {  	_ =	shalt  }
0x75: {  	_ =	shalt  }
0x76: {  	_ =	shalt  }
0x77: {  	_ =	shalt  }
0x78: {  	_ =	shalt  }
0x79: {  	_ =	shalt  }
0x7a: {  	_ =	shalt  }
0x7b: {  	_ =	shalt  }
0x7c: {  	_ =	shalt  }
0x7d: {  	_ =	shalt  }
0x7e: {  	_ =	shalt  }
0x7f: {  	_ =	shalt  }
0x80: {  	_ =	shalt  }
0x81: {  	_ =	shalt  }
0x82: {  	_ =	shalt  }
0x83: {  	_ =	shalt  }
0x84: {  	_ =	shalt  }
0x85: {  	_ =	shalt  }
0x86: {  	_ =	shalt  }
0x87: {  	_ =	shalt  }
.Lfunc_end0:
.L_simem_size_0:
called_computation_lowered:
.L_overlay_start_0:
0x88: {  	s2 =	sld [smem:$0x3FD9]  }
0x89: {  	s3 =	sld [smem:$0x3FFE];
	_ =	sdelay $0x1  }
0x8a: {  	s1 =	srdreg.scid  }
0x8b: {  	s0 =	sand.u32 $0x1, s1  }
0x8c: {  	s16 =	sshll.u32 s0, $0xA;
	s2 =	sadd.s32 s3, s2  }
0x8d: {  	s2 =	sadd.s32 s2, s16  }
0x8e: {  	[smem:$0x3FBE] =	sst s2  }
0x8f: {  	_ = 	snop  }
0x90: {  	(tm) =	ssettm $0x1  }
0x91: {  	s17 =	sld [smem:$0x3FFB];
	_ =	sdelay $0x3  }
0x92: {  	_ =	strace s17  }
0x93: {  	s2 =	sld [smem:$0x3FFC];
	_ =	sdelay $0x3  }
0x94: {  	_ =	strace s2  }
0x95: {  	s2 =	sld [smem:$0x3FFD];
	_ =	sdelay $0x3  }
0x96: {  	_ =	strace s2  }
0x97: {  	_ =	strace $0x8FFFFFFF  }
0x98: {  	s18 =	sld [smem:$0x3FDB];
	_ =	sdelay $0x1  }
0x99: {  	s19 =	simm.s32 $_scs_section_size  }
0x9a: {  	s4 =	simm.s32 $_size__tile_overlayer_lowered;
	s5 =	simm.s32 $_tile_overlayer_lowered  }
0x9b: {  	s22 =	simm.s32 $0x1BFF;
	s21 =	sshll.u32 s5, $0x1;
	s2 =	sadd.s32 s19, s18  }
0x9c: {  	s6 =	simm.s32 $0x0;
	s20 =	sshll.u32 s4, $0x1;
	s4 =	sadd.s32 s21, s2  }
0x9d: {  	[timem:s6], [sflag:s22] =	dma.local [hbm:s4], s20  }
0x9e: {  	_ =	swait.ge [sflag:s22], s20  }
0x9f: {  	s3 =	ssub.s32 $0x0, s20;
	[sflag:s22] =	ssyncset.done $0x0  }
0xa0: {  	[sflag:s22] =	ssyncadd.s32 s3;
	_ =	sdelay $0x1  }
0xa1: {  	s23 =	simm.s32 $0x1B8B  }
0xa2: {  	_ =	swait.ge [sflag:s23], $0x1  }
0xa3: {  	[sflag:s23] =	ssyncset.done $0x0  }
0xa4: {  	s25 =	simm.s32 $0x1B8E;
	s24 =	sld [smem:$0x3FFE];
	[sflag:s23] =	ssyncadd.s32 $0xFFFFFFFF  }
0xa5: {  	s26 =	simm.s32 $execute0_lowered;
	[smem:$0x3FD2] =	sst s25  }
0xa6: {  	s4 =	sshll.u32 s26, $0x1;
	_ =	strace $0x80000046;
	[dreg:$0x1] =	wrdreg $0xFFFFFFFF  }
0xa7: {  	s28 =	simm.s32 $_size_execute0_lowered;
	s2 =	sadd.s32 s2, s4;
	[dreg:$0x0] =	wrdreg $0x0  }
0xa8: {  	s4 =	sshll.u32 s28, $0x1;
	[dreg:$0x2] =	wrdreg s2  }
0xa9: {  	[dreg:$0x3] =	wrdreg s4  }
0xaa: {  	[dreg:$0x4] =	wrdreg $0xC0  }
0xab: {  	_ =	task [dreg:s6], $0x5FFFF  }
0xac: {  	[dreg:$0x1] =	wrdreg $0xFFFFFFFF  }
0xad: {  	[dreg:$0x0] =	wrdreg $0x60  }
0xae: {  	[dreg:$0x2] =	wrdreg s24  }
0xaf: {  	[dreg:$0x3] =	wrdreg $0x110000  }
0xb0: {  	[dreg:$0x4] =	wrdreg $0x1C4000  }
0xb1: {  	[dreg:$0x5] =	wrdreg $0x5C000  }
0xb2: {  	[dreg:$0x6] =	wrdreg $0x9  }
0xb3: {  	_ =	task.clear_ibuf [dreg:s6], $0x7FFFF;
	_ =	strace $0x90000046  }
0xb4: {  	s29 =	simm.s32 $0x9;
	_ =	strace $0x80000048  }
0xb5: {  	_ =	swait.ge [sflag:s29], $0x1  }
0xb6: {  	[sflag:s29] =	ssyncadd.s32 $0xFFFFFFFF  }
0xb7: {  	_ =	strace $0x90000048  }
0xb8: {  	_ =	sfence  }
0xb9: {  	s30 =	sld [smem:$0x0];
	_ =	sdelay $0x2  }
0xba: {  	s31 =	sshll.u32 s1, $0xD;
	s1 =	sshrl.u32 s1, $0x2  }
0xbb: {  	s3 =	sand.u32 $0x4000, s31;
	s1 =	sadd.s32 s1, s30  }
0xbc: {  	s0 =	sor.u32 s3, s0;
	s1 =	sshll.u32 s1, $0x11  }
0xbd: {  	s0 =	sor.u32 s1, s0  }
0xbe: {  	s0 =	sadd.s32 $0x8F2B, s0  }
0xbf: {  	[sflag:s0] =	ssyncadd.remote.s32 $0x1  }
0xc0: {  	_ =	sfence.sel $0xFFFF  }
0xc1: {  	[dreg:$0x0] =	wrdreg $0xFFFFFFFF;
	(pc) =	sbr.abs _section_cstart, $3  }
0xc2: {  	[dreg:$0x1] =	wrdreg $0xFFFFFFFF  }
0xc3: {  	_ =	task.clear_ibuf [dreg:s6], $0x2FFFF;
	_ =	strace $0x9FFFFFFF  }
0xc4: {  	(tm) =	ssettm $0x7FFFFFFF  }
0xc5: {  	_ =	shalt  }
tec
execute0_lowered:
.L_overlay_start_1:
0x0: {  	(tag) =	ssettag $0x1  }
0x1: {  	s0 =	rddreg [dreg:$0x0]  }
0x2: {  	s1 =	rddreg [dreg:$0x1]  }
0x3: {  	s2 =	rddreg [dreg:$0x2]  }
0x4: {  	s4 =	rddreg [dreg:$0x3];
	s3 =	srdreg.scid  }
0x5: {  	s8 =	simm.s32 $0x0;
	s13 =	stileid.u32;
	s15 =	simm.s32 $0x0  }
0x6: {  	s31 =	simm.s32 $0x400;
	s30 =	simm.s32 $0x200;
	s28 =	simm.s32 $0x9  }
0x7: {  	s29 =	simm.s32 $0x3;
	s3 =	sand.u32 $0x1, s3;
	s7 =	smul.u32 $0xB400, s13  }
0x8: {  	s6 =	sshll.u32 s13, $0x5;
	[smem:$0x7FF] =	sst s8;
	s16 =	smul.u32 $0x2800, s13  }
0x9: {  	s18 =	sshll.u32 s13, $0x6;
	s5 =	sshll.u32 s3, $0x9;
	_ =	strace $0x80000047  }
0xa: {  	s17 =	ssub.s32 $0x2, s3;
	p0 =	seq.s32 s3, $0x0;
	s3 =	simm.s32 $0x48E00  }
0xb: {  	s6 =	sor.u32 s6, s5;
	s9 =	sshrl.u32 s7, $0x3;
	s10 =	sshrl.u32 s16, $0x3  }
0xc: {  	s11 =	sshrl.u32 s17, $0x1;
	s5 =	sadd.s32 s16, s2;
	s14 =	sadd.s32 s7, s4  }
0xd: {  	s19 =	sadd.s32 $0x2400, s7;
	s22 =	sadd.s32 $0x4800, s7;
	s23 =	sadd.s32 $0x6C00, s7  }
0xe: {  	s3 =	simm.s32 @!p0 $0x32600;
	[dreg:$0x5] =	wrdreg s6;
	s6 =	sadd.s32 s6, s0  }
0xf: {  	s12 =	sadd.s32 s9, s0;
	s20 =	sadd.s32 s19, s4;
	[dreg:$0x9] =	wrdreg s14  }
0x10: {  	s10 =	sadd.s32 s10, s0;
	s21 =	sadd.s32 s22, s4;
	[dreg:$0xa] =	wrdreg s20  }
0x11: {  	s8 =	ssub.s32 s17, s11;
	s24 =	sadd.s32 s23, s4;
	[dreg:$0xb] =	wrdreg s21  }
0x12: {  	s11 =	sadd.s32 s7, s1;
	s12 =	sadd.s32 $0x1E00, s12;
	[dreg:$0xc] =	wrdreg s24  }
0x13: {  	s3 =	sadd.s32 s3, s0;
	s10 =	sadd.s32 $0x18600, s10;
	[dreg:$0x6] =	wrdreg s12  }
0x14: {  	s7 =	sadd.s32 $0x9000, s7;
	s9 =	sadd.s32 s3, s9;
	[dreg:$0x8] =	wrdreg s10  }
0x15: {  	s13 =	sshrl.u32 s23, $0x3;
	s16 =	sadd.s32 $0x1D600, s6;
	[dreg:$0xe] =	wrdreg s9  }
0x16: {  	s25 =	sadd.s32 s7, s4;
	s17 =	sadd.s32 $0x1DA00, s6;
	[dreg:$0x15] =	wrdreg s16  }
0x17: {  	s7 =	sshrl.u32 s7, $0x3;
	s23 =	sshrl.u32 s11, $0x3;
	[dreg:$0x16] =	wrdreg s17  }
0x18: {  	s11 =	simm.s32 $0xA;
	s12 =	sor.u32 $0x1C0B, s18;
	[dreg:$0x1a] =	wrdreg s23  }
0x19: {  	s10 =	sshrl.u32 s19, $0x3;
	s18 =	sadd.s32 $0x1E600, s6;
	[dreg:$0xd] =	wrdreg s25  }
0x1a: {  	s19 =	sadd.s32 $0x1EA00, s6;
	s9 =	simm.s32 $0xB;
	[dreg:$0x7] =	wrdreg s12  }
0x1b: {  	s16 =	simm.s32 $0x2;
	s17 =	simm.s32 $0x2800;
	[dreg:$0x17] =	wrdreg s18  }
0x1c: {  	s23 =	simm.s32 $0x7;
	s26 =	sadd.s32 s3, s10;
	[dreg:$0x18] =	wrdreg s19  }
0x1d: {  	s12 =	sshrl.u32 s22, $0x3;
	s22 =	smax.u32 s8, $0x1;
	[dreg:$0xf] =	wrdreg s26  }
0x1e: {  	s18 =	simm.s32 $0x180;
	s10 =	sadd.s32 s3, s12;
	[dreg:$0x19] =	wrdreg s22  }
0x1f: {  	s19 =	simm.s32 $0x5400;
	s12 =	sadd.s32 s3, s13;
	[dreg:$0x10] =	wrdreg s10  }
0x20: {  	s8 =	simm.s32 $0x6;
	s3 =	sadd.s32 s3, s7;
	[dreg:$0x11] =	wrdreg s12  }
0x21: {  	vm0 =	vcmask $0x3F20;
	s13 =	sadd.s32 $0x1DE00, s0;
	s0 =	sadd.s32 $0x1E200, s0;
	[dreg:$0x12] =	wrdreg s3  }
0x22: {  	v5 =	vlaneseq.u32;
	s26 =	sshrl.u32 s5, $0x3;
	s7 =	simm.s32 $0x80;
	[dreg:$0x13] =	wrdreg s13  }
0x23: {  	v4 =	vshrl.u32 v5, $0x3;
	s22 =	simm.s32 $0x5;
	s5 =	simm.s32 $0x0;
	[dreg:$0x14] =	wrdreg s0  }
0x24: {  	v0 =	vimm.f32 $0.0e+00;
	v5 =	vadd.s32 $0x38, v5;
	v1 =	vor.u32 $0x8, v4;
	[dreg:$0x1b] =	wrdreg s26;
	s26 =	simm.s32 $0x300;
	s3 =	simm.s32 $0x280  }
0x25: {  	v2 =	vor.u32 $0xA, v4;
	v3 =	vor.u32 $0xC, v4;
	v4 =	vor.u32 $0xE, v4;
	s10 =	simm.s32 $0x8;
	s12 =	simm.s32 $0x4;
	s13 =	simm.s32 $0x380  }
.LBB2_1:
0x26: {  	[dreg:$0x1c] =	wrdreg s5  }
0x27: {  	s0 =	rddreg [dreg:$0x6]  }
0x28: {  	s5 =	rddreg [dreg:$0x7]  }
0x29: {  	s6 =	rddreg [dreg:$0x1a]  }
0x2a: {  	[spmem:s6], [sflag:s5] =	dma.local [hbm:s0], $0x1680  }
0x2b: {  	_ =	swait.ge [sflag:s9], $0x1680  }
0x2c: {  	[sflag:s9] =	ssyncset.done $0x0;
	s0 =	rddreg [dreg:$0x8]  }
0x2d: {  	s6 =	rddreg [dreg:$0x1b];
	[sflag:s9] =	ssyncadd.s32 $0xFFFFE980  }
0x2e: {  	[spmem:s6], [sflag:s5] =	dma.local [hbm:s0], $0x500  }
0x2f: {  	_ =	swait.ge [sflag:s9], $0x500  }
0x30: {  	[sflag:s9] =	ssyncset.done $0x0  }
0x31: {  	s0 =	simm.s32 $0x0;
	[sflag:s9] =	ssyncadd.s32 $0xFFFFFB00  }
0x32: {  	s5 =	simm.s32 $0x120;
	[tilespmem:s0+$0x420] =	vst v0  }
.LBB2_2:
0x33: {  	p0 =	sne.s32 s5, $0x8EE0;
	[tilespmem:s0+$0x410] =	vst v0;
	s6 =	smov.u32 s5;
	s5 =	sadd.s32 $0x120, s5  }
.Ltmp0:
0x34: {  	[tilespmem:s0+$0x430] =	vst v0;
	(pc) =	sbr.rel @p0 .LBB2_2-.Ltmp0, $4  }
0x35: {  	[tilespmem:s0+$0x438] =	vst v0  }
0x36: {  	[tilespmem:s0+$0x400] =	vst v0  }
0x37: {  	s0 =	sshra.s32 s6, $0x2  }
0x38: {  	[tilespmem:s0+$0x420] =	vst v0  }
0x39: {  	[tilespmem:s0+$0x410] =	vst v0  }
0x3a: {  	[tilespmem:s0+$0x430] =	vst v0  }
0x3b: {  	[tilespmem:s0+$0x400] =	vst v0  }
0x3c: {  	[tilespmem:s0+$0x438] =	vst v0  }
0x3d: {  	[spmem:s14] =	stream.linear.scatter [tilespmem:s31], [sflag:$0xB], $0x2400, $0x38;
	[tilespmem:$0x1EC00] =	vst v63  }
0x3e: {  	_ =	swait.ge [sflag:s9], $0x2400  }
0x3f: {  	[sflag:s9] =	ssyncset.done $0x0  }
0x40: {  	[sflag:s9] =	ssyncadd.s32 $0xFFFFDC00  }
0x41: {  	[spmem:s20] =	stream.linear.scatter [tilespmem:s31], [sflag:$0xB], $0x2400, $0x38;
	[tilespmem:$0x1EC00] =	vst v63  }
0x42: {  	_ =	swait.ge [sflag:s9], $0x2400  }
0x43: {  	[sflag:s9] =	ssyncset.done $0x0  }
0x44: {  	[sflag:s9] =	ssyncadd.s32 $0xFFFFDC00  }
0x45: {  	[spmem:s21] =	stream.linear.scatter [tilespmem:s31], [sflag:$0xB], $0x2400, $0x38;
	[tilespmem:$0x1EC00] =	vst v63  }
0x46: {  	_ =	swait.ge [sflag:s9], $0x2400  }
0x47: {  	[sflag:s9] =	ssyncset.done $0x0  }
0x48: {  	[sflag:s9] =	ssyncadd.s32 $0xFFFFDC00  }
0x49: {  	[spmem:s24] =	stream.linear.scatter [tilespmem:s31], [sflag:$0xB], $0x2400, $0x38;
	[tilespmem:$0x1EC00] =	vst v63  }
0x4a: {  	_ =	swait.ge [sflag:s9], $0x2400  }
0x4b: {  	[sflag:s9] =	ssyncset.done $0x0  }
0x4c: {  	[sflag:s9] =	ssyncadd.s32 $0xFFFFDC00  }
0x4d: {  	[spmem:s25] =	stream.linear.scatter [tilespmem:s31], [sflag:$0xB], $0x2400, $0x38;
	[tilespmem:$0x1EC00] =	vst v63  }
0x4e: {  	_ =	swait.ge [sflag:s9], $0x2400  }
0x4f: {  	[sflag:s9] =	ssyncset.done $0x0  }
0x50: {  	[sflag:s9] =	ssyncadd.s32 $0xFFFFDC00  }
0x51: {  	[bflag:$0x0] =	sbarrier.arrive $0xFFFF  }
0x52: {  	s6 =	simm.s32 $0x0;
	s20 =	rddreg [dreg:$0x15]  }
0x53: {  	[tilespmem:s6], [sflag:$0x1] =	stream.linear.gather [hbm4b:s20+s6], $0x100, $0x38;
	[tilespmem:$0x1EC00] =	vst v63  }
0x54: {  	s5 =	simm.s32 $0x100;
	s24 =	simm.s32 $0x1;
	s21 =	rddreg [dreg:$0x16]  }
0x55: {  	[tilespmem:s5], [sflag:$0x2] =	stream.linear.gather [hbm4b:s21+s6], $0x100, $0x38;
	[tilespmem:$0x1EC00] =	vst v63  }
0x56: {  	_ =	swait.ge [sflag:s24], $0x100  }
0x57: {  	[sflag:s24] =	ssyncset.done $0x0  }
0x58: {  	[sflag:s24] =	ssyncadd.s32 $0xFFFFFF00  }
0x59: {  	[tilespmem:s31], [sflag:$0x5] =	stream.indirect.gather [spmem:s1], $0x48, s6, s7, $0xb8;
	[tilespmem:$0x1EC00] =	vst v63  }
0x5a: {  	s0 =	simm.s32 $0x0;
	s25 =	simm.s32 $0x4C00  }
0x5b: {  	[tilespmem:s25], [sflag:$0x7] =	stream.indirect.gather [spmem:s2], $0x10, s7, s7, $0xb8;
	[tilespmem:$0x1EC00] =	vst v63  }
.LBB2_4:
0x5c: {  	s9 =	sshll.u32 s0, $0xC;
	s5 =	rddreg [dreg:$0x5]  }
0x5d: {  	s6 =	rddreg [dreg:$0x13];
	s5 =	sor.u32 s5, s9  }
0x5e: {  	p0 =	seq.s32 s0, $0x0;
	s6 =	sadd.s32 s5, s6  }
0x5f: {  	[tilespmem:s30], [sflag:$0x3] =	stream.linear.gather [hbm4b:s6+s15], $0x100, $0x38;
	[tilespmem:$0x1EC00] =	vst v63  }
0x60: {  	s6 =	simm.s32 @!p0 $0xA  }
0x61: {  	_ =	swait.ge @!p0 [sflag:s6], $0x2400  }
0x62: {  	[sflag:s6] =	ssyncset.done @!p0 $0x0  }
0x63: {  	[sflag:s6] =	ssyncadd.s32 @!p0 $0xFFFFDC00  }
0x64: {  	_ =	swait.ge [sflag:s16], $0x100  }
0x65: {  	[sflag:s16] =	ssyncset.done $0x0  }
0x66: {  	s20 =	simm.s32 $0x100;
	[sflag:s16] =	ssyncadd.s32 $0xFFFFFF00  }
0x67: {  	[tilespmem:s17], [sflag:$0x6] =	stream.indirect.gather [spmem:s1], $0x48, s20, s7, $0xb8;
	[tilespmem:$0x1EC00] =	vst v63  }
0x68: {  	_ = 	snop  }
0x69: {  	[tilespmem:s19], [sflag:$0x8] =	stream.indirect.gather [spmem:s2], $0x10, s18, s7, $0xb8;
	[tilespmem:$0x1EC00] =	vst v63  }
0x6a: {  	_ =	swait.ge [sflag:s22], $0x2400  }
0x6b: {  	[sflag:s22] =	ssyncset.done $0x0  }
0x6c: {  	[sflag:s22] =	ssyncadd.s32 $0xFFFFDC00  }
0x6d: {  	_ =	swait.ge [sflag:s23], $0x800  }
0x6e: {  	[sflag:s23] =	ssyncset.done $0x0  }
0x6f: {  	s20 =	simm.s32 $0x490;
	[sflag:s23] =	ssyncadd.s32 $0xFFFFF800  }
0x70: {  	s21 =	simm.s32 $0x4C20;
	v6 =	vld [tilespmem:s20+$0x80]  }
0x71: {  	v7 =	vld [tilespmem:s21+$0x10];
	_ =	sdelay $0x1  }
0x72: {  	v8 =	vld [tilespmem:s21+$0xFFFFFFE0]  }
0x73: {  	v9 =	vld [tilespmem:s20+$0xFFFFFFF0]  }
0x74: {  	v10 =	vld [tilespmem:s21+$0xFFFFFFF0]  }
0x75: {  	v11 =	vld [tilespmem:s20+$0x38];
	v6 =	vadd.f32 v7, v6  }
0x76: {  	v12 =	vld [tilespmem:s21+$0x0]  }
0x77: {  	v7 =	vld [tilespmem:s20+$0xFFFFFFA8];
	v13 =	vmul.f32 $2.000000030e-01, v6  }
0x78: {  	vm1 =	vgt.f32 v6, $0.0e+00  }
0x79: {  	v14 =	vld [tilespmem:s20+$0xFFFFFF90];
	v6 =	vsel vm1, v6, v13  }
0x7a: {  	v15 =	vld [tilespmem:s20+$0xFFFFFFC8];
	v9 =	vadd.f32 v10, v9;
	v6 =	vmul.f32 $1.442695020e+00, v6  }
0x7b: {  	v16 =	vld [tilespmem:s20+$0xFFFFFFD8];
	v10 =	vadd.f32 v12, v11  }
0x7c: {  	s14 =	simm.s32 $0x3;
	v17 =	vld [tilespmem:s20+$0x68];
	v12 =	vmul.f32 $2.000000030e-01, v9;
	v7 =	vadd.f32 v8, v7;
	(erf) = vpow2.f32 v6  }
0x7d: {  	v18 =	vmov s14;
	s14 =	simm.s32 $0x5B0;
	v20 =	vld [tilespmem:s20+$0x78];
	vm1 =	vgt.f32 v9, $0.0e+00;
	v13 =	vmul.f32 $2.000000030e-01, v10  }
0x7e: {  	v22 =	vld [tilespmem:s14+$0x80];
	vm2 =	vgt.f32 v10, $0.0e+00;
	v9 =	vsel vm1, v9, v12;
	v6 =	vmul.f32 $2.000000030e-01, v7  }
0x7f: {  	v25 =	vld [tilespmem:s20+$0xFFFFFFE8];
	v9 =	vmul.f32 $1.442695020e+00, v9;
	v10 =	vsel vm2, v10, v13;
	vm1 =	vgt.f32 v7, $0.0e+00  }
0x80: {  	s21 =	simm.s32 $0x4C60;
	v26 =	vld [tilespmem:s20+$0x0];
	v6 =	vsel vm1, v7, v6;
	v7 =	vmul.f32 $1.442695020e+00, v10  }
0x81: {  	s25 =	simm.s32 $0x1;
	v24 =	vld [tilespmem:s21+$0x10];
	(erf) = vpow2.f32 v9;
	v6 =	vmul.f32 $1.442695020e+00, v6  }
0x82: {  	s24 =	simm.s32 $0x0;
	v18 =	vmul.u32 $0x48, v18;
	v28 =	vld [tilespmem:s20+$0x10];
	v10 =	vmov s25;
	(erf) = vpow2.f32 v7  }
0x83: {  	v10 =	vmul.u32 $0x48, v10;
	v7 =	vmov s24;
	(erf) = vpow2.f32 v6;
	v6 =	vld [tilespmem:s20+$0x48]  }
0x84: {  	v38 =	vld [tilespmem:s14+$0x38];
	v7 =	vmul.u32 $0x48, v7  }
0x85: {  	v18 =	vbroadcast v18, $0x0;
	v9 =	vld [tilespmem:s20+$0x58];
	v10 =	vbroadcast v10, $0x0;
	v19 =	vpop (erf)  }
0x86: {  	v44 =	vld [tilespmem:s14+$0xFFFFFFA8];
	v22 =	vadd.f32 v24, v22;
	v7 =	vbroadcast v7, $0x0;
	v21 =	vperm.xlane v19, v1  }
0x87: {  	v18 =	vadd.s32 v5, v18;
	v41 =	vld [tilespmem:s21+$0x0];
	v23 =	vperm.xlane v19, v2;
	v27 =	vperm.xlane v19, v3  }
0x88: {  	v45 =	vld [tilespmem:s20+$0x20];
	v37 =	vadd.s32 v5, v7;
	v7 =	vmul.f32 $2.000000030e-01, v22;
	v21 =	vmul.f32 v21, v6  }
0x89: {  	v46 =	vld [tilespmem:s20+$0x30];
	vm1 =	vgt.f32 v22, $0.0e+00;
	v29 =	vperm.xlane v19, v4;
	v17 =	vmul.f32 v27, v17  }
0x8a: {  	v34 =	vld [tilespmem:s21+$0xFFFFFFF0];
	v22 =	vsel vm1, v22, v7;
	v9 =	vmul.f32 v23, v9;
	[tilespmem:s20+$0x48] =	vst v21  }
0x8b: {  	v11 =	vld [tilespmem:s20+$0xFFFFFF70];
	v20 =	vmul.f32 v29, v20;
	v23 =	vpop (erf);
	[tilespmem:s20+$0x68] =	vst v17;
	v17 =	vadd.s32 v5, v10;
	v10 =	vmul.f32 $1.442695020e+00, v22  }
0x8c: {  	v58 =	vadd.f32 v41, v38;
	v13 =	vld [tilespmem:s20+$0xFFFFFFB8];
	[tilespmem:s20+$0x58] =	vst v9;
	v30 =	vperm.xlane v23, v1;
	v31 =	vperm.xlane v23, v2  }
0x8d: {  	v29 =	vld [tilespmem:s14+$0xFFFFFFF0];
	[tilespmem:s20+$0x78] =	vst v20;
	v6 =	vpop (erf);
	v39 =	vperm.xlane v23, v3;
	v40 =	vperm.xlane v23, v4  }
0x8e: {  	v27 =	vld [tilespmem:s21+$0xFFFFFFE0];
	[tilespmem:v18+s31+$0x0] =	vst.idx.msk vm0, v19;
	v19 =	vmul.f32 $2.000000030e-01, v58;
	v42 =	vperm.xlane v6, v1  }
0x8f: {  	s6 =	simm.s32 $0x4;
	v8 =	vld [tilespmem:s20+$0xFFFFFF80];
	vm2 =	vgt.f32 v58, $0.0e+00;
	v43 =	vperm.xlane v6, v2;
	v56 =	vperm.xlane v6, v3  }
0x90: {  	v12 =	vld [tilespmem:s20+$0xFFFFFFA0];
	v21 =	vmov s6;
	v32 =	vpop (erf);
	v57 =	vperm.xlane v6, v4;
	(erf) = vpow2.f32 v10  }
0x91: {  	v7 =	vld [tilespmem:s14+$0xFFFFFF70];
	v21 =	vmul.u32 $0x48, v21;
	v33 =	vperm.xlane v32, v1;
	v24 =	vperm.xlane v32, v2  }
0x92: {  	v9 =	vld [tilespmem:s14+$0xFFFFFF90];
	v35 =	vperm.xlane v32, v3;
	v29 =	vadd.f32 v34, v29;
	v13 =	vmul.f32 v30, v13  }
0x93: {  	v10 =	vld [tilespmem:s14+$0xFFFFFFB8];
	v36 =	vperm.xlane v32, v4;
	v18 =	vadd.f32 v27, v44;
	v11 =	vmul.f32 v33, v11  }
0x94: {  	v19 =	vsel vm2, v58, v19;
	v30 =	vld [tilespmem:s14+$0x78];
	v24 =	vmul.f32 v24, v8;
	v20 =	vmul.f32 $2.000000030e-01, v29;
	[tilespmem:s20+$0xFFFFFFB8] =	vst v13  }
0x95: {  	v59 =	vbroadcast v21, $0x0;
	v14 =	vmul.f32 v35, v14;
	v8 =	vld [tilespmem:s14+$0xFFFFFF80];
	vm1 =	vgt.f32 v29, $0.0e+00;
	[tilespmem:s20+$0xFFFFFF70] =	vst v11  }
0x96: {  	s30 =	simm.s32 $0x6D0;
	v12 =	vmul.f32 v36, v12;
	v22 =	vmul.f32 $2.000000030e-01, v18;
	v13 =	vld [tilespmem:s14+$0x0];
	[tilespmem:s20+$0xFFFFFF80] =	vst v24;
	v20 =	vsel vm1, v29, v20  }
0x97: {  	v19 =	vmul.f32 $1.442695020e+00, v19;
	vm3 =	vgt.f32 v18, $0.0e+00;
	v33 =	vld [tilespmem:s30+$0xFFFFFFF0];
	[tilespmem:s20+$0xFFFFFF90] =	vst v14;
	v20 =	vmul.f32 $1.442695020e+00, v20  }
0x98: {  	v36 =	vld [tilespmem:s30+$0x38];
	v24 =	vmul.f32 v31, v15;
	[tilespmem:s20+$0xFFFFFFA0] =	vst v12;
	v18 =	vsel vm3, v18, v22;
	v22 =	vmul.f32 v39, v16  }
0x99: {  	s21 =	simm.s32 $0x5;
	v11 =	vld [tilespmem:s14+$0xFFFFFFA0];
	[tilespmem:v37+s31+$0x0] =	vst.idx.msk vm0, v32;
	v18 =	vmul.f32 $1.442695020e+00, v18;
	(erf) = vpow2.f32 v20  }
0x9a: {  	v14 =	vld [tilespmem:s14+$0xFFFFFFC8];
	[tilespmem:s20+$0xFFFFFFC8] =	vst v24;
	v20 =	vmov s21;
	(erf) = vpow2.f32 v19;
	v19 =	vmul.f32 v40, v25  }
0x9b: {  	s25 =	simm.s32 $0x7;
	[tilespmem:s20+$0xFFFFFFD8] =	vst v22;
	v22 =	vld [tilespmem:s14+$0x48];
	v20 =	vmul.u32 $0x48, v20;
	v25 =	vmul.f32 v43, v28;
	(erf) = vpow2.f32 v18  }
0x9c: {  	v27 =	vmov s25;
	v28 =	vmul.f32 v57, v46;
	v18 =	vmul.f32 v42, v26;
	[tilespmem:s20+$0xFFFFFFE8] =	vst v19;
	v19 =	vld [tilespmem:s14+$0x58]  }
0x9d: {  	s24 =	simm.s32 $0x2;
	v60 =	vpop (erf);
	v26 =	vmul.f32 v56, v45;
	v21 =	vbroadcast v20, $0x0;
	v20 =	vld [tilespmem:s14+$0x68];
	[tilespmem:v17+s31+$0x0] =	vst.idx.msk vm0, v23;
	v23 =	vmul.u32 $0x48, v27  }
0x9e: {  	v15 =	vld [tilespmem:s14+$0xFFFFFFD8];
	v24 =	vmov s24;
	v61 =	vperm.xlane v60, v4;
	[tilespmem:s20+$0x10] =	vst v25;
	v25 =	vperm.xlane v60, v2  }
0x9f: {  	v12 =	vld [tilespmem:s14+$0xFFFFFFE8];
	v24 =	vmul.u32 $0x48, v24;
	[tilespmem:s20+$0x30] =	vst v28;
	v27 =	vperm.xlane v60, v1;
	v23 =	vbroadcast v23, $0x0  }
0xa0: {  	v16 =	vld [tilespmem:s14+$0x10];
	[tilespmem:s20+$0x20] =	vst v26;
	v26 =	vperm.xlane v60, v3;
	v63 =	vmul.f32 v61, v30  }
0xa1: {  	v29 =	vld [tilespmem:s30+$0x80];
	s21 =	simm.s32 $0x4CA0;
	v24 =	vbroadcast v24, $0x0;
	[tilespmem:s20+$0x0] =	vst v18;
	v22 =	vmul.f32 v27, v22;
	v62 =	vadd.s32 v5, v23  }
0xa2: {  	v31 =	vld [tilespmem:s21+$0x10];
	[tilespmem:s14+$0x78] =	vst v63;
	v27 =	vmul.f32 v25, v19;
	v26 =	vmul.f32 v26, v20;
	v19 =	vpop (erf)  }
0xa3: {  	v38 =	vld [tilespmem:s21+$0xFFFFFFF0];
	v30 =	vadd.s32 v5, v24;
	[tilespmem:s14+$0x48] =	vst v22;
	v25 =	vperm.xlane v19, v1;
	v20 =	vpop (erf);
	v22 =	vperm.xlane v19, v2  }
0xa4: {  	v28 =	vld [tilespmem:s21+$0xFFFFFFE0];
	[tilespmem:s14+$0x68] =	vst v26;
	v26 =	vperm.xlane v19, v3;
	v24 =	vperm.xlane v19, v4;
	v23 =	vpop (erf)  }
0xa5: {  	v17 =	vld [tilespmem:s14+$0x20];
	[tilespmem:s14+$0x58] =	vst v27;
	v27 =	vadd.s32 v5, v59;
	v37 =	vperm.xlane v23, v1;
	v34 =	vperm.xlane v23, v2  }
0xa6: {  	s24 =	simm.s32 $0xC;
	v18 =	vld [tilespmem:s14+$0x30];
	s20 =	simm.s32 $0x8;
	v35 =	vperm.xlane v23, v3;
	v32 =	vperm.xlane v23, v4;
	[tilespmem:v62+s31+$0x0] =	vst.idx.msk vm0, v60  }
.LBB2_5:
0xa7: {  	p0 =	slt.u32 s24, $0x7C;
	v39 =	vld [tilespmem:s21+$0x0];
	v29 =	vadd.f32 v31, v29;
	v31 =	vperm.xlane v20, v1;
	v40 =	vperm.xlane v20, v2  }
0xa8: {  	v42 =	vmov s20;
	v43 =	vperm.xlane v20, v3;
	v44 =	vperm.xlane v20, v4;
	v41 =	vld [tilespmem:s30+$0xFFFFFFA8];
	[tilespmem:v30+s31+$0x0] =	vst.idx.msk vm0, v6;
	v6 =	vmovc v20  }
0xa9: {  	v21 =	vadd.s32 v5, v21;
	v30 =	vmul.f32 v37, v7;
	v20 =	vmul.f32 $2.000000030e-01, v29;
	v7 =	vld [tilespmem:s30+$0xFFFFFF70]  }
0xaa: {  	v34 =	vmul.f32 v34, v8;
	vm1 =	vgt.f32 v29, $0.0e+00;
	v33 =	vadd.f32 v38, v33;
	v8 =	vld [tilespmem:s30+$0xFFFFFF80]  }
0xab: {  	v20 =	vsel vm1, v29, v20;
	[tilespmem:s14+$0xFFFFFF70] =	vst v30;
	v29 =	vmul.f32 v35, v9;
	v9 =	vld [tilespmem:s30+$0xFFFFFF90];
	v30 =	vmul.f32 v32, v11  }
0xac: {  	v11 =	vld [tilespmem:s30+$0xFFFFFFA0];
	v32 =	vmul.f32 $2.000000030e-01, v33;
	v35 =	vadd.f32 v39, v36;
	v20 =	vmul.f32 $1.442695020e+00, v20;
	[tilespmem:s14+$0xFFFFFF80] =	vst v34  }
0xad: {  	v25 =	vmul.f32 v25, v10;
	vm1 =	vgt.f32 v33, $0.0e+00;
	v28 =	vadd.f32 v28, v41;
	[tilespmem:s14+$0xFFFFFF90] =	vst v29;
	v10 =	vld [tilespmem:s30+$0xFFFFFFB8]  }
0xae: {  	v29 =	vld [tilespmem:s30+$0xFFFFFFC8];
	vm2 =	vgt.f32 v35, $0.0e+00;
	v34 =	vmul.f32 $2.000000030e-01, v35;
	(erf) = vpow2.f32 v20;
	[tilespmem:s14+$0xFFFFFFA0] =	vst v30  }
0xaf: {  	v30 =	vsel vm1, v33, v32;
	vm3 =	vgt.f32 v28, $0.0e+00;
	v20 =	vmul.f32 $2.000000030e-01, v28;
	v32 =	vld [tilespmem:s30+$0xFFFFFFD8];
	[tilespmem:v27+s31+$0x0] =	vst.idx.msk vm0, v23  }
0xb0: {  	v33 =	vmul.f32 v22, v14;
	v23 =	vmul.f32 $1.442695020e+00, v30;
	v27 =	vld [tilespmem:s30+$0xFFFFFFE8];
	v30 =	vsel vm2, v35, v34;
	[tilespmem:s14+$0xFFFFFFB8] =	vst v25  }
0xb1: {  	v34 =	vmul.f32 v26, v15;
	v20 =	vsel vm3, v28, v20;
	v22 =	vmul.f32 $1.442695020e+00, v30;
	v25 =	vld [tilespmem:s30+$0x0]  }
0xb2: {  	s25 =	sadd.s32 $0x1, s20;
	v26 =	vmul.u32 $0x48, v42;
	v20 =	vmul.f32 $1.442695020e+00, v20;
	v28 =	vld [tilespmem:s30+$0x10];
	(erf) = vpow2.f32 v23;
	[tilespmem:s14+$0xFFFFFFC8] =	vst v33  }
0xb3: {  	v23 =	vmov s25;
	v33 =	vmul.f32 v24, v12;
	s25 =	sadd.s32 $0x2, s6;
	s6 =	smov.u32 s20;
	s20 =	smov.u32 s24;
	v30 =	vld [tilespmem:s30+$0x20];
	(erf) = vpow2.f32 v22;
	[tilespmem:s14+$0xFFFFFFD8] =	vst v34;
	v14 =	vmovc v29  }
0xb4: {  	v22 =	vld [tilespmem:s30+$0x30];
	(erf) = vpow2.f32 v20;
	v20 =	vmul.f32 v31, v13;
	v31 =	vmov s25;
	v15 =	vmovc v32  }
0xb5: {  	v23 =	vmul.u32 $0x48, v23;
	v34 =	vmul.f32 v40, v16;
	v29 =	vmul.f32 v43, v17;
	s25 =	sadd.s32 $0x3, s6;
	v24 =	vld [tilespmem:s30+$0x48];
	[tilespmem:s14+$0xFFFFFFE8] =	vst v33;
	v12 =	vmovc v27  }
0xb6: {  	v35 =	vmov s25;
	v31 =	vmul.u32 $0x48, v31;
	v27 =	vld [tilespmem:s30+$0x58];
	[tilespmem:v21+s31+$0x0] =	vst.idx.msk vm0, v19;
	v19 =	vmul.f32 v44, v18;
	v13 =	vmovc v25  }
0xb7: {  	v26 =	vbroadcast v26, $0x0;
	v21 =	vbroadcast v23, $0x0;
	v25 =	vmul.u32 $0x48, v35;
	v23 =	vld [tilespmem:s30+$0x68];
	v39 =	vpop (erf);
	[tilespmem:s14+$0x0] =	vst v20  }
0xb8: {  	v33 =	vbroadcast v31, $0x0;
	v16 =	vmovc v28;
	v20 =	vperm.xlane v39, v1;
	v32 =	vld [tilespmem:s30+$0x78];
	[tilespmem:s14+$0x10] =	vst v34;
	v17 =	vmov v30  }
0xb9: {  	v28 =	vperm.xlane v39, v2;
	v25 =	vbroadcast v25, $0x0;
	[tilespmem:s14+$0x20] =	vst v29;
	v18 =	vmov v22  }
0xba: {  	v22 =	vperm.xlane v39, v3;
	v30 =	vmul.f32 v20, v24;
	[tilespmem:s14+$0x30] =	vst v19;
	s14 =	smov.u32 s30;
	s30 =	sadd.s32 $0x120, s30  }
0xbb: {  	s21 =	sadd.s32 $0x40, s21;
	v40 =	vadd.s32 v5, v25;
	v29 =	vld [tilespmem:s30+$0x80];
	v24 =	vmul.f32 v28, v27;
	v27 =	vperm.xlane v39, v4;
	v19 =	vpop (erf)  }
.Ltmp1:
0xbc: {  	v31 =	vld [tilespmem:s21+$0x10];
	v25 =	vperm.xlane v19, v1;
	[tilespmem:s14+$0x48] =	vst v30;
	v35 =	vmul.f32 v22, v23;
	v20 =	vpop (erf);
	(pc) =	sbr.rel @p0 .LBB2_5-.Ltmp1, $4  }
0xbd: {  	v22 =	vperm.xlane v19, v2;
	v30 =	vadd.s32 v5, v33;
	v28 =	vld [tilespmem:s21+$0xFFFFFFE0];
	[tilespmem:s14+$0x58] =	vst v24;
	v24 =	vmul.f32 v27, v32;
	v23 =	vpop (erf)  }
0xbe: {  	v33 =	vld [tilespmem:s30+$0xFFFFFFF0];
	v37 =	vperm.xlane v23, v1;
	v34 =	vperm.xlane v23, v2;
	[tilespmem:s14+$0x68] =	vst v35  }
0xbf: {  	v27 =	vadd.s32 v5, v26;
	v35 =	vperm.xlane v23, v3;
	v32 =	vperm.xlane v23, v4;
	v38 =	vld [tilespmem:s21+$0xFFFFFFF0];
	[tilespmem:s14+$0x78] =	vst v24  }
0xc0: {  	s24 =	sadd.s32 $0x4, s24;
	v26 =	vperm.xlane v19, v3;
	v24 =	vperm.xlane v19, v4;
	v36 =	vld [tilespmem:s30+$0x38];
	[tilespmem:v40+s31+$0x0] =	vst.idx.msk vm0, v39  }
0xc1: {  	v29 =	vadd.f32 v31, v29  }
0xc2: {  	v39 =	vld [tilespmem:s21+$0x0];
	v31 =	vperm.xlane v20, v1;
	v40 =	vperm.xlane v20, v2  }
0xc3: {  	v41 =	vld [tilespmem:s30+$0xFFFFFFA8];
	v9 =	vmul.f32 v35, v9;
	v43 =	vmul.f32 $2.000000030e-01, v29  }
0xc4: {  	v42 =	vperm.xlane v20, v3;
	v7 =	vmul.f32 v37, v7;
	vm1 =	vgt.f32 v29, $0.0e+00  }
0xc5: {  	v8 =	vmul.f32 v34, v8;
	[tilespmem:s14+$0xFFFFFF90] =	vst v9;
	v9 =	vmul.f32 v22, v14;
	v29 =	vsel vm1, v29, v43  }
0xc6: {  	v11 =	vmul.f32 v32, v11;
	s6 =	sadd.s32 $0x2, s6;
	v29 =	vmul.f32 $1.442695020e+00, v29  }
0xc7: {  	v10 =	vmul.f32 v25, v10;
	v33 =	vadd.f32 v38, v33;
	[tilespmem:s14+$0xFFFFFFC8] =	vst v9;
	v9 =	vmov s6  }
0xc8: {  	[tilespmem:v30+s31+$0x0] =	vst.idx.msk vm0, v6;
	v59 =	vadd.f32 v39, v36;
	v28 =	vadd.f32 v28, v41;
	(erf) = vpow2.f32 v29  }
0xc9: {  	[tilespmem:s14+$0xFFFFFF70] =	vst v7;
	v6 =	vmul.f32 $2.000000030e-01, v33;
	vm1 =	vgt.f32 v33, $0.0e+00;
	v9 =	vmul.u32 $0x48, v9  }
0xca: {  	[tilespmem:s14+$0xFFFFFF80] =	vst v8;
	v7 =	vmul.f32 $2.000000030e-01, v59;
	vm2 =	vgt.f32 v59, $0.0e+00;
	v8 =	vmul.f32 $2.000000030e-01, v28  }
0xcb: {  	v6 =	vsel vm1, v33, v6;
	vm1 =	vgt.f32 v28, $0.0e+00;
	v9 =	vbroadcast v9, $0x0  }
0xcc: {  	v6 =	vmul.f32 $1.442695020e+00, v6;
	v7 =	vsel vm2, v59, v7;
	v8 =	vsel vm1, v28, v8  }
0xcd: {  	[tilespmem:s14+$0xFFFFFFA0] =	vst v11;
	v7 =	vmul.f32 $1.442695020e+00, v7;
	v8 =	vmul.f32 $1.442695020e+00, v8  }
0xce: {  	v11 =	vadd.s32 v5, v21;
	[tilespmem:s14+$0xFFFFFFB8] =	vst v10;
	(erf) = vpow2.f32 v6;
	v6 =	vmul.f32 v26, v15  }
0xcf: {  	s25 =	sadd.s32 $0x3, s20;
	v10 =	vld [tilespmem:s30+$0x48];
	[tilespmem:v27+s31+$0x0] =	vst.idx.msk vm0, v23;
	(erf) = vpow2.f32 v7;
	v7 =	vmul.f32 v24, v12  }
0xd0: {  	[tilespmem:s14+$0xFFFFFFD8] =	vst v6;
	v6 =	vmul.f32 v31, v13;
	v13 =	vmov s25;
	(erf) = vpow2.f32 v8  }
0xd1: {  	v14 =	vmul.f32 v42, v17;
	v8 =	vperm.xlane v20, v4;
	v13 =	vmul.u32 $0x48, v13;
	[tilespmem:s14+$0xFFFFFFE8] =	vst v7;
	v15 =	vpop (erf)  }
0xd2: {  	v9 =	vadd.s32 v5, v9;
	v12 =	vld [tilespmem:s30+$0x58];
	v7 =	vmul.f32 v40, v16;
	[tilespmem:s14+$0x0] =	vst v6;
	v6 =	vperm.xlane v15, v1  }
0xd3: {  	[tilespmem:v11+s31+$0x0] =	vst.idx.msk vm0, v19;
	v8 =	vmul.f32 v8, v18;
	v11 =	vld [tilespmem:s30+$0x68];
	v13 =	vbroadcast v13, $0x0  }
0xd4: {  	v16 =	vld [tilespmem:s30+$0x78];
	[tilespmem:s14+$0x10] =	vst v7;
	v6 =	vmul.f32 v6, v10;
	v10 =	vperm.xlane v15, v3  }
0xd5: {  	v7 =	vperm.xlane v15, v2;
	[tilespmem:s14+$0x30] =	vst v8;
	v8 =	vperm.xlane v15, v4  }
0xd6: {  	[tilespmem:s14+$0x20] =	vst v14  }
0xd7: {  	v14 =	vld [tilespmem:s30+$0xFFFFFF70];
	[tilespmem:v9+s31+$0x0] =	vst.idx.msk vm0, v20;
	v7 =	vmul.f32 v7, v12;
	v12 =	vadd.s32 v5, v13;
	v13 =	vpop (erf)  }
0xd8: {  	v17 =	vmov s20;
	v18 =	vld [tilespmem:s30+$0xFFFFFF80];
	[tilespmem:s30+$0x48] =	vst v6;
	v6 =	vmul.f32 v10, v11;
	v10 =	vpop (erf)  }
0xd9: {  	v17 =	vmul.u32 $0x48, v17;
	v11 =	vld [tilespmem:s30+$0xFFFFFF90];
	[tilespmem:s30+$0x58] =	vst v7;
	v7 =	vmul.f32 v8, v16;
	v8 =	vpop (erf)  }
0xda: {  	v16 =	vld [tilespmem:s30+$0xFFFFFFA0];
	[tilespmem:s30+$0x68] =	vst v6;
	v19 =	vperm.xlane v8, v1  }
0xdb: {  	s21 =	sadd.s32 $0x1, s20;
	v17 =	vbroadcast v17, $0x0;
	[tilespmem:s30+$0x78] =	vst v7;
	v21 =	vperm.xlane v8, v2  }
0xdc: {  	v6 =	vmov s21;
	v7 =	vld [tilespmem:s30+$0xFFFFFFB8];
	[tilespmem:v12+s31+$0x0] =	vst.idx.msk vm0, v15;
	v22 =	vperm.xlane v8, v3;
	v12 =	vmul.f32 v19, v14  }
0xdd: {  	v15 =	vadd.s32 v5, v17;
	v23 =	vperm.xlane v8, v4;
	v14 =	vld [tilespmem:s30+$0xFFFFFFC8];
	v9 =	vmul.f32 v21, v18  }
0xde: {  	v20 =	vperm.xlane v13, v4;
	v6 =	vmul.u32 $0x48, v6;
	v17 =	vld [tilespmem:s30+$0xFFFFFFD8];
	v11 =	vmul.f32 v22, v11;
	[tilespmem:s30+$0xFFFFFF70] =	vst v12  }
0xdf: {  	v18 =	vperm.xlane v13, v1;
	v16 =	vmul.f32 v23, v16;
	v12 =	vld [tilespmem:s30+$0xFFFFFFE8];
	[tilespmem:s30+$0xFFFFFF80] =	vst v9  }
0xe0: {  	v6 =	vbroadcast v6, $0x0;
	v9 =	vperm.xlane v13, v2;
	[tilespmem:s30+$0xFFFFFF90] =	vst v11  }
0xe1: {  	s24 =	sadd.s32 $0x2, s20;
	v19 =	vperm.xlane v13, v3;
	v11 =	vld [tilespmem:s30+$0x0];
	v7 =	vmul.f32 v18, v7;
	[tilespmem:s30+$0xFFFFFFA0] =	vst v16  }
0xe2: {  	v6 =	vadd.s32 v5, v6;
	v16 =	vld [tilespmem:s30+$0x10];
	[tilespmem:v15+s31+$0x0] =	vst.idx.msk vm0, v8;
	v8 =	vmul.f32 v9, v14;
	v9 =	vmov s24  }
0xe3: {  	v18 =	vperm.xlane v10, v2;
	[tilespmem:s30+$0xFFFFFFB8] =	vst v7;
	v7 =	vmul.f32 v19, v17;
	v14 =	vld [tilespmem:s30+$0x20];
	v9 =	vmul.u32 $0x48, v9  }
0xe4: {  	v15 =	vperm.xlane v10, v1;
	v17 =	vld [tilespmem:s30+$0x30];
	[tilespmem:s30+$0xFFFFFFC8] =	vst v8;
	v8 =	vmul.f32 v20, v12  }
0xe5: {  	[tilespmem:s30+$0xFFFFFFD8] =	vst v7;
	v12 =	vperm.xlane v10, v3;
	v7 =	vbroadcast v9, $0x0  }
0xe6: {  	v11 =	vmul.f32 v15, v11;
	v9 =	vperm.xlane v10, v4;
	[tilespmem:s30+$0xFFFFFFE8] =	vst v8  }
0xe7: {  	v8 =	vmul.f32 v18, v16;
	[tilespmem:v6+s31+$0x0] =	vst.idx.msk vm0, v13;
	v6 =	vadd.s32 v5, v7  }
0xe8: {  	[tilespmem:s30+$0x0] =	vst v11;
	v7 =	vmul.f32 v12, v14  }
0xe9: {  	v9 =	vmul.f32 v9, v17;
	[tilespmem:s30+$0x10] =	vst v8  }
0xea: {  	[tilespmem:s30+$0x20] =	vst v7  }
0xeb: {  	[tilespmem:s30+$0x30] =	vst v9  }
0xec: {  	[tilespmem:v6+s31+$0x0] =	vst.idx.msk vm0, v10  }
0xed: {  	[spmem:s4] =	stream.indirect.scatter.add.f32 [tilespmem:s31], [sflag:$0x9], $0x48, s7, s7, $0xb8;
	[tilespmem:$0x1EC00] =	vst v63  }
0xee: {  	s25 =	rddreg [dreg:$0x14]  }
0xef: {  	s14 =	simm.s32 $0x0;
	s5 =	sadd.s32 s5, s25  }
0xf0: {  	[tilespmem:s26], [sflag:$0x4] =	stream.linear.gather [hbm4b:s5+s14], $0x100, $0x38;
	[tilespmem:$0x1EC00] =	vst v63  }
0xf1: {  	_ =	swait.ge [sflag:s28], $0x2400  }
0xf2: {  	[sflag:s28] =	ssyncset.done $0x0  }
0xf3: {  	[sflag:s28] =	ssyncadd.s32 $0xFFFFDC00  }
0xf4: {  	_ =	swait.ge [sflag:s29], $0x100  }
0xf5: {  	[sflag:s29] =	ssyncset.done $0x0  }
0xf6: {  	s30 =	simm.s32 $0x200;
	[sflag:s29] =	ssyncadd.s32 $0xFFFFFF00  }
0xf7: {  	[tilespmem:s31], [sflag:$0x5] =	stream.indirect.gather [spmem:s1], $0x48, s30, s7, $0xb8;
	[tilespmem:$0x1EC00] =	vst v63  }
0xf8: {  	s21 =	simm.s32 $0x4C00  }
0xf9: {  	[tilespmem:s21], [sflag:$0x7] =	stream.indirect.gather [spmem:s2], $0x10, s3, s7, $0xb8;
	[tilespmem:$0x1EC00] =	vst v63  }
0xfa: {  	_ =	swait.ge [sflag:s8], $0x2400  }
0xfb: {  	[sflag:s8] =	ssyncset.done $0x0  }
0xfc: {  	[sflag:s8] =	ssyncadd.s32 $0xFFFFDC00  }
0xfd: {  	_ =	swait.ge [sflag:s10], $0x800  }
0xfe: {  	[sflag:s10] =	ssyncset.done $0x0  }
0xff: {  	s20 =	simm.s32 $0x2890;
	[sflag:s10] =	ssyncadd.s32 $0xFFFFF800  }
0x100: {  	s24 =	simm.s32 $0x5420;
	v6 =	vld [tilespmem:s20+$0x80]  }
0x101: {  	v7 =	vld [tilespmem:s24+$0x10]  }
0x102: {  	v8 =	vld [tilespmem:s24+$0xFFFFFFE0]  }
0x103: {  	v9 =	vld [tilespmem:s20+$0xFFFFFFF0]  }
0x104: {  	v10 =	vld [tilespmem:s24+$0xFFFFFFF0]  }
0x105: {  	v11 =	vld [tilespmem:s20+$0x38]  }
0x106: {  	v12 =	vld [tilespmem:s24+$0x0];
	v6 =	vadd.f32 v7, v6  }
0x107: {  	v7 =	vld [tilespmem:s20+$0xFFFFFFA8]  }
0x108: {  	v13 =	vmul.f32 $2.000000030e-01, v6  }
0x109: {  	vm1 =	vgt.f32 v6, $0.0e+00  }
0x10a: {  	v14 =	vld [tilespmem:s20+$0xFFFFFF90];
	v9 =	vadd.f32 v10, v9;
	v6 =	vsel vm1, v6, v13  }
0x10b: {  	v15 =	vld [tilespmem:s20+$0xFFFFFFC8];
	v10 =	vadd.f32 v12, v11;
	v6 =	vmul.f32 $1.442695020e+00, v6  }
0x10c: {  	v16 =	vld [tilespmem:s20+$0xFFFFFFD8];
	v12 =	vmul.f32 $2.000000030e-01, v9;
	v7 =	vadd.f32 v8, v7  }
0x10d: {  	v17 =	vld [tilespmem:s20+$0x68];
	vm1 =	vgt.f32 v9, $0.0e+00;
	v13 =	vmul.f32 $2.000000030e-01, v10;
	(erf) = vpow2.f32 v6  }
0x10e: {  	s5 =	simm.s32 $0x29B0;
	v20 =	vld [tilespmem:s20+$0x78];
	vm2 =	vgt.f32 v10, $0.0e+00;
	v9 =	vsel vm1, v9, v12;
	v6 =	vmul.f32 $2.000000030e-01, v7  }
0x10f: {  	v22 =	vld [tilespmem:s5+$0x80];
	v9 =	vmul.f32 $1.442695020e+00, v9;
	v10 =	vsel vm2, v10, v13;
	vm1 =	vgt.f32 v7, $0.0e+00  }
0x110: {  	v25 =	vld [tilespmem:s20+$0xFFFFFFE8];
	v6 =	vsel vm1, v7, v6;
	v7 =	vmul.f32 $1.442695020e+00, v10  }
0x111: {  	v26 =	vld [tilespmem:s20+$0x0];
	(erf) = vpow2.f32 v9;
	v6 =	vmul.f32 $1.442695020e+00, v6  }
0x112: {  	s6 =	simm.s32 $0x3;
	v50 =	vld [tilespmem:s5+$0x38];
	(erf) = vpow2.f32 v7  }
0x113: {  	v18 =	vmov s6;
	v7 =	vmov s14;
	s14 =	simm.s32 $0x5460;
	(erf) = vpow2.f32 v6;
	v6 =	vld [tilespmem:s20+$0x48]  }
0x114: {  	v18 =	vmul.u32 $0x48, v18;
	s25 =	simm.s32 $0x1;
	v24 =	vld [tilespmem:s14+$0x10]  }
0x115: {  	v9 =	vld [tilespmem:s20+$0x58];
	v10 =	vmov s25  }
0x116: {  	v18 =	vbroadcast v18, $0x0;
	v10 =	vmul.u32 $0x48, v10;
	v7 =	vmul.u32 $0x48, v7;
	v53 =	vld [tilespmem:s14+$0x0];
	v19 =	vpop (erf)  }
0x117: {  	v28 =	vld [tilespmem:s20+$0x10];
	v21 =	vperm.xlane v19, v1;
	v23 =	vperm.xlane v19, v2  }
0x118: {  	v18 =	vadd.s32 v5, v18;
	v44 =	vld [tilespmem:s5+$0xFFFFFFA8];
	v10 =	vbroadcast v10, $0x0;
	v7 =	vbroadcast v7, $0x0  }
0x119: {  	v45 =	vld [tilespmem:s20+$0x20];
	v27 =	vperm.xlane v19, v3;
	v22 =	vadd.f32 v24, v22;
	v21 =	vmul.f32 v21, v6  }
0x11a: {  	v46 =	vld [tilespmem:s20+$0x30];
	v49 =	vadd.s32 v5, v7;
	v29 =	vperm.xlane v19, v4;
	v9 =	vmul.f32 v23, v9  }
0x11b: {  	v11 =	vld [tilespmem:s20+$0xFFFFFF70];
	v58 =	vadd.f32 v53, v50;
	v17 =	vmul.f32 v27, v17;
	v7 =	vmul.f32 $2.000000030e-01, v22;
	v23 =	vpop (erf);
	[tilespmem:s20+$0x48] =	vst v21  }
0x11c: {  	v13 =	vld [tilespmem:s20+$0xFFFFFFB8];
	v20 =	vmul.f32 v29, v20;
	vm1 =	vgt.f32 v22, $0.0e+00;
	[tilespmem:s20+$0x58] =	vst v9;
	v30 =	vperm.xlane v23, v1  }
0x11d: {  	v62 =	vld [tilespmem:s14+$0xFFFFFFF0];
	v22 =	vsel vm1, v22, v7;
	[tilespmem:s20+$0x68] =	vst v17;
	v31 =	vperm.xlane v23, v2;
	v51 =	vperm.xlane v23, v3  }
0x11e: {  	v29 =	vld [tilespmem:s5+$0xFFFFFFF0];
	v17 =	vadd.s32 v5, v10;
	[tilespmem:s20+$0x78] =	vst v20;
	v6 =	vpop (erf);
	v52 =	vperm.xlane v23, v4;
	v10 =	vmul.f32 $1.442695020e+00, v22  }
0x11f: {  	v27 =	vld [tilespmem:s14+$0xFFFFFFE0];
	[tilespmem:v18+s17+$0x0] =	vst.idx.msk vm0, v19;
	v19 =	vmul.f32 $2.000000030e-01, v58;
	v54 =	vperm.xlane v6, v1  }
0x120: {  	s6 =	simm.s32 $0x4;
	v8 =	vld [tilespmem:s20+$0xFFFFFF80];
	vm2 =	vgt.f32 v58, $0.0e+00;
	v60 =	vpop (erf);
	v55 =	vperm.xlane v6, v2;
	v56 =	vperm.xlane v6, v3  }
0x121: {  	v12 =	vld [tilespmem:s20+$0xFFFFFFA0];
	s14 =	simm.s32 $0x2AD0;
	v21 =	vmov s6;
	v57 =	vperm.xlane v6, v4;
	v61 =	vperm.xlane v60, v1  }
0x122: {  	v33 =	vld [tilespmem:s14+$0xFFFFFFF0];
	v21 =	vmul.u32 $0x48, v21;
	v24 =	vperm.xlane v60, v2;
	v63 =	vperm.xlane v60, v3  }
0x123: {  	v36 =	vld [tilespmem:s14+$0x38];
	v48 =	vperm.xlane v60, v4;
	v29 =	vadd.f32 v62, v29;
	v13 =	vmul.f32 v30, v13  }
0x124: {  	v7 =	vld [tilespmem:s5+$0xFFFFFF70];
	v18 =	vadd.f32 v27, v44;
	(erf) = vpow2.f32 v10;
	v11 =	vmul.f32 v61, v11  }
0x125: {  	v9 =	vld [tilespmem:s5+$0xFFFFFF90];
	v19 =	vsel vm2, v58, v19;
	v24 =	vmul.f32 v24, v8;
	v20 =	vmul.f32 $2.000000030e-01, v29;
	[tilespmem:s20+$0xFFFFFFB8] =	vst v13  }
0x126: {  	v10 =	vld [tilespmem:s5+$0xFFFFFFB8];
	v59 =	vbroadcast v21, $0x0;
	v14 =	vmul.f32 v63, v14;
	vm1 =	vgt.f32 v29, $0.0e+00;
	[tilespmem:s20+$0xFFFFFF70] =	vst v11  }
0x127: {  	v30 =	vld [tilespmem:s5+$0x78];
	v12 =	vmul.f32 v48, v12;
	v22 =	vmul.f32 $2.000000030e-01, v18;
	[tilespmem:s20+$0xFFFFFF80] =	vst v24;
	v20 =	vsel vm1, v29, v20  }
0x128: {  	v19 =	vmul.f32 $1.442695020e+00, v19;
	v8 =	vld [tilespmem:s5+$0xFFFFFF80];
	vm3 =	vgt.f32 v18, $0.0e+00;
	[tilespmem:s20+$0xFFFFFF90] =	vst v14;
	v20 =	vmul.f32 $1.442695020e+00, v20  }
0x129: {  	v13 =	vld [tilespmem:s5+$0x0];
	v24 =	vmul.f32 v31, v15;
	[tilespmem:s20+$0xFFFFFFA0] =	vst v12;
	v18 =	vsel vm3, v18, v22;
	v22 =	vmul.f32 v51, v16  }
0x12a: {  	s21 =	simm.s32 $0x5;
	v11 =	vld [tilespmem:s5+$0xFFFFFFA0];
	[tilespmem:v49+s17+$0x0] =	vst.idx.msk vm0, v60;
	v18 =	vmul.f32 $1.442695020e+00, v18;
	(erf) = vpow2.f32 v20  }
0x12b: {  	v14 =	vld [tilespmem:s5+$0xFFFFFFC8];
	[tilespmem:s20+$0xFFFFFFC8] =	vst v24;
	v20 =	vmov s21;
	(erf) = vpow2.f32 v19;
	v19 =	vmul.f32 v52, v25  }
0x12c: {  	s25 =	simm.s32 $0x7;
	[tilespmem:s20+$0xFFFFFFD8] =	vst v22;
	v22 =	vld [tilespmem:s5+$0x48];
	v20 =	vmul.u32 $0x48, v20;
	v25 =	vmul.f32 v55, v28;
	(erf) = vpow2.f32 v18  }
0x12d: {  	v27 =	vmov s25;
	v28 =	vmul.f32 v57, v46;
	v18 =	vmul.f32 v54, v26;
	[tilespmem:s20+$0xFFFFFFE8] =	vst v19;
	v19 =	vld [tilespmem:s5+$0x58]  }
0x12e: {  	s24 =	simm.s32 $0x2;
	v26 =	vmul.f32 v56, v45;
	v60 =	vpop (erf);
	v21 =	vbroadcast v20, $0x0;
	v20 =	vld [tilespmem:s5+$0x68];
	[tilespmem:v17+s17+$0x0] =	vst.idx.msk vm0, v23;
	v23 =	vmul.u32 $0x48, v27  }
0x12f: {  	v15 =	vld [tilespmem:s5+$0xFFFFFFD8];
	v24 =	vmov s24;
	[tilespmem:s20+$0x10] =	vst v25;
	v25 =	vperm.xlane v60, v2;
	v61 =	vperm.xlane v60, v4  }
0x130: {  	v12 =	vld [tilespmem:s5+$0xFFFFFFE8];
	v24 =	vmul.u32 $0x48, v24;
	[tilespmem:s20+$0x30] =	vst v28;
	v27 =	vperm.xlane v60, v1;
	v23 =	vbroadcast v23, $0x0  }
0x131: {  	v16 =	vld [tilespmem:s5+$0x10];
	[tilespmem:s20+$0x20] =	vst v26;
	v26 =	vperm.xlane v60, v3;
	v63 =	vmul.f32 v61, v30  }
0x132: {  	v29 =	vld [tilespmem:s14+$0x80];
	s21 =	simm.s32 $0x54A0;
	v24 =	vbroadcast v24, $0x0;
	[tilespmem:s20+$0x0] =	vst v18;
	v22 =	vmul.f32 v27, v22;
	v62 =	vadd.s32 v5, v23  }
0x133: {  	v31 =	vld [tilespmem:s21+$0x10];
	[tilespmem:s5+$0x78] =	vst v63;
	v27 =	vmul.f32 v25, v19;
	v26 =	vmul.f32 v26, v20;
	v19 =	vpop (erf)  }
0x134: {  	v38 =	vld [tilespmem:s21+$0xFFFFFFF0];
	v30 =	vadd.s32 v5, v24;
	[tilespmem:s5+$0x48] =	vst v22;
	v25 =	vperm.xlane v19, v1;
	v20 =	vpop (erf);
	v22 =	vperm.xlane v19, v2  }
0x135: {  	v28 =	vld [tilespmem:s21+$0xFFFFFFE0];
	[tilespmem:s5+$0x68] =	vst v26;
	v26 =	vperm.xlane v19, v3;
	v24 =	vperm.xlane v19, v4;
	v23 =	vpop (erf)  }
0x136: {  	v17 =	vld [tilespmem:s5+$0x20];
	[tilespmem:s5+$0x58] =	vst v27;
	v27 =	vadd.s32 v5, v59;
	v37 =	vperm.xlane v23, v1;
	v34 =	vperm.xlane v23, v2  }
0x137: {  	s24 =	simm.s32 $0xC;
	v18 =	vld [tilespmem:s5+$0x30];
	s20 =	simm.s32 $0x8;
	v35 =	vperm.xlane v23, v3;
	v32 =	vperm.xlane v23, v4;
	[tilespmem:v62+s17+$0x0] =	vst.idx.msk vm0, v60  }
.LBB2_7:
0x138: {  	p0 =	slt.u32 s24, $0x7C;
	v39 =	vld [tilespmem:s21+$0x0];
	v29 =	vadd.f32 v31, v29;
	v31 =	vperm.xlane v20, v1;
	v40 =	vperm.xlane v20, v2  }
0x139: {  	v42 =	vmov s20;
	v43 =	vperm.xlane v20, v3;
	v44 =	vperm.xlane v20, v4;
	v41 =	vld [tilespmem:s14+$0xFFFFFFA8];
	[tilespmem:v30+s17+$0x0] =	vst.idx.msk vm0, v6;
	v6 =	vmovc v20  }
0x13a: {  	v21 =	vadd.s32 v5, v21;
	v30 =	vmul.f32 v37, v7;
	v20 =	vmul.f32 $2.000000030e-01, v29;
	v7 =	vld [tilespmem:s14+$0xFFFFFF70]  }
0x13b: {  	v34 =	vmul.f32 v34, v8;
	vm1 =	vgt.f32 v29, $0.0e+00;
	v33 =	vadd.f32 v38, v33;
	v8 =	vld [tilespmem:s14+$0xFFFFFF80]  }
0x13c: {  	v20 =	vsel vm1, v29, v20;
	[tilespmem:s5+$0xFFFFFF70] =	vst v30;
	v29 =	vmul.f32 v35, v9;
	v9 =	vld [tilespmem:s14+$0xFFFFFF90];
	v30 =	vmul.f32 v32, v11  }
0x13d: {  	v11 =	vld [tilespmem:s14+$0xFFFFFFA0];
	v32 =	vmul.f32 $2.000000030e-01, v33;
	v35 =	vadd.f32 v39, v36;
	v20 =	vmul.f32 $1.442695020e+00, v20;
	[tilespmem:s5+$0xFFFFFF80] =	vst v34  }
0x13e: {  	v25 =	vmul.f32 v25, v10;
	vm1 =	vgt.f32 v33, $0.0e+00;
	v28 =	vadd.f32 v28, v41;
	[tilespmem:s5+$0xFFFFFF90] =	vst v29;
	v10 =	vld [tilespmem:s14+$0xFFFFFFB8]  }
0x13f: {  	v29 =	vld [tilespmem:s14+$0xFFFFFFC8];
	vm2 =	vgt.f32 v35, $0.0e+00;
	v34 =	vmul.f32 $2.000000030e-01, v35;
	(erf) = vpow2.f32 v20;
	[tilespmem:s5+$0xFFFFFFA0] =	vst v30  }
0x140: {  	v30 =	vsel vm1, v33, v32;
	vm3 =	vgt.f32 v28, $0.0e+00;
	v20 =	vmul.f32 $2.000000030e-01, v28;
	v32 =	vld [tilespmem:s14+$0xFFFFFFD8];
	[tilespmem:v27+s17+$0x0] =	vst.idx.msk vm0, v23  }
0x141: {  	v33 =	vmul.f32 v22, v14;
	v23 =	vmul.f32 $1.442695020e+00, v30;
	v27 =	vld [tilespmem:s14+$0xFFFFFFE8];
	v30 =	vsel vm2, v35, v34;
	[tilespmem:s5+$0xFFFFFFB8] =	vst v25  }
0x142: {  	v34 =	vmul.f32 v26, v15;
	v20 =	vsel vm3, v28, v20;
	v22 =	vmul.f32 $1.442695020e+00, v30;
	v25 =	vld [tilespmem:s14+$0x0]  }
0x143: {  	s25 =	sadd.s32 $0x1, s20;
	v26 =	vmul.u32 $0x48, v42;
	v20 =	vmul.f32 $1.442695020e+00, v20;
	v28 =	vld [tilespmem:s14+$0x10];
	(erf) = vpow2.f32 v23;
	[tilespmem:s5+$0xFFFFFFC8] =	vst v33  }
0x144: {  	v23 =	vmov s25;
	v33 =	vmul.f32 v24, v12;
	s25 =	sadd.s32 $0x2, s6;
	s6 =	smov.u32 s20;
	s20 =	smov.u32 s24;
	v30 =	vld [tilespmem:s14+$0x20];
	(erf) = vpow2.f32 v22;
	[tilespmem:s5+$0xFFFFFFD8] =	vst v34;
	v14 =	vmovc v29  }
0x145: {  	v22 =	vld [tilespmem:s14+$0x30];
	(erf) = vpow2.f32 v20;
	v20 =	vmul.f32 v31, v13;
	v31 =	vmov s25;
	v15 =	vmovc v32  }
0x146: {  	v23 =	vmul.u32 $0x48, v23;
	v34 =	vmul.f32 v40, v16;
	v29 =	vmul.f32 v43, v17;
	s25 =	sadd.s32 $0x3, s6;
	v24 =	vld [tilespmem:s14+$0x48];
	[tilespmem:s5+$0xFFFFFFE8] =	vst v33;
	v12 =	vmovc v27  }
0x147: {  	v35 =	vmov s25;
	v31 =	vmul.u32 $0x48, v31;
	v27 =	vld [tilespmem:s14+$0x58];
	[tilespmem:v21+s17+$0x0] =	vst.idx.msk vm0, v19;
	v19 =	vmul.f32 v44, v18;
	v13 =	vmovc v25  }
0x148: {  	v26 =	vbroadcast v26, $0x0;
	v21 =	vbroadcast v23, $0x0;
	v25 =	vmul.u32 $0x48, v35;
	v23 =	vld [tilespmem:s14+$0x68];
	v39 =	vpop (erf);
	[tilespmem:s5+$0x0] =	vst v20  }
0x149: {  	v33 =	vbroadcast v31, $0x0;
	v16 =	vmovc v28;
	v20 =	vperm.xlane v39, v1;
	v32 =	vld [tilespmem:s14+$0x78];
	[tilespmem:s5+$0x10] =	vst v34;
	v17 =	vmov v30  }
0x14a: {  	v28 =	vperm.xlane v39, v2;
	v25 =	vbroadcast v25, $0x0;
	[tilespmem:s5+$0x20] =	vst v29;
	v18 =	vmov v22  }
0x14b: {  	v22 =	vperm.xlane v39, v3;
	v30 =	vmul.f32 v20, v24;
	[tilespmem:s5+$0x30] =	vst v19;
	s5 =	smov.u32 s14;
	s14 =	sadd.s32 $0x120, s14  }
0x14c: {  	s21 =	sadd.s32 $0x40, s21;
	v40 =	vadd.s32 v5, v25;
	v29 =	vld [tilespmem:s14+$0x80];
	v24 =	vmul.f32 v28, v27;
	v27 =	vperm.xlane v39, v4;
	v19 =	vpop (erf)  }
.Ltmp2:
0x14d: {  	v31 =	vld [tilespmem:s21+$0x10];
	v25 =	vperm.xlane v19, v1;
	[tilespmem:s5+$0x48] =	vst v30;
	v35 =	vmul.f32 v22, v23;
	v20 =	vpop (erf);
	(pc) =	sbr.rel @p0 .LBB2_7-.Ltmp2, $4  }
0x14e: {  	v22 =	vperm.xlane v19, v2;
	v30 =	vadd.s32 v5, v33;
	v28 =	vld [tilespmem:s21+$0xFFFFFFE0];
	[tilespmem:s5+$0x58] =	vst v24;
	v24 =	vmul.f32 v27, v32;
	v23 =	vpop (erf)  }
0x14f: {  	v33 =	vld [tilespmem:s14+$0xFFFFFFF0];
	v37 =	vperm.xlane v23, v1;
	v34 =	vperm.xlane v23, v2;
	[tilespmem:s5+$0x68] =	vst v35  }
0x150: {  	v27 =	vadd.s32 v5, v26;
	v35 =	vperm.xlane v23, v3;
	v32 =	vperm.xlane v23, v4;
	v38 =	vld [tilespmem:s21+$0xFFFFFFF0];
	[tilespmem:s5+$0x78] =	vst v24  }
0x151: {  	s24 =	sadd.s32 $0x4, s24;
	v26 =	vperm.xlane v19, v3;
	v24 =	vperm.xlane v19, v4;
	v36 =	vld [tilespmem:s14+$0x38];
	[tilespmem:v40+s17+$0x0] =	vst.idx.msk vm0, v39  }
0x152: {  	v29 =	vadd.f32 v31, v29  }
0x153: {  	v39 =	vld [tilespmem:s21+$0x0];
	v31 =	vperm.xlane v20, v1;
	v40 =	vperm.xlane v20, v2  }
0x154: {  	v41 =	vld [tilespmem:s14+$0xFFFFFFA8];
	v9 =	vmul.f32 v35, v9;
	v43 =	vmul.f32 $2.000000030e-01, v29  }
0x155: {  	v42 =	vperm.xlane v20, v3;
	v7 =	vmul.f32 v37, v7;
	vm1 =	vgt.f32 v29, $0.0e+00  }
0x156: {  	v8 =	vmul.f32 v34, v8;
	[tilespmem:s5+$0xFFFFFF90] =	vst v9;
	v9 =	vmul.f32 v22, v14;
	v29 =	vsel vm1, v29, v43  }
0x157: {  	v11 =	vmul.f32 v32, v11;
	s6 =	sadd.s32 $0x2, s6;
	v29 =	vmul.f32 $1.442695020e+00, v29  }
0x158: {  	v10 =	vmul.f32 v25, v10;
	v33 =	vadd.f32 v38, v33;
	[tilespmem:s5+$0xFFFFFFC8] =	vst v9;
	v9 =	vmov s6  }
0x159: {  	[tilespmem:v30+s17+$0x0] =	vst.idx.msk vm0, v6;
	v59 =	vadd.f32 v39, v36;
	v28 =	vadd.f32 v28, v41;
	(erf) = vpow2.f32 v29  }
0x15a: {  	[tilespmem:s5+$0xFFFFFF70] =	vst v7;
	v6 =	vmul.f32 $2.000000030e-01, v33;
	vm1 =	vgt.f32 v33, $0.0e+00;
	v9 =	vmul.u32 $0x48, v9  }
0x15b: {  	[tilespmem:s5+$0xFFFFFF80] =	vst v8;
	v7 =	vmul.f32 $2.000000030e-01, v59;
	vm2 =	vgt.f32 v59, $0.0e+00;
	v8 =	vmul.f32 $2.000000030e-01, v28  }
0x15c: {  	v6 =	vsel vm1, v33, v6;
	vm1 =	vgt.f32 v28, $0.0e+00;
	v9 =	vbroadcast v9, $0x0  }
0x15d: {  	v6 =	vmul.f32 $1.442695020e+00, v6;
	v7 =	vsel vm2, v59, v7;
	v8 =	vsel vm1, v28, v8  }
0x15e: {  	[tilespmem:s5+$0xFFFFFFA0] =	vst v11;
	v7 =	vmul.f32 $1.442695020e+00, v7;
	v8 =	vmul.f32 $1.442695020e+00, v8  }
0x15f: {  	v11 =	vadd.s32 v5, v21;
	[tilespmem:s5+$0xFFFFFFB8] =	vst v10;
	(erf) = vpow2.f32 v6;
	v6 =	vmul.f32 v26, v15  }
0x160: {  	s25 =	sadd.s32 $0x3, s20;
	v10 =	vld [tilespmem:s14+$0x48];
	[tilespmem:v27+s17+$0x0] =	vst.idx.msk vm0, v23;
	(erf) = vpow2.f32 v7;
	v7 =	vmul.f32 v24, v12  }
0x161: {  	[tilespmem:s5+$0xFFFFFFD8] =	vst v6;
	v6 =	vmul.f32 v31, v13;
	v13 =	vmov s25;
	(erf) = vpow2.f32 v8  }
0x162: {  	v14 =	vmul.f32 v42, v17;
	v8 =	vperm.xlane v20, v4;
	v13 =	vmul.u32 $0x48, v13;
	[tilespmem:s5+$0xFFFFFFE8] =	vst v7;
	v15 =	vpop (erf)  }
0x163: {  	v9 =	vadd.s32 v5, v9;
	v12 =	vld [tilespmem:s14+$0x58];
	v7 =	vmul.f32 v40, v16;
	[tilespmem:s5+$0x0] =	vst v6;
	v6 =	vperm.xlane v15, v1  }
0x164: {  	[tilespmem:v11+s17+$0x0] =	vst.idx.msk vm0, v19;
	v8 =	vmul.f32 v8, v18;
	v11 =	vld [tilespmem:s14+$0x68];
	v13 =	vbroadcast v13, $0x0  }
0x165: {  	v16 =	vld [tilespmem:s14+$0x78];
	[tilespmem:s5+$0x10] =	vst v7;
	v6 =	vmul.f32 v6, v10;
	v10 =	vperm.xlane v15, v3  }
0x166: {  	v7 =	vperm.xlane v15, v2;
	[tilespmem:s5+$0x30] =	vst v8;
	v8 =	vperm.xlane v15, v4  }
0x167: {  	[tilespmem:s5+$0x20] =	vst v14  }
0x168: {  	v14 =	vld [tilespmem:s14+$0xFFFFFF70];
	[tilespmem:v9+s17+$0x0] =	vst.idx.msk vm0, v20;
	v7 =	vmul.f32 v7, v12;
	v12 =	vadd.s32 v5, v13;
	v13 =	vpop (erf)  }
0x169: {  	v17 =	vmov s20;
	v18 =	vld [tilespmem:s14+$0xFFFFFF80];
	[tilespmem:s14+$0x48] =	vst v6;
	v6 =	vmul.f32 v10, v11;
	v10 =	vpop (erf)  }
0x16a: {  	v17 =	vmul.u32 $0x48, v17;
	v11 =	vld [tilespmem:s14+$0xFFFFFF90];
	[tilespmem:s14+$0x58] =	vst v7;
	v7 =	vmul.f32 v8, v16;
	v8 =	vpop (erf)  }
0x16b: {  	v16 =	vld [tilespmem:s14+$0xFFFFFFA0];
	[tilespmem:s14+$0x68] =	vst v6;
	v19 =	vperm.xlane v8, v1  }
0x16c: {  	s6 =	sadd.s32 $0x1, s20;
	v17 =	vbroadcast v17, $0x0;
	[tilespmem:s14+$0x78] =	vst v7;
	v21 =	vperm.xlane v8, v2  }
0x16d: {  	v6 =	vmov s6;
	v7 =	vld [tilespmem:s14+$0xFFFFFFB8];
	[tilespmem:v12+s17+$0x0] =	vst.idx.msk vm0, v15;
	v22 =	vperm.xlane v8, v3;
	v12 =	vmul.f32 v19, v14  }
0x16e: {  	v15 =	vadd.s32 v5, v17;
	v23 =	vperm.xlane v8, v4;
	v14 =	vld [tilespmem:s14+$0xFFFFFFC8];
	v9 =	vmul.f32 v21, v18  }
0x16f: {  	v20 =	vperm.xlane v13, v4;
	v6 =	vmul.u32 $0x48, v6;
	v17 =	vld [tilespmem:s14+$0xFFFFFFD8];
	v11 =	vmul.f32 v22, v11;
	[tilespmem:s14+$0xFFFFFF70] =	vst v12  }
0x170: {  	v18 =	vperm.xlane v13, v1;
	v16 =	vmul.f32 v23, v16;
	v12 =	vld [tilespmem:s14+$0xFFFFFFE8];
	[tilespmem:s14+$0xFFFFFF80] =	vst v9  }
0x171: {  	v6 =	vbroadcast v6, $0x0;
	v9 =	vperm.xlane v13, v2;
	[tilespmem:s14+$0xFFFFFF90] =	vst v11  }
0x172: {  	s20 =	sadd.s32 $0x2, s20;
	v19 =	vperm.xlane v13, v3;
	v11 =	vld [tilespmem:s14+$0x0];
	v7 =	vmul.f32 v18, v7;
	[tilespmem:s14+$0xFFFFFFA0] =	vst v16  }
0x173: {  	v6 =	vadd.s32 v5, v6;
	v16 =	vld [tilespmem:s14+$0x10];
	[tilespmem:v15+s17+$0x0] =	vst.idx.msk vm0, v8;
	v8 =	vmul.f32 v9, v14;
	v9 =	vmov s20  }
0x174: {  	v18 =	vperm.xlane v10, v2;
	[tilespmem:s14+$0xFFFFFFB8] =	vst v7;
	v7 =	vmul.f32 v19, v17;
	v14 =	vld [tilespmem:s14+$0x20];
	v9 =	vmul.u32 $0x48, v9  }
0x175: {  	v15 =	vperm.xlane v10, v1;
	v17 =	vld [tilespmem:s14+$0x30];
	[tilespmem:s14+$0xFFFFFFC8] =	vst v8;
	v8 =	vmul.f32 v20, v12  }
0x176: {  	[tilespmem:s14+$0xFFFFFFD8] =	vst v7;
	v12 =	vperm.xlane v10, v3;
	v7 =	vbroadcast v9, $0x0  }
0x177: {  	v11 =	vmul.f32 v15, v11;
	v9 =	vperm.xlane v10, v4;
	[tilespmem:s14+$0xFFFFFFE8] =	vst v8  }
0x178: {  	v8 =	vmul.f32 v18, v16;
	[tilespmem:v6+s17+$0x0] =	vst.idx.msk vm0, v13;
	v6 =	vadd.s32 v5, v7  }
0x179: {  	[tilespmem:s14+$0x0] =	vst v11;
	v7 =	vmul.f32 v12, v14  }
0x17a: {  	v9 =	vmul.f32 v9, v17;
	[tilespmem:s14+$0x10] =	vst v8  }
0x17b: {  	[tilespmem:s14+$0x20] =	vst v7  }
0x17c: {  	[tilespmem:s14+$0x30] =	vst v9  }
0x17d: {  	[tilespmem:v6+s17+$0x0] =	vst.idx.msk vm0, v10  }
0x17e: {  	[spmem:s4] =	stream.indirect.scatter.add.f32 [tilespmem:s17], [sflag:$0xA], $0x48, s18, s7, $0xb8;
	[tilespmem:$0x1EC00] =	vst v63  }
0x17f: {  	p0 =	seq.s32 s0, $0x14;
	s5 =	rddreg [dreg:$0x17]  }
0x180: {  	s6 =	simm.s32 @!p0 $0x0;
	s5 =	sadd.s32 @!p0 s9, s5  }
0x181: {  	[tilespmem:s6], [sflag:$0x1] =	stream.linear.gather @!p0 [hbm4b:s5+s6], $0x100, $0x38;
	[tilespmem:$0x1EC00] =	vst v63  }
0x182: {  	_ =	swait.ge [sflag:s11], $0x2400  }
0x183: {  	[sflag:s11] =	ssyncset.done $0x0  }
0x184: {  	[sflag:s11] =	ssyncadd.s32 $0xFFFFDC00  }
0x185: {  	_ =	swait.ge [sflag:s12], $0x100  }
0x186: {  	[sflag:s12] =	ssyncset.done $0x0  }
0x187: {  	[sflag:s12] =	ssyncadd.s32 $0xFFFFFF00  }
0x188: {  	[tilespmem:s17], [sflag:$0x6] =	stream.indirect.gather [spmem:s1], $0x48, s26, s7, $0xb8;
	[tilespmem:$0x1EC00] =	vst v63  }
0x189: {  	_ = 	snop  }
0x18a: {  	[tilespmem:s19], [sflag:$0x8] =	stream.indirect.gather [spmem:s2], $0x10, s13, s7, $0xb8;
	[tilespmem:$0x1EC00] =	vst v63  }
0x18b: {  	_ =	swait.ge [sflag:s22], $0x2400  }
0x18c: {  	[sflag:s22] =	ssyncset.done $0x0  }
0x18d: {  	[sflag:s22] =	ssyncadd.s32 $0xFFFFDC00  }
0x18e: {  	_ =	swait.ge [sflag:s23], $0x800  }
0x18f: {  	[sflag:s23] =	ssyncset.done $0x0  }
0x190: {  	s20 =	simm.s32 $0x490;
	[sflag:s23] =	ssyncadd.s32 $0xFFFFF800  }
0x191: {  	s21 =	simm.s32 $0x4C20;
	v6 =	vld [tilespmem:s20+$0x80]  }
0x192: {  	v7 =	vld [tilespmem:s21+$0x10];
	_ =	sdelay $0x1  }
0x193: {  	v8 =	vld [tilespmem:s21+$0xFFFFFFE0]  }
0x194: {  	v9 =	vld [tilespmem:s20+$0xFFFFFFF0]  }
0x195: {  	v10 =	vld [tilespmem:s21+$0xFFFFFFF0]  }
0x196: {  	v11 =	vld [tilespmem:s20+$0x38];
	v6 =	vadd.f32 v7, v6  }
0x197: {  	v12 =	vld [tilespmem:s21+$0x0]  }
0x198: {  	v7 =	vld [tilespmem:s20+$0xFFFFFFA8];
	v13 =	vmul.f32 $2.000000030e-01, v6  }
0x199: {  	vm1 =	vgt.f32 v6, $0.0e+00  }
0x19a: {  	v14 =	vld [tilespmem:s20+$0xFFFFFF90];
	v6 =	vsel vm1, v6, v13  }
0x19b: {  	v15 =	vld [tilespmem:s20+$0xFFFFFFC8];
	v9 =	vadd.f32 v10, v9;
	v6 =	vmul.f32 $1.442695020e+00, v6  }
0x19c: {  	v16 =	vld [tilespmem:s20+$0xFFFFFFD8];
	v10 =	vadd.f32 v12, v11  }
0x19d: {  	v17 =	vld [tilespmem:s20+$0x68];
	v12 =	vmul.f32 $2.000000030e-01, v9;
	v7 =	vadd.f32 v8, v7;
	(erf) = vpow2.f32 v6  }
0x19e: {  	s5 =	simm.s32 $0x5B0;
	v20 =	vld [tilespmem:s20+$0x78];
	vm1 =	vgt.f32 v9, $0.0e+00;
	v13 =	vmul.f32 $2.000000030e-01, v10  }
0x19f: {  	s14 =	simm.s32 $0x4C60;
	v22 =	vld [tilespmem:s5+$0x80];
	vm2 =	vgt.f32 v10, $0.0e+00;
	v9 =	vsel vm1, v9, v12;
	v6 =	vmul.f32 $2.000000030e-01, v7  }
0x1a0: {  	v24 =	vld [tilespmem:s14+$0x10];
	v9 =	vmul.f32 $1.442695020e+00, v9;
	v10 =	vsel vm2, v10, v13;
	vm1 =	vgt.f32 v7, $0.0e+00  }
0x1a1: {  	s6 =	simm.s32 $0x3;
	v25 =	vld [tilespmem:s20+$0xFFFFFFE8];
	v6 =	vsel vm1, v7, v6;
	v7 =	vmul.f32 $1.442695020e+00, v10  }
0x1a2: {  	s25 =	simm.s32 $0x1;
	v18 =	vmov s6;
	v26 =	vld [tilespmem:s20+$0x0];
	(erf) = vpow2.f32 v9;
	v6 =	vmul.f32 $1.442695020e+00, v6  }
0x1a3: {  	s24 =	simm.s32 $0x0;
	v18 =	vmul.u32 $0x48, v18;
	v28 =	vld [tilespmem:s20+$0x10];
	v10 =	vmov s25;
	(erf) = vpow2.f32 v7  }
0x1a4: {  	v10 =	vmul.u32 $0x48, v10;
	v7 =	vmov s24;
	(erf) = vpow2.f32 v6;
	v6 =	vld [tilespmem:s20+$0x48]  }
0x1a5: {  	v62 =	vld [tilespmem:s14+$0xFFFFFFF0];
	v7 =	vmul.u32 $0x48, v7  }
0x1a6: {  	v18 =	vbroadcast v18, $0x0;
	v9 =	vld [tilespmem:s20+$0x58];
	v10 =	vbroadcast v10, $0x0;
	v19 =	vpop (erf)  }
0x1a7: {  	v50 =	vld [tilespmem:s5+$0x38];
	v22 =	vadd.f32 v24, v22;
	v7 =	vbroadcast v7, $0x0;
	v21 =	vperm.xlane v19, v1  }
0x1a8: {  	v18 =	vadd.s32 v5, v18;
	v53 =	vld [tilespmem:s14+$0x0];
	v23 =	vperm.xlane v19, v2;
	v27 =	vperm.xlane v19, v3  }
0x1a9: {  	v44 =	vld [tilespmem:s5+$0xFFFFFFA8];
	v49 =	vadd.s32 v5, v7;
	v7 =	vmul.f32 $2.000000030e-01, v22;
	v21 =	vmul.f32 v21, v6  }
0x1aa: {  	v45 =	vld [tilespmem:s20+$0x20];
	vm1 =	vgt.f32 v22, $0.0e+00;
	v29 =	vperm.xlane v19, v4;
	v17 =	vmul.f32 v27, v17  }
0x1ab: {  	v46 =	vld [tilespmem:s20+$0x30];
	v22 =	vsel vm1, v22, v7;
	v9 =	vmul.f32 v23, v9;
	[tilespmem:s20+$0x48] =	vst v21  }
0x1ac: {  	v11 =	vld [tilespmem:s20+$0xFFFFFF70];
	v20 =	vmul.f32 v29, v20;
	v23 =	vpop (erf);
	[tilespmem:s20+$0x68] =	vst v17;
	v17 =	vadd.s32 v5, v10;
	v10 =	vmul.f32 $1.442695020e+00, v22  }
0x1ad: {  	v58 =	vadd.f32 v53, v50;
	v13 =	vld [tilespmem:s20+$0xFFFFFFB8];
	[tilespmem:s20+$0x58] =	vst v9;
	v30 =	vperm.xlane v23, v1;
	v31 =	vperm.xlane v23, v2  }
0x1ae: {  	v29 =	vld [tilespmem:s5+$0xFFFFFFF0];
	[tilespmem:s20+$0x78] =	vst v20;
	v6 =	vpop (erf);
	v51 =	vperm.xlane v23, v3;
	v52 =	vperm.xlane v23, v4  }
0x1af: {  	v27 =	vld [tilespmem:s14+$0xFFFFFFE0];
	[tilespmem:v18+s31+$0x0] =	vst.idx.msk vm0, v19;
	v19 =	vmul.f32 $2.000000030e-01, v58;
	v54 =	vperm.xlane v6, v1  }
0x1b0: {  	s6 =	simm.s32 $0x4;
	v8 =	vld [tilespmem:s20+$0xFFFFFF80];
	vm2 =	vgt.f32 v58, $0.0e+00;
	v55 =	vperm.xlane v6, v2;
	v56 =	vperm.xlane v6, v3  }
0x1b1: {  	v12 =	vld [tilespmem:s20+$0xFFFFFFA0];
	v21 =	vmov s6;
	v60 =	vpop (erf);
	v57 =	vperm.xlane v6, v4;
	(erf) = vpow2.f32 v10  }
0x1b2: {  	v7 =	vld [tilespmem:s5+$0xFFFFFF70];
	s14 =	simm.s32 $0x6D0;
	v21 =	vmul.u32 $0x48, v21;
	v61 =	vperm.xlane v60, v1;
	v24 =	vperm.xlane v60, v2  }
0x1b3: {  	v33 =	vld [tilespmem:s14+$0xFFFFFFF0];
	v63 =	vperm.xlane v60, v3;
	v29 =	vadd.f32 v62, v29;
	v13 =	vmul.f32 v30, v13  }
0x1b4: {  	v36 =	vld [tilespmem:s14+$0x38];
	v48 =	vperm.xlane v60, v4;
	v18 =	vadd.f32 v27, v44;
	v11 =	vmul.f32 v61, v11  }
0x1b5: {  	v9 =	vld [tilespmem:s5+$0xFFFFFF90];
	v19 =	vsel vm2, v58, v19;
	v24 =	vmul.f32 v24, v8;
	v20 =	vmul.f32 $2.000000030e-01, v29;
	[tilespmem:s20+$0xFFFFFFB8] =	vst v13  }
0x1b6: {  	v10 =	vld [tilespmem:s5+$0xFFFFFFB8];
	v59 =	vbroadcast v21, $0x0;
	v14 =	vmul.f32 v63, v14;
	vm1 =	vgt.f32 v29, $0.0e+00;
	[tilespmem:s20+$0xFFFFFF70] =	vst v11  }
0x1b7: {  	v30 =	vld [tilespmem:s5+$0x78];
	v12 =	vmul.f32 v48, v12;
	v22 =	vmul.f32 $2.000000030e-01, v18;
	[tilespmem:s20+$0xFFFFFF80] =	vst v24;
	v20 =	vsel vm1, v29, v20  }
0x1b8: {  	v19 =	vmul.f32 $1.442695020e+00, v19;
	v8 =	vld [tilespmem:s5+$0xFFFFFF80];
	vm3 =	vgt.f32 v18, $0.0e+00;
	[tilespmem:s20+$0xFFFFFF90] =	vst v14;
	v20 =	vmul.f32 $1.442695020e+00, v20  }
0x1b9: {  	v13 =	vld [tilespmem:s5+$0x0];
	v24 =	vmul.f32 v31, v15;
	[tilespmem:s20+$0xFFFFFFA0] =	vst v12;
	v18 =	vsel vm3, v18, v22;
	v22 =	vmul.f32 v51, v16  }
0x1ba: {  	s21 =	simm.s32 $0x5;
	v11 =	vld [tilespmem:s5+$0xFFFFFFA0];
	[tilespmem:v49+s31+$0x0] =	vst.idx.msk vm0, v60;
	v18 =	vmul.f32 $1.442695020e+00, v18;
	(erf) = vpow2.f32 v20  }
0x1bb: {  	v14 =	vld [tilespmem:s5+$0xFFFFFFC8];
	[tilespmem:s20+$0xFFFFFFC8] =	vst v24;
	v20 =	vmov s21;
	(erf) = vpow2.f32 v19;
	v19 =	vmul.f32 v52, v25  }
0x1bc: {  	s25 =	simm.s32 $0x7;
	[tilespmem:s20+$0xFFFFFFD8] =	vst v22;
	v22 =	vld [tilespmem:s5+$0x48];
	v20 =	vmul.u32 $0x48, v20;
	v25 =	vmul.f32 v55, v28;
	(erf) = vpow2.f32 v18  }
0x1bd: {  	v27 =	vmov s25;
	v28 =	vmul.f32 v57, v46;
	v18 =	vmul.f32 v54, v26;
	[tilespmem:s20+$0xFFFFFFE8] =	vst v19;
	v19 =	vld [tilespmem:s5+$0x58]  }
0x1be: {  	s24 =	simm.s32 $0x2;
	v60 =	vpop (erf);
	v26 =	vmul.f32 v56, v45;
	v21 =	vbroadcast v20, $0x0;
	v20 =	vld [tilespmem:s5+$0x68];
	[tilespmem:v17+s31+$0x0] =	vst.idx.msk vm0, v23;
	v23 =	vmul.u32 $0x48, v27  }
0x1bf: {  	v15 =	vld [tilespmem:s5+$0xFFFFFFD8];
	v24 =	vmov s24;
	v61 =	vperm.xlane v60, v4;
	[tilespmem:s20+$0x10] =	vst v25;
	v25 =	vperm.xlane v60, v2  }
0x1c0: {  	v12 =	vld [tilespmem:s5+$0xFFFFFFE8];
	v24 =	vmul.u32 $0x48, v24;
	[tilespmem:s20+$0x30] =	vst v28;
	v27 =	vperm.xlane v60, v1;
	v23 =	vbroadcast v23, $0x0  }
0x1c1: {  	v16 =	vld [tilespmem:s5+$0x10];
	[tilespmem:s20+$0x20] =	vst v26;
	v26 =	vperm.xlane v60, v3;
	v63 =	vmul.f32 v61, v30  }
0x1c2: {  	v29 =	vld [tilespmem:s14+$0x80];
	s21 =	simm.s32 $0x4CA0;
	v24 =	vbroadcast v24, $0x0;
	[tilespmem:s20+$0x0] =	vst v18;
	v22 =	vmul.f32 v27, v22;
	v62 =	vadd.s32 v5, v23  }
0x1c3: {  	v31 =	vld [tilespmem:s21+$0x10];
	[tilespmem:s5+$0x78] =	vst v63;
	v27 =	vmul.f32 v25, v19;
	v26 =	vmul.f32 v26, v20;
	v19 =	vpop (erf)  }
0x1c4: {  	v38 =	vld [tilespmem:s21+$0xFFFFFFF0];
	v30 =	vadd.s32 v5, v24;
	[tilespmem:s5+$0x48] =	vst v22;
	v25 =	vperm.xlane v19, v1;
	v20 =	vpop (erf);
	v22 =	vperm.xlane v19, v2  }
0x1c5: {  	v28 =	vld [tilespmem:s21+$0xFFFFFFE0];
	[tilespmem:s5+$0x68] =	vst v26;
	v26 =	vperm.xlane v19, v3;
	v24 =	vperm.xlane v19, v4;
	v23 =	vpop (erf)  }
0x1c6: {  	v17 =	vld [tilespmem:s5+$0x20];
	[tilespmem:s5+$0x58] =	vst v27;
	v27 =	vadd.s32 v5, v59;
	v37 =	vperm.xlane v23, v1;
	v34 =	vperm.xlane v23, v2  }
0x1c7: {  	s24 =	simm.s32 $0xC;
	v18 =	vld [tilespmem:s5+$0x30];
	s20 =	simm.s32 $0x8;
	v35 =	vperm.xlane v23, v3;
	v32 =	vperm.xlane v23, v4;
	[tilespmem:v62+s31+$0x0] =	vst.idx.msk vm0, v60  }
.LBB2_9:
0x1c8: {  	p1 =	slt.u32 s24, $0x7C;
	v39 =	vld [tilespmem:s21+$0x0];
	v29 =	vadd.f32 v31, v29;
	v31 =	vperm.xlane v20, v1;
	v40 =	vperm.xlane v20, v2  }
0x1c9: {  	v42 =	vmov s20;
	v43 =	vperm.xlane v20, v3;
	v44 =	vperm.xlane v20, v4;
	v41 =	vld [tilespmem:s14+$0xFFFFFFA8];
	[tilespmem:v30+s31+$0x0] =	vst.idx.msk vm0, v6;
	v6 =	vmovc v20  }
0x1ca: {  	v21 =	vadd.s32 v5, v21;
	v30 =	vmul.f32 v37, v7;
	v20 =	vmul.f32 $2.000000030e-01, v29;
	v7 =	vld [tilespmem:s14+$0xFFFFFF70]  }
0x1cb: {  	v34 =	vmul.f32 v34, v8;
	vm1 =	vgt.f32 v29, $0.0e+00;
	v33 =	vadd.f32 v38, v33;
	v8 =	vld [tilespmem:s14+$0xFFFFFF80]  }
0x1cc: {  	v20 =	vsel vm1, v29, v20;
	[tilespmem:s5+$0xFFFFFF70] =	vst v30;
	v29 =	vmul.f32 v35, v9;
	v9 =	vld [tilespmem:s14+$0xFFFFFF90];
	v30 =	vmul.f32 v32, v11  }
0x1cd: {  	v11 =	vld [tilespmem:s14+$0xFFFFFFA0];
	v32 =	vmul.f32 $2.000000030e-01, v33;
	v35 =	vadd.f32 v39, v36;
	v20 =	vmul.f32 $1.442695020e+00, v20;
	[tilespmem:s5+$0xFFFFFF80] =	vst v34  }
0x1ce: {  	v25 =	vmul.f32 v25, v10;
	vm1 =	vgt.f32 v33, $0.0e+00;
	v28 =	vadd.f32 v28, v41;
	[tilespmem:s5+$0xFFFFFF90] =	vst v29;
	v10 =	vld [tilespmem:s14+$0xFFFFFFB8]  }
0x1cf: {  	v29 =	vld [tilespmem:s14+$0xFFFFFFC8];
	vm2 =	vgt.f32 v35, $0.0e+00;
	v34 =	vmul.f32 $2.000000030e-01, v35;
	(erf) = vpow2.f32 v20;
	[tilespmem:s5+$0xFFFFFFA0] =	vst v30  }
0x1d0: {  	v30 =	vsel vm1, v33, v32;
	vm3 =	vgt.f32 v28, $0.0e+00;
	v20 =	vmul.f32 $2.000000030e-01, v28;
	v32 =	vld [tilespmem:s14+$0xFFFFFFD8];
	[tilespmem:v27+s31+$0x0] =	vst.idx.msk vm0, v23  }
0x1d1: {  	v33 =	vmul.f32 v22, v14;
	v23 =	vmul.f32 $1.442695020e+00, v30;
	v27 =	vld [tilespmem:s14+$0xFFFFFFE8];
	v30 =	vsel vm2, v35, v34;
	[tilespmem:s5+$0xFFFFFFB8] =	vst v25  }
0x1d2: {  	v34 =	vmul.f32 v26, v15;
	v20 =	vsel vm3, v28, v20;
	v22 =	vmul.f32 $1.442695020e+00, v30;
	v25 =	vld [tilespmem:s14+$0x0]  }
0x1d3: {  	s25 =	sadd.s32 $0x1, s20;
	v26 =	vmul.u32 $0x48, v42;
	v20 =	vmul.f32 $1.442695020e+00, v20;
	v28 =	vld [tilespmem:s14+$0x10];
	(erf) = vpow2.f32 v23;
	[tilespmem:s5+$0xFFFFFFC8] =	vst v33  }
0x1d4: {  	v23 =	vmov s25;
	v33 =	vmul.f32 v24, v12;
	s25 =	sadd.s32 $0x2, s6;
	s6 =	smov.u32 s20;
	s20 =	smov.u32 s24;
	v30 =	vld [tilespmem:s14+$0x20];
	(erf) = vpow2.f32 v22;
	[tilespmem:s5+$0xFFFFFFD8] =	vst v34;
	v14 =	vmovc v29  }
0x1d5: {  	v22 =	vld [tilespmem:s14+$0x30];
	(erf) = vpow2.f32 v20;
	v20 =	vmul.f32 v31, v13;
	v31 =	vmov s25;
	v15 =	vmovc v32  }
0x1d6: {  	v23 =	vmul.u32 $0x48, v23;
	v34 =	vmul.f32 v40, v16;
	v29 =	vmul.f32 v43, v17;
	s25 =	sadd.s32 $0x3, s6;
	v24 =	vld [tilespmem:s14+$0x48];
	[tilespmem:s5+$0xFFFFFFE8] =	vst v33;
	v12 =	vmovc v27  }
0x1d7: {  	v35 =	vmov s25;
	v31 =	vmul.u32 $0x48, v31;
	v27 =	vld [tilespmem:s14+$0x58];
	[tilespmem:v21+s31+$0x0] =	vst.idx.msk vm0, v19;
	v19 =	vmul.f32 v44, v18;
	v13 =	vmovc v25  }
0x1d8: {  	v26 =	vbroadcast v26, $0x0;
	v21 =	vbroadcast v23, $0x0;
	v25 =	vmul.u32 $0x48, v35;
	v23 =	vld [tilespmem:s14+$0x68];
	v39 =	vpop (erf);
	[tilespmem:s5+$0x0] =	vst v20  }
0x1d9: {  	v33 =	vbroadcast v31, $0x0;
	v16 =	vmovc v28;
	v20 =	vperm.xlane v39, v1;
	v32 =	vld [tilespmem:s14+$0x78];
	[tilespmem:s5+$0x10] =	vst v34;
	v17 =	vmov v30  }
0x1da: {  	v28 =	vperm.xlane v39, v2;
	v25 =	vbroadcast v25, $0x0;
	[tilespmem:s5+$0x20] =	vst v29;
	v18 =	vmov v22  }
0x1db: {  	v22 =	vperm.xlane v39, v3;
	v30 =	vmul.f32 v20, v24;
	[tilespmem:s5+$0x30] =	vst v19;
	s5 =	smov.u32 s14;
	s14 =	sadd.s32 $0x120, s14  }
0x1dc: {  	s21 =	sadd.s32 $0x40, s21;
	v40 =	vadd.s32 v5, v25;
	v29 =	vld [tilespmem:s14+$0x80];
	v24 =	vmul.f32 v28, v27;
	v27 =	vperm.xlane v39, v4;
	v19 =	vpop (erf)  }
.Ltmp3:
0x1dd: {  	v31 =	vld [tilespmem:s21+$0x10];
	v25 =	vperm.xlane v19, v1;
	[tilespmem:s5+$0x48] =	vst v30;
	v35 =	vmul.f32 v22, v23;
	v20 =	vpop (erf);
	(pc) =	sbr.rel @p1 .LBB2_9-.Ltmp3, $4  }
0x1de: {  	v22 =	vperm.xlane v19, v2;
	v30 =	vadd.s32 v5, v33;
	v28 =	vld [tilespmem:s21+$0xFFFFFFE0];
	[tilespmem:s5+$0x58] =	vst v24;
	v24 =	vmul.f32 v27, v32;
	v23 =	vpop (erf)  }
0x1df: {  	v33 =	vld [tilespmem:s14+$0xFFFFFFF0];
	v37 =	vperm.xlane v23, v1;
	v34 =	vperm.xlane v23, v2;
	[tilespmem:s5+$0x68] =	vst v35  }
0x1e0: {  	v27 =	vadd.s32 v5, v26;
	v35 =	vperm.xlane v23, v3;
	v32 =	vperm.xlane v23, v4;
	v38 =	vld [tilespmem:s21+$0xFFFFFFF0];
	[tilespmem:s5+$0x78] =	vst v24  }
0x1e1: {  	s24 =	sadd.s32 $0x4, s24;
	v26 =	vperm.xlane v19, v3;
	v24 =	vperm.xlane v19, v4;
	v36 =	vld [tilespmem:s14+$0x38];
	[tilespmem:v40+s31+$0x0] =	vst.idx.msk vm0, v39  }
0x1e2: {  	v29 =	vadd.f32 v31, v29  }
0x1e3: {  	v39 =	vld [tilespmem:s21+$0x0];
	v31 =	vperm.xlane v20, v1;
	v40 =	vperm.xlane v20, v2  }
0x1e4: {  	v41 =	vld [tilespmem:s14+$0xFFFFFFA8];
	v9 =	vmul.f32 v35, v9;
	v43 =	vmul.f32 $2.000000030e-01, v29  }
0x1e5: {  	v42 =	vperm.xlane v20, v3;
	v7 =	vmul.f32 v37, v7;
	vm1 =	vgt.f32 v29, $0.0e+00  }
0x1e6: {  	v8 =	vmul.f32 v34, v8;
	[tilespmem:s5+$0xFFFFFF90] =	vst v9;
	v9 =	vmul.f32 v22, v14;
	v29 =	vsel vm1, v29, v43  }
0x1e7: {  	v11 =	vmul.f32 v32, v11;
	s6 =	sadd.s32 $0x2, s6;
	v29 =	vmul.f32 $1.442695020e+00, v29  }
0x1e8: {  	v10 =	vmul.f32 v25, v10;
	v33 =	vadd.f32 v38, v33;
	[tilespmem:s5+$0xFFFFFFC8] =	vst v9;
	v9 =	vmov s6  }
0x1e9: {  	[tilespmem:v30+s31+$0x0] =	vst.idx.msk vm0, v6;
	v59 =	vadd.f32 v39, v36;
	v28 =	vadd.f32 v28, v41;
	(erf) = vpow2.f32 v29  }
0x1ea: {  	[tilespmem:s5+$0xFFFFFF70] =	vst v7;
	v6 =	vmul.f32 $2.000000030e-01, v33;
	vm1 =	vgt.f32 v33, $0.0e+00;
	v9 =	vmul.u32 $0x48, v9  }
0x1eb: {  	[tilespmem:s5+$0xFFFFFF80] =	vst v8;
	v7 =	vmul.f32 $2.000000030e-01, v59;
	vm2 =	vgt.f32 v59, $0.0e+00;
	v8 =	vmul.f32 $2.000000030e-01, v28  }
0x1ec: {  	v6 =	vsel vm1, v33, v6;
	vm1 =	vgt.f32 v28, $0.0e+00;
	v9 =	vbroadcast v9, $0x0  }
0x1ed: {  	v6 =	vmul.f32 $1.442695020e+00, v6;
	v7 =	vsel vm2, v59, v7;
	v8 =	vsel vm1, v28, v8  }
0x1ee: {  	[tilespmem:s5+$0xFFFFFFA0] =	vst v11;
	v7 =	vmul.f32 $1.442695020e+00, v7;
	v8 =	vmul.f32 $1.442695020e+00, v8  }
0x1ef: {  	v11 =	vadd.s32 v5, v21;
	[tilespmem:s5+$0xFFFFFFB8] =	vst v10;
	(erf) = vpow2.f32 v6;
	v6 =	vmul.f32 v26, v15  }
0x1f0: {  	s25 =	sadd.s32 $0x3, s20;
	v10 =	vld [tilespmem:s14+$0x48];
	[tilespmem:v27+s31+$0x0] =	vst.idx.msk vm0, v23;
	(erf) = vpow2.f32 v7;
	v7 =	vmul.f32 v24, v12  }
0x1f1: {  	[tilespmem:s5+$0xFFFFFFD8] =	vst v6;
	v6 =	vmul.f32 v31, v13;
	v13 =	vmov s25;
	(erf) = vpow2.f32 v8  }
0x1f2: {  	v14 =	vmul.f32 v42, v17;
	v8 =	vperm.xlane v20, v4;
	v13 =	vmul.u32 $0x48, v13;
	[tilespmem:s5+$0xFFFFFFE8] =	vst v7;
	v15 =	vpop (erf)  }
0x1f3: {  	v9 =	vadd.s32 v5, v9;
	v12 =	vld [tilespmem:s14+$0x58];
	v7 =	vmul.f32 v40, v16;
	[tilespmem:s5+$0x0] =	vst v6;
	v6 =	vperm.xlane v15, v1  }
0x1f4: {  	[tilespmem:v11+s31+$0x0] =	vst.idx.msk vm0, v19;
	v8 =	vmul.f32 v8, v18;
	v11 =	vld [tilespmem:s14+$0x68];
	v13 =	vbroadcast v13, $0x0  }
0x1f5: {  	v16 =	vld [tilespmem:s14+$0x78];
	[tilespmem:s5+$0x10] =	vst v7;
	v6 =	vmul.f32 v6, v10;
	v10 =	vperm.xlane v15, v3  }
0x1f6: {  	v7 =	vperm.xlane v15, v2;
	[tilespmem:s5+$0x30] =	vst v8;
	v8 =	vperm.xlane v15, v4  }
0x1f7: {  	[tilespmem:s5+$0x20] =	vst v14  }
0x1f8: {  	v14 =	vld [tilespmem:s14+$0xFFFFFF70];
	[tilespmem:v9+s31+$0x0] =	vst.idx.msk vm0, v20;
	v7 =	vmul.f32 v7, v12;
	v12 =	vadd.s32 v5, v13;
	v13 =	vpop (erf)  }
0x1f9: {  	v17 =	vmov s20;
	v18 =	vld [tilespmem:s14+$0xFFFFFF80];
	[tilespmem:s14+$0x48] =	vst v6;
	v6 =	vmul.f32 v10, v11;
	v10 =	vpop (erf)  }
0x1fa: {  	v17 =	vmul.u32 $0x48, v17;
	v11 =	vld [tilespmem:s14+$0xFFFFFF90];
	[tilespmem:s14+$0x58] =	vst v7;
	v7 =	vmul.f32 v8, v16;
	v8 =	vpop (erf)  }
0x1fb: {  	v16 =	vld [tilespmem:s14+$0xFFFFFFA0];
	[tilespmem:s14+$0x68] =	vst v6;
	v19 =	vperm.xlane v8, v1  }
0x1fc: {  	s6 =	sadd.s32 $0x1, s20;
	v17 =	vbroadcast v17, $0x0;
	[tilespmem:s14+$0x78] =	vst v7;
	v21 =	vperm.xlane v8, v2  }
0x1fd: {  	v6 =	vmov s6;
	v7 =	vld [tilespmem:s14+$0xFFFFFFB8];
	[tilespmem:v12+s31+$0x0] =	vst.idx.msk vm0, v15;
	v22 =	vperm.xlane v8, v3;
	v12 =	vmul.f32 v19, v14  }
0x1fe: {  	v15 =	vadd.s32 v5, v17;
	v23 =	vperm.xlane v8, v4;
	v14 =	vld [tilespmem:s14+$0xFFFFFFC8];
	v9 =	vmul.f32 v21, v18  }
0x1ff: {  	v20 =	vperm.xlane v13, v4;
	v6 =	vmul.u32 $0x48, v6;
	v17 =	vld [tilespmem:s14+$0xFFFFFFD8];
	v11 =	vmul.f32 v22, v11;
	[tilespmem:s14+$0xFFFFFF70] =	vst v12  }
0x200: {  	v18 =	vperm.xlane v13, v1;
	v16 =	vmul.f32 v23, v16;
	v12 =	vld [tilespmem:s14+$0xFFFFFFE8];
	[tilespmem:s14+$0xFFFFFF80] =	vst v9  }
0x201: {  	v6 =	vbroadcast v6, $0x0;
	v9 =	vperm.xlane v13, v2;
	[tilespmem:s14+$0xFFFFFF90] =	vst v11  }
0x202: {  	s21 =	sadd.s32 $0x2, s20;
	v19 =	vperm.xlane v13, v3;
	v11 =	vld [tilespmem:s14+$0x0];
	v7 =	vmul.f32 v18, v7;
	[tilespmem:s14+$0xFFFFFFA0] =	vst v16  }
0x203: {  	v6 =	vadd.s32 v5, v6;
	v16 =	vld [tilespmem:s14+$0x10];
	[tilespmem:v15+s31+$0x0] =	vst.idx.msk vm0, v8;
	v8 =	vmul.f32 v9, v14;
	v9 =	vmov s21  }
0x204: {  	v18 =	vperm.xlane v10, v2;
	[tilespmem:s14+$0xFFFFFFB8] =	vst v7;
	v7 =	vmul.f32 v19, v17;
	v14 =	vld [tilespmem:s14+$0x20];
	v9 =	vmul.u32 $0x48, v9  }
0x205: {  	v15 =	vperm.xlane v10, v1;
	v17 =	vld [tilespmem:s14+$0x30];
	[tilespmem:s14+$0xFFFFFFC8] =	vst v8;
	v8 =	vmul.f32 v20, v12  }
0x206: {  	[tilespmem:s14+$0xFFFFFFD8] =	vst v7;
	v12 =	vperm.xlane v10, v3;
	v7 =	vbroadcast v9, $0x0  }
0x207: {  	v11 =	vmul.f32 v15, v11;
	v9 =	vperm.xlane v10, v4;
	[tilespmem:s14+$0xFFFFFFE8] =	vst v8  }
0x208: {  	v8 =	vmul.f32 v18, v16;
	[tilespmem:v6+s31+$0x0] =	vst.idx.msk vm0, v13;
	v6 =	vadd.s32 v5, v7  }
0x209: {  	[tilespmem:s14+$0x0] =	vst v11;
	v7 =	vmul.f32 v12, v14  }
0x20a: {  	v9 =	vmul.f32 v9, v17;
	[tilespmem:s14+$0x10] =	vst v8  }
0x20b: {  	[tilespmem:s14+$0x20] =	vst v7  }
0x20c: {  	[tilespmem:s14+$0x30] =	vst v9  }
0x20d: {  	[tilespmem:v6+s31+$0x0] =	vst.idx.msk vm0, v10  }
0x20e: {  	[spmem:s4] =	stream.indirect.scatter.add.f32 [tilespmem:s31], [sflag:$0x9], $0x48, s3, s7, $0xb8;
	[tilespmem:$0x1EC00] =	vst v63  }
0x20f: {  	s5 =	rddreg [dreg:$0x18]  }
0x210: {  	s6 =	simm.s32 @!p0 $0x0;
	s5 =	sadd.s32 @!p0 s9, s5;
	s9 =	simm.s32 @!p0 $0x100  }
0x211: {  	[tilespmem:s9], [sflag:$0x2] =	stream.linear.gather @!p0 [hbm4b:s5+s6], $0x100, $0x38;
	[tilespmem:$0x1EC00] =	vst v63  }
0x212: {  	s5 =	simm.s32 @!p0 $0x9  }
0x213: {  	_ =	swait.ge @!p0 [sflag:s5], $0x2400  }
0x214: {  	[sflag:s5] =	ssyncset.done @!p0 $0x0  }
0x215: {  	[sflag:s5] =	ssyncadd.s32 @!p0 $0xFFFFDC00;
	s5 =	simm.s32 @!p0 $0x1  }
0x216: {  	_ =	swait.ge @!p0 [sflag:s5], $0x100  }
0x217: {  	[sflag:s5] =	ssyncset.done @!p0 $0x0  }
0x218: {  	s9 =	simm.s32 @!p0 $0x400;
	[sflag:s5] =	ssyncadd.s32 @!p0 $0xFFFFFF00;
	s5 =	simm.s32 @!p0 $0x80  }
0x219: {  	[tilespmem:s9], [sflag:$0x5] =	stream.indirect.gather @!p0 [spmem:s1], $0x48, s6, s5, $0xb8;
	[tilespmem:$0x1EC00] =	vst v63  }
0x21a: {  	s6 =	simm.s32 @!p0 $0x4C00  }
0x21b: {  	[tilespmem:s6], [sflag:$0x7] =	stream.indirect.gather @!p0 [spmem:s2], $0x10, s5, s5, $0xb8;
	[tilespmem:$0x1EC00] =	vst v63  }
0x21c: {  	_ =	swait.ge [sflag:s8], $0x2400  }
0x21d: {  	[sflag:s8] =	ssyncset.done $0x0  }
0x21e: {  	[sflag:s8] =	ssyncadd.s32 $0xFFFFDC00  }
0x21f: {  	_ =	swait.ge [sflag:s10], $0x800  }
0x220: {  	[sflag:s10] =	ssyncset.done $0x0  }
0x221: {  	s14 =	simm.s32 $0x2890;
	[sflag:s10] =	ssyncadd.s32 $0xFFFFF800  }
0x222: {  	s24 =	simm.s32 $0x5420;
	v6 =	vld [tilespmem:s14+$0x80]  }
0x223: {  	v7 =	vld [tilespmem:s24+$0x10];
	_ =	sdelay $0x1  }
0x224: {  	v8 =	vld [tilespmem:s24+$0xFFFFFFE0]  }
0x225: {  	v9 =	vld [tilespmem:s14+$0xFFFFFFF0]  }
0x226: {  	v10 =	vld [tilespmem:s24+$0xFFFFFFF0]  }
0x227: {  	v11 =	vld [tilespmem:s14+$0x38];
	v6 =	vadd.f32 v7, v6  }
0x228: {  	v12 =	vld [tilespmem:s24+$0x0]  }
0x229: {  	v7 =	vld [tilespmem:s14+$0xFFFFFFA8];
	v13 =	vmul.f32 $2.000000030e-01, v6  }
0x22a: {  	vm1 =	vgt.f32 v6, $0.0e+00  }
0x22b: {  	v14 =	vld [tilespmem:s14+$0xFFFFFF90];
	v6 =	vsel vm1, v6, v13  }
0x22c: {  	v15 =	vld [tilespmem:s14+$0xFFFFFFC8];
	v9 =	vadd.f32 v10, v9;
	v6 =	vmul.f32 $1.442695020e+00, v6  }
0x22d: {  	v16 =	vld [tilespmem:s14+$0xFFFFFFD8];
	v10 =	vadd.f32 v12, v11  }
0x22e: {  	v17 =	vld [tilespmem:s14+$0x68];
	v12 =	vmul.f32 $2.000000030e-01, v9;
	v7 =	vadd.f32 v8, v7;
	(erf) = vpow2.f32 v6  }
0x22f: {  	s5 =	simm.s32 $0x29B0;
	v20 =	vld [tilespmem:s14+$0x78];
	vm1 =	vgt.f32 v9, $0.0e+00;
	v13 =	vmul.f32 $2.000000030e-01, v10  }
0x230: {  	s20 =	simm.s32 $0x5460;
	v22 =	vld [tilespmem:s5+$0x80];
	vm2 =	vgt.f32 v10, $0.0e+00;
	v9 =	vsel vm1, v9, v12;
	v6 =	vmul.f32 $2.000000030e-01, v7  }
0x231: {  	v24 =	vld [tilespmem:s20+$0x10];
	v9 =	vmul.f32 $1.442695020e+00, v9;
	v10 =	vsel vm2, v10, v13;
	vm1 =	vgt.f32 v7, $0.0e+00  }
0x232: {  	s9 =	simm.s32 $0x3;
	v25 =	vld [tilespmem:s14+$0xFFFFFFE8];
	v6 =	vsel vm1, v7, v6;
	v7 =	vmul.f32 $1.442695020e+00, v10  }
0x233: {  	v18 =	vmov s9;
	s6 =	simm.s32 $0x1;
	v26 =	vld [tilespmem:s14+$0x0];
	(erf) = vpow2.f32 v9;
	v6 =	vmul.f32 $1.442695020e+00, v6  }
0x234: {  	s25 =	simm.s32 $0x0;
	v18 =	vmul.u32 $0x48, v18;
	v28 =	vld [tilespmem:s14+$0x10];
	v10 =	vmov s6;
	(erf) = vpow2.f32 v7  }
0x235: {  	v10 =	vmul.u32 $0x48, v10;
	v7 =	vmov s25;
	(erf) = vpow2.f32 v6;
	v6 =	vld [tilespmem:s14+$0x48]  }
0x236: {  	v62 =	vld [tilespmem:s20+$0xFFFFFFF0];
	v7 =	vmul.u32 $0x48, v7  }
0x237: {  	v18 =	vbroadcast v18, $0x0;
	v9 =	vld [tilespmem:s14+$0x58];
	v10 =	vbroadcast v10, $0x0;
	v19 =	vpop (erf)  }
0x238: {  	v50 =	vld [tilespmem:s5+$0x38];
	v22 =	vadd.f32 v24, v22;
	v7 =	vbroadcast v7, $0x0;
	v21 =	vperm.xlane v19, v1  }
0x239: {  	v18 =	vadd.s32 v5, v18;
	v53 =	vld [tilespmem:s20+$0x0];
	v23 =	vperm.xlane v19, v2;
	v27 =	vperm.xlane v19, v3  }
0x23a: {  	v44 =	vld [tilespmem:s5+$0xFFFFFFA8];
	v49 =	vadd.s32 v5, v7;
	v7 =	vmul.f32 $2.000000030e-01, v22;
	v21 =	vmul.f32 v21, v6  }
0x23b: {  	v45 =	vld [tilespmem:s14+$0x20];
	vm1 =	vgt.f32 v22, $0.0e+00;
	v29 =	vperm.xlane v19, v4;
	v17 =	vmul.f32 v27, v17  }
0x23c: {  	v46 =	vld [tilespmem:s14+$0x30];
	v22 =	vsel vm1, v22, v7;
	v9 =	vmul.f32 v23, v9;
	[tilespmem:s14+$0x48] =	vst v21  }
0x23d: {  	v11 =	vld [tilespmem:s14+$0xFFFFFF70];
	v20 =	vmul.f32 v29, v20;
	v23 =	vpop (erf);
	[tilespmem:s14+$0x68] =	vst v17;
	v17 =	vadd.s32 v5, v10;
	v10 =	vmul.f32 $1.442695020e+00, v22  }
0x23e: {  	v58 =	vadd.f32 v53, v50;
	v13 =	vld [tilespmem:s14+$0xFFFFFFB8];
	[tilespmem:s14+$0x58] =	vst v9;
	v30 =	vperm.xlane v23, v1;
	v31 =	vperm.xlane v23, v2  }
0x23f: {  	v29 =	vld [tilespmem:s5+$0xFFFFFFF0];
	[tilespmem:s14+$0x78] =	vst v20;
	v6 =	vpop (erf);
	v51 =	vperm.xlane v23, v3;
	v52 =	vperm.xlane v23, v4  }
0x240: {  	v27 =	vld [tilespmem:s20+$0xFFFFFFE0];
	[tilespmem:v18+s17+$0x0] =	vst.idx.msk vm0, v19;
	v19 =	vmul.f32 $2.000000030e-01, v58;
	v54 =	vperm.xlane v6, v1  }
0x241: {  	s9 =	simm.s32 $0x2AD0;
	v8 =	vld [tilespmem:s14+$0xFFFFFF80];
	vm2 =	vgt.f32 v58, $0.0e+00;
	s6 =	simm.s32 $0x4;
	v55 =	vperm.xlane v6, v2;
	v56 =	vperm.xlane v6, v3  }
0x242: {  	v33 =	vld [tilespmem:s9+$0xFFFFFFF0];
	v21 =	vmov s6;
	v60 =	vpop (erf);
	v57 =	vperm.xlane v6, v4;
	(erf) = vpow2.f32 v10  }
0x243: {  	v12 =	vld [tilespmem:s14+$0xFFFFFFA0];
	v21 =	vmul.u32 $0x48, v21;
	v61 =	vperm.xlane v60, v1;
	v24 =	vperm.xlane v60, v2  }
0x244: {  	v36 =	vld [tilespmem:s9+$0x38];
	v63 =	vperm.xlane v60, v3;
	v29 =	vadd.f32 v62, v29;
	v13 =	vmul.f32 v30, v13  }
0x245: {  	v7 =	vld [tilespmem:s5+$0xFFFFFF70];
	s20 =	simm.s32 $0x54A0;
	v48 =	vperm.xlane v60, v4;
	v18 =	vadd.f32 v27, v44;
	v11 =	vmul.f32 v61, v11  }
0x246: {  	v38 =	vld [tilespmem:s20+$0xFFFFFFF0];
	v19 =	vsel vm2, v58, v19;
	v24 =	vmul.f32 v24, v8;
	v20 =	vmul.f32 $2.000000030e-01, v29;
	[tilespmem:s14+$0xFFFFFFB8] =	vst v13  }
0x247: {  	v9 =	vld [tilespmem:s5+$0xFFFFFF90];
	v59 =	vbroadcast v21, $0x0;
	v14 =	vmul.f32 v63, v14;
	vm1 =	vgt.f32 v29, $0.0e+00;
	[tilespmem:s14+$0xFFFFFF70] =	vst v11  }
0x248: {  	v10 =	vld [tilespmem:s5+$0xFFFFFFB8];
	v12 =	vmul.f32 v48, v12;
	v22 =	vmul.f32 $2.000000030e-01, v18;
	[tilespmem:s14+$0xFFFFFF80] =	vst v24;
	v20 =	vsel vm1, v29, v20  }
0x249: {  	v30 =	vld [tilespmem:s5+$0x78];
	v19 =	vmul.f32 $1.442695020e+00, v19;
	vm3 =	vgt.f32 v18, $0.0e+00;
	[tilespmem:s14+$0xFFFFFF90] =	vst v14;
	v20 =	vmul.f32 $1.442695020e+00, v20  }
0x24a: {  	v8 =	vld [tilespmem:s5+$0xFFFFFF80];
	v24 =	vmul.f32 v31, v15;
	[tilespmem:s14+$0xFFFFFFA0] =	vst v12;
	v18 =	vsel vm3, v18, v22;
	v22 =	vmul.f32 v51, v16  }
0x24b: {  	s21 =	simm.s32 $0x5;
	v13 =	vld [tilespmem:s5+$0x0];
	[tilespmem:v49+s17+$0x0] =	vst.idx.msk vm0, v60;
	v18 =	vmul.f32 $1.442695020e+00, v18;
	(erf) = vpow2.f32 v20  }
0x24c: {  	v11 =	vld [tilespmem:s5+$0xFFFFFFA0];
	[tilespmem:s14+$0xFFFFFFC8] =	vst v24;
	v20 =	vmov s21;
	(erf) = vpow2.f32 v19;
	v19 =	vmul.f32 v52, v25  }
0x24d: {  	s25 =	simm.s32 $0x7;
	[tilespmem:s14+$0xFFFFFFD8] =	vst v22;
	v22 =	vld [tilespmem:s5+$0x48];
	v20 =	vmul.u32 $0x48, v20;
	v25 =	vmul.f32 v55, v28;
	(erf) = vpow2.f32 v18  }
0x24e: {  	v27 =	vmov s25;
	v28 =	vmul.f32 v57, v46;
	v18 =	vmul.f32 v54, v26;
	[tilespmem:s14+$0xFFFFFFE8] =	vst v19;
	v19 =	vld [tilespmem:s5+$0x58]  }
0x24f: {  	s24 =	simm.s32 $0x2;
	v60 =	vpop (erf);
	v26 =	vmul.f32 v56, v45;
	v21 =	vbroadcast v20, $0x0;
	v20 =	vld [tilespmem:s5+$0x68];
	[tilespmem:v17+s17+$0x0] =	vst.idx.msk vm0, v23;
	v23 =	vmul.u32 $0x48, v27  }
0x250: {  	v14 =	vld [tilespmem:s5+$0xFFFFFFC8];
	v24 =	vmov s24;
	v61 =	vperm.xlane v60, v4;
	[tilespmem:s14+$0x10] =	vst v25;
	v25 =	vperm.xlane v60, v2  }
0x251: {  	v15 =	vld [tilespmem:s5+$0xFFFFFFD8];
	v24 =	vmul.u32 $0x48, v24;
	[tilespmem:s14+$0x30] =	vst v28;
	v27 =	vperm.xlane v60, v1;
	v23 =	vbroadcast v23, $0x0  }
0x252: {  	v12 =	vld [tilespmem:s5+$0xFFFFFFE8];
	[tilespmem:s14+$0x20] =	vst v26;
	v26 =	vperm.xlane v60, v3;
	v63 =	vmul.f32 v61, v30  }
0x253: {  	v29 =	vld [tilespmem:s9+$0x80];
	v24 =	vbroadcast v24, $0x0;
	[tilespmem:s14+$0x0] =	vst v18;
	v22 =	vmul.f32 v27, v22;
	v62 =	vadd.s32 v5, v23  }
0x254: {  	v31 =	vld [tilespmem:s20+$0x10];
	[tilespmem:s5+$0x78] =	vst v63;
	v27 =	vmul.f32 v25, v19;
	v26 =	vmul.f32 v26, v20;
	v19 =	vpop (erf)  }
0x255: {  	v16 =	vld [tilespmem:s5+$0x10];
	v30 =	vadd.s32 v5, v24;
	[tilespmem:s5+$0x48] =	vst v22;
	v25 =	vperm.xlane v19, v1;
	v20 =	vpop (erf);
	v22 =	vperm.xlane v19, v2  }
0x256: {  	v28 =	vld [tilespmem:s20+$0xFFFFFFE0];
	[tilespmem:s5+$0x68] =	vst v26;
	v26 =	vperm.xlane v19, v3;
	v24 =	vperm.xlane v19, v4;
	v23 =	vpop (erf)  }
0x257: {  	v17 =	vld [tilespmem:s5+$0x20];
	[tilespmem:s5+$0x58] =	vst v27;
	v27 =	vadd.s32 v5, v59;
	v37 =	vperm.xlane v23, v1;
	v34 =	vperm.xlane v23, v2  }
0x258: {  	s21 =	simm.s32 $0xC;
	v18 =	vld [tilespmem:s5+$0x30];
	s14 =	simm.s32 $0x8;
	v35 =	vperm.xlane v23, v3;
	v32 =	vperm.xlane v23, v4;
	[tilespmem:v62+s17+$0x0] =	vst.idx.msk vm0, v60  }
.LBB2_11:
0x259: {  	p0 =	slt.u32 s21, $0x7C;
	v39 =	vld [tilespmem:s20+$0x0];
	v29 =	vadd.f32 v31, v29;
	v31 =	vperm.xlane v20, v1;
	v40 =	vperm.xlane v20, v2  }
0x25a: {  	v42 =	vmov s14;
	v43 =	vperm.xlane v20, v3;
	v44 =	vperm.xlane v20, v4;
	v41 =	vld [tilespmem:s9+$0xFFFFFFA8];
	[tilespmem:v30+s17+$0x0] =	vst.idx.msk vm0, v6;
	v6 =	vmovc v20  }
0x25b: {  	v21 =	vadd.s32 v5, v21;
	v30 =	vmul.f32 v37, v7;
	v20 =	vmul.f32 $2.000000030e-01, v29;
	v7 =	vld [tilespmem:s9+$0xFFFFFF70]  }
0x25c: {  	v34 =	vmul.f32 v34, v8;
	vm1 =	vgt.f32 v29, $0.0e+00;
	v33 =	vadd.f32 v38, v33;
	v8 =	vld [tilespmem:s9+$0xFFFFFF80]  }
0x25d: {  	v20 =	vsel vm1, v29, v20;
	[tilespmem:s5+$0xFFFFFF70] =	vst v30;
	v29 =	vmul.f32 v35, v9;
	v9 =	vld [tilespmem:s9+$0xFFFFFF90];
	v30 =	vmul.f32 v32, v11  }
0x25e: {  	v11 =	vld [tilespmem:s9+$0xFFFFFFA0];
	v32 =	vmul.f32 $2.000000030e-01, v33;
	v35 =	vadd.f32 v39, v36;
	v20 =	vmul.f32 $1.442695020e+00, v20;
	[tilespmem:s5+$0xFFFFFF80] =	vst v34  }
0x25f: {  	v25 =	vmul.f32 v25, v10;
	vm1 =	vgt.f32 v33, $0.0e+00;
	v28 =	vadd.f32 v28, v41;
	[tilespmem:s5+$0xFFFFFF90] =	vst v29;
	v10 =	vld [tilespmem:s9+$0xFFFFFFB8]  }
0x260: {  	v29 =	vld [tilespmem:s9+$0xFFFFFFC8];
	vm2 =	vgt.f32 v35, $0.0e+00;
	v34 =	vmul.f32 $2.000000030e-01, v35;
	(erf) = vpow2.f32 v20;
	[tilespmem:s5+$0xFFFFFFA0] =	vst v30  }
0x261: {  	v30 =	vsel vm1, v33, v32;
	vm3 =	vgt.f32 v28, $0.0e+00;
	v20 =	vmul.f32 $2.000000030e-01, v28;
	v32 =	vld [tilespmem:s9+$0xFFFFFFD8];
	[tilespmem:v27+s17+$0x0] =	vst.idx.msk vm0, v23  }
0x262: {  	v33 =	vmul.f32 v22, v14;
	v23 =	vmul.f32 $1.442695020e+00, v30;
	v27 =	vld [tilespmem:s9+$0xFFFFFFE8];
	v30 =	vsel vm2, v35, v34;
	[tilespmem:s5+$0xFFFFFFB8] =	vst v25  }
0x263: {  	v34 =	vmul.f32 v26, v15;
	v20 =	vsel vm3, v28, v20;
	v22 =	vmul.f32 $1.442695020e+00, v30;
	v25 =	vld [tilespmem:s9+$0x0]  }
0x264: {  	s24 =	sadd.s32 $0x1, s14;
	v26 =	vmul.u32 $0x48, v42;
	v20 =	vmul.f32 $1.442695020e+00, v20;
	v28 =	vld [tilespmem:s9+$0x10];
	(erf) = vpow2.f32 v23;
	[tilespmem:s5+$0xFFFFFFC8] =	vst v33  }
0x265: {  	v23 =	vmov s24;
	v33 =	vmul.f32 v24, v12;
	s24 =	sadd.s32 $0x2, s6;
	s6 =	smov.u32 s14;
	s14 =	smov.u32 s21;
	v30 =	vld [tilespmem:s9+$0x20];
	(erf) = vpow2.f32 v22;
	[tilespmem:s5+$0xFFFFFFD8] =	vst v34;
	v14 =	vmovc v29  }
0x266: {  	v22 =	vld [tilespmem:s9+$0x30];
	(erf) = vpow2.f32 v20;
	v20 =	vmul.f32 v31, v13;
	v31 =	vmov s24;
	v15 =	vmovc v32  }
0x267: {  	v23 =	vmul.u32 $0x48, v23;
	v34 =	vmul.f32 v40, v16;
	v29 =	vmul.f32 v43, v17;
	s24 =	sadd.s32 $0x3, s6;
	v24 =	vld [tilespmem:s9+$0x48];
	[tilespmem:s5+$0xFFFFFFE8] =	vst v33;
	v12 =	vmovc v27  }
0x268: {  	v35 =	vmov s24;
	v31 =	vmul.u32 $0x48, v31;
	v27 =	vld [tilespmem:s9+$0x58];
	[tilespmem:v21+s17+$0x0] =	vst.idx.msk vm0, v19;
	v19 =	vmul.f32 v44, v18;
	v13 =	vmovc v25  }
0x269: {  	v26 =	vbroadcast v26, $0x0;
	v21 =	vbroadcast v23, $0x0;
	v25 =	vmul.u32 $0x48, v35;
	v23 =	vld [tilespmem:s9+$0x68];
	v39 =	vpop (erf);
	[tilespmem:s5+$0x0] =	vst v20  }
0x26a: {  	v33 =	vbroadcast v31, $0x0;
	v16 =	vmovc v28;
	v20 =	vperm.xlane v39, v1;
	v32 =	vld [tilespmem:s9+$0x78];
	[tilespmem:s5+$0x10] =	vst v34;
	v17 =	vmov v30  }
0x26b: {  	v28 =	vperm.xlane v39, v2;
	v25 =	vbroadcast v25, $0x0;
	[tilespmem:s5+$0x20] =	vst v29;
	v18 =	vmov v22  }
0x26c: {  	v22 =	vperm.xlane v39, v3;
	v30 =	vmul.f32 v20, v24;
	[tilespmem:s5+$0x30] =	vst v19;
	s5 =	smov.u32 s9;
	s9 =	sadd.s32 $0x120, s9  }
0x26d: {  	s20 =	sadd.s32 $0x40, s20;
	v40 =	vadd.s32 v5, v25;
	v29 =	vld [tilespmem:s9+$0x80];
	v24 =	vmul.f32 v28, v27;
	v27 =	vperm.xlane v39, v4;
	v19 =	vpop (erf)  }
.Ltmp4:
0x26e: {  	v31 =	vld [tilespmem:s20+$0x10];
	v25 =	vperm.xlane v19, v1;
	[tilespmem:s5+$0x48] =	vst v30;
	v35 =	vmul.f32 v22, v23;
	v20 =	vpop (erf);
	(pc) =	sbr.rel @p0 .LBB2_11-.Ltmp4, $4  }
0x26f: {  	v22 =	vperm.xlane v19, v2;
	v30 =	vadd.s32 v5, v33;
	v28 =	vld [tilespmem:s20+$0xFFFFFFE0];
	[tilespmem:s5+$0x58] =	vst v24;
	v24 =	vmul.f32 v27, v32;
	v23 =	vpop (erf)  }
0x270: {  	v33 =	vld [tilespmem:s9+$0xFFFFFFF0];
	v37 =	vperm.xlane v23, v1;
	v34 =	vperm.xlane v23, v2;
	[tilespmem:s5+$0x68] =	vst v35  }
0x271: {  	v27 =	vadd.s32 v5, v26;
	v35 =	vperm.xlane v23, v3;
	v32 =	vperm.xlane v23, v4;
	v38 =	vld [tilespmem:s20+$0xFFFFFFF0];
	[tilespmem:s5+$0x78] =	vst v24  }
0x272: {  	s21 =	sadd.s32 $0x4, s21;
	v26 =	vperm.xlane v19, v3;
	v24 =	vperm.xlane v19, v4;
	v36 =	vld [tilespmem:s9+$0x38];
	[tilespmem:v40+s17+$0x0] =	vst.idx.msk vm0, v39  }
0x273: {  	v56 =	vperm.xlane v20, v1;
	v7 =	vmul.f32 v37, v7  }
0x274: {  	v39 =	vld [tilespmem:s20+$0x0];
	v29 =	vadd.f32 v31, v29;
	v40 =	vperm.xlane v20, v2;
	v8 =	vmul.f32 v34, v8  }
0x275: {  	v41 =	vld [tilespmem:s9+$0xFFFFFFA8];
	v42 =	vperm.xlane v20, v3;
	v9 =	vmul.f32 v35, v9;
	[tilespmem:s5+$0xFFFFFF70] =	vst v7  }
0x276: {  	v11 =	vmul.f32 v32, v11;
	s6 =	sadd.s32 $0x2, s6;
	v43 =	vmul.f32 $2.000000030e-01, v29;
	[tilespmem:s5+$0xFFFFFF80] =	vst v8  }
0x277: {  	v10 =	vmul.f32 v25, v10;
	v62 =	vmov s6;
	vm1 =	vgt.f32 v29, $0.0e+00;
	[tilespmem:s5+$0xFFFFFF90] =	vst v9  }
0x278: {  	v59 =	vmul.f32 v22, v14;
	[tilespmem:s5+$0xFFFFFFA0] =	vst v11;
	v9 =	vmul.u32 $0x48, v62;
	v29 =	vsel vm1, v29, v43  }
0x279: {  	v33 =	vadd.f32 v38, v33;
	[tilespmem:v27+s17+$0x0] =	vst.idx.msk vm0, v23;
	v23 =	vmul.f32 v42, v17;
	v29 =	vmul.f32 $1.442695020e+00, v29  }
0x27a: {  	v9 =	vbroadcast v9, $0x0;
	v57 =	vadd.f32 v39, v36;
	v28 =	vadd.f32 v28, v41  }
0x27b: {  	[tilespmem:v30+s17+$0x0] =	vst.idx.msk vm0, v6;
	v6 =	vmul.f32 $2.000000030e-01, v33;
	(erf) = vpow2.f32 v29  }
0x27c: {  	vm1 =	vgt.f32 v33, $0.0e+00;
	v7 =	vmul.f32 $2.000000030e-01, v57;
	v58 =	vmul.f32 $2.000000030e-01, v28  }
0x27d: {  	vm2 =	vgt.f32 v57, $0.0e+00;
	v6 =	vsel vm1, v33, v6;
	vm1 =	vgt.f32 v28, $0.0e+00  }
0x27e: {  	v6 =	vmul.f32 $1.442695020e+00, v6;
	v7 =	vsel vm2, v57, v7;
	v8 =	vsel vm1, v28, v58  }
0x27f: {  	[tilespmem:s5+$0xFFFFFFB8] =	vst v10;
	v7 =	vmul.f32 $1.442695020e+00, v7;
	v8 =	vmul.f32 $1.442695020e+00, v8  }
0x280: {  	v60 =	vadd.s32 v5, v21;
	[tilespmem:s5+$0xFFFFFFC8] =	vst v59;
	(erf) = vpow2.f32 v6;
	v6 =	vmul.f32 v26, v15  }
0x281: {  	s21 =	sadd.s32 $0x3, s14;
	[tilespmem:s5+$0x20] =	vst v23;
	(erf) = vpow2.f32 v7;
	v7 =	vmul.f32 v24, v12  }
0x282: {  	v61 =	vperm.xlane v20, v4;
	v63 =	vld [tilespmem:s9+$0x48];
	v22 =	vmov s21;
	[tilespmem:s5+$0xFFFFFFD8] =	vst v6;
	v6 =	vmul.f32 v56, v13  }
0x283: {  	v21 =	vld [tilespmem:s9+$0x58];
	v9 =	vadd.s32 v5, v9;
	v13 =	vmul.u32 $0x48, v22;
	(erf) = vpow2.f32 v8;
	[tilespmem:s5+$0xFFFFFFE8] =	vst v7  }
0x284: {  	v24 =	vld [tilespmem:s9+$0x68];
	v8 =	vmul.f32 v61, v18;
	v7 =	vmul.f32 v40, v16;
	[tilespmem:s5+$0x0] =	vst v6;
	v25 =	vpop (erf)  }
0x285: {  	v27 =	vmov s14;
	v26 =	vld [tilespmem:s9+$0x78];
	v13 =	vbroadcast v13, $0x0;
	[tilespmem:v60+s17+$0x0] =	vst.idx.msk vm0, v19;
	v6 =	vperm.xlane v25, v1  }
0x286: {  	v17 =	vmul.u32 $0x48, v27;
	[tilespmem:s5+$0x10] =	vst v7;
	v7 =	vperm.xlane v25, v2  }
0x287: {  	v43 =	vld [tilespmem:s9+$0xFFFFFFC8];
	[tilespmem:s5+$0x30] =	vst v8;
	v31 =	vadd.s32 v5, v13;
	v28 =	vperm.xlane v25, v3;
	v6 =	vmul.f32 v6, v63  }
0x288: {  	v47 =	vld [tilespmem:s9+$0xFFFFFFE8];
	v30 =	vperm.xlane v25, v4;
	[tilespmem:v9+s17+$0x0] =	vst.idx.msk vm0, v20;
	v7 =	vmul.f32 v7, v21  }
0x289: {  	v53 =	vld [tilespmem:s9+$0x10];
	v17 =	vbroadcast v17, $0x0;
	v32 =	vpop (erf);
	[tilespmem:s9+$0x48] =	vst v6;
	v6 =	vmul.f32 v28, v24  }
0x28a: {  	v29 =	vld [tilespmem:s9+$0xFFFFFF70];
	v49 =	vperm.xlane v32, v2;
	[tilespmem:s9+$0x58] =	vst v7;
	v7 =	vmul.f32 v30, v26  }
0x28b: {  	v33 =	vld [tilespmem:s9+$0xFFFFFF80];
	v48 =	vperm.xlane v32, v1;
	v52 =	vperm.xlane v32, v4;
	v34 =	vpop (erf);
	[tilespmem:s9+$0x68] =	vst v6  }
0x28c: {  	s24 =	sadd.s32 $0x1, s14;
	v36 =	vpop (erf);
	v54 =	vmul.f32 v49, v43;
	v59 =	vperm.xlane v34, v2;
	[tilespmem:s9+$0x78] =	vst v7;
	v7 =	vld [tilespmem:s9+$0xFFFFFFB8]  }
0x28d: {  	v35 =	vld [tilespmem:s9+$0xFFFFFF90];
	v60 =	vmul.f32 v52, v47;
	v38 =	vperm.xlane v36, v1;
	v6 =	vmov s24;
	[tilespmem:v31+s17+$0x0] =	vst.idx.msk vm0, v25  }
0x28e: {  	v46 =	vld [tilespmem:s9+$0xFFFFFFD8];
	v39 =	vperm.xlane v36, v2;
	v6 =	vmul.u32 $0x48, v6;
	[tilespmem:s9+$0xFFFFFFC8] =	vst v54;
	v63 =	vmul.f32 v59, v53  }
0x28f: {  	v37 =	vld [tilespmem:s9+$0xFFFFFFA0];
	v40 =	vperm.xlane v36, v3;
	[tilespmem:s9+$0xFFFFFFE8] =	vst v60;
	v42 =	vmul.f32 v38, v29  }
0x290: {  	s25 =	sadd.s32 $0x2, s14;
	v45 =	vmul.f32 v39, v33;
	v6 =	vbroadcast v6, $0x0;
	[tilespmem:s9+$0x10] =	vst v63  }
0x291: {  	v55 =	vmov s25;
	v50 =	vperm.xlane v32, v3;
	[tilespmem:s9+$0xFFFFFF70] =	vst v42;
	v7 =	vmul.f32 v48, v7  }
0x292: {  	v51 =	vld [tilespmem:s9+$0x0];
	v41 =	vperm.xlane v36, v4;
	v11 =	vmul.f32 v40, v35;
	[tilespmem:s9+$0xFFFFFF80] =	vst v45;
	v6 =	vadd.s32 v5, v6  }
0x293: {  	v44 =	vadd.s32 v5, v17;
	v58 =	vld [tilespmem:s9+$0x30];
	v9 =	vmul.u32 $0x48, v55;
	[tilespmem:s9+$0xFFFFFFB8] =	vst v7;
	v7 =	vmul.f32 v50, v46  }
0x294: {  	v56 =	vld [tilespmem:s9+$0x20];
	v16 =	vmul.f32 v41, v37;
	[tilespmem:s9+$0xFFFFFF90] =	vst v11  }
0x295: {  	v57 =	vperm.xlane v34, v1;
	[tilespmem:s9+$0xFFFFFFD8] =	vst v7;
	v7 =	vbroadcast v9, $0x0  }
0x296: {  	v61 =	vperm.xlane v34, v3;
	v62 =	vperm.xlane v34, v4;
	[tilespmem:s9+$0xFFFFFFA0] =	vst v16  }
0x297: {  	s0 =	sadd.s32 $0x1, s0;
	v11 =	vmul.f32 v57, v51;
	[tilespmem:v6+s17+$0x0] =	vst.idx.msk vm0, v32;
	v6 =	vadd.s32 v5, v7  }
0x298: {  	p0 =	sne.s32 s0, $0x15;
	[tilespmem:v44+s17+$0x0] =	vst.idx.msk vm0, v36;
	v9 =	vmul.f32 v62, v58  }
.Ltmp5:
0x299: {  	[tilespmem:s9+$0x0] =	vst v11;
	v7 =	vmul.f32 v61, v56;
	(pc) =	sbr.rel @p0 .LBB2_4-.Ltmp5, $4  }
0x29a: {  	[tilespmem:s9+$0x30] =	vst v9  }
0x29b: {  	[tilespmem:s9+$0x20] =	vst v7  }
0x29c: {  	[tilespmem:v6+s17+$0x0] =	vst.idx.msk vm0, v34  }
0x29d: {  	[spmem:s4] =	stream.indirect.scatter.add.f32 [tilespmem:s17], [sflag:$0xA], $0x48, s13, s7, $0xb8;
	[tilespmem:$0x1EC00] =	vst v63  }
0x29e: {  	_ =	swait.ge [sflag:s28], $0x2400  }
0x29f: {  	[sflag:s28] =	ssyncset.done $0x0  }
0x2a0: {  	[sflag:s28] =	ssyncadd.s32 $0xFFFFDC00  }
0x2a1: {  	_ =	swait.ge [sflag:s11], $0x2400  }
0x2a2: {  	[sflag:s11] =	ssyncset.done $0x0  }
0x2a3: {  	[sflag:s11] =	ssyncadd.s32 $0xFFFFDC00  }
0x2a4: {  	[bflag:$0x0] =	sbarrier.arrive $0xFFFF  }
0x2a5: {  	s9 =	simm.s32 $0xB;
	s14 =	rddreg [dreg:$0x9]  }
0x2a6: {  	[tilespmem:s31], [sflag:$0xB] =	stream.linear.gather [spmem:s14], $0x2400, $0x38;
	[tilespmem:$0x1EC00] =	vst v63  }
0x2a7: {  	_ =	swait.ge [sflag:s9], $0x2400  }
0x2a8: {  	[sflag:s9] =	ssyncset.done $0x0  }
0x2a9: {  	s0 =	simm.s32 $0x0;
	s5 =	rddreg [dreg:$0xe];
	[sflag:s9] =	ssyncadd.s32 $0xFFFFDC00  }
0x2aa: {  	[hbm4b:s5+s0] =	stream.linear.scatter [tilespmem:s31], [sflag:$0xB], $0x2400, $0x38;
	[tilespmem:$0x1EC00] =	vst v63  }
0x2ab: {  	_ =	swait.ge [sflag:s9], $0x2400  }
0x2ac: {  	[sflag:s9] =	ssyncset.done $0x0  }
0x2ad: {  	s20 =	rddreg [dreg:$0xa];
	[sflag:s9] =	ssyncadd.s32 $0xFFFFDC00  }
0x2ae: {  	[tilespmem:s31], [sflag:$0xB] =	stream.linear.gather [spmem:s20], $0x2400, $0x38;
	[tilespmem:$0x1EC00] =	vst v63  }
0x2af: {  	_ =	swait.ge [sflag:s9], $0x2400  }
0x2b0: {  	[sflag:s9] =	ssyncset.done $0x0  }
0x2b1: {  	s21 =	rddreg [dreg:$0xf];
	[sflag:s9] =	ssyncadd.s32 $0xFFFFDC00  }
0x2b2: {  	[hbm4b:s21+s0] =	stream.linear.scatter [tilespmem:s31], [sflag:$0xB], $0x2400, $0x38;
	[tilespmem:$0x1EC00] =	vst v63  }
0x2b3: {  	_ =	swait.ge [sflag:s9], $0x2400  }
0x2b4: {  	[sflag:s9] =	ssyncset.done $0x0  }
0x2b5: {  	s21 =	rddreg [dreg:$0xb];
	[sflag:s9] =	ssyncadd.s32 $0xFFFFDC00  }
0x2b6: {  	[tilespmem:s31], [sflag:$0xB] =	stream.linear.gather [spmem:s21], $0x2400, $0x38;
	[tilespmem:$0x1EC00] =	vst v63  }
0x2b7: {  	_ =	swait.ge [sflag:s9], $0x2400  }
0x2b8: {  	[sflag:s9] =	ssyncset.done $0x0  }
0x2b9: {  	s24 =	rddreg [dreg:$0x10];
	[sflag:s9] =	ssyncadd.s32 $0xFFFFDC00  }
0x2ba: {  	[hbm4b:s24+s0] =	stream.linear.scatter [tilespmem:s31], [sflag:$0xB], $0x2400, $0x38;
	[tilespmem:$0x1EC00] =	vst v63  }
0x2bb: {  	_ =	swait.ge [sflag:s9], $0x2400  }
0x2bc: {  	[sflag:s9] =	ssyncset.done $0x0  }
0x2bd: {  	s24 =	rddreg [dreg:$0xc];
	[sflag:s9] =	ssyncadd.s32 $0xFFFFDC00  }
0x2be: {  	[tilespmem:s31], [sflag:$0xB] =	stream.linear.gather [spmem:s24], $0x2400, $0x38;
	[tilespmem:$0x1EC00] =	vst v63  }
0x2bf: {  	_ =	swait.ge [sflag:s9], $0x2400  }
0x2c0: {  	[sflag:s9] =	ssyncset.done $0x0  }
0x2c1: {  	s25 =	rddreg [dreg:$0x11];
	[sflag:s9] =	ssyncadd.s32 $0xFFFFDC00  }
0x2c2: {  	[hbm4b:s25+s0] =	stream.linear.scatter [tilespmem:s31], [sflag:$0xB], $0x2400, $0x38;
	[tilespmem:$0x1EC00] =	vst v63  }
0x2c3: {  	_ =	swait.ge [sflag:s9], $0x2400  }
0x2c4: {  	[sflag:s9] =	ssyncset.done $0x0  }
0x2c5: {  	s25 =	rddreg [dreg:$0xd];
	[sflag:s9] =	ssyncadd.s32 $0xFFFFDC00  }
0x2c6: {  	[tilespmem:s31], [sflag:$0xB] =	stream.linear.gather [spmem:s25], $0x2400, $0x38;
	[tilespmem:$0x1EC00] =	vst v63  }
0x2c7: {  	_ =	swait.ge [sflag:s9], $0x2400  }
0x2c8: {  	[sflag:s9] =	ssyncset.done $0x0  }
0x2c9: {  	s6 =	rddreg [dreg:$0x12];
	[sflag:s9] =	ssyncadd.s32 $0xFFFFDC00  }
0x2ca: {  	[hbm4b:s6+s0] =	stream.linear.scatter [tilespmem:s31], [sflag:$0xB], $0x2400, $0x38;
	[tilespmem:$0x1EC00] =	vst v63  }
0x2cb: {  	_ =	swait.ge [sflag:s9], $0x2400  }
0x2cc: {  	s0 =	rddreg [dreg:$0x1c]  }
0x2cd: {  	s6 =	rddreg [dreg:$0x19];
	s5 =	sadd.s32 $0x1, s0  }
0x2ce: {  	p0 =	sne.s32 s5, s6  }
.Ltmp6:
0x2cf: {  	_ = 	snop;
	(pc) =	sbr.rel @p0 .LBB2_1-.Ltmp6, $3  }
0x2d0: {  	_ =	sdelay $0x1  }
0x2d1: {  	[sflag:s9] =	ssyncset.done $0x0  }
0x2d2: {  	s15 =	simm.s32 $0x0;
	[sflag:s9] =	ssyncadd.s32 $0xFFFFDC00  }
0x2d3: {  	_ =	sfence.sel $0x180000  }
0x2d4: {  	[bflag:$0x0] =	sbarrier.arrive $0xFFFF  }
0x2d5: {  	_ =	strace $0x90000047  }
0x2d6: {  	s0 =	stileid.u32;
	[bflag:$0x2] =	sbarrier.arrive $0xFFFF  }
0x2d7: {  	p0 =	sne.s32 s0, $0x0;
	s0 =	rddreg [dreg:$0x4]  }
0x2d8: {  	s0 =	sadd.s32 @!p0 $0x100000, s0  }
0x2d9: {  	[sflag:s0] =	ssyncadd.tile.s32 @!p0 $0x1;
	_ =	shalt  }
.Lfunc_end2:
_tile_overlayer_lowered:
.L_overlay_start_2:
0x2da: {  	(tag) =	ssettag $0x2  }
0x2db: {  	s0 =	rddreg [dreg:$0x0];
	s2 =	stileid.u32  }
0x2dc: {  	s1 =	rddreg [dreg:$0x1];
	p0 =	sne.s32 s2, $0x0  }
0x2dd: {  	s3 =	rddreg [dreg:$0x2];
	[bflag:$0x3] =	sbarrier.arrive $0xFFFF;
	s2 =	simm.s32 @!p0 $0x1C0B  }
0x2de: {  	[timem:s3], [sflag:s2] =	dma.local @!p0 [hbm:s0], s1  }
0x2df: {  	s0 =	simm.s32 @!p0 $0xB  }
0x2e0: {  	_ =	swait.ge @!p0 [sflag:s0], s1  }
0x2e1: {  	s1 =	ssub.s32 @!p0 $0x0, s1;
	[sflag:s0] =	ssyncset.done @!p0 $0x0  }
0x2e2: {  	[sflag:s0] =	ssyncadd.s32 @!p0 s1  }
0x2e3: {  	[bflag:$0x3] =	sbarrier.arrive $0xFFFF  }
0x2e4: {  	_ =	shalt  }

</sc_bundles>
